<compile_context>
chip_gen: v7x
topology: tpu7x:2x2x1
jax: 0.10.2.dev20260603
libtpu: 0.0.44.dev20260713+nightly
codegen_flags: <defaults>
</compile_context>

<pallas_src>
import jax
import jax.numpy as jnp
from jax import lax
from jax.experimental import pallas as pl
from jax.experimental.pallas import tpu as pltpu
from jax.experimental.pallas import tpu_sc as plsc

_NC = 2
_NS = 16
_NW = _NC * _NS
_W = 320
_NCHUNKS = 20
_PER_W = _W * _NCHUNKS


def kernel(x, table):
    batch, hist = x.shape
    vocab, dim = table.shape
    n = batch * hist
    idx = x.reshape(n).astype(jnp.int32)
    table128 = jnp.pad(table, ((0, 0), (0, 128 - dim)))

    mesh = plsc.VectorSubcoreMesh(core_axis_name="c", subcore_axis_name="s")

    @pl.kernel(
        out_type=jax.ShapeDtypeStruct((n // 2, 2 * dim), table.dtype),
        mesh=mesh,
        scratch_types=[
            pltpu.VMEM((_PER_W,), jnp.int32),
            pltpu.VMEM((_W, 128), table.dtype),
            pltpu.VMEM((_W, 128), table.dtype),
            pltpu.VMEM((_W // 2, 128), table.dtype),
            pltpu.SemaphoreType.DMA,
            pltpu.SemaphoreType.DMA,
        ],
    )
    def gather_kernel(table_hbm, idx_hbm, out_hbm, idx_v, rows0, rows1,
                      pack, sem0, sem1):
        wid = lax.axis_index("s") * _NC + lax.axis_index("c")
        base = wid * _PER_W

        pltpu.sync_copy(idx_hbm.at[pl.ds(base, _PER_W)], idx_v)

        def start(g, rows, sem):
            pltpu.async_copy(
                table_hbm.at[idx_v.at[pl.ds(g * _W, _W)]], rows, sem
            )

        def wait(rows, sem):
            pltpu.make_async_copy(table_hbm.at[pl.ds(0, _W)], rows, sem).wait()

        def emit(g, rows):
            @pl.loop(0, _W // 2)
            def _(j):
                for c in range(dim // 16):
                    lo = pl.ds(c * 16, 16)
                    hi = pl.ds(dim + c * 16, 16)
                    pack.at[pl.ds(j, 1), lo][...] = (
                        rows.at[pl.ds(2 * j, 1), lo][...]
                    )
                    pack.at[pl.ds(j, 1), hi][...] = (
                        rows.at[pl.ds(2 * j + 1, 1), lo][...]
                    )

            off = pl.multiple_of((base + g * _W) // 2, 8)
            pltpu.sync_copy(pack, out_hbm.at[pl.ds(off, _W // 2)])

        start(0, rows0, sem0)
        for g in range(_NCHUNKS):
            buf, sem = (rows0, sem0) if g % 2 == 0 else (rows1, sem1)
            if g + 1 < _NCHUNKS:
                nbuf, nsem = (rows1, sem1) if g % 2 == 0 else (rows0, sem0)
                start(g + 1, nbuf, nsem)
            wait(buf, sem)
            emit(g, buf)

    out128 = gather_kernel(table128, idx)
    return out128.reshape(batch, hist, dim)

# --- scband reference (transcript-rebuilt; emitter-appended) ---
"""Pipeline reference for scband-embedding-6493990551817 (READ-ONLY COPY).

The authoritative reference and input builder live on the scoring server;
editing this copy changes nothing except your own understanding.
"""

import jax, jax.numpy as jnp
import numpy as np

VOCAB = 100000
EMBED_DIM = 64
BATCH = 4096
HIST = 50

def setup_inputs(seed: int = 0) -> dict:
    key = jax.random.key(seed)
    k_idx, k_tab = jax.random.split(key)
    x = jax.random.randint(k_idx, (BATCH, HIST), 0, VOCAB, dtype=jnp.int64 if jax.config.jax_enable_x64 else jnp.int32)
    table = jax.random.normal(k_tab, (VOCAB, EMBED_DIM), dtype=jnp.float32)
    return {"x": x, "table": table}

def reference(x, table):
    # nn.Embedding forward: row gather from the embedding table
    return jnp.take(table, x, axis=0)

if __name__ == "__main__":
    import jax
    _d = setup_inputs()
    print(jax.jit(kernel)(*tuple(_d.values())))

</pallas_src>

<mosaic_0001>
#map = affine_map<(d0, d1) -> (0, 0)>
#map1 = affine_map<(d0, d1) -> (0)>
module attributes {stable_mosaic.version = 14 : i64} {
  func.func @gather_kernel(%arg0: i32, %arg1: i32, %arg2: memref<100000x128xf32, #tpu.memory_space<hbm>>, %arg3: memref<204800xi32, #tpu.memory_space<hbm>>, %arg4: memref<102400x128xf32, #tpu.memory_space<hbm>>, %arg5: memref<6400xi32, #tpu.memory_space<vmem>>, %arg6: memref<320x128xf32, #tpu.memory_space<vmem>>, %arg7: memref<320x128xf32, #tpu.memory_space<vmem>>, %arg8: memref<160x128xf32, #tpu.memory_space<vmem>>, %arg9: memref<!tpu.dma_semaphore, #tpu.memory_space<semaphore_mem>>, %arg10: memref<!tpu.dma_semaphore, #tpu.memory_space<semaphore_mem>>) attributes {dimension_semantics = [#tpu.dimension_semantics<core_parallel>, #tpu.dimension_semantics<subcore_parallel>], iteration_bounds = array<i64: 2, 16>, scalar_prefetch = 0 : i64, scratch_operands = 6 : i64, tpu.core_type = #tpu.core_type<sc_vector_subcore>, window_params = [{transform_indices = #map}, {transform_indices = #map1}, {transform_indices = #map}]} {
    %mul3A = arith.constant 2 : i32
    %mul3A_0 = arith.muli %arg1, %mul3A : i32
    %add3A = arith.addi %mul3A_0, %arg0 : i32
    %mul3A_1 = arith.constant 6400 : i32
    %mul3A_2 = arith.muli %add3A, %mul3A_1 : i32
    "tpu.region"() ({
      %run_scoped3A = tpu.sem_alloc : memref<!tpu.dma_semaphore, #tpu.memory_space<semaphore_mem>>
      %dma_start3A_851 = tpu.memref_slice %arg3[%mul3A_2] : memref<204800xi32, #tpu.memory_space<hbm>> -> memref<6400xi32, #tpu.memory_space<hbm>>
      %dma_start3A_852 = tpu.memref_slice %arg3[%mul3A_2] : memref<204800xi32, #tpu.memory_space<hbm>> -> memref<6400xi32, #tpu.memory_space<hbm>>
      tpu.enqueue_dma source(%dma_start3A_852 : memref<6400xi32, #tpu.memory_space<hbm>>) target(%arg5 : memref<6400xi32, #tpu.memory_space<vmem>>) target_semaphore(%run_scoped3A : memref<!tpu.dma_semaphore, #tpu.memory_space<semaphore_mem>>)
      %dma_wait3A_853 = tpu.memref_slice %arg3[%mul3A_2] : memref<204800xi32, #tpu.memory_space<hbm>> -> memref<6400xi32, #tpu.memory_space<hbm>>
      %dma_wait3A_854 = tpu.memref_slice %arg3[%mul3A_2] : memref<204800xi32, #tpu.memory_space<hbm>> -> memref<6400xi32, #tpu.memory_space<hbm>>
      tpu.wait_dma2 semaphore(%run_scoped3A : memref<!tpu.dma_semaphore, #tpu.memory_space<semaphore_mem>>) src(%dma_wait3A_854 : memref<6400xi32, #tpu.memory_space<hbm>>) dst(%arg5 : memref<6400xi32, #tpu.memory_space<vmem>>)
      tpu.yield
    }) : () -> ()
    %dma_start3A = arith.constant 0 : i32
    %dma_start3A_3 = tpu.memref_slice %arg5[%dma_start3A] : memref<6400xi32, #tpu.memory_space<vmem>> -> memref<320xi32, #tpu.memory_space<vmem>>
    %dma_start3A_4 = arith.constant 0 : i32
    %dma_start3A_5 = arith.constant 0 : i32
    %dma_start3A_6 = tpu.memref_slice %arg2[%dma_start3A_4, %dma_start3A_5] : memref<100000x128xf32, #tpu.memory_space<hbm>> -> memref<100000x128xf32, #tpu.memory_space<hbm>>
    tpu.enqueue_indirect_dma source(%dma_start3A_6 : memref<100000x128xf32, #tpu.memory_space<hbm>>) target(%arg6 : memref<320x128xf32, #tpu.memory_space<vmem>>) offsets(%dma_start3A_3 : memref<320xi32, #tpu.memory_space<vmem>>) semaphore(%arg9 : memref<!tpu.dma_semaphore, #tpu.memory_space<semaphore_mem>>)
    %dma_start3A_7 = arith.constant 320 : i32
    %dma_start3A_8 = tpu.memref_slice %arg5[%dma_start3A_7] : memref<6400xi32, #tpu.memory_space<vmem>> -> memref<320xi32, #tpu.memory_space<vmem>>
    %dma_start3A_9 = arith.constant 0 : i32
    %dma_start3A_10 = arith.constant 0 : i32
    %dma_start3A_11 = tpu.memref_slice %arg2[%dma_start3A_9, %dma_start3A_10] : memref<100000x128xf32, #tpu.memory_space<hbm>> -> memref<100000x128xf32, #tpu.memory_space<hbm>>
    tpu.enqueue_indirect_dma source(%dma_start3A_11 : memref<100000x128xf32, #tpu.memory_space<hbm>>) target(%arg7 : memref<320x128xf32, #tpu.memory_space<vmem>>) offsets(%dma_start3A_8 : memref<320xi32, #tpu.memory_space<vmem>>) semaphore(%arg10 : memref<!tpu.dma_semaphore, #tpu.memory_space<semaphore_mem>>)
    %dma_wait3A = arith.constant 0 : i32
    %dma_wait3A_12 = arith.constant 0 : i32
    %dma_wait3A_13 = tpu.memref_slice %arg2[%dma_wait3A, %dma_wait3A_12] : memref<100000x128xf32, #tpu.memory_space<hbm>> -> memref<320x128xf32, #tpu.memory_space<hbm>>
    %dma_wait3A_14 = arith.constant 0 : i32
    %dma_wait3A_15 = arith.constant 0 : i32
    %dma_wait3A_16 = tpu.memref_slice %arg2[%dma_wait3A_14, %dma_wait3A_15] : memref<100000x128xf32, #tpu.memory_space<hbm>> -> memref<320x128xf32, #tpu.memory_space<hbm>>
    tpu.wait_dma2 semaphore(%arg9 : memref<!tpu.dma_semaphore, #tpu.memory_space<semaphore_mem>>) src(%dma_wait3A_16 : memref<320x128xf32, #tpu.memory_space<hbm>>) dst(%arg6 : memref<320x128xf32, #tpu.memory_space<vmem>>)
    %scan3A = arith.constant 0 : i32
    %scan3A_17 = arith.constant 160 : i32
    %scan3A_18 = arith.addi %scan3A, %scan3A_17 : i32
    %scan3A_19 = arith.constant 1 : i32
    scf.for %scan3A_851 = %scan3A to %scan3A_18 step %scan3A_19  : i32 {
      %mul3A_852 = arith.constant 1 : i32
      %mul3A_853 = arith.muli %scan3A_851, %mul3A_852 : i32
      %add3A_854 = arith.constant 0 : i32
      %add3A_855 = arith.addi %add3A_854, %mul3A_853 : i32
      %mul3A_856 = arith.constant 2 : i32
      %mul3A_857 = arith.muli %mul3A_856, %add3A_855 : i32
      %get3A = arith.index_cast %mul3A_857 : i32 to index
      %get3A_858 = arith.constant 0 : index
      %get3A_859 = tpu.vector_load %arg6[%get3A, %get3A_858] {strides = array<i32>} : memref<320x128xf32, #tpu.memory_space<vmem>>, vector<1x16xf32>,
      %get3A_860 = vector.shape_cast %get3A_859 : vector<1x16xf32> to vector<1x16xf32>
      %swap3A = arith.index_cast %add3A_855 : i32 to index
      %swap3A_861 = arith.constant 0 : index
      %swap3A_862 = tpu.vector_load %arg8[%swap3A, %swap3A_861] {strides = array<i32>} : memref<160x128xf32, #tpu.memory_space<vmem>>, vector<1x16xf32>,
      %swap3A_863 = vector.shape_cast %swap3A_862 : vector<1x16xf32> to vector<1x16xf32>
      %swap3A_864 = vector.shape_cast %get3A_860 : vector<1x16xf32> to vector<1x16xf32>
      tpu.vector_store %arg8[%swap3A, %swap3A_861], %swap3A_864 {strides = array<i32>} : memref<160x128xf32, #tpu.memory_space<vmem>>, vector<1x16xf32>,
      %mul3A_865 = arith.constant 2 : i32
      %mul3A_866 = arith.muli %mul3A_865, %add3A_855 : i32
      %add3A_867 = arith.constant 1 : i32
      %add3A_868 = arith.addi %mul3A_866, %add3A_867 : i32
      %get3A_869 = arith.index_cast %add3A_868 : i32 to index
      %get3A_870 = arith.constant 0 : index
      %get3A_871 = tpu.vector_load %arg6[%get3A_869, %get3A_870] {strides = array<i32>} : memref<320x128xf32, #tpu.memory_space<vmem>>, vector<1x16xf32>,
      %get3A_872 = vector.shape_cast %get3A_871 : vector<1x16xf32> to vector<1x16xf32>
      %swap3A_873 = arith.index_cast %add3A_855 : i32 to index
      %swap3A_874 = arith.constant 64 : index
      %swap3A_875 = tpu.vector_load %arg8[%swap3A_873, %swap3A_874] {strides = array<i32>} : memref<160x128xf32, #tpu.memory_space<vmem>>, vector<1x16xf32>,
      %swap3A_876 = vector.shape_cast %swap3A_875 : vector<1x16xf32> to vector<1x16xf32>
      %swap3A_877 = vector.shape_cast %get3A_872 : vector<1x16xf32> to vector<1x16xf32>
      tpu.vector_store %arg8[%swap3A_873, %swap3A_874], %swap3A_877 {strides = array<i32>} : memref<160x128xf32, #tpu.memory_space<vmem>>, vector<1x16xf32>,
      %mul3A_878 = arith.constant 2 : i32
      %mul3A_879 = arith.muli %mul3A_878, %add3A_855 : i32
      %get3A_880 = arith.index_cast %mul3A_879 : i32 to index
      %get3A_881 = arith.constant 16 : index
      %get3A_882 = tpu.vector_load %arg6[%get3A_880, %get3A_881] {strides = array<i32>} : memref<320x128xf32, #tpu.memory_space<vmem>>, vector<1x16xf32>,
      %get3A_883 = vector.shape_cast %get3A_882 : vector<1x16xf32> to vector<1x16xf32>
      %swap3A_884 = arith.index_cast %add3A_855 : i32 to index
      %swap3A_885 = arith.constant 16 : index
      %swap3A_886 = tpu.vector_load %arg8[%swap3A_884, %swap3A_885] {strides = array<i32>} : memref<160x128xf32, #tpu.memory_space<vmem>>, vector<1x16xf32>,
      %swap3A_887 = vector.shape_cast %swap3A_886 : vector<1x16xf32> to vector<1x16xf32>
      %swap3A_888 = vector.shape_cast %get3A_883 : vector<1x16xf32> to vector<1x16xf32>
      tpu.vector_store %arg8[%swap3A_884, %swap3A_885], %swap3A_888 {strides = array<i32>} : memref<160x128xf32, #tpu.memory_space<vmem>>, vector<1x16xf32>,
      %mul3A_889 = arith.constant 2 : i32
      %mul3A_890 = arith.muli %mul3A_889, %add3A_855 : i32
      %add3A_891 = arith.constant 1 : i32
      %add3A_892 = arith.addi %mul3A_890, %add3A_891 : i32
      %get3A_893 = arith.index_cast %add3A_892 : i32 to index
      %get3A_894 = arith.constant 16 : index
      %get3A_895 = tpu.vector_load %arg6[%get3A_893, %get3A_894] {strides = array<i32>} : memref<320x128xf32, #tpu.memory_space<vmem>>, vector<1x16xf32>,
      %get3A_896 = vector.shape_cast %get3A_895 : vector<1x16xf32> to vector<1x16xf32>
      %swap3A_897 = arith.index_cast %add3A_855 : i32 to index
      %swap3A_898 = arith.constant 80 : index
      %swap3A_899 = tpu.vector_load %arg8[%swap3A_897, %swap3A_898] {strides = array<i32>} : memref<160x128xf32, #tpu.memory_space<vmem>>, vector<1x16xf32>,
      %swap3A_900 = vector.shape_cast %swap3A_899 : vector<1x16xf32> to vector<1x16xf32>
      %swap3A_901 = vector.shape_cast %get3A_896 : vector<1x16xf32> to vector<1x16xf32>
      tpu.vector_store %arg8[%swap3A_897, %swap3A_898], %swap3A_901 {strides = array<i32>} : memref<160x128xf32, #tpu.memory_space<vmem>>, vector<1x16xf32>,
      %mul3A_902 = arith.constant 2 : i32
      %mul3A_903 = arith.muli %mul3A_902, %add3A_855 : i32
      %get3A_904 = arith.index_cast %mul3A_903 : i32 to index
      %get3A_905 = arith.constant 32 : index
      %get3A_906 = tpu.vector_load %arg6[%get3A_904, %get3A_905] {strides = array<i32>} : memref<320x128xf32, #tpu.memory_space<vmem>>, vector<1x16xf32>,
      %get3A_907 = vector.shape_cast %get3A_906 : vector<1x16xf32> to vector<1x16xf32>
      %swap3A_908 = arith.index_cast %add3A_855 : i32 to index
      %swap3A_909 = arith.constant 32 : index
      %swap3A_910 = tpu.vector_load %arg8[%swap3A_908, %swap3A_909] {strides = array<i32>} : memref<160x128xf32, #tpu.memory_space<vmem>>, vector<1x16xf32>,
      %swap3A_911 = vector.shape_cast %swap3A_910 : vector<1x16xf32> to vector<1x16xf32>
      %swap3A_912 = vector.shape_cast %get3A_907 : vector<1x16xf32> to vector<1x16xf32>
      tpu.vector_store %arg8[%swap3A_908, %swap3A_909], %swap3A_912 {strides = array<i32>} : memref<160x128xf32, #tpu.memory_space<vmem>>, vector<1x16xf32>,
      %mul3A_913 = arith.constant 2 : i32
      %mul3A_914 = arith.muli %mul3A_913, %add3A_855 : i32
      %add3A_915 = arith.constant 1 : i32
      %add3A_916 = arith.addi %mul3A_914, %add3A_915 : i32
      %get3A_917 = arith.index_cast %add3A_916 : i32 to index
      %get3A_918 = arith.constant 32 : index
      %get3A_919 = tpu.vector_load %arg6[%get3A_917, %get3A_918] {strides = array<i32>} : memref<320x128xf32, #tpu.memory_space<vmem>>, vector<1x16xf32>,
      %get3A_920 = vector.shape_cast %get3A_919 : vector<1x16xf32> to vector<1x16xf32>
      %swap3A_921 = arith.index_cast %add3A_855 : i32 to index
      %swap3A_922 = arith.constant 96 : index
      %swap3A_923 = tpu.vector_load %arg8[%swap3A_921, %swap3A_922] {strides = array<i32>} : memref<160x128xf32, #tpu.memory_space<vmem>>, vector<1x16xf32>,
      %swap3A_924 = vector.shape_cast %swap3A_923 : vector<1x16xf32> to vector<1x16xf32>
      %swap3A_925 = vector.shape_cast %get3A_920 : vector<1x16xf32> to vector<1x16xf32>
      tpu.vector_store %arg8[%swap3A_921, %swap3A_922], %swap3A_925 {strides = array<i32>} : memref<160x128xf32, #tpu.memory_space<vmem>>, vector<1x16xf32>,
      %mul3A_926 = arith.constant 2 : i32
      %mul3A_927 = arith.muli %mul3A_926, %add3A_855 : i32
      %get3A_928 = arith.index_cast %mul3A_927 : i32 to index
      %get3A_929 = arith.constant 48 : index
      %get3A_930 = tpu.vector_load %arg6[%get3A_928, %get3A_929] {strides = array<i32>} : memref<320x128xf32, #tpu.memory_space<vmem>>, vector<1x16xf32>,
      %get3A_931 = vector.shape_cast %get3A_930 : vector<1x16xf32> to vector<1x16xf32>
      %swap3A_932 = arith.index_cast %add3A_855 : i32 to index
      %swap3A_933 = arith.constant 48 : index
      %swap3A_934 = tpu.vector_load %arg8[%swap3A_932, %swap3A_933] {strides = array<i32>} : memref<160x128xf32, #tpu.memory_space<vmem>>, vector<1x16xf32>,
      %swap3A_935 = vector.shape_cast %swap3A_934 : vector<1x16xf32> to vector<1x16xf32>
      %swap3A_936 = vector.shape_cast %get3A_931 : vector<1x16xf32> to vector<1x16xf32>
      tpu.vector_store %arg8[%swap3A_932, %swap3A_933], %swap3A_936 {strides = array<i32>} : memref<160x128xf32, #tpu.memory_space<vmem>>, vector<1x16xf32>,
      %mul3A_937 = arith.constant 2 : i32
      %mul3A_938 = arith.muli %mul3A_937, %add3A_855 : i32
      %add3A_939 = arith.constant 1 : i32
      %add3A_940 = arith.addi %mul3A_938, %add3A_939 : i32
      %get3A_941 = arith.index_cast %add3A_940 : i32 to index
      %get3A_942 = arith.constant 48 : index
      %get3A_943 = tpu.vector_load %arg6[%get3A_941, %get3A_942] {strides = array<i32>} : memref<320x128xf32, #tpu.memory_space<vmem>>, vector<1x16xf32>,
      %get3A_944 = vector.shape_cast %get3A_943 : vector<1x16xf32> to vector<1x16xf32>
      %swap3A_945 = arith.index_cast %add3A_855 : i32 to index
      %swap3A_946 = arith.constant 112 : index
      %swap3A_947 = tpu.vector_load %arg8[%swap3A_945, %swap3A_946] {strides = array<i32>} : memref<160x128xf32, #tpu.memory_space<vmem>>, vector<1x16xf32>,
      %swap3A_948 = vector.shape_cast %swap3A_947 : vector<1x16xf32> to vector<1x16xf32>
      %swap3A_949 = vector.shape_cast %get3A_944 : vector<1x16xf32> to vector<1x16xf32>
      tpu.vector_store %arg8[%swap3A_945, %swap3A_946], %swap3A_949 {strides = array<i32>} : memref<160x128xf32, #tpu.memory_space<vmem>>, vector<1x16xf32>,
    }
    %scan3A_20 = arith.constant 160 : i32
    %add3A_21 = arith.constant 0 : i32
    %add3A_22 = arith.addi %mul3A_2, %add3A_21 : i32
    %jit3A = arith.constant 2 : i32
    %div3A = arith.divsi %add3A_22, %jit3A : i32
    %sign3A = arith.constant 0 : i32
    %sign3A_23 = arith.cmpi sgt, %add3A_22, %sign3A : i32
    %sign3A_24 = arith.extui %sign3A_23 : i1 to i32
    %sign3A_25 = arith.constant 0 : i32
    %sign3A_26 = arith.cmpi slt, %add3A_22, %sign3A_25 : i32
    %sign3A_27 = arith.extui %sign3A_26 : i1 to i32
    %sign3A_28 = arith.subi %sign3A_24, %sign3A_27 : i32
    %sign3A_29 = arith.constant 0 : i32
    %sign3A_30 = arith.cmpi sgt, %jit3A, %sign3A_29 : i32
    %sign3A_31 = arith.extui %sign3A_30 : i1 to i32
    %sign3A_32 = arith.constant 0 : i32
    %sign3A_33 = arith.cmpi slt, %jit3A, %sign3A_32 : i32
    %sign3A_34 = arith.extui %sign3A_33 : i1 to i32
    %sign3A_35 = arith.subi %sign3A_31, %sign3A_34 : i32
    %ne3A = arith.cmpi ne, %sign3A_28, %sign3A_35 : i32
    %rem3A = arith.remsi %add3A_22, %jit3A : i32
    %ne3A_36 = arith.constant 0 : i32
    %ne3A_37 = arith.cmpi ne, %rem3A, %ne3A_36 : i32
    %and3A = arith.andi %ne3A, %ne3A_37 : i1
    %sub3A = arith.constant 1 : i32
    %sub3A_38 = arith.subi %div3A, %sub3A : i32
    %select_n3A = arith.select %and3A, %sub3A_38, %div3A : i32
    %multiple_of3A = tpu.assume_multiple %select_n3A, 8 : i32
    "tpu.region"() ({
      %run_scoped3A = tpu.sem_alloc : memref<!tpu.dma_semaphore, #tpu.memory_space<semaphore_mem>>
      %dma_start3A_851 = arith.constant 0 : i32
      %dma_start3A_852 = tpu.memref_slice %arg4[%multiple_of3A, %dma_start3A_851] : memref<102400x128xf32, #tpu.memory_space<hbm>> -> memref<160x128xf32, #tpu.memory_space<hbm>>
      %dma_start3A_853 = arith.constant 0 : i32
      %dma_start3A_854 = tpu.memref_slice %arg4[%multiple_of3A, %dma_start3A_853] : memref<102400x128xf32, #tpu.memory_space<hbm>> -> memref<160x128xf32, #tpu.memory_space<hbm>>
      tpu.enqueue_dma source(%arg8 : memref<160x128xf32, #tpu.memory_space<vmem>>) target(%dma_start3A_854 : memref<160x128xf32, #tpu.memory_space<hbm>>) target_semaphore(%run_scoped3A : memref<!tpu.dma_semaphore, #tpu.memory_space<semaphore_mem>>)
      %dma_wait3A_855 = arith.constant 0 : i32
      %dma_wait3A_856 = tpu.memref_slice %arg4[%multiple_of3A, %dma_wait3A_855] : memref<102400x128xf32, #tpu.memory_space<hbm>> -> memref<160x128xf32, #tpu.memory_space<hbm>>
      %dma_wait3A_857 = arith.constant 0 : i32
      %dma_wait3A_858 = tpu.memref_slice %arg4[%multiple_of3A, %dma_wait3A_857] : memref<102400x128xf32, #tpu.memory_space<hbm>> -> memref<160x128xf32, #tpu.memory_space<hbm>>
      tpu.wait_dma2 semaphore(%run_scoped3A : memref<!tpu.dma_semaphore, #tpu.memory_space<semaphore_mem>>) src(%arg8 : memref<160x128xf32, #tpu.memory_space<vmem>>) dst(%dma_wait3A_858 : memref<160x128xf32, #tpu.memory_space<hbm>>)
      tpu.yield
    }) : () -> ()
    %dma_start3A_39 = arith.constant 640 : i32
    %dma_start3A_40 = tpu.memref_slice %arg5[%dma_start3A_39] : memref<6400xi32, #tpu.memory_space<vmem>> -> memref<320xi32, #tpu.memory_space<vmem>>
    %dma_start3A_41 = arith.constant 0 : i32
    %dma_start3A_42 = arith.constant 0 : i32
    %dma_start3A_43 = tpu.memref_slice %arg2[%dma_start3A_41, %dma_start3A_42] : memref<100000x128xf32, #tpu.memory_space<hbm>> -> memref<100000x128xf32, #tpu.memory_space<hbm>>
    tpu.enqueue_indirect_dma source(%dma_start3A_43 : memref<100000x128xf32, #tpu.memory_space<hbm>>) target(%arg6 : memref<320x128xf32, #tpu.memory_space<vmem>>) offsets(%dma_start3A_40 : memref<320xi32, #tpu.memory_space<vmem>>) semaphore(%arg9 : memref<!tpu.dma_semaphore, #tpu.memory_space<semaphore_mem>>)
    %dma_wait3A_44 = arith.constant 0 : i32
    %dma_wait3A_45 = arith.constant 0 : i32
    %dma_wait3A_46 = tpu.memref_slice %arg2[%dma_wait3A_44, %dma_wait3A_45] : memref<100000x128xf32, #tpu.memory_space<hbm>> -> memref<320x128xf32, #tpu.memory_space<hbm>>
    %dma_wait3A_47 = arith.constant 0 : i32
    %dma_wait3A_48 = arith.constant 0 : i32
    %dma_wait3A_49 = tpu.memref_slice %arg2[%dma_wait3A_47, %dma_wait3A_48] : memref<100000x128xf32, #tpu.memory_space<hbm>> -> memref<320x128xf32, #tpu.memory_space<hbm>>
    tpu.wait_dma2 semaphore(%arg10 : memref<!tpu.dma_semaphore, #tpu.memory_space<semaphore_mem>>) src(%dma_wait3A_49 : memref<320x128xf32, #tpu.memory_space<hbm>>) dst(%arg7 : memref<320x128xf32, #tpu.memory_space<vmem>>)
    %scan3A_50 = arith.constant 0 : i32
    %scan3A_51 = arith.constant 160 : i32
    %scan3A_52 = arith.addi %scan3A_50, %scan3A_51 : i32
    %scan3A_53 = arith.constant 1 : i32
    scf.for %scan3A_851 = %scan3A_50 to %scan3A_52 step %scan3A_53  : i32 {
      %mul3A_852 = arith.constant 1 : i32
      %mul3A_853 = arith.muli %scan3A_851, %mul3A_852 : i32
      %add3A_854 = arith.constant 0 : i32
      %add3A_855 = arith.addi %add3A_854, %mul3A_853 : i32
      %mul3A_856 = arith.constant 2 : i32
      %mul3A_857 = arith.muli %mul3A_856, %add3A_855 : i32
      %get3A = arith.index_cast %mul3A_857 : i32 to index
      %get3A_858 = arith.constant 0 : index
      %get3A_859 = tpu.vector_load %arg7[%get3A, %get3A_858] {strides = array<i32>} : memref<320x128xf32, #tpu.memory_space<vmem>>, vector<1x16xf32>,
      %get3A_860 = vector.shape_cast %get3A_859 : vector<1x16xf32> to vector<1x16xf32>
      %swap3A = arith.index_cast %add3A_855 : i32 to index
      %swap3A_861 = arith.constant 0 : index
      %swap3A_862 = tpu.vector_load %arg8[%swap3A, %swap3A_861] {strides = array<i32>} : memref<160x128xf32, #tpu.memory_space<vmem>>, vector<1x16xf32>,
      %swap3A_863 = vector.shape_cast %swap3A_862 : vector<1x16xf32> to vector<1x16xf32>
      %swap3A_864 = vector.shape_cast %get3A_860 : vector<1x16xf32> to vector<1x16xf32>
      tpu.vector_store %arg8[%swap3A, %swap3A_861], %swap3A_864 {strides = array<i32>} : memref<160x128xf32, #tpu.memory_space<vmem>>, vector<1x16xf32>,
      %mul3A_865 = arith.constant 2 : i32
      %mul3A_866 = arith.muli %mul3A_865, %add3A_855 : i32
      %add3A_867 = arith.constant 1 : i32
      %add3A_868 = arith.addi %mul3A_866, %add3A_867 : i32
      %get3A_869 = arith.index_cast %add3A_868 : i32 to index
      %get3A_870 = arith.constant 0 : index
      %get3A_871 = tpu.vector_load %arg7[%get3A_869, %get3A_870] {strides = array<i32>} : memref<320x128xf32, #tpu.memory_space<vmem>>, vector<1x16xf32>,
      %get3A_872 = vector.shape_cast %get3A_871 : vector<1x16xf32> to vector<1x16xf32>
      %swap3A_873 = arith.index_cast %add3A_855 : i32 to index
      %swap3A_874 = arith.constant 64 : index
      %swap3A_875 = tpu.vector_load %arg8[%swap3A_873, %swap3A_874] {strides = array<i32>} : memref<160x128xf32, #tpu.memory_space<vmem>>, vector<1x16xf32>,
      %swap3A_876 = vector.shape_cast %swap3A_875 : vector<1x16xf32> to vector<1x16xf32>
      %swap3A_877 = vector.shape_cast %get3A_872 : vector<1x16xf32> to vector<1x16xf32>
      tpu.vector_store %arg8[%swap3A_873, %swap3A_874], %swap3A_877 {strides = array<i32>} : memref<160x128xf32, #tpu.memory_space<vmem>>, vector<1x16xf32>,
      %mul3A_878 = arith.constant 2 : i32
      %mul3A_879 = arith.muli %mul3A_878, %add3A_855 : i32
      %get3A_880 = arith.index_cast %mul3A_879 : i32 to index
      %get3A_881 = arith.constant 16 : index
      %get3A_882 = tpu.vector_load %arg7[%get3A_880, %get3A_881] {strides = array<i32>} : memref<320x128xf32, #tpu.memory_space<vmem>>, vector<1x16xf32>,
      %get3A_883 = vector.shape_cast %get3A_882 : vector<1x16xf32> to vector<1x16xf32>
      %swap3A_884 = arith.index_cast %add3A_855 : i32 to index
      %swap3A_885 = arith.constant 16 : index
      %swap3A_886 = tpu.vector_load %arg8[%swap3A_884, %swap3A_885] {strides = array<i32>} : memref<160x128xf32, #tpu.memory_space<vmem>>, vector<1x16xf32>,
      %swap3A_887 = vector.shape_cast %swap3A_886 : vector<1x16xf32> to vector<1x16xf32>
      %swap3A_888 = vector.shape_cast %get3A_883 : vector<1x16xf32> to vector<1x16xf32>
      tpu.vector_store %arg8[%swap3A_884, %swap3A_885], %swap3A_888 {strides = array<i32>} : memref<160x128xf32, #tpu.memory_space<vmem>>, vector<1x16xf32>,
      %mul3A_889 = arith.constant 2 : i32
      %mul3A_890 = arith.muli %mul3A_889, %add3A_855 : i32
      %add3A_891 = arith.constant 1 : i32
      %add3A_892 = arith.addi %mul3A_890, %add3A_891 : i32
      %get3A_893 = arith.index_cast %add3A_892 : i32 to index
      %get3A_894 = arith.constant 16 : index
      %get3A_895 = tpu.vector_load %arg7[%get3A_893, %get3A_894] {strides = array<i32>} : memref<320x128xf32, #tpu.memory_space<vmem>>, vector<1x16xf32>,
      %get3A_896 = vector.shape_cast %get3A_895 : vector<1x16xf32> to vector<1x16xf32>
      %swap3A_897 = arith.index_cast %add3A_855 : i32 to index
      %swap3A_898 = arith.constant 80 : index
      %swap3A_899 = tpu.vector_load %arg8[%swap3A_897, %swap3A_898] {strides = array<i32>} : memref<160x128xf32, #tpu.memory_space<vmem>>, vector<1x16xf32>,
      %swap3A_900 = vector.shape_cast %swap3A_899 : vector<1x16xf32> to vector<1x16xf32>
      %swap3A_901 = vector.shape_cast %get3A_896 : vector<1x16xf32> to vector<1x16xf32>
      tpu.vector_store %arg8[%swap3A_897, %swap3A_898], %swap3A_901 {strides = array<i32>} : memref<160x128xf32, #tpu.memory_space<vmem>>, vector<1x16xf32>,
      %mul3A_902 = arith.constant 2 : i32
      %mul3A_903 = arith.muli %mul3A_902, %add3A_855 : i32
      %get3A_904 = arith.index_cast %mul3A_903 : i32 to index
      %get3A_905 = arith.constant 32 : index
      %get3A_906 = tpu.vector_load %arg7[%get3A_904, %get3A_905] {strides = array<i32>} : memref<320x128xf32, #tpu.memory_space<vmem>>, vector<1x16xf32>,
      %get3A_907 = vector.shape_cast %get3A_906 : vector<1x16xf32> to vector<1x16xf32>
      %swap3A_908 = arith.index_cast %add3A_855 : i32 to index
      %swap3A_909 = arith.constant 32 : index
      %swap3A_910 = tpu.vector_load %arg8[%swap3A_908, %swap3A_909] {strides = array<i32>} : memref<160x128xf32, #tpu.memory_space<vmem>>, vector<1x16xf32>,
      %swap3A_911 = vector.shape_cast %swap3A_910 : vector<1x16xf32> to vector<1x16xf32>
      %swap3A_912 = vector.shape_cast %get3A_907 : vector<1x16xf32> to vector<1x16xf32>
      tpu.vector_store %arg8[%swap3A_908, %swap3A_909], %swap3A_912 {strides = array<i32>} : memref<160x128xf32, #tpu.memory_space<vmem>>, vector<1x16xf32>,
      %mul3A_913 = arith.constant 2 : i32
      %mul3A_914 = arith.muli %mul3A_913, %add3A_855 : i32
      %add3A_915 = arith.constant 1 : i32
      %add3A_916 = arith.addi %mul3A_914, %add3A_915 : i32
      %get3A_917 = arith.index_cast %add3A_916 : i32 to index
      %get3A_918 = arith.constant 32 : index
      %get3A_919 = tpu.vector_load %arg7[%get3A_917, %get3A_918] {strides = array<i32>} : memref<320x128xf32, #tpu.memory_space<vmem>>, vector<1x16xf32>,
      %get3A_920 = vector.shape_cast %get3A_919 : vector<1x16xf32> to vector<1x16xf32>
      %swap3A_921 = arith.index_cast %add3A_855 : i32 to index
      %swap3A_922 = arith.constant 96 : index
      %swap3A_923 = tpu.vector_load %arg8[%swap3A_921, %swap3A_922] {strides = array<i32>} : memref<160x128xf32, #tpu.memory_space<vmem>>, vector<1x16xf32>,
      %swap3A_924 = vector.shape_cast %swap3A_923 : vector<1x16xf32> to vector<1x16xf32>
      %swap3A_925 = vector.shape_cast %get3A_920 : vector<1x16xf32> to vector<1x16xf32>
      tpu.vector_store %arg8[%swap3A_921, %swap3A_922], %swap3A_925 {strides = array<i32>} : memref<160x128xf32, #tpu.memory_space<vmem>>, vector<1x16xf32>,
      %mul3A_926 = arith.constant 2 : i32
      %mul3A_927 = arith.muli %mul3A_926, %add3A_855 : i32
      %get3A_928 = arith.index_cast %mul3A_927 : i32 to index
      %get3A_929 = arith.constant 48 : index
      %get3A_930 = tpu.vector_load %arg7[%get3A_928, %get3A_929] {strides = array<i32>} : memref<320x128xf32, #tpu.memory_space<vmem>>, vector<1x16xf32>,
      %get3A_931 = vector.shape_cast %get3A_930 : vector<1x16xf32> to vector<1x16xf32>
      %swap3A_932 = arith.index_cast %add3A_855 : i32 to index
      %swap3A_933 = arith.constant 48 : index
      %swap3A_934 = tpu.vector_load %arg8[%swap3A_932, %swap3A_933] {strides = array<i32>} : memref<160x128xf32, #tpu.memory_space<vmem>>, vector<1x16xf32>,
      %swap3A_935 = vector.shape_cast %swap3A_934 : vector<1x16xf32> to vector<1x16xf32>
      %swap3A_936 = vector.shape_cast %get3A_931 : vector<1x16xf32> to vector<1x16xf32>
      tpu.vector_store %arg8[%swap3A_932, %swap3A_933], %swap3A_936 {strides = array<i32>} : memref<160x128xf32, #tpu.memory_space<vmem>>, vector<1x16xf32>,
      %mul3A_937 = arith.constant 2 : i32
      %mul3A_938 = arith.muli %mul3A_937, %add3A_855 : i32
      %add3A_939 = arith.constant 1 : i32
      %add3A_940 = arith.addi %mul3A_938, %add3A_939 : i32
      %get3A_941 = arith.index_cast %add3A_940 : i32 to index
      %get3A_942 = arith.constant 48 : index
      %get3A_943 = tpu.vector_load %arg7[%get3A_941, %get3A_942] {strides = array<i32>} : memref<320x128xf32, #tpu.memory_space<vmem>>, vector<1x16xf32>,
      %get3A_944 = vector.shape_cast %get3A_943 : vector<1x16xf32> to vector<1x16xf32>
      %swap3A_945 = arith.index_cast %add3A_855 : i32 to index
      %swap3A_946 = arith.constant 112 : index
      %swap3A_947 = tpu.vector_load %arg8[%swap3A_945, %swap3A_946] {strides = array<i32>} : memref<160x128xf32, #tpu.memory_space<vmem>>, vector<1x16xf32>,
      %swap3A_948 = vector.shape_cast %swap3A_947 : vector<1x16xf32> to vector<1x16xf32>
      %swap3A_949 = vector.shape_cast %get3A_944 : vector<1x16xf32> to vector<1x16xf32>
      tpu.vector_store %arg8[%swap3A_945, %swap3A_946], %swap3A_949 {strides = array<i32>} : memref<160x128xf32, #tpu.memory_space<vmem>>, vector<1x16xf32>,
    }
    %scan3A_54 = arith.constant 160 : i32
    %add3A_55 = arith.constant 320 : i32
    %add3A_56 = arith.addi %mul3A_2, %add3A_55 : i32
    %jit3A_57 = arith.constant 2 : i32
    %div3A_58 = arith.divsi %add3A_56, %jit3A_57 : i32
    %sign3A_59 = arith.constant 0 : i32
    %sign3A_60 = arith.cmpi sgt, %add3A_56, %sign3A_59 : i32
    %sign3A_61 = arith.extui %sign3A_60 : i1 to i32
    %sign3A_62 = arith.constant 0 : i32
    %sign3A_63 = arith.cmpi slt, %add3A_56, %sign3A_62 : i32
    %sign3A_64 = arith.extui %sign3A_63 : i1 to i32
    %sign3A_65 = arith.subi %sign3A_61, %sign3A_64 : i32
    %sign3A_66 = arith.constant 0 : i32
    %sign3A_67 = arith.cmpi sgt, %jit3A_57, %sign3A_66 : i32
    %sign3A_68 = arith.extui %sign3A_67 : i1 to i32
    %sign3A_69 = arith.constant 0 : i32
    %sign3A_70 = arith.cmpi slt, %jit3A_57, %sign3A_69 : i32
    %sign3A_71 = arith.extui %sign3A_70 : i1 to i32
    %sign3A_72 = arith.subi %sign3A_68, %sign3A_71 : i32
    %ne3A_73 = arith.cmpi ne, %sign3A_65, %sign3A_72 : i32
    %rem3A_74 = arith.remsi %add3A_56, %jit3A_57 : i32
    %ne3A_75 = arith.constant 0 : i32
    %ne3A_76 = arith.cmpi ne, %rem3A_74, %ne3A_75 : i32
    %and3A_77 = arith.andi %ne3A_73, %ne3A_76 : i1
    %sub3A_78 = arith.constant 1 : i32
    %sub3A_79 = arith.subi %div3A_58, %sub3A_78 : i32
    %select_n3A_80 = arith.select %and3A_77, %sub3A_79, %div3A_58 : i32
    %multiple_of3A_81 = tpu.assume_multiple %select_n3A_80, 8 : i32
    "tpu.region"() ({
      %run_scoped3A = tpu.sem_alloc : memref<!tpu.dma_semaphore, #tpu.memory_space<semaphore_mem>>
      %dma_start3A_851 = arith.constant 0 : i32
      %dma_start3A_852 = tpu.memref_slice %arg4[%multiple_of3A_81, %dma_start3A_851] : memref<102400x128xf32, #tpu.memory_space<hbm>> -> memref<160x128xf32, #tpu.memory_space<hbm>>
      %dma_start3A_853 = arith.constant 0 : i32
      %dma_start3A_854 = tpu.memref_slice %arg4[%multiple_of3A_81, %dma_start3A_853] : memref<102400x128xf32, #tpu.memory_space<hbm>> -> memref<160x128xf32, #tpu.memory_space<hbm>>
      tpu.enqueue_dma source(%arg8 : memref<160x128xf32, #tpu.memory_space<vmem>>) target(%dma_start3A_854 : memref<160x128xf32, #tpu.memory_space<hbm>>) target_semaphore(%run_scoped3A : memref<!tpu.dma_semaphore, #tpu.memory_space<semaphore_mem>>)
      %dma_wait3A_855 = arith.constant 0 : i32
      %dma_wait3A_856 = tpu.memref_slice %arg4[%multiple_of3A_81, %dma_wait3A_855] : memref<102400x128xf32, #tpu.memory_space<hbm>> -> memref<160x128xf32, #tpu.memory_space<hbm>>
      %dma_wait3A_857 = arith.constant 0 : i32
      %dma_wait3A_858 = tpu.memref_slice %arg4[%multiple_of3A_81, %dma_wait3A_857] : memref<102400x128xf32, #tpu.memory_space<hbm>> -> memref<160x128xf32, #tpu.memory_space<hbm>>
      tpu.wait_dma2 semaphore(%run_scoped3A : memref<!tpu.dma_semaphore, #tpu.memory_space<semaphore_mem>>) src(%arg8 : memref<160x128xf32, #tpu.memory_space<vmem>>) dst(%dma_wait3A_858 : memref<160x128xf32, #tpu.memory_space<hbm>>)
      tpu.yield
    }) : () -> ()
    %dma_start3A_82 = arith.constant 960 : i32
    %dma_start3A_83 = tpu.memref_slice %arg5[%dma_start3A_82] : memref<6400xi32, #tpu.memory_space<vmem>> -> memref<320xi32, #tpu.memory_space<vmem>>
    %dma_start3A_84 = arith.constant 0 : i32
    %dma_start3A_85 = arith.constant 0 : i32
    %dma_start3A_86 = tpu.memref_slice %arg2[%dma_start3A_84, %dma_start3A_85] : memref<100000x128xf32, #tpu.memory_space<hbm>> -> memref<100000x128xf32, #tpu.memory_space<hbm>>
    tpu.enqueue_indirect_dma source(%dma_start3A_86 : memref<100000x128xf32, #tpu.memory_space<hbm>>) target(%arg7 : memref<320x128xf32, #tpu.memory_space<vmem>>) offsets(%dma_start3A_83 : memref<320xi32, #tpu.memory_space<vmem>>) semaphore(%arg10 : memref<!tpu.dma_semaphore, #tpu.memory_space<semaphore_mem>>)
    %dma_wait3A_87 = arith.constant 0 : i32
    %dma_wait3A_88 = arith.constant 0 : i32
    %dma_wait3A_89 = tpu.memref_slice %arg2[%dma_wait3A_87, %dma_wait3A_88] : memref<100000x128xf32, #tpu.memory_space<hbm>> -> memref<320x128xf32, #tpu.memory_space<hbm>>
    %dma_wait3A_90 = arith.constant 0 : i32
    %dma_wait3A_91 = arith.constant 0 : i32
    %dma_wait3A_92 = tpu.memref_slice %arg2[%dma_wait3A_90, %dma_wait3A_91] : memref<100000x128xf32, #tpu.memory_space<hbm>> -> memref<320x128xf32, #tpu.memory_space<hbm>>
    tpu.wait_dma2 semaphore(%arg9 : memref<!tpu.dma_semaphore, #tpu.memory_space<semaphore_mem>>) src(%dma_wait3A_92 : memref<320x128xf32, #tpu.memory_space<hbm>>) dst(%arg6 : memref<320x128xf32, #tpu.memory_space<vmem>>)
    %scan3A_93 = arith.constant 0 : i32
    %scan3A_94 = arith.constant 160 : i32
    %scan3A_95 = arith.addi %scan3A_93, %scan3A_94 : i32
    %scan3A_96 = arith.constant 1 : i32
    scf.for %scan3A_851 = %scan3A_93 to %scan3A_95 step %scan3A_96  : i32 {
      %mul3A_852 = arith.constant 1 : i32
      %mul3A_853 = arith.muli %scan3A_851, %mul3A_852 : i32
      %add3A_854 = arith.constant 0 : i32
      %add3A_855 = arith.addi %add3A_854, %mul3A_853 : i32
      %mul3A_856 = arith.constant 2 : i32
      %mul3A_857 = arith.muli %mul3A_856, %add3A_855 : i32
      %get3A = arith.index_cast %mul3A_857 : i32 to index
      %get3A_858 = arith.constant 0 : index
      %get3A_859 = tpu.vector_load %arg6[%get3A, %get3A_858] {strides = array<i32>} : memref<320x128xf32, #tpu.memory_space<vmem>>, vector<1x16xf32>,
      %get3A_860 = vector.shape_cast %get3A_859 : vector<1x16xf32> to vector<1x16xf32>
      %swap3A = arith.index_cast %add3A_855 : i32 to index
      %swap3A_861 = arith.constant 0 : index
      %swap3A_862 = tpu.vector_load %arg8[%swap3A, %swap3A_861] {strides = array<i32>} : memref<160x128xf32, #tpu.memory_space<vmem>>, vector<1x16xf32>,
      %swap3A_863 = vector.shape_cast %swap3A_862 : vector<1x16xf32> to vector<1x16xf32>
      %swap3A_864 = vector.shape_cast %get3A_860 : vector<1x16xf32> to vector<1x16xf32>
      tpu.vector_store %arg8[%swap3A, %swap3A_861], %swap3A_864 {strides = array<i32>} : memref<160x128xf32, #tpu.memory_space<vmem>>, vector<1x16xf32>,
      %mul3A_865 = arith.constant 2 : i32
      %mul3A_866 = arith.muli %mul3A_865, %add3A_855 : i32
      %add3A_867 = arith.constant 1 : i32
      %add3A_868 = arith.addi %mul3A_866, %add3A_867 : i32
      %get3A_869 = arith.index_cast %add3A_868 : i32 to index
      %get3A_870 = arith.constant 0 : index
      %get3A_871 = tpu.vector_load %arg6[%get3A_869, %get3A_870] {strides = array<i32>} : memref<320x128xf32, #tpu.memory_space<vmem>>, vector<1x16xf32>,
      %get3A_872 = vector.shape_cast %get3A_871 : vector<1x16xf32> to vector<1x16xf32>
      %swap3A_873 = arith.index_cast %add3A_855 : i32 to index
      %swap3A_874 = arith.constant 64 : index
      %swap3A_875 = tpu.vector_load %arg8[%swap3A_873, %swap3A_874] {strides = array<i32>} : memref<160x128xf32, #tpu.memory_space<vmem>>, vector<1x16xf32>,
      %swap3A_876 = vector.shape_cast %swap3A_875 : vector<1x16xf32> to vector<1x16xf32>
      %swap3A_877 = vector.shape_cast %get3A_872 : vector<1x16xf32> to vector<1x16xf32>
      tpu.vector_store %arg8[%swap3A_873, %swap3A_874], %swap3A_877 {strides = array<i32>} : memref<160x128xf32, #tpu.memory_space<vmem>>, vector<1x16xf32>,
      %mul3A_878 = arith.constant 2 : i32
      %mul3A_879 = arith.muli %mul3A_878, %add3A_855 : i32
      %get3A_880 = arith.index_cast %mul3A_879 : i32 to index
      %get3A_881 = arith.constant 16 : index
      %get3A_882 = tpu.vector_load %arg6[%get3A_880, %get3A_881] {strides = array<i32>} : memref<320x128xf32, #tpu.memory_space<vmem>>, vector<1x16xf32>,
      %get3A_883 = vector.shape_cast %get3A_882 : vector<1x16xf32> to vector<1x16xf32>
      %swap3A_884 = arith.index_cast %add3A_855 : i32 to index
      %swap3A_885 = arith.constant 16 : index
      %swap3A_886 = tpu.vector_load %arg8[%swap3A_884, %swap3A_885] {strides = array<i32>} : memref<160x128xf32, #tpu.memory_space<vmem>>, vector<1x16xf32>,
      %swap3A_887 = vector.shape_cast %swap3A_886 : vector<1x16xf32> to vector<1x16xf32>
      %swap3A_888 = vector.shape_cast %get3A_883 : vector<1x16xf32> to vector<1x16xf32>
      tpu.vector_store %arg8[%swap3A_884, %swap3A_885], %swap3A_888 {strides = array<i32>} : memref<160x128xf32, #tpu.memory_space<vmem>>, vector<1x16xf32>,
      %mul3A_889 = arith.constant 2 : i32
      %mul3A_890 = arith.muli %mul3A_889, %add3A_855 : i32
      %add3A_891 = arith.constant 1 : i32
      %add3A_892 = arith.addi %mul3A_890, %add3A_891 : i32
      %get3A_893 = arith.index_cast %add3A_892 : i32 to index
      %get3A_894 = arith.constant 16 : index
      %get3A_895 = tpu.vector_load %arg6[%get3A_893, %get3A_894] {strides = array<i32>} : memref<320x128xf32, #tpu.memory_space<vmem>>, vector<1x16xf32>,
      %get3A_896 = vector.shape_cast %get3A_895 : vector<1x16xf32> to vector<1x16xf32>
      %swap3A_897 = arith.index_cast %add3A_855 : i32 to index
      %swap3A_898 = arith.constant 80 : index
      %swap3A_899 = tpu.vector_load %arg8[%swap3A_897, %swap3A_898] {strides = array<i32>} : memref<160x128xf32, #tpu.memory_space<vmem>>, vector<1x16xf32>,
      %swap3A_900 = vector.shape_cast %swap3A_899 : vector<1x16xf32> to vector<1x16xf32>
      %swap3A_901 = vector.shape_cast %get3A_896 : vector<1x16xf32> to vector<1x16xf32>
      tpu.vector_store %arg8[%swap3A_897, %swap3A_898], %swap3A_901 {strides = array<i32>} : memref<160x128xf32, #tpu.memory_space<vmem>>, vector<1x16xf32>,
      %mul3A_902 = arith.constant 2 : i32
      %mul3A_903 = arith.muli %mul3A_902, %add3A_855 : i32
      %get3A_904 = arith.index_cast %mul3A_903 : i32 to index
      %get3A_905 = arith.constant 32 : index
      %get3A_906 = tpu.vector_load %arg6[%get3A_904, %get3A_905] {strides = array<i32>} : memref<320x128xf32, #tpu.memory_space<vmem>>, vector<1x16xf32>,
      %get3A_907 = vector.shape_cast %get3A_906 : vector<1x16xf32> to vector<1x16xf32>
      %swap3A_908 = arith.index_cast %add3A_855 : i32 to index
      %swap3A_909 = arith.constant 32 : index
      %swap3A_910 = tpu.vector_load %arg8[%swap3A_908, %swap3A_909] {strides = array<i32>} : memref<160x128xf32, #tpu.memory_space<vmem>>, vector<1x16xf32>,
      %swap3A_911 = vector.shape_cast %swap3A_910 : vector<1x16xf32> to vector<1x16xf32>
      %swap3A_912 = vector.shape_cast %get3A_907 : vector<1x16xf32> to vector<1x16xf32>
      tpu.vector_store %arg8[%swap3A_908, %swap3A_909], %swap3A_912 {strides = array<i32>} : memref<160x128xf32, #tpu.memory_space<vmem>>, vector<1x16xf32>,
      %mul3A_913 = arith.constant 2 : i32
      %mul3A_914 = arith.muli %mul3A_913, %add3A_855 : i32
      %add3A_915 = arith.constant 1 : i32
      %add3A_916 = arith.addi %mul3A_914, %add3A_915 : i32
      %get3A_917 = arith.index_cast %add3A_916 : i32 to index
      %get3A_918 = arith.constant 32 : index
      %get3A_919 = tpu.vector_load %arg6[%get3A_917, %get3A_918] {strides = array<i32>} : memref<320x128xf32, #tpu.memory_space<vmem>>, vector<1x16xf32>,
      %get3A_920 = vector.shape_cast %get3A_919 : vector<1x16xf32> to vector<1x16xf32>
      %swap3A_921 = arith.index_cast %add3A_855 : i32 to index
      %swap3A_922 = arith.constant 96 : index
      %swap3A_923 = tpu.vector_load %arg8[%swap3A_921, %swap3A_922] {strides = array<i32>} : memref<160x128xf32, #tpu.memory_space<vmem>>, vector<1x16xf32>,
      %swap3A_924 = vector.shape_cast %swap3A_923 : vector<1x16xf32> to vector<1x16xf32>
      %swap3A_925 = vector.shape_cast %get3A_920 : vector<1x16xf32> to vector<1x16xf32>
      tpu.vector_store %arg8[%swap3A_921, %swap3A_922], %swap3A_925 {strides = array<i32>} : memref<160x128xf32, #tpu.memory_space<vmem>>, vector<1x16xf32>,
      %mul3A_926 = arith.constant 2 : i32
      %mul3A_927 = arith.muli %mul3A_926, %add3A_855 : i32
      %get3A_928 = arith.index_cast %mul3A_927 : i32 to index
      %get3A_929 = arith.constant 48 : index
      %get3A_930 = tpu.vector_load %arg6[%get3A_928, %get3A_929] {strides = array<i32>} : memref<320x128xf32, #tpu.memory_space<vmem>>, vector<1x16xf32>,
      %get3A_931 = vector.shape_cast %get3A_930 : vector<1x16xf32> to vector<1x16xf32>
      %swap3A_932 = arith.index_cast %add3A_855 : i32 to index
      %swap3A_933 = arith.constant 48 : index
      %swap3A_934 = tpu.vector_load %arg8[%swap3A_932, %swap3A_933] {strides = array<i32>} : memref<160x128xf32, #tpu.memory_space<vmem>>, vector<1x16xf32>,
      %swap3A_935 = vector.shape_cast %swap3A_934 : vector<1x16xf32> to vector<1x16xf32>
      %swap3A_936 = vector.shape_cast %get3A_931 : vector<1x16xf32> to vector<1x16xf32>
      tpu.vector_store %arg8[%swap3A_932, %swap3A_933], %swap3A_936 {strides = array<i32>} : memref<160x128xf32, #tpu.memory_space<vmem>>, vector<1x16xf32>,
      %mul3A_937 = arith.constant 2 : i32
      %mul3A_938 = arith.muli %mul3A_937, %add3A_855 : i32
      %add3A_939 = arith.constant 1 : i32
      %add3A_940 = arith.addi %mul3A_938, %add3A_939 : i32
      %get3A_941 = arith.index_cast %add3A_940 : i32 to index
      %get3A_942 = arith.constant 48 : index
      %get3A_943 = tpu.vector_load %arg6[%get3A_941, %get3A_942] {strides = array<i32>} : memref<320x128xf32, #tpu.memory_space<vmem>>, vector<1x16xf32>,
      %get3A_944 = vector.shape_cast %get3A_943 : vector<1x16xf32> to vector<1x16xf32>
      %swap3A_945 = arith.index_cast %add3A_855 : i32 to index
      %swap3A_946 = arith.constant 112 : index
      %swap3A_947 = tpu.vector_load %arg8[%swap3A_945, %swap3A_946] {strides = array<i32>} : memref<160x128xf32, #tpu.memory_space<vmem>>, vector<1x16xf32>,
      %swap3A_948 = vector.shape_cast %swap3A_947 : vector<1x16xf32> to vector<1x16xf32>
      %swap3A_949 = vector.shape_cast %get3A_944 : vector<1x16xf32> to vector<1x16xf32>
      tpu.vector_store %arg8[%swap3A_945, %swap3A_946], %swap3A_949 {strides = array<i32>} : memref<160x128xf32, #tpu.memory_space<vmem>>, vector<1x16xf32>,
    }
    %scan3A_97 = arith.constant 160 : i32
    %add3A_98 = arith.constant 640 : i32
    %add3A_99 = arith.addi %mul3A_2, %add3A_98 : i32
    %jit3A_100 = arith.constant 2 : i32
    %div3A_101 = arith.divsi %add3A_99, %jit3A_100 : i32
    %sign3A_102 = arith.constant 0 : i32
    %sign3A_103 = arith.cmpi sgt, %add3A_99, %sign3A_102 : i32
    %sign3A_104 = arith.extui %sign3A_103 : i1 to i32
    %sign3A_105 = arith.constant 0 : i32
    %sign3A_106 = arith.cmpi slt, %add3A_99, %sign3A_105 : i32
    %sign3A_107 = arith.extui %sign3A_106 : i1 to i32
    %sign3A_108 = arith.subi %sign3A_104, %sign3A_107 : i32
    %sign3A_109 = arith.constant 0 : i32
    %sign3A_110 = arith.cmpi sgt, %jit3A_100, %sign3A_109 : i32
    %sign3A_111 = arith.extui %sign3A_110 : i1 to i32
    %sign3A_112 = arith.constant 0 : i32
    %sign3A_113 = arith.cmpi slt, %jit3A_100, %sign3A_112 : i32
    %sign3A_114 = arith.extui %sign3A_113 : i1 to i32
    %sign3A_115 = arith.subi %sign3A_111, %sign3A_114 : i32
    %ne3A_116 = arith.cmpi ne, %sign3A_108, %sign3A_115 : i32
    %rem3A_117 = arith.remsi %add3A_99, %jit3A_100 : i32
    %ne3A_118 = arith.constant 0 : i32
    %ne3A_119 = arith.cmpi ne, %rem3A_117, %ne3A_118 : i32
    %and3A_120 = arith.andi %ne3A_116, %ne3A_119 : i1
    %sub3A_121 = arith.constant 1 : i32
    %sub3A_122 = arith.subi %div3A_101, %sub3A_121 : i32
    %select_n3A_123 = arith.select %and3A_120, %sub3A_122, %div3A_101 : i32
    %multiple_of3A_124 = tpu.assume_multiple %select_n3A_123, 8 : i32
    "tpu.region"() ({
      %run_scoped3A = tpu.sem_alloc : memref<!tpu.dma_semaphore, #tpu.memory_space<semaphore_mem>>
      %dma_start3A_851 = arith.constant 0 : i32
      %dma_start3A_852 = tpu.memref_slice %arg4[%multiple_of3A_124, %dma_start3A_851] : memref<102400x128xf32, #tpu.memory_space<hbm>> -> memref<160x128xf32, #tpu.memory_space<hbm>>
      %dma_start3A_853 = arith.constant 0 : i32
      %dma_start3A_854 = tpu.memref_slice %arg4[%multiple_of3A_124, %dma_start3A_853] : memref<102400x128xf32, #tpu.memory_space<hbm>> -> memref<160x128xf32, #tpu.memory_space<hbm>>
      tpu.enqueue_dma source(%arg8 : memref<160x128xf32, #tpu.memory_space<vmem>>) target(%dma_start3A_854 : memref<160x128xf32, #tpu.memory_space<hbm>>) target_semaphore(%run_scoped3A : memref<!tpu.dma_semaphore, #tpu.memory_space<semaphore_mem>>)
      %dma_wait3A_855 = arith.constant 0 : i32
      %dma_wait3A_856 = tpu.memref_slice %arg4[%multiple_of3A_124, %dma_wait3A_855] : memref<102400x128xf32, #tpu.memory_space<hbm>> -> memref<160x128xf32, #tpu.memory_space<hbm>>
      %dma_wait3A_857 = arith.constant 0 : i32
      %dma_wait3A_858 = tpu.memref_slice %arg4[%multiple_of3A_124, %dma_wait3A_857] : memref<102400x128xf32, #tpu.memory_space<hbm>> -> memref<160x128xf32, #tpu.memory_space<hbm>>
      tpu.wait_dma2 semaphore(%run_scoped3A : memref<!tpu.dma_semaphore, #tpu.memory_space<semaphore_mem>>) src(%arg8 : memref<160x128xf32, #tpu.memory_space<vmem>>) dst(%dma_wait3A_858 : memref<160x128xf32, #tpu.memory_space<hbm>>)
      tpu.yield
    }) : () -> ()
    %dma_start3A_125 = arith.constant 1280 : i32
    %dma_start3A_126 = tpu.memref_slice %arg5[%dma_start3A_125] : memref<6400xi32, #tpu.memory_space<vmem>> -> memref<320xi32, #tpu.memory_space<vmem>>
    %dma_start3A_127 = arith.constant 0 : i32
    %dma_start3A_128 = arith.constant 0 : i32
    %dma_start3A_129 = tpu.memref_slice %arg2[%dma_start3A_127, %dma_start3A_128] : memref<100000x128xf32, #tpu.memory_space<hbm>> -> memref<100000x128xf32, #tpu.memory_space<hbm>>
    tpu.enqueue_indirect_dma source(%dma_start3A_129 : memref<100000x128xf32, #tpu.memory_space<hbm>>) target(%arg6 : memref<320x128xf32, #tpu.memory_space<vmem>>) offsets(%dma_start3A_126 : memref<320xi32, #tpu.memory_space<vmem>>) semaphore(%arg9 : memref<!tpu.dma_semaphore, #tpu.memory_space<semaphore_mem>>)
    %dma_wait3A_130 = arith.constant 0 : i32
    %dma_wait3A_131 = arith.constant 0 : i32
    %dma_wait3A_132 = tpu.memref_slice %arg2[%dma_wait3A_130, %dma_wait3A_131] : memref<100000x128xf32, #tpu.memory_space<hbm>> -> memref<320x128xf32, #tpu.memory_space<hbm>>
    %dma_wait3A_133 = arith.constant 0 : i32
    %dma_wait3A_134 = arith.constant 0 : i32
    %dma_wait3A_135 = tpu.memref_slice %arg2[%dma_wait3A_133, %dma_wait3A_134] : memref<100000x128xf32, #tpu.memory_space<hbm>> -> memref<320x128xf32, #tpu.memory_space<hbm>>
    tpu.wait_dma2 semaphore(%arg10 : memref<!tpu.dma_semaphore, #tpu.memory_space<semaphore_mem>>) src(%dma_wait3A_135 : memref<320x128xf32, #tpu.memory_space<hbm>>) dst(%arg7 : memref<320x128xf32, #tpu.memory_space<vmem>>)
    %scan3A_136 = arith.constant 0 : i32
    %scan3A_137 = arith.constant 160 : i32
    %scan3A_138 = arith.addi %scan3A_136, %scan3A_137 : i32
    %scan3A_139 = arith.constant 1 : i32
    scf.for %scan3A_851 = %scan3A_136 to %scan3A_138 step %scan3A_139  : i32 {
      %mul3A_852 = arith.constant 1 : i32
      %mul3A_853 = arith.muli %scan3A_851, %mul3A_852 : i32
      %add3A_854 = arith.constant 0 : i32
      %add3A_855 = arith.addi %add3A_854, %mul3A_853 : i32
      %mul3A_856 = arith.constant 2 : i32
      %mul3A_857 = arith.muli %mul3A_856, %add3A_855 : i32
      %get3A = arith.index_cast %mul3A_857 : i32 to index
      %get3A_858 = arith.constant 0 : index
      %get3A_859 = tpu.vector_load %arg7[%get3A, %get3A_858] {strides = array<i32>} : memref<320x128xf32, #tpu.memory_space<vmem>>, vector<1x16xf32>,
      %get3A_860 = vector.shape_cast %get3A_859 : vector<1x16xf32> to vector<1x16xf32>
      %swap3A = arith.index_cast %add3A_855 : i32 to index
      %swap3A_861 = arith.constant 0 : index
      %swap3A_862 = tpu.vector_load %arg8[%swap3A, %swap3A_861] {strides = array<i32>} : memref<160x128xf32, #tpu.memory_space<vmem>>, vector<1x16xf32>,
      %swap3A_863 = vector.shape_cast %swap3A_862 : vector<1x16xf32> to vector<1x16xf32>
      %swap3A_864 = vector.shape_cast %get3A_860 : vector<1x16xf32> to vector<1x16xf32>
      tpu.vector_store %arg8[%swap3A, %swap3A_861], %swap3A_864 {strides = array<i32>} : memref<160x128xf32, #tpu.memory_space<vmem>>, vector<1x16xf32>,
      %mul3A_865 = arith.constant 2 : i32
      %mul3A_866 = arith.muli %mul3A_865, %add3A_855 : i32
      %add3A_867 = arith.constant 1 : i32
      %add3A_868 = arith.addi %mul3A_866, %add3A_867 : i32
      %get3A_869 = arith.index_cast %add3A_868 : i32 to index
      %get3A_870 = arith.constant 0 : index
      %get3A_871 = tpu.vector_load %arg7[%get3A_869, %get3A_870] {strides = array<i32>} : memref<320x128xf32, #tpu.memory_space<vmem>>, vector<1x16xf32>,
      %get3A_872 = vector.shape_cast %get3A_871 : vector<1x16xf32> to vector<1x16xf32>
      %swap3A_873 = arith.index_cast %add3A_855 : i32 to index
      %swap3A_874 = arith.constant 64 : index
      %swap3A_875 = tpu.vector_load %arg8[%swap3A_873, %swap3A_874] {strides = array<i32>} : memref<160x128xf32, #tpu.memory_space<vmem>>, vector<1x16xf32>,
      %swap3A_876 = vector.shape_cast %swap3A_875 : vector<1x16xf32> to vector<1x16xf32>
      %swap3A_877 = vector.shape_cast %get3A_872 : vector<1x16xf32> to vector<1x16xf32>
      tpu.vector_store %arg8[%swap3A_873, %swap3A_874], %swap3A_877 {strides = array<i32>} : memref<160x128xf32, #tpu.memory_space<vmem>>, vector<1x16xf32>,
      %mul3A_878 = arith.constant 2 : i32
      %mul3A_879 = arith.muli %mul3A_878, %add3A_855 : i32
      %get3A_880 = arith.index_cast %mul3A_879 : i32 to index
      %get3A_881 = arith.constant 16 : index
      %get3A_882 = tpu.vector_load %arg7[%get3A_880, %get3A_881] {strides = array<i32>} : memref<320x128xf32, #tpu.memory_space<vmem>>, vector<1x16xf32>,
      %get3A_883 = vector.shape_cast %get3A_882 : vector<1x16xf32> to vector<1x16xf32>
      %swap3A_884 = arith.index_cast %add3A_855 : i32 to index
      %swap3A_885 = arith.constant 16 : index
      %swap3A_886 = tpu.vector_load %arg8[%swap3A_884, %swap3A_885] {strides = array<i32>} : memref<160x128xf32, #tpu.memory_space<vmem>>, vector<1x16xf32>,
      %swap3A_887 = vector.shape_cast %swap3A_886 : vector<1x16xf32> to vector<1x16xf32>
      %swap3A_888 = vector.shape_cast %get3A_883 : vector<1x16xf32> to vector<1x16xf32>
      tpu.vector_store %arg8[%swap3A_884, %swap3A_885], %swap3A_888 {strides = array<i32>} : memref<160x128xf32, #tpu.memory_space<vmem>>, vector<1x16xf32>,
      %mul3A_889 = arith.constant 2 : i32
      %mul3A_890 = arith.muli %mul3A_889, %add3A_855 : i32
      %add3A_891 = arith.constant 1 : i32
      %add3A_892 = arith.addi %mul3A_890, %add3A_891 : i32
      %get3A_893 = arith.index_cast %add3A_892 : i32 to index
      %get3A_894 = arith.constant 16 : index
      %get3A_895 = tpu.vector_load %arg7[%get3A_893, %get3A_894] {strides = array<i32>} : memref<320x128xf32, #tpu.memory_space<vmem>>, vector<1x16xf32>,
      %get3A_896 = vector.shape_cast %get3A_895 : vector<1x16xf32> to vector<1x16xf32>
      %swap3A_897 = arith.index_cast %add3A_855 : i32 to index
      %swap3A_898 = arith.constant 80 : index
      %swap3A_899 = tpu.vector_load %arg8[%swap3A_897, %swap3A_898] {strides = array<i32>} : memref<160x128xf32, #tpu.memory_space<vmem>>, vector<1x16xf32>,
      %swap3A_900 = vector.shape_cast %swap3A_899 : vector<1x16xf32> to vector<1x16xf32>
      %swap3A_901 = vector.shape_cast %get3A_896 : vector<1x16xf32> to vector<1x16xf32>
      tpu.vector_store %arg8[%swap3A_897, %swap3A_898], %swap3A_901 {strides = array<i32>} : memref<160x128xf32, #tpu.memory_space<vmem>>, vector<1x16xf32>,
      %mul3A_902 = arith.constant 2 : i32
      %mul3A_903 = arith.muli %mul3A_902, %add3A_855 : i32
      %get3A_904 = arith.index_cast %mul3A_903 : i32 to index
      %get3A_905 = arith.constant 32 : index
      %get3A_906 = tpu.vector_load %arg7[%get3A_904, %get3A_905] {strides = array<i32>} : memref<320x128xf32, #tpu.memory_space<vmem>>, vector<1x16xf32>,
      %get3A_907 = vector.shape_cast %get3A_906 : vector<1x16xf32> to vector<1x16xf32>
      %swap3A_908 = arith.index_cast %add3A_855 : i32 to index
      %swap3A_909 = arith.constant 32 : index
      %swap3A_910 = tpu.vector_load %arg8[%swap3A_908, %swap3A_909] {strides = array<i32>} : memref<160x128xf32, #tpu.memory_space<vmem>>, vector<1x16xf32>,
      %swap3A_911 = vector.shape_cast %swap3A_910 : vector<1x16xf32> to vector<1x16xf32>
      %swap3A_912 = vector.shape_cast %get3A_907 : vector<1x16xf32> to vector<1x16xf32>
      tpu.vector_store %arg8[%swap3A_908, %swap3A_909], %swap3A_912 {strides = array<i32>} : memref<160x128xf32, #tpu.memory_space<vmem>>, vector<1x16xf32>,
      %mul3A_913 = arith.constant 2 : i32
      %mul3A_914 = arith.muli %mul3A_913, %add3A_855 : i32
      %add3A_915 = arith.constant 1 : i32
      %add3A_916 = arith.addi %mul3A_914, %add3A_915 : i32
      %get3A_917 = arith.index_cast %add3A_916 : i32 to index
      %get3A_918 = arith.constant 32 : index
      %get3A_919 = tpu.vector_load %arg7[%get3A_917, %get3A_918] {strides = array<i32>} : memref<320x128xf32, #tpu.memory_space<vmem>>, vector<1x16xf32>,
      %get3A_920 = vector.shape_cast %get3A_919 : vector<1x16xf32> to vector<1x16xf32>
      %swap3A_921 = arith.index_cast %add3A_855 : i32 to index
      %swap3A_922 = arith.constant 96 : index
      %swap3A_923 = tpu.vector_load %arg8[%swap3A_921, %swap3A_922] {strides = array<i32>} : memref<160x128xf32, #tpu.memory_space<vmem>>, vector<1x16xf32>,
      %swap3A_924 = vector.shape_cast %swap3A_923 : vector<1x16xf32> to vector<1x16xf32>
      %swap3A_925 = vector.shape_cast %get3A_920 : vector<1x16xf32> to vector<1x16xf32>
      tpu.vector_store %arg8[%swap3A_921, %swap3A_922], %swap3A_925 {strides = array<i32>} : memref<160x128xf32, #tpu.memory_space<vmem>>, vector<1x16xf32>,
      %mul3A_926 = arith.constant 2 : i32
      %mul3A_927 = arith.muli %mul3A_926, %add3A_855 : i32
      %get3A_928 = arith.index_cast %mul3A_927 : i32 to index
      %get3A_929 = arith.constant 48 : index
      %get3A_930 = tpu.vector_load %arg7[%get3A_928, %get3A_929] {strides = array<i32>} : memref<320x128xf32, #tpu.memory_space<vmem>>, vector<1x16xf32>,
      %get3A_931 = vector.shape_cast %get3A_930 : vector<1x16xf32> to vector<1x16xf32>
      %swap3A_932 = arith.index_cast %add3A_855 : i32 to index
      %swap3A_933 = arith.constant 48 : index
      %swap3A_934 = tpu.vector_load %arg8[%swap3A_932, %swap3A_933] {strides = array<i32>} : memref<160x128xf32, #tpu.memory_space<vmem>>, vector<1x16xf32>,
      %swap3A_935 = vector.shape_cast %swap3A_934 : vector<1x16xf32> to vector<1x16xf32>
      %swap3A_936 = vector.shape_cast %get3A_931 : vector<1x16xf32> to vector<1x16xf32>
      tpu.vector_store %arg8[%swap3A_932, %swap3A_933], %swap3A_936 {strides = array<i32>} : memref<160x128xf32, #tpu.memory_space<vmem>>, vector<1x16xf32>,
      %mul3A_937 = arith.constant 2 : i32
      %mul3A_938 = arith.muli %mul3A_937, %add3A_855 : i32
      %add3A_939 = arith.constant 1 : i32
      %add3A_940 = arith.addi %mul3A_938, %add3A_939 : i32
      %get3A_941 = arith.index_cast %add3A_940 : i32 to index
      %get3A_942 = arith.constant 48 : index
      %get3A_943 = tpu.vector_load %arg7[%get3A_941, %get3A_942] {strides = array<i32>} : memref<320x128xf32, #tpu.memory_space<vmem>>, vector<1x16xf32>,
      %get3A_944 = vector.shape_cast %get3A_943 : vector<1x16xf32> to vector<1x16xf32>
      %swap3A_945 = arith.index_cast %add3A_855 : i32 to index
      %swap3A_946 = arith.constant 112 : index
      %swap3A_947 = tpu.vector_load %arg8[%swap3A_945, %swap3A_946] {strides = array<i32>} : memref<160x128xf32, #tpu.memory_space<vmem>>, vector<1x16xf32>,
      %swap3A_948 = vector.shape_cast %swap3A_947 : vector<1x16xf32> to vector<1x16xf32>
      %swap3A_949 = vector.shape_cast %get3A_944 : vector<1x16xf32> to vector<1x16xf32>
      tpu.vector_store %arg8[%swap3A_945, %swap3A_946], %swap3A_949 {strides = array<i32>} : memref<160x128xf32, #tpu.memory_space<vmem>>, vector<1x16xf32>,
    }
    %scan3A_140 = arith.constant 160 : i32
    %add3A_141 = arith.constant 960 : i32
    %add3A_142 = arith.addi %mul3A_2, %add3A_141 : i32
    %jit3A_143 = arith.constant 2 : i32
    %div3A_144 = arith.divsi %add3A_142, %jit3A_143 : i32
    %sign3A_145 = arith.constant 0 : i32
    %sign3A_146 = arith.cmpi sgt, %add3A_142, %sign3A_145 : i32
    %sign3A_147 = arith.extui %sign3A_146 : i1 to i32
    %sign3A_148 = arith.constant 0 : i32
    %sign3A_149 = arith.cmpi slt, %add3A_142, %sign3A_148 : i32
    %sign3A_150 = arith.extui %sign3A_149 : i1 to i32
    %sign3A_151 = arith.subi %sign3A_147, %sign3A_150 : i32
    %sign3A_152 = arith.constant 0 : i32
    %sign3A_153 = arith.cmpi sgt, %jit3A_143, %sign3A_152 : i32
    %sign3A_154 = arith.extui %sign3A_153 : i1 to i32
    %sign3A_155 = arith.constant 0 : i32
    %sign3A_156 = arith.cmpi slt, %jit3A_143, %sign3A_155 : i32
    %sign3A_157 = arith.extui %sign3A_156 : i1 to i32
    %sign3A_158 = arith.subi %sign3A_154, %sign3A_157 : i32
    %ne3A_159 = arith.cmpi ne, %sign3A_151, %sign3A_158 : i32
    %rem3A_160 = arith.remsi %add3A_142, %jit3A_143 : i32
    %ne3A_161 = arith.constant 0 : i32
    %ne3A_162 = arith.cmpi ne, %rem3A_160, %ne3A_161 : i32
    %and3A_163 = arith.andi %ne3A_159, %ne3A_162 : i1
    %sub3A_164 = arith.constant 1 : i32
    %sub3A_165 = arith.subi %div3A_144, %sub3A_164 : i32
    %select_n3A_166 = arith.select %and3A_163, %sub3A_165, %div3A_144 : i32
    %multiple_of3A_167 = tpu.assume_multiple %select_n3A_166, 8 : i32
    "tpu.region"() ({
      %run_scoped3A = tpu.sem_alloc : memref<!tpu.dma_semaphore, #tpu.memory_space<semaphore_mem>>
      %dma_start3A_851 = arith.constant 0 : i32
      %dma_start3A_852 = tpu.memref_slice %arg4[%multiple_of3A_167, %dma_start3A_851] : memref<102400x128xf32, #tpu.memory_space<hbm>> -> memref<160x128xf32, #tpu.memory_space<hbm>>
      %dma_start3A_853 = arith.constant 0 : i32
      %dma_start3A_854 = tpu.memref_slice %arg4[%multiple_of3A_167, %dma_start3A_853] : memref<102400x128xf32, #tpu.memory_space<hbm>> -> memref<160x128xf32, #tpu.memory_space<hbm>>
      tpu.enqueue_dma source(%arg8 : memref<160x128xf32, #tpu.memory_space<vmem>>) target(%dma_start3A_854 : memref<160x128xf32, #tpu.memory_space<hbm>>) target_semaphore(%run_scoped3A : memref<!tpu.dma_semaphore, #tpu.memory_space<semaphore_mem>>)
      %dma_wait3A_855 = arith.constant 0 : i32
      %dma_wait3A_856 = tpu.memref_slice %arg4[%multiple_of3A_167, %dma_wait3A_855] : memref<102400x128xf32, #tpu.memory_space<hbm>> -> memref<160x128xf32, #tpu.memory_space<hbm>>
      %dma_wait3A_857 = arith.constant 0 : i32
      %dma_wait3A_858 = tpu.memref_slice %arg4[%multiple_of3A_167, %dma_wait3A_857] : memref<102400x128xf32, #tpu.memory_space<hbm>> -> memref<160x128xf32, #tpu.memory_space<hbm>>
      tpu.wait_dma2 semaphore(%run_scoped3A : memref<!tpu.dma_semaphore, #tpu.memory_space<semaphore_mem>>) src(%arg8 : memref<160x128xf32, #tpu.memory_space<vmem>>) dst(%dma_wait3A_858 : memref<160x128xf32, #tpu.memory_space<hbm>>)
      tpu.yield
    }) : () -> ()
    %dma_start3A_168 = arith.constant 1600 : i32
    %dma_start3A_169 = tpu.memref_slice %arg5[%dma_start3A_168] : memref<6400xi32, #tpu.memory_space<vmem>> -> memref<320xi32, #tpu.memory_space<vmem>>
    %dma_start3A_170 = arith.constant 0 : i32
    %dma_start3A_171 = arith.constant 0 : i32
    %dma_start3A_172 = tpu.memref_slice %arg2[%dma_start3A_170, %dma_start3A_171] : memref<100000x128xf32, #tpu.memory_space<hbm>> -> memref<100000x128xf32, #tpu.memory_space<hbm>>
    tpu.enqueue_indirect_dma source(%dma_start3A_172 : memref<100000x128xf32, #tpu.memory_space<hbm>>) target(%arg7 : memref<320x128xf32, #tpu.memory_space<vmem>>) offsets(%dma_start3A_169 : memref<320xi32, #tpu.memory_space<vmem>>) semaphore(%arg10 : memref<!tpu.dma_semaphore, #tpu.memory_space<semaphore_mem>>)
    %dma_wait3A_173 = arith.constant 0 : i32
    %dma_wait3A_174 = arith.constant 0 : i32
    %dma_wait3A_175 = tpu.memref_slice %arg2[%dma_wait3A_173, %dma_wait3A_174] : memref<100000x128xf32, #tpu.memory_space<hbm>> -> memref<320x128xf32, #tpu.memory_space<hbm>>
    %dma_wait3A_176 = arith.constant 0 : i32
    %dma_wait3A_177 = arith.constant 0 : i32
    %dma_wait3A_178 = tpu.memref_slice %arg2[%dma_wait3A_176, %dma_wait3A_177] : memref<100000x128xf32, #tpu.memory_space<hbm>> -> memref<320x128xf32, #tpu.memory_space<hbm>>
    tpu.wait_dma2 semaphore(%arg9 : memref<!tpu.dma_semaphore, #tpu.memory_space<semaphore_mem>>) src(%dma_wait3A_178 : memref<320x128xf32, #tpu.memory_space<hbm>>) dst(%arg6 : memref<320x128xf32, #tpu.memory_space<vmem>>)
    %scan3A_179 = arith.constant 0 : i32
    %scan3A_180 = arith.constant 160 : i32
    %scan3A_181 = arith.addi %scan3A_179, %scan3A_180 : i32
    %scan3A_182 = arith.constant 1 : i32
    scf.for %scan3A_851 = %scan3A_179 to %scan3A_181 step %scan3A_182  : i32 {
      %mul3A_852 = arith.constant 1 : i32
      %mul3A_853 = arith.muli %scan3A_851, %mul3A_852 : i32
      %add3A_854 = arith.constant 0 : i32
      %add3A_855 = arith.addi %add3A_854, %mul3A_853 : i32
      %mul3A_856 = arith.constant 2 : i32
      %mul3A_857 = arith.muli %mul3A_856, %add3A_855 : i32
      %get3A = arith.index_cast %mul3A_857 : i32 to index
      %get3A_858 = arith.constant 0 : index
      %get3A_859 = tpu.vector_load %arg6[%get3A, %get3A_858] {strides = array<i32>} : memref<320x128xf32, #tpu.memory_space<vmem>>, vector<1x16xf32>,
      %get3A_860 = vector.shape_cast %get3A_859 : vector<1x16xf32> to vector<1x16xf32>
      %swap3A = arith.index_cast %add3A_855 : i32 to index
      %swap3A_861 = arith.constant 0 : index
      %swap3A_862 = tpu.vector_load %arg8[%swap3A, %swap3A_861] {strides = array<i32>} : memref<160x128xf32, #tpu.memory_space<vmem>>, vector<1x16xf32>,
      %swap3A_863 = vector.shape_cast %swap3A_862 : vector<1x16xf32> to vector<1x16xf32>
      %swap3A_864 = vector.shape_cast %get3A_860 : vector<1x16xf32> to vector<1x16xf32>
      tpu.vector_store %arg8[%swap3A, %swap3A_861], %swap3A_864 {strides = array<i32>} : memref<160x128xf32, #tpu.memory_space<vmem>>, vector<1x16xf32>,
      %mul3A_865 = arith.constant 2 : i32
      %mul3A_866 = arith.muli %mul3A_865, %add3A_855 : i32
      %add3A_867 = arith.constant 1 : i32
      %add3A_868 = arith.addi %mul3A_866, %add3A_867 : i32
      %get3A_869 = arith.index_cast %add3A_868 : i32 to index
      %get3A_870 = arith.constant 0 : index
      %get3A_871 = tpu.vector_load %arg6[%get3A_869, %get3A_870] {strides = array<i32>} : memref<320x128xf32, #tpu.memory_space<vmem>>, vector<1x16xf32>,
      %get3A_872 = vector.shape_cast %get3A_871 : vector<1x16xf32> to vector<1x16xf32>
      %swap3A_873 = arith.index_cast %add3A_855 : i32 to index
      %swap3A_874 = arith.constant 64 : index
      %swap3A_875 = tpu.vector_load %arg8[%swap3A_873, %swap3A_874] {strides = array<i32>} : memref<160x128xf32, #tpu.memory_space<vmem>>, vector<1x16xf32>,
      %swap3A_876 = vector.shape_cast %swap3A_875 : vector<1x16xf32> to vector<1x16xf32>
      %swap3A_877 = vector.shape_cast %get3A_872 : vector<1x16xf32> to vector<1x16xf32>
      tpu.vector_store %arg8[%swap3A_873, %swap3A_874], %swap3A_877 {strides = array<i32>} : memref<160x128xf32, #tpu.memory_space<vmem>>, vector<1x16xf32>,
      %mul3A_878 = arith.constant 2 : i32
      %mul3A_879 = arith.muli %mul3A_878, %add3A_855 : i32
      %get3A_880 = arith.index_cast %mul3A_879 : i32 to index
      %get3A_881 = arith.constant 16 : index
      %get3A_882 = tpu.vector_load %arg6[%get3A_880, %get3A_881] {strides = array<i32>} : memref<320x128xf32, #tpu.memory_space<vmem>>, vector<1x16xf32>,
      %get3A_883 = vector.shape_cast %get3A_882 : vector<1x16xf32> to vector<1x16xf32>
      %swap3A_884 = arith.index_cast %add3A_855 : i32 to index
      %swap3A_885 = arith.constant 16 : index
      %swap3A_886 = tpu.vector_load %arg8[%swap3A_884, %swap3A_885] {strides = array<i32>} : memref<160x128xf32, #tpu.memory_space<vmem>>, vector<1x16xf32>,
      %swap3A_887 = vector.shape_cast %swap3A_886 : vector<1x16xf32> to vector<1x16xf32>
      %swap3A_888 = vector.shape_cast %get3A_883 : vector<1x16xf32> to vector<1x16xf32>
      tpu.vector_store %arg8[%swap3A_884, %swap3A_885], %swap3A_888 {strides = array<i32>} : memref<160x128xf32, #tpu.memory_space<vmem>>, vector<1x16xf32>,
      %mul3A_889 = arith.constant 2 : i32
      %mul3A_890 = arith.muli %mul3A_889, %add3A_855 : i32
      %add3A_891 = arith.constant 1 : i32
      %add3A_892 = arith.addi %mul3A_890, %add3A_891 : i32
      %get3A_893 = arith.index_cast %add3A_892 : i32 to index
      %get3A_894 = arith.constant 16 : index
      %get3A_895 = tpu.vector_load %arg6[%get3A_893, %get3A_894] {strides = array<i32>} : memref<320x128xf32, #tpu.memory_space<vmem>>, vector<1x16xf32>,
      %get3A_896 = vector.shape_cast %get3A_895 : vector<1x16xf32> to vector<1x16xf32>
      %swap3A_897 = arith.index_cast %add3A_855 : i32 to index
      %swap3A_898 = arith.constant 80 : index
      %swap3A_899 = tpu.vector_load %arg8[%swap3A_897, %swap3A_898] {strides = array<i32>} : memref<160x128xf32, #tpu.memory_space<vmem>>, vector<1x16xf32>,
      %swap3A_900 = vector.shape_cast %swap3A_899 : vector<1x16xf32> to vector<1x16xf32>
      %swap3A_901 = vector.shape_cast %get3A_896 : vector<1x16xf32> to vector<1x16xf32>
      tpu.vector_store %arg8[%swap3A_897, %swap3A_898], %swap3A_901 {strides = array<i32>} : memref<160x128xf32, #tpu.memory_space<vmem>>, vector<1x16xf32>,
      %mul3A_902 = arith.constant 2 : i32
      %mul3A_903 = arith.muli %mul3A_902, %add3A_855 : i32
      %get3A_904 = arith.index_cast %mul3A_903 : i32 to index
      %get3A_905 = arith.constant 32 : index
      %get3A_906 = tpu.vector_load %arg6[%get3A_904, %get3A_905] {strides = array<i32>} : memref<320x128xf32, #tpu.memory_space<vmem>>, vector<1x16xf32>,
      %get3A_907 = vector.shape_cast %get3A_906 : vector<1x16xf32> to vector<1x16xf32>
      %swap3A_908 = arith.index_cast %add3A_855 : i32 to index
      %swap3A_909 = arith.constant 32 : index
      %swap3A_910 = tpu.vector_load %arg8[%swap3A_908, %swap3A_909] {strides = array<i32>} : memref<160x128xf32, #tpu.memory_space<vmem>>, vector<1x16xf32>,
      %swap3A_911 = vector.shape_cast %swap3A_910 : vector<1x16xf32> to vector<1x16xf32>
      %swap3A_912 = vector.shape_cast %get3A_907 : vector<1x16xf32> to vector<1x16xf32>
      tpu.vector_store %arg8[%swap3A_908, %swap3A_909], %swap3A_912 {strides = array<i32>} : memref<160x128xf32, #tpu.memory_space<vmem>>, vector<1x16xf32>,
      %mul3A_913 = arith.constant 2 : i32
      %mul3A_914 = arith.muli %mul3A_913, %add3A_855 : i32
      %add3A_915 = arith.constant 1 : i32
      %add3A_916 = arith.addi %mul3A_914, %add3A_915 : i32
      %get3A_917 = arith.index_cast %add3A_916 : i32 to index
      %get3A_918 = arith.constant 32 : index
      %get3A_919 = tpu.vector_load %arg6[%get3A_917, %get3A_918] {strides = array<i32>} : memref<320x128xf32, #tpu.memory_space<vmem>>, vector<1x16xf32>,
      %get3A_920 = vector.shape_cast %get3A_919 : vector<1x16xf32> to vector<1x16xf32>
      %swap3A_921 = arith.index_cast %add3A_855 : i32 to index
      %swap3A_922 = arith.constant 96 : index
      %swap3A_923 = tpu.vector_load %arg8[%swap3A_921, %swap3A_922] {strides = array<i32>} : memref<160x128xf32, #tpu.memory_space<vmem>>, vector<1x16xf32>,
      %swap3A_924 = vector.shape_cast %swap3A_923 : vector<1x16xf32> to vector<1x16xf32>
      %swap3A_925 = vector.shape_cast %get3A_920 : vector<1x16xf32> to vector<1x16xf32>
      tpu.vector_store %arg8[%swap3A_921, %swap3A_922], %swap3A_925 {strides = array<i32>} : memref<160x128xf32, #tpu.memory_space<vmem>>, vector<1x16xf32>,
      %mul3A_926 = arith.constant 2 : i32
      %mul3A_927 = arith.muli %mul3A_926, %add3A_855 : i32
      %get3A_928 = arith.index_cast %mul3A_927 : i32 to index
      %get3A_929 = arith.constant 48 : index
      %get3A_930 = tpu.vector_load %arg6[%get3A_928, %get3A_929] {strides = array<i32>} : memref<320x128xf32, #tpu.memory_space<vmem>>, vector<1x16xf32>,
      %get3A_931 = vector.shape_cast %get3A_930 : vector<1x16xf32> to vector<1x16xf32>
      %swap3A_932 = arith.index_cast %add3A_855 : i32 to index
      %swap3A_933 = arith.constant 48 : index
      %swap3A_934 = tpu.vector_load %arg8[%swap3A_932, %swap3A_933] {strides = array<i32>} : memref<160x128xf32, #tpu.memory_space<vmem>>, vector<1x16xf32>,
      %swap3A_935 = vector.shape_cast %swap3A_934 : vector<1x16xf32> to vector<1x16xf32>
      %swap3A_936 = vector.shape_cast %get3A_931 : vector<1x16xf32> to vector<1x16xf32>
      tpu.vector_store %arg8[%swap3A_932, %swap3A_933], %swap3A_936 {strides = array<i32>} : memref<160x128xf32, #tpu.memory_space<vmem>>, vector<1x16xf32>,
      %mul3A_937 = arith.constant 2 : i32
      %mul3A_938 = arith.muli %mul3A_937, %add3A_855 : i32
      %add3A_939 = arith.constant 1 : i32
      %add3A_940 = arith.addi %mul3A_938, %add3A_939 : i32
      %get3A_941 = arith.index_cast %add3A_940 : i32 to index
      %get3A_942 = arith.constant 48 : index
      %get3A_943 = tpu.vector_load %arg6[%get3A_941, %get3A_942] {strides = array<i32>} : memref<320x128xf32, #tpu.memory_space<vmem>>, vector<1x16xf32>,
      %get3A_944 = vector.shape_cast %get3A_943 : vector<1x16xf32> to vector<1x16xf32>
      %swap3A_945 = arith.index_cast %add3A_855 : i32 to index
      %swap3A_946 = arith.constant 112 : index
      %swap3A_947 = tpu.vector_load %arg8[%swap3A_945, %swap3A_946] {strides = array<i32>} : memref<160x128xf32, #tpu.memory_space<vmem>>, vector<1x16xf32>,
      %swap3A_948 = vector.shape_cast %swap3A_947 : vector<1x16xf32> to vector<1x16xf32>
      %swap3A_949 = vector.shape_cast %get3A_944 : vector<1x16xf32> to vector<1x16xf32>
      tpu.vector_store %arg8[%swap3A_945, %swap3A_946], %swap3A_949 {strides = array<i32>} : memref<160x128xf32, #tpu.memory_space<vmem>>, vector<1x16xf32>,
    }
    %scan3A_183 = arith.constant 160 : i32
    %add3A_184 = arith.constant 1280 : i32
    %add3A_185 = arith.addi %mul3A_2, %add3A_184 : i32
    %jit3A_186 = arith.constant 2 : i32
    %div3A_187 = arith.divsi %add3A_185, %jit3A_186 : i32
    %sign3A_188 = arith.constant 0 : i32
    %sign3A_189 = arith.cmpi sgt, %add3A_185, %sign3A_188 : i32
    %sign3A_190 = arith.extui %sign3A_189 : i1 to i32
    %sign3A_191 = arith.constant 0 : i32
    %sign3A_192 = arith.cmpi slt, %add3A_185, %sign3A_191 : i32
    %sign3A_193 = arith.extui %sign3A_192 : i1 to i32
    %sign3A_194 = arith.subi %sign3A_190, %sign3A_193 : i32
    %sign3A_195 = arith.constant 0 : i32
    %sign3A_196 = arith.cmpi sgt, %jit3A_186, %sign3A_195 : i32
    %sign3A_197 = arith.extui %sign3A_196 : i1 to i32
    %sign3A_198 = arith.constant 0 : i32
    %sign3A_199 = arith.cmpi slt, %jit3A_186, %sign3A_198 : i32
    %sign3A_200 = arith.extui %sign3A_199 : i1 to i32
    %sign3A_201 = arith.subi %sign3A_197, %sign3A_200 : i32
    %ne3A_202 = arith.cmpi ne, %sign3A_194, %sign3A_201 : i32
    %rem3A_203 = arith.remsi %add3A_185, %jit3A_186 : i32
    %ne3A_204 = arith.constant 0 : i32
    %ne3A_205 = arith.cmpi ne, %rem3A_203, %ne3A_204 : i32
    %and3A_206 = arith.andi %ne3A_202, %ne3A_205 : i1
    %sub3A_207 = arith.constant 1 : i32
    %sub3A_208 = arith.subi %div3A_187, %sub3A_207 : i32
    %select_n3A_209 = arith.select %and3A_206, %sub3A_208, %div3A_187 : i32
    %multiple_of3A_210 = tpu.assume_multiple %select_n3A_209, 8 : i32
    "tpu.region"() ({
      %run_scoped3A = tpu.sem_alloc : memref<!tpu.dma_semaphore, #tpu.memory_space<semaphore_mem>>
      %dma_start3A_851 = arith.constant 0 : i32
      %dma_start3A_852 = tpu.memref_slice %arg4[%multiple_of3A_210, %dma_start3A_851] : memref<102400x128xf32, #tpu.memory_space<hbm>> -> memref<160x128xf32, #tpu.memory_space<hbm>>
      %dma_start3A_853 = arith.constant 0 : i32
      %dma_start3A_854 = tpu.memref_slice %arg4[%multiple_of3A_210, %dma_start3A_853] : memref<102400x128xf32, #tpu.memory_space<hbm>> -> memref<160x128xf32, #tpu.memory_space<hbm>>
      tpu.enqueue_dma source(%arg8 : memref<160x128xf32, #tpu.memory_space<vmem>>) target(%dma_start3A_854 : memref<160x128xf32, #tpu.memory_space<hbm>>) target_semaphore(%run_scoped3A : memref<!tpu.dma_semaphore, #tpu.memory_space<semaphore_mem>>)
      %dma_wait3A_855 = arith.constant 0 : i32
      %dma_wait3A_856 = tpu.memref_slice %arg4[%multiple_of3A_210, %dma_wait3A_855] : memref<102400x128xf32, #tpu.memory_space<hbm>> -> memref<160x128xf32, #tpu.memory_space<hbm>>
      %dma_wait3A_857 = arith.constant 0 : i32
      %dma_wait3A_858 = tpu.memref_slice %arg4[%multiple_of3A_210, %dma_wait3A_857] : memref<102400x128xf32, #tpu.memory_space<hbm>> -> memref<160x128xf32, #tpu.memory_space<hbm>>
      tpu.wait_dma2 semaphore(%run_scoped3A : memref<!tpu.dma_semaphore, #tpu.memory_space<semaphore_mem>>) src(%arg8 : memref<160x128xf32, #tpu.memory_space<vmem>>) dst(%dma_wait3A_858 : memref<160x128xf32, #tpu.memory_space<hbm>>)
      tpu.yield
    }) : () -> ()
    %dma_start3A_211 = arith.constant 1920 : i32
    %dma_start3A_212 = tpu.memref_slice %arg5[%dma_start3A_211] : memref<6400xi32, #tpu.memory_space<vmem>> -> memref<320xi32, #tpu.memory_space<vmem>>
    %dma_start3A_213 = arith.constant 0 : i32
    %dma_start3A_214 = arith.constant 0 : i32
    %dma_start3A_215 = tpu.memref_slice %arg2[%dma_start3A_213, %dma_start3A_214] : memref<100000x128xf32, #tpu.memory_space<hbm>> -> memref<100000x128xf32, #tpu.memory_space<hbm>>
    tpu.enqueue_indirect_dma source(%dma_start3A_215 : memref<100000x128xf32, #tpu.memory_space<hbm>>) target(%arg6 : memref<320x128xf32, #tpu.memory_space<vmem>>) offsets(%dma_start3A_212 : memref<320xi32, #tpu.memory_space<vmem>>) semaphore(%arg9 : memref<!tpu.dma_semaphore, #tpu.memory_space<semaphore_mem>>)
    %dma_wait3A_216 = arith.constant 0 : i32
    %dma_wait3A_217 = arith.constant 0 : i32
    %dma_wait3A_218 = tpu.memref_slice %arg2[%dma_wait3A_216, %dma_wait3A_217] : memref<100000x128xf32, #tpu.memory_space<hbm>> -> memref<320x128xf32, #tpu.memory_space<hbm>>
    %dma_wait3A_219 = arith.constant 0 : i32
    %dma_wait3A_220 = arith.constant 0 : i32
    %dma_wait3A_221 = tpu.memref_slice %arg2[%dma_wait3A_219, %dma_wait3A_220] : memref<100000x128xf32, #tpu.memory_space<hbm>> -> memref<320x128xf32, #tpu.memory_space<hbm>>
    tpu.wait_dma2 semaphore(%arg10 : memref<!tpu.dma_semaphore, #tpu.memory_space<semaphore_mem>>) src(%dma_wait3A_221 : memref<320x128xf32, #tpu.memory_space<hbm>>) dst(%arg7 : memref<320x128xf32, #tpu.memory_space<vmem>>)
    %scan3A_222 = arith.constant 0 : i32
    %scan3A_223 = arith.constant 160 : i32
    %scan3A_224 = arith.addi %scan3A_222, %scan3A_223 : i32
    %scan3A_225 = arith.constant 1 : i32
    scf.for %scan3A_851 = %scan3A_222 to %scan3A_224 step %scan3A_225  : i32 {
      %mul3A_852 = arith.constant 1 : i32
      %mul3A_853 = arith.muli %scan3A_851, %mul3A_852 : i32
      %add3A_854 = arith.constant 0 : i32
      %add3A_855 = arith.addi %add3A_854, %mul3A_853 : i32
      %mul3A_856 = arith.constant 2 : i32
      %mul3A_857 = arith.muli %mul3A_856, %add3A_855 : i32
      %get3A = arith.index_cast %mul3A_857 : i32 to index
      %get3A_858 = arith.constant 0 : index
      %get3A_859 = tpu.vector_load %arg7[%get3A, %get3A_858] {strides = array<i32>} : memref<320x128xf32, #tpu.memory_space<vmem>>, vector<1x16xf32>,
      %get3A_860 = vector.shape_cast %get3A_859 : vector<1x16xf32> to vector<1x16xf32>
      %swap3A = arith.index_cast %add3A_855 : i32 to index
      %swap3A_861 = arith.constant 0 : index
      %swap3A_862 = tpu.vector_load %arg8[%swap3A, %swap3A_861] {strides = array<i32>} : memref<160x128xf32, #tpu.memory_space<vmem>>, vector<1x16xf32>,
      %swap3A_863 = vector.shape_cast %swap3A_862 : vector<1x16xf32> to vector<1x16xf32>
      %swap3A_864 = vector.shape_cast %get3A_860 : vector<1x16xf32> to vector<1x16xf32>
      tpu.vector_store %arg8[%swap3A, %swap3A_861], %swap3A_864 {strides = array<i32>} : memref<160x128xf32, #tpu.memory_space<vmem>>, vector<1x16xf32>,
      %mul3A_865 = arith.constant 2 : i32
      %mul3A_866 = arith.muli %mul3A_865, %add3A_855 : i32
      %add3A_867 = arith.constant 1 : i32
      %add3A_868 = arith.addi %mul3A_866, %add3A_867 : i32
      %get3A_869 = arith.index_cast %add3A_868 : i32 to index
      %get3A_870 = arith.constant 0 : index
      %get3A_871 = tpu.vector_load %arg7[%get3A_869, %get3A_870] {strides = array<i32>} : memref<320x128xf32, #tpu.memory_space<vmem>>, vector<1x16xf32>,
      %get3A_872 = vector.shape_cast %get3A_871 : vector<1x16xf32> to vector<1x16xf32>
      %swap3A_873 = arith.index_cast %add3A_855 : i32 to index
      %swap3A_874 = arith.constant 64 : index
      %swap3A_875 = tpu.vector_load %arg8[%swap3A_873, %swap3A_874] {strides = array<i32>} : memref<160x128xf32, #tpu.memory_space<vmem>>, vector<1x16xf32>,
      %swap3A_876 = vector.shape_cast %swap3A_875 : vector<1x16xf32> to vector<1x16xf32>
      %swap3A_877 = vector.shape_cast %get3A_872 : vector<1x16xf32> to vector<1x16xf32>
      tpu.vector_store %arg8[%swap3A_873, %swap3A_874], %swap3A_877 {strides = array<i32>} : memref<160x128xf32, #tpu.memory_space<vmem>>, vector<1x16xf32>,
      %mul3A_878 = arith.constant 2 : i32
      %mul3A_879 = arith.muli %mul3A_878, %add3A_855 : i32
      %get3A_880 = arith.index_cast %mul3A_879 : i32 to index
      %get3A_881 = arith.constant 16 : index
      %get3A_882 = tpu.vector_load %arg7[%get3A_880, %get3A_881] {strides = array<i32>} : memref<320x128xf32, #tpu.memory_space<vmem>>, vector<1x16xf32>,
      %get3A_883 = vector.shape_cast %get3A_882 : vector<1x16xf32> to vector<1x16xf32>
      %swap3A_884 = arith.index_cast %add3A_855 : i32 to index
      %swap3A_885 = arith.constant 16 : index
      %swap3A_886 = tpu.vector_load %arg8[%swap3A_884, %swap3A_885] {strides = array<i32>} : memref<160x128xf32, #tpu.memory_space<vmem>>, vector<1x16xf32>,
      %swap3A_887 = vector.shape_cast %swap3A_886 : vector<1x16xf32> to vector<1x16xf32>
      %swap3A_888 = vector.shape_cast %get3A_883 : vector<1x16xf32> to vector<1x16xf32>
      tpu.vector_store %arg8[%swap3A_884, %swap3A_885], %swap3A_888 {strides = array<i32>} : memref<160x128xf32, #tpu.memory_space<vmem>>, vector<1x16xf32>,
      %mul3A_889 = arith.constant 2 : i32
      %mul3A_890 = arith.muli %mul3A_889, %add3A_855 : i32
      %add3A_891 = arith.constant 1 : i32
      %add3A_892 = arith.addi %mul3A_890, %add3A_891 : i32
      %get3A_893 = arith.index_cast %add3A_892 : i32 to index
      %get3A_894 = arith.constant 16 : index
      %get3A_895 = tpu.vector_load %arg7[%get3A_893, %get3A_894] {strides = array<i32>} : memref<320x128xf32, #tpu.memory_space<vmem>>, vector<1x16xf32>,
      %get3A_896 = vector.shape_cast %get3A_895 : vector<1x16xf32> to vector<1x16xf32>
      %swap3A_897 = arith.index_cast %add3A_855 : i32 to index
      %swap3A_898 = arith.constant 80 : index
      %swap3A_899 = tpu.vector_load %arg8[%swap3A_897, %swap3A_898] {strides = array<i32>} : memref<160x128xf32, #tpu.memory_space<vmem>>, vector<1x16xf32>,
      %swap3A_900 = vector.shape_cast %swap3A_899 : vector<1x16xf32> to vector<1x16xf32>
      %swap3A_901 = vector.shape_cast %get3A_896 : vector<1x16xf32> to vector<1x16xf32>
      tpu.vector_store %arg8[%swap3A_897, %swap3A_898], %swap3A_901 {strides = array<i32>} : memref<160x128xf32, #tpu.memory_space<vmem>>, vector<1x16xf32>,
      %mul3A_902 = arith.constant 2 : i32
      %mul3A_903 = arith.muli %mul3A_902, %add3A_855 : i32
      %get3A_904 = arith.index_cast %mul3A_903 : i32 to index
      %get3A_905 = arith.constant 32 : index
      %get3A_906 = tpu.vector_load %arg7[%get3A_904, %get3A_905] {strides = array<i32>} : memref<320x128xf32, #tpu.memory_space<vmem>>, vector<1x16xf32>,
      %get3A_907 = vector.shape_cast %get3A_906 : vector<1x16xf32> to vector<1x16xf32>
      %swap3A_908 = arith.index_cast %add3A_855 : i32 to index
      %swap3A_909 = arith.constant 32 : index
      %swap3A_910 = tpu.vector_load %arg8[%swap3A_908, %swap3A_909] {strides = array<i32>} : memref<160x128xf32, #tpu.memory_space<vmem>>, vector<1x16xf32>,
      %swap3A_911 = vector.shape_cast %swap3A_910 : vector<1x16xf32> to vector<1x16xf32>
      %swap3A_912 = vector.shape_cast %get3A_907 : vector<1x16xf32> to vector<1x16xf32>
      tpu.vector_store %arg8[%swap3A_908, %swap3A_909], %swap3A_912 {strides = array<i32>} : memref<160x128xf32, #tpu.memory_space<vmem>>, vector<1x16xf32>,
      %mul3A_913 = arith.constant 2 : i32
      %mul3A_914 = arith.muli %mul3A_913, %add3A_855 : i32
      %add3A_915 = arith.constant 1 : i32
      %add3A_916 = arith.addi %mul3A_914, %add3A_915 : i32
      %get3A_917 = arith.index_cast %add3A_916 : i32 to index
      %get3A_918 = arith.constant 32 : index
      %get3A_919 = tpu.vector_load %arg7[%get3A_917, %get3A_918] {strides = array<i32>} : memref<320x128xf32, #tpu.memory_space<vmem>>, vector<1x16xf32>,
      %get3A_920 = vector.shape_cast %get3A_919 : vector<1x16xf32> to vector<1x16xf32>
      %swap3A_921 = arith.index_cast %add3A_855 : i32 to index
      %swap3A_922 = arith.constant 96 : index
      %swap3A_923 = tpu.vector_load %arg8[%swap3A_921, %swap3A_922] {strides = array<i32>} : memref<160x128xf32, #tpu.memory_space<vmem>>, vector<1x16xf32>,
      %swap3A_924 = vector.shape_cast %swap3A_923 : vector<1x16xf32> to vector<1x16xf32>
      %swap3A_925 = vector.shape_cast %get3A_920 : vector<1x16xf32> to vector<1x16xf32>
      tpu.vector_store %arg8[%swap3A_921, %swap3A_922], %swap3A_925 {strides = array<i32>} : memref<160x128xf32, #tpu.memory_space<vmem>>, vector<1x16xf32>,
      %mul3A_926 = arith.constant 2 : i32
      %mul3A_927 = arith.muli %mul3A_926, %add3A_855 : i32
      %get3A_928 = arith.index_cast %mul3A_927 : i32 to index
      %get3A_929 = arith.constant 48 : index
      %get3A_930 = tpu.vector_load %arg7[%get3A_928, %get3A_929] {strides = array<i32>} : memref<320x128xf32, #tpu.memory_space<vmem>>, vector<1x16xf32>,
      %get3A_931 = vector.shape_cast %get3A_930 : vector<1x16xf32> to vector<1x16xf32>
      %swap3A_932 = arith.index_cast %add3A_855 : i32 to index
      %swap3A_933 = arith.constant 48 : index
      %swap3A_934 = tpu.vector_load %arg8[%swap3A_932, %swap3A_933] {strides = array<i32>} : memref<160x128xf32, #tpu.memory_space<vmem>>, vector<1x16xf32>,
      %swap3A_935 = vector.shape_cast %swap3A_934 : vector<1x16xf32> to vector<1x16xf32>
      %swap3A_936 = vector.shape_cast %get3A_931 : vector<1x16xf32> to vector<1x16xf32>
      tpu.vector_store %arg8[%swap3A_932, %swap3A_933], %swap3A_936 {strides = array<i32>} : memref<160x128xf32, #tpu.memory_space<vmem>>, vector<1x16xf32>,
      %mul3A_937 = arith.constant 2 : i32
      %mul3A_938 = arith.muli %mul3A_937, %add3A_855 : i32
      %add3A_939 = arith.constant 1 : i32
      %add3A_940 = arith.addi %mul3A_938, %add3A_939 : i32
      %get3A_941 = arith.index_cast %add3A_940 : i32 to index
      %get3A_942 = arith.constant 48 : index
      %get3A_943 = tpu.vector_load %arg7[%get3A_941, %get3A_942] {strides = array<i32>} : memref<320x128xf32, #tpu.memory_space<vmem>>, vector<1x16xf32>,
      %get3A_944 = vector.shape_cast %get3A_943 : vector<1x16xf32> to vector<1x16xf32>
      %swap3A_945 = arith.index_cast %add3A_855 : i32 to index
      %swap3A_946 = arith.constant 112 : index
      %swap3A_947 = tpu.vector_load %arg8[%swap3A_945, %swap3A_946] {strides = array<i32>} : memref<160x128xf32, #tpu.memory_space<vmem>>, vector<1x16xf32>,
      %swap3A_948 = vector.shape_cast %swap3A_947 : vector<1x16xf32> to vector<1x16xf32>
      %swap3A_949 = vector.shape_cast %get3A_944 : vector<1x16xf32> to vector<1x16xf32>
      tpu.vector_store %arg8[%swap3A_945, %swap3A_946], %swap3A_949 {strides = array<i32>} : memref<160x128xf32, #tpu.memory_space<vmem>>, vector<1x16xf32>,
    }
    %scan3A_226 = arith.constant 160 : i32
    %add3A_227 = arith.constant 1600 : i32
    %add3A_228 = arith.addi %mul3A_2, %add3A_227 : i32
    %jit3A_229 = arith.constant 2 : i32
    %div3A_230 = arith.divsi %add3A_228, %jit3A_229 : i32
    %sign3A_231 = arith.constant 0 : i32
    %sign3A_232 = arith.cmpi sgt, %add3A_228, %sign3A_231 : i32
    %sign3A_233 = arith.extui %sign3A_232 : i1 to i32
    %sign3A_234 = arith.constant 0 : i32
    %sign3A_235 = arith.cmpi slt, %add3A_228, %sign3A_234 : i32
    %sign3A_236 = arith.extui %sign3A_235 : i1 to i32
    %sign3A_237 = arith.subi %sign3A_233, %sign3A_236 : i32
    %sign3A_238 = arith.constant 0 : i32
    %sign3A_239 = arith.cmpi sgt, %jit3A_229, %sign3A_238 : i32
    %sign3A_240 = arith.extui %sign3A_239 : i1 to i32
    %sign3A_241 = arith.constant 0 : i32
    %sign3A_242 = arith.cmpi slt, %jit3A_229, %sign3A_241 : i32
    %sign3A_243 = arith.extui %sign3A_242 : i1 to i32
    %sign3A_244 = arith.subi %sign3A_240, %sign3A_243 : i32
    %ne3A_245 = arith.cmpi ne, %sign3A_237, %sign3A_244 : i32
    %rem3A_246 = arith.remsi %add3A_228, %jit3A_229 : i32
    %ne3A_247 = arith.constant 0 : i32
    %ne3A_248 = arith.cmpi ne, %rem3A_246, %ne3A_247 : i32
    %and3A_249 = arith.andi %ne3A_245, %ne3A_248 : i1
    %sub3A_250 = arith.constant 1 : i32
    %sub3A_251 = arith.subi %div3A_230, %sub3A_250 : i32
    %select_n3A_252 = arith.select %and3A_249, %sub3A_251, %div3A_230 : i32
    %multiple_of3A_253 = tpu.assume_multiple %select_n3A_252, 8 : i32
    "tpu.region"() ({
      %run_scoped3A = tpu.sem_alloc : memref<!tpu.dma_semaphore, #tpu.memory_space<semaphore_mem>>
      %dma_start3A_851 = arith.constant 0 : i32
      %dma_start3A_852 = tpu.memref_slice %arg4[%multiple_of3A_253, %dma_start3A_851] : memref<102400x128xf32, #tpu.memory_space<hbm>> -> memref<160x128xf32, #tpu.memory_space<hbm>>
      %dma_start3A_853 = arith.constant 0 : i32
      %dma_start3A_854 = tpu.memref_slice %arg4[%multiple_of3A_253, %dma_start3A_853] : memref<102400x128xf32, #tpu.memory_space<hbm>> -> memref<160x128xf32, #tpu.memory_space<hbm>>
      tpu.enqueue_dma source(%arg8 : memref<160x128xf32, #tpu.memory_space<vmem>>) target(%dma_start3A_854 : memref<160x128xf32, #tpu.memory_space<hbm>>) target_semaphore(%run_scoped3A : memref<!tpu.dma_semaphore, #tpu.memory_space<semaphore_mem>>)
      %dma_wait3A_855 = arith.constant 0 : i32
      %dma_wait3A_856 = tpu.memref_slice %arg4[%multiple_of3A_253, %dma_wait3A_855] : memref<102400x128xf32, #tpu.memory_space<hbm>> -> memref<160x128xf32, #tpu.memory_space<hbm>>
      %dma_wait3A_857 = arith.constant 0 : i32
      %dma_wait3A_858 = tpu.memref_slice %arg4[%multiple_of3A_253, %dma_wait3A_857] : memref<102400x128xf32, #tpu.memory_space<hbm>> -> memref<160x128xf32, #tpu.memory_space<hbm>>
      tpu.wait_dma2 semaphore(%run_scoped3A : memref<!tpu.dma_semaphore, #tpu.memory_space<semaphore_mem>>) src(%arg8 : memref<160x128xf32, #tpu.memory_space<vmem>>) dst(%dma_wait3A_858 : memref<160x128xf32, #tpu.memory_space<hbm>>)
      tpu.yield
    }) : () -> ()
    %dma_start3A_254 = arith.constant 2240 : i32
    %dma_start3A_255 = tpu.memref_slice %arg5[%dma_start3A_254] : memref<6400xi32, #tpu.memory_space<vmem>> -> memref<320xi32, #tpu.memory_space<vmem>>
    %dma_start3A_256 = arith.constant 0 : i32
    %dma_start3A_257 = arith.constant 0 : i32
    %dma_start3A_258 = tpu.memref_slice %arg2[%dma_start3A_256, %dma_start3A_257] : memref<100000x128xf32, #tpu.memory_space<hbm>> -> memref<100000x128xf32, #tpu.memory_space<hbm>>
    tpu.enqueue_indirect_dma source(%dma_start3A_258 : memref<100000x128xf32, #tpu.memory_space<hbm>>) target(%arg7 : memref<320x128xf32, #tpu.memory_space<vmem>>) offsets(%dma_start3A_255 : memref<320xi32, #tpu.memory_space<vmem>>) semaphore(%arg10 : memref<!tpu.dma_semaphore, #tpu.memory_space<semaphore_mem>>)
    %dma_wait3A_259 = arith.constant 0 : i32
    %dma_wait3A_260 = arith.constant 0 : i32
    %dma_wait3A_261 = tpu.memref_slice %arg2[%dma_wait3A_259, %dma_wait3A_260] : memref<100000x128xf32, #tpu.memory_space<hbm>> -> memref<320x128xf32, #tpu.memory_space<hbm>>
    %dma_wait3A_262 = arith.constant 0 : i32
    %dma_wait3A_263 = arith.constant 0 : i32
    %dma_wait3A_264 = tpu.memref_slice %arg2[%dma_wait3A_262, %dma_wait3A_263] : memref<100000x128xf32, #tpu.memory_space<hbm>> -> memref<320x128xf32, #tpu.memory_space<hbm>>
    tpu.wait_dma2 semaphore(%arg9 : memref<!tpu.dma_semaphore, #tpu.memory_space<semaphore_mem>>) src(%dma_wait3A_264 : memref<320x128xf32, #tpu.memory_space<hbm>>) dst(%arg6 : memref<320x128xf32, #tpu.memory_space<vmem>>)
    %scan3A_265 = arith.constant 0 : i32
    %scan3A_266 = arith.constant 160 : i32
    %scan3A_267 = arith.addi %scan3A_265, %scan3A_266 : i32
    %scan3A_268 = arith.constant 1 : i32
    scf.for %scan3A_851 = %scan3A_265 to %scan3A_267 step %scan3A_268  : i32 {
      %mul3A_852 = arith.constant 1 : i32
      %mul3A_853 = arith.muli %scan3A_851, %mul3A_852 : i32
      %add3A_854 = arith.constant 0 : i32
      %add3A_855 = arith.addi %add3A_854, %mul3A_853 : i32
      %mul3A_856 = arith.constant 2 : i32
      %mul3A_857 = arith.muli %mul3A_856, %add3A_855 : i32
      %get3A = arith.index_cast %mul3A_857 : i32 to index
      %get3A_858 = arith.constant 0 : index
      %get3A_859 = tpu.vector_load %arg6[%get3A, %get3A_858] {strides = array<i32>} : memref<320x128xf32, #tpu.memory_space<vmem>>, vector<1x16xf32>,
      %get3A_860 = vector.shape_cast %get3A_859 : vector<1x16xf32> to vector<1x16xf32>
      %swap3A = arith.index_cast %add3A_855 : i32 to index
      %swap3A_861 = arith.constant 0 : index
      %swap3A_862 = tpu.vector_load %arg8[%swap3A, %swap3A_861] {strides = array<i32>} : memref<160x128xf32, #tpu.memory_space<vmem>>, vector<1x16xf32>,
      %swap3A_863 = vector.shape_cast %swap3A_862 : vector<1x16xf32> to vector<1x16xf32>
      %swap3A_864 = vector.shape_cast %get3A_860 : vector<1x16xf32> to vector<1x16xf32>
      tpu.vector_store %arg8[%swap3A, %swap3A_861], %swap3A_864 {strides = array<i32>} : memref<160x128xf32, #tpu.memory_space<vmem>>, vector<1x16xf32>,
      %mul3A_865 = arith.constant 2 : i32
      %mul3A_866 = arith.muli %mul3A_865, %add3A_855 : i32
      %add3A_867 = arith.constant 1 : i32
      %add3A_868 = arith.addi %mul3A_866, %add3A_867 : i32
      %get3A_869 = arith.index_cast %add3A_868 : i32 to index
      %get3A_870 = arith.constant 0 : index
      %get3A_871 = tpu.vector_load %arg6[%get3A_869, %get3A_870] {strides = array<i32>} : memref<320x128xf32, #tpu.memory_space<vmem>>, vector<1x16xf32>,
      %get3A_872 = vector.shape_cast %get3A_871 : vector<1x16xf32> to vector<1x16xf32>
      %swap3A_873 = arith.index_cast %add3A_855 : i32 to index
      %swap3A_874 = arith.constant 64 : index
      %swap3A_875 = tpu.vector_load %arg8[%swap3A_873, %swap3A_874] {strides = array<i32>} : memref<160x128xf32, #tpu.memory_space<vmem>>, vector<1x16xf32>,
      %swap3A_876 = vector.shape_cast %swap3A_875 : vector<1x16xf32> to vector<1x16xf32>
      %swap3A_877 = vector.shape_cast %get3A_872 : vector<1x16xf32> to vector<1x16xf32>
      tpu.vector_store %arg8[%swap3A_873, %swap3A_874], %swap3A_877 {strides = array<i32>} : memref<160x128xf32, #tpu.memory_space<vmem>>, vector<1x16xf32>,
      %mul3A_878 = arith.constant 2 : i32
      %mul3A_879 = arith.muli %mul3A_878, %add3A_855 : i32
      %get3A_880 = arith.index_cast %mul3A_879 : i32 to index
      %get3A_881 = arith.constant 16 : index
      %get3A_882 = tpu.vector_load %arg6[%get3A_880, %get3A_881] {strides = array<i32>} : memref<320x128xf32, #tpu.memory_space<vmem>>, vector<1x16xf32>,
      %get3A_883 = vector.shape_cast %get3A_882 : vector<1x16xf32> to vector<1x16xf32>
      %swap3A_884 = arith.index_cast %add3A_855 : i32 to index
      %swap3A_885 = arith.constant 16 : index
      %swap3A_886 = tpu.vector_load %arg8[%swap3A_884, %swap3A_885] {strides = array<i32>} : memref<160x128xf32, #tpu.memory_space<vmem>>, vector<1x16xf32>,
      %swap3A_887 = vector.shape_cast %swap3A_886 : vector<1x16xf32> to vector<1x16xf32>
      %swap3A_888 = vector.shape_cast %get3A_883 : vector<1x16xf32> to vector<1x16xf32>
      tpu.vector_store %arg8[%swap3A_884, %swap3A_885], %swap3A_888 {strides = array<i32>} : memref<160x128xf32, #tpu.memory_space<vmem>>, vector<1x16xf32>,
      %mul3A_889 = arith.constant 2 : i32
      %mul3A_890 = arith.muli %mul3A_889, %add3A_855 : i32
      %add3A_891 = arith.constant 1 : i32
      %add3A_892 = arith.addi %mul3A_890, %add3A_891 : i32
      %get3A_893 = arith.index_cast %add3A_892 : i32 to index
      %get3A_894 = arith.constant 16 : index
      %get3A_895 = tpu.vector_load %arg6[%get3A_893, %get3A_894] {strides = array<i32>} : memref<320x128xf32, #tpu.memory_space<vmem>>, vector<1x16xf32>,
      %get3A_896 = vector.shape_cast %get3A_895 : vector<1x16xf32> to vector<1x16xf32>
      %swap3A_897 = arith.index_cast %add3A_855 : i32 to index
      %swap3A_898 = arith.constant 80 : index
      %swap3A_899 = tpu.vector_load %arg8[%swap3A_897, %swap3A_898] {strides = array<i32>} : memref<160x128xf32, #tpu.memory_space<vmem>>, vector<1x16xf32>,
      %swap3A_900 = vector.shape_cast %swap3A_899 : vector<1x16xf32> to vector<1x16xf32>
      %swap3A_901 = vector.shape_cast %get3A_896 : vector<1x16xf32> to vector<1x16xf32>
      tpu.vector_store %arg8[%swap3A_897, %swap3A_898], %swap3A_901 {strides = array<i32>} : memref<160x128xf32, #tpu.memory_space<vmem>>, vector<1x16xf32>,
      %mul3A_902 = arith.constant 2 : i32
      %mul3A_903 = arith.muli %mul3A_902, %add3A_855 : i32
      %get3A_904 = arith.index_cast %mul3A_903 : i32 to index
      %get3A_905 = arith.constant 32 : index
      %get3A_906 = tpu.vector_load %arg6[%get3A_904, %get3A_905] {strides = array<i32>} : memref<320x128xf32, #tpu.memory_space<vmem>>, vector<1x16xf32>,
      %get3A_907 = vector.shape_cast %get3A_906 : vector<1x16xf32> to vector<1x16xf32>
      %swap3A_908 = arith.index_cast %add3A_855 : i32 to index
      %swap3A_909 = arith.constant 32 : index
      %swap3A_910 = tpu.vector_load %arg8[%swap3A_908, %swap3A_909] {strides = array<i32>} : memref<160x128xf32, #tpu.memory_space<vmem>>, vector<1x16xf32>,
      %swap3A_911 = vector.shape_cast %swap3A_910 : vector<1x16xf32> to vector<1x16xf32>
      %swap3A_912 = vector.shape_cast %get3A_907 : vector<1x16xf32> to vector<1x16xf32>
      tpu.vector_store %arg8[%swap3A_908, %swap3A_909], %swap3A_912 {strides = array<i32>} : memref<160x128xf32, #tpu.memory_space<vmem>>, vector<1x16xf32>,
      %mul3A_913 = arith.constant 2 : i32
      %mul3A_914 = arith.muli %mul3A_913, %add3A_855 : i32
      %add3A_915 = arith.constant 1 : i32
      %add3A_916 = arith.addi %mul3A_914, %add3A_915 : i32
      %get3A_917 = arith.index_cast %add3A_916 : i32 to index
      %get3A_918 = arith.constant 32 : index
      %get3A_919 = tpu.vector_load %arg6[%get3A_917, %get3A_918] {strides = array<i32>} : memref<320x128xf32, #tpu.memory_space<vmem>>, vector<1x16xf32>,
      %get3A_920 = vector.shape_cast %get3A_919 : vector<1x16xf32> to vector<1x16xf32>
      %swap3A_921 = arith.index_cast %add3A_855 : i32 to index
      %swap3A_922 = arith.constant 96 : index
      %swap3A_923 = tpu.vector_load %arg8[%swap3A_921, %swap3A_922] {strides = array<i32>} : memref<160x128xf32, #tpu.memory_space<vmem>>, vector<1x16xf32>,
      %swap3A_924 = vector.shape_cast %swap3A_923 : vector<1x16xf32> to vector<1x16xf32>
      %swap3A_925 = vector.shape_cast %get3A_920 : vector<1x16xf32> to vector<1x16xf32>
      tpu.vector_store %arg8[%swap3A_921, %swap3A_922], %swap3A_925 {strides = array<i32>} : memref<160x128xf32, #tpu.memory_space<vmem>>, vector<1x16xf32>,
      %mul3A_926 = arith.constant 2 : i32
      %mul3A_927 = arith.muli %mul3A_926, %add3A_855 : i32
      %get3A_928 = arith.index_cast %mul3A_927 : i32 to index
      %get3A_929 = arith.constant 48 : index
      %get3A_930 = tpu.vector_load %arg6[%get3A_928, %get3A_929] {strides = array<i32>} : memref<320x128xf32, #tpu.memory_space<vmem>>, vector<1x16xf32>,
      %get3A_931 = vector.shape_cast %get3A_930 : vector<1x16xf32> to vector<1x16xf32>
      %swap3A_932 = arith.index_cast %add3A_855 : i32 to index
      %swap3A_933 = arith.constant 48 : index
      %swap3A_934 = tpu.vector_load %arg8[%swap3A_932, %swap3A_933] {strides = array<i32>} : memref<160x128xf32, #tpu.memory_space<vmem>>, vector<1x16xf32>,
      %swap3A_935 = vector.shape_cast %swap3A_934 : vector<1x16xf32> to vector<1x16xf32>
      %swap3A_936 = vector.shape_cast %get3A_931 : vector<1x16xf32> to vector<1x16xf32>
      tpu.vector_store %arg8[%swap3A_932, %swap3A_933], %swap3A_936 {strides = array<i32>} : memref<160x128xf32, #tpu.memory_space<vmem>>, vector<1x16xf32>,
      %mul3A_937 = arith.constant 2 : i32
      %mul3A_938 = arith.muli %mul3A_937, %add3A_855 : i32
      %add3A_939 = arith.constant 1 : i32
      %add3A_940 = arith.addi %mul3A_938, %add3A_939 : i32
      %get3A_941 = arith.index_cast %add3A_940 : i32 to index
      %get3A_942 = arith.constant 48 : index
      %get3A_943 = tpu.vector_load %arg6[%get3A_941, %get3A_942] {strides = array<i32>} : memref<320x128xf32, #tpu.memory_space<vmem>>, vector<1x16xf32>,
      %get3A_944 = vector.shape_cast %get3A_943 : vector<1x16xf32> to vector<1x16xf32>
      %swap3A_945 = arith.index_cast %add3A_855 : i32 to index
      %swap3A_946 = arith.constant 112 : index
      %swap3A_947 = tpu.vector_load %arg8[%swap3A_945, %swap3A_946] {strides = array<i32>} : memref<160x128xf32, #tpu.memory_space<vmem>>, vector<1x16xf32>,
      %swap3A_948 = vector.shape_cast %swap3A_947 : vector<1x16xf32> to vector<1x16xf32>
      %swap3A_949 = vector.shape_cast %get3A_944 : vector<1x16xf32> to vector<1x16xf32>
      tpu.vector_store %arg8[%swap3A_945, %swap3A_946], %swap3A_949 {strides = array<i32>} : memref<160x128xf32, #tpu.memory_space<vmem>>, vector<1x16xf32>,
    }
    %scan3A_269 = arith.constant 160 : i32
    %add3A_270 = arith.constant 1920 : i32
    %add3A_271 = arith.addi %mul3A_2, %add3A_270 : i32
    %jit3A_272 = arith.constant 2 : i32
    %div3A_273 = arith.divsi %add3A_271, %jit3A_272 : i32
    %sign3A_274 = arith.constant 0 : i32
    %sign3A_275 = arith.cmpi sgt, %add3A_271, %sign3A_274 : i32
    %sign3A_276 = arith.extui %sign3A_275 : i1 to i32
    %sign3A_277 = arith.constant 0 : i32
    %sign3A_278 = arith.cmpi slt, %add3A_271, %sign3A_277 : i32
    %sign3A_279 = arith.extui %sign3A_278 : i1 to i32
    %sign3A_280 = arith.subi %sign3A_276, %sign3A_279 : i32
    %sign3A_281 = arith.constant 0 : i32
    %sign3A_282 = arith.cmpi sgt, %jit3A_272, %sign3A_281 : i32
    %sign3A_283 = arith.extui %sign3A_282 : i1 to i32
    %sign3A_284 = arith.constant 0 : i32
    %sign3A_285 = arith.cmpi slt, %jit3A_272, %sign3A_284 : i32
    %sign3A_286 = arith.extui %sign3A_285 : i1 to i32
    %sign3A_287 = arith.subi %sign3A_283, %sign3A_286 : i32
    %ne3A_288 = arith.cmpi ne, %sign3A_280, %sign3A_287 : i32
    %rem3A_289 = arith.remsi %add3A_271, %jit3A_272 : i32
    %ne3A_290 = arith.constant 0 : i32
    %ne3A_291 = arith.cmpi ne, %rem3A_289, %ne3A_290 : i32
    %and3A_292 = arith.andi %ne3A_288, %ne3A_291 : i1
    %sub3A_293 = arith.constant 1 : i32
    %sub3A_294 = arith.subi %div3A_273, %sub3A_293 : i32
    %select_n3A_295 = arith.select %and3A_292, %sub3A_294, %div3A_273 : i32
    %multiple_of3A_296 = tpu.assume_multiple %select_n3A_295, 8 : i32
    "tpu.region"() ({
      %run_scoped3A = tpu.sem_alloc : memref<!tpu.dma_semaphore, #tpu.memory_space<semaphore_mem>>
      %dma_start3A_851 = arith.constant 0 : i32
      %dma_start3A_852 = tpu.memref_slice %arg4[%multiple_of3A_296, %dma_start3A_851] : memref<102400x128xf32, #tpu.memory_space<hbm>> -> memref<160x128xf32, #tpu.memory_space<hbm>>
      %dma_start3A_853 = arith.constant 0 : i32
      %dma_start3A_854 = tpu.memref_slice %arg4[%multiple_of3A_296, %dma_start3A_853] : memref<102400x128xf32, #tpu.memory_space<hbm>> -> memref<160x128xf32, #tpu.memory_space<hbm>>
      tpu.enqueue_dma source(%arg8 : memref<160x128xf32, #tpu.memory_space<vmem>>) target(%dma_start3A_854 : memref<160x128xf32, #tpu.memory_space<hbm>>) target_semaphore(%run_scoped3A : memref<!tpu.dma_semaphore, #tpu.memory_space<semaphore_mem>>)
      %dma_wait3A_855 = arith.constant 0 : i32
      %dma_wait3A_856 = tpu.memref_slice %arg4[%multiple_of3A_296, %dma_wait3A_855] : memref<102400x128xf32, #tpu.memory_space<hbm>> -> memref<160x128xf32, #tpu.memory_space<hbm>>
      %dma_wait3A_857 = arith.constant 0 : i32
      %dma_wait3A_858 = tpu.memref_slice %arg4[%multiple_of3A_296, %dma_wait3A_857] : memref<102400x128xf32, #tpu.memory_space<hbm>> -> memref<160x128xf32, #tpu.memory_space<hbm>>
      tpu.wait_dma2 semaphore(%run_scoped3A : memref<!tpu.dma_semaphore, #tpu.memory_space<semaphore_mem>>) src(%arg8 : memref<160x128xf32, #tpu.memory_space<vmem>>) dst(%dma_wait3A_858 : memref<160x128xf32, #tpu.memory_space<hbm>>)
      tpu.yield
    }) : () -> ()
    %dma_start3A_297 = arith.constant 2560 : i32
    %dma_start3A_298 = tpu.memref_slice %arg5[%dma_start3A_297] : memref<6400xi32, #tpu.memory_space<vmem>> -> memref<320xi32, #tpu.memory_space<vmem>>
    %dma_start3A_299 = arith.constant 0 : i32
    %dma_start3A_300 = arith.constant 0 : i32
    %dma_start3A_301 = tpu.memref_slice %arg2[%dma_start3A_299, %dma_start3A_300] : memref<100000x128xf32, #tpu.memory_space<hbm>> -> memref<100000x128xf32, #tpu.memory_space<hbm>>
    tpu.enqueue_indirect_dma source(%dma_start3A_301 : memref<100000x128xf32, #tpu.memory_space<hbm>>) target(%arg6 : memref<320x128xf32, #tpu.memory_space<vmem>>) offsets(%dma_start3A_298 : memref<320xi32, #tpu.memory_space<vmem>>) semaphore(%arg9 : memref<!tpu.dma_semaphore, #tpu.memory_space<semaphore_mem>>)
    %dma_wait3A_302 = arith.constant 0 : i32
    %dma_wait3A_303 = arith.constant 0 : i32
    %dma_wait3A_304 = tpu.memref_slice %arg2[%dma_wait3A_302, %dma_wait3A_303] : memref<100000x128xf32, #tpu.memory_space<hbm>> -> memref<320x128xf32, #tpu.memory_space<hbm>>
    %dma_wait3A_305 = arith.constant 0 : i32
    %dma_wait3A_306 = arith.constant 0 : i32
    %dma_wait3A_307 = tpu.memref_slice %arg2[%dma_wait3A_305, %dma_wait3A_306] : memref<100000x128xf32, #tpu.memory_space<hbm>> -> memref<320x128xf32, #tpu.memory_space<hbm>>
    tpu.wait_dma2 semaphore(%arg10 : memref<!tpu.dma_semaphore, #tpu.memory_space<semaphore_mem>>) src(%dma_wait3A_307 : memref<320x128xf32, #tpu.memory_space<hbm>>) dst(%arg7 : memref<320x128xf32, #tpu.memory_space<vmem>>)
    %scan3A_308 = arith.constant 0 : i32
    %scan3A_309 = arith.constant 160 : i32
    %scan3A_310 = arith.addi %scan3A_308, %scan3A_309 : i32
    %scan3A_311 = arith.constant 1 : i32
    scf.for %scan3A_851 = %scan3A_308 to %scan3A_310 step %scan3A_311  : i32 {
      %mul3A_852 = arith.constant 1 : i32
      %mul3A_853 = arith.muli %scan3A_851, %mul3A_852 : i32
      %add3A_854 = arith.constant 0 : i32
      %add3A_855 = arith.addi %add3A_854, %mul3A_853 : i32
      %mul3A_856 = arith.constant 2 : i32
      %mul3A_857 = arith.muli %mul3A_856, %add3A_855 : i32
      %get3A = arith.index_cast %mul3A_857 : i32 to index
      %get3A_858 = arith.constant 0 : index
      %get3A_859 = tpu.vector_load %arg7[%get3A, %get3A_858] {strides = array<i32>} : memref<320x128xf32, #tpu.memory_space<vmem>>, vector<1x16xf32>,
      %get3A_860 = vector.shape_cast %get3A_859 : vector<1x16xf32> to vector<1x16xf32>
      %swap3A = arith.index_cast %add3A_855 : i32 to index
      %swap3A_861 = arith.constant 0 : index
      %swap3A_862 = tpu.vector_load %arg8[%swap3A, %swap3A_861] {strides = array<i32>} : memref<160x128xf32, #tpu.memory_space<vmem>>, vector<1x16xf32>,
      %swap3A_863 = vector.shape_cast %swap3A_862 : vector<1x16xf32> to vector<1x16xf32>
      %swap3A_864 = vector.shape_cast %get3A_860 : vector<1x16xf32> to vector<1x16xf32>
      tpu.vector_store %arg8[%swap3A, %swap3A_861], %swap3A_864 {strides = array<i32>} : memref<160x128xf32, #tpu.memory_space<vmem>>, vector<1x16xf32>,
      %mul3A_865 = arith.constant 2 : i32
      %mul3A_866 = arith.muli %mul3A_865, %add3A_855 : i32
      %add3A_867 = arith.constant 1 : i32
      %add3A_868 = arith.addi %mul3A_866, %add3A_867 : i32
      %get3A_869 = arith.index_cast %add3A_868 : i32 to index
      %get3A_870 = arith.constant 0 : index
      %get3A_871 = tpu.vector_load %arg7[%get3A_869, %get3A_870] {strides = array<i32>} : memref<320x128xf32, #tpu.memory_space<vmem>>, vector<1x16xf32>,
      %get3A_872 = vector.shape_cast %get3A_871 : vector<1x16xf32> to vector<1x16xf32>
      %swap3A_873 = arith.index_cast %add3A_855 : i32 to index
      %swap3A_874 = arith.constant 64 : index
      %swap3A_875 = tpu.vector_load %arg8[%swap3A_873, %swap3A_874] {strides = array<i32>} : memref<160x128xf32, #tpu.memory_space<vmem>>, vector<1x16xf32>,
      %swap3A_876 = vector.shape_cast %swap3A_875 : vector<1x16xf32> to vector<1x16xf32>
      %swap3A_877 = vector.shape_cast %get3A_872 : vector<1x16xf32> to vector<1x16xf32>
      tpu.vector_store %arg8[%swap3A_873, %swap3A_874], %swap3A_877 {strides = array<i32>} : memref<160x128xf32, #tpu.memory_space<vmem>>, vector<1x16xf32>,
      %mul3A_878 = arith.constant 2 : i32
      %mul3A_879 = arith.muli %mul3A_878, %add3A_855 : i32
      %get3A_880 = arith.index_cast %mul3A_879 : i32 to index
      %get3A_881 = arith.constant 16 : index
      %get3A_882 = tpu.vector_load %arg7[%get3A_880, %get3A_881] {strides = array<i32>} : memref<320x128xf32, #tpu.memory_space<vmem>>, vector<1x16xf32>,
      %get3A_883 = vector.shape_cast %get3A_882 : vector<1x16xf32> to vector<1x16xf32>
      %swap3A_884 = arith.index_cast %add3A_855 : i32 to index
      %swap3A_885 = arith.constant 16 : index
      %swap3A_886 = tpu.vector_load %arg8[%swap3A_884, %swap3A_885] {strides = array<i32>} : memref<160x128xf32, #tpu.memory_space<vmem>>, vector<1x16xf32>,
      %swap3A_887 = vector.shape_cast %swap3A_886 : vector<1x16xf32> to vector<1x16xf32>
      %swap3A_888 = vector.shape_cast %get3A_883 : vector<1x16xf32> to vector<1x16xf32>
      tpu.vector_store %arg8[%swap3A_884, %swap3A_885], %swap3A_888 {strides = array<i32>} : memref<160x128xf32, #tpu.memory_space<vmem>>, vector<1x16xf32>,
      %mul3A_889 = arith.constant 2 : i32
      %mul3A_890 = arith.muli %mul3A_889, %add3A_855 : i32
      %add3A_891 = arith.constant 1 : i32
      %add3A_892 = arith.addi %mul3A_890, %add3A_891 : i32
      %get3A_893 = arith.index_cast %add3A_892 : i32 to index
      %get3A_894 = arith.constant 16 : index
      %get3A_895 = tpu.vector_load %arg7[%get3A_893, %get3A_894] {strides = array<i32>} : memref<320x128xf32, #tpu.memory_space<vmem>>, vector<1x16xf32>,
      %get3A_896 = vector.shape_cast %get3A_895 : vector<1x16xf32> to vector<1x16xf32>
      %swap3A_897 = arith.index_cast %add3A_855 : i32 to index
      %swap3A_898 = arith.constant 80 : index
      %swap3A_899 = tpu.vector_load %arg8[%swap3A_897, %swap3A_898] {strides = array<i32>} : memref<160x128xf32, #tpu.memory_space<vmem>>, vector<1x16xf32>,
      %swap3A_900 = vector.shape_cast %swap3A_899 : vector<1x16xf32> to vector<1x16xf32>
      %swap3A_901 = vector.shape_cast %get3A_896 : vector<1x16xf32> to vector<1x16xf32>
      tpu.vector_store %arg8[%swap3A_897, %swap3A_898], %swap3A_901 {strides = array<i32>} : memref<160x128xf32, #tpu.memory_space<vmem>>, vector<1x16xf32>,
      %mul3A_902 = arith.constant 2 : i32
      %mul3A_903 = arith.muli %mul3A_902, %add3A_855 : i32
      %get3A_904 = arith.index_cast %mul3A_903 : i32 to index
      %get3A_905 = arith.constant 32 : index
      %get3A_906 = tpu.vector_load %arg7[%get3A_904, %get3A_905] {strides = array<i32>} : memref<320x128xf32, #tpu.memory_space<vmem>>, vector<1x16xf32>,
      %get3A_907 = vector.shape_cast %get3A_906 : vector<1x16xf32> to vector<1x16xf32>
      %swap3A_908 = arith.index_cast %add3A_855 : i32 to index
      %swap3A_909 = arith.constant 32 : index
      %swap3A_910 = tpu.vector_load %arg8[%swap3A_908, %swap3A_909] {strides = array<i32>} : memref<160x128xf32, #tpu.memory_space<vmem>>, vector<1x16xf32>,
      %swap3A_911 = vector.shape_cast %swap3A_910 : vector<1x16xf32> to vector<1x16xf32>
      %swap3A_912 = vector.shape_cast %get3A_907 : vector<1x16xf32> to vector<1x16xf32>
      tpu.vector_store %arg8[%swap3A_908, %swap3A_909], %swap3A_912 {strides = array<i32>} : memref<160x128xf32, #tpu.memory_space<vmem>>, vector<1x16xf32>,
      %mul3A_913 = arith.constant 2 : i32
      %mul3A_914 = arith.muli %mul3A_913, %add3A_855 : i32
      %add3A_915 = arith.constant 1 : i32
      %add3A_916 = arith.addi %mul3A_914, %add3A_915 : i32
      %get3A_917 = arith.index_cast %add3A_916 : i32 to index
      %get3A_918 = arith.constant 32 : index
      %get3A_919 = tpu.vector_load %arg7[%get3A_917, %get3A_918] {strides = array<i32>} : memref<320x128xf32, #tpu.memory_space<vmem>>, vector<1x16xf32>,
      %get3A_920 = vector.shape_cast %get3A_919 : vector<1x16xf32> to vector<1x16xf32>
      %swap3A_921 = arith.index_cast %add3A_855 : i32 to index
      %swap3A_922 = arith.constant 96 : index
      %swap3A_923 = tpu.vector_load %arg8[%swap3A_921, %swap3A_922] {strides = array<i32>} : memref<160x128xf32, #tpu.memory_space<vmem>>, vector<1x16xf32>,
      %swap3A_924 = vector.shape_cast %swap3A_923 : vector<1x16xf32> to vector<1x16xf32>
      %swap3A_925 = vector.shape_cast %get3A_920 : vector<1x16xf32> to vector<1x16xf32>
      tpu.vector_store %arg8[%swap3A_921, %swap3A_922], %swap3A_925 {strides = array<i32>} : memref<160x128xf32, #tpu.memory_space<vmem>>, vector<1x16xf32>,
      %mul3A_926 = arith.constant 2 : i32
      %mul3A_927 = arith.muli %mul3A_926, %add3A_855 : i32
      %get3A_928 = arith.index_cast %mul3A_927 : i32 to index
      %get3A_929 = arith.constant 48 : index
      %get3A_930 = tpu.vector_load %arg7[%get3A_928, %get3A_929] {strides = array<i32>} : memref<320x128xf32, #tpu.memory_space<vmem>>, vector<1x16xf32>,
      %get3A_931 = vector.shape_cast %get3A_930 : vector<1x16xf32> to vector<1x16xf32>
      %swap3A_932 = arith.index_cast %add3A_855 : i32 to index
      %swap3A_933 = arith.constant 48 : index
      %swap3A_934 = tpu.vector_load %arg8[%swap3A_932, %swap3A_933] {strides = array<i32>} : memref<160x128xf32, #tpu.memory_space<vmem>>, vector<1x16xf32>,
      %swap3A_935 = vector.shape_cast %swap3A_934 : vector<1x16xf32> to vector<1x16xf32>
      %swap3A_936 = vector.shape_cast %get3A_931 : vector<1x16xf32> to vector<1x16xf32>
      tpu.vector_store %arg8[%swap3A_932, %swap3A_933], %swap3A_936 {strides = array<i32>} : memref<160x128xf32, #tpu.memory_space<vmem>>, vector<1x16xf32>,
      %mul3A_937 = arith.constant 2 : i32
      %mul3A_938 = arith.muli %mul3A_937, %add3A_855 : i32
      %add3A_939 = arith.constant 1 : i32
      %add3A_940 = arith.addi %mul3A_938, %add3A_939 : i32
      %get3A_941 = arith.index_cast %add3A_940 : i32 to index
      %get3A_942 = arith.constant 48 : index
      %get3A_943 = tpu.vector_load %arg7[%get3A_941, %get3A_942] {strides = array<i32>} : memref<320x128xf32, #tpu.memory_space<vmem>>, vector<1x16xf32>,
      %get3A_944 = vector.shape_cast %get3A_943 : vector<1x16xf32> to vector<1x16xf32>
      %swap3A_945 = arith.index_cast %add3A_855 : i32 to index
      %swap3A_946 = arith.constant 112 : index
      %swap3A_947 = tpu.vector_load %arg8[%swap3A_945, %swap3A_946] {strides = array<i32>} : memref<160x128xf32, #tpu.memory_space<vmem>>, vector<1x16xf32>,
      %swap3A_948 = vector.shape_cast %swap3A_947 : vector<1x16xf32> to vector<1x16xf32>
      %swap3A_949 = vector.shape_cast %get3A_944 : vector<1x16xf32> to vector<1x16xf32>
      tpu.vector_store %arg8[%swap3A_945, %swap3A_946], %swap3A_949 {strides = array<i32>} : memref<160x128xf32, #tpu.memory_space<vmem>>, vector<1x16xf32>,
    }
    %scan3A_312 = arith.constant 160 : i32
    %add3A_313 = arith.constant 2240 : i32
    %add3A_314 = arith.addi %mul3A_2, %add3A_313 : i32
    %jit3A_315 = arith.constant 2 : i32
    %div3A_316 = arith.divsi %add3A_314, %jit3A_315 : i32
    %sign3A_317 = arith.constant 0 : i32
    %sign3A_318 = arith.cmpi sgt, %add3A_314, %sign3A_317 : i32
    %sign3A_319 = arith.extui %sign3A_318 : i1 to i32
    %sign3A_320 = arith.constant 0 : i32
    %sign3A_321 = arith.cmpi slt, %add3A_314, %sign3A_320 : i32
    %sign3A_322 = arith.extui %sign3A_321 : i1 to i32
    %sign3A_323 = arith.subi %sign3A_319, %sign3A_322 : i32
    %sign3A_324 = arith.constant 0 : i32
    %sign3A_325 = arith.cmpi sgt, %jit3A_315, %sign3A_324 : i32
    %sign3A_326 = arith.extui %sign3A_325 : i1 to i32
    %sign3A_327 = arith.constant 0 : i32
    %sign3A_328 = arith.cmpi slt, %jit3A_315, %sign3A_327 : i32
    %sign3A_329 = arith.extui %sign3A_328 : i1 to i32
    %sign3A_330 = arith.subi %sign3A_326, %sign3A_329 : i32
    %ne3A_331 = arith.cmpi ne, %sign3A_323, %sign3A_330 : i32
    %rem3A_332 = arith.remsi %add3A_314, %jit3A_315 : i32
    %ne3A_333 = arith.constant 0 : i32
    %ne3A_334 = arith.cmpi ne, %rem3A_332, %ne3A_333 : i32
    %and3A_335 = arith.andi %ne3A_331, %ne3A_334 : i1
    %sub3A_336 = arith.constant 1 : i32
    %sub3A_337 = arith.subi %div3A_316, %sub3A_336 : i32
    %select_n3A_338 = arith.select %and3A_335, %sub3A_337, %div3A_316 : i32
    %multiple_of3A_339 = tpu.assume_multiple %select_n3A_338, 8 : i32
    "tpu.region"() ({
      %run_scoped3A = tpu.sem_alloc : memref<!tpu.dma_semaphore, #tpu.memory_space<semaphore_mem>>
      %dma_start3A_851 = arith.constant 0 : i32
      %dma_start3A_852 = tpu.memref_slice %arg4[%multiple_of3A_339, %dma_start3A_851] : memref<102400x128xf32, #tpu.memory_space<hbm>> -> memref<160x128xf32, #tpu.memory_space<hbm>>
      %dma_start3A_853 = arith.constant 0 : i32
      %dma_start3A_854 = tpu.memref_slice %arg4[%multiple_of3A_339, %dma_start3A_853] : memref<102400x128xf32, #tpu.memory_space<hbm>> -> memref<160x128xf32, #tpu.memory_space<hbm>>
      tpu.enqueue_dma source(%arg8 : memref<160x128xf32, #tpu.memory_space<vmem>>) target(%dma_start3A_854 : memref<160x128xf32, #tpu.memory_space<hbm>>) target_semaphore(%run_scoped3A : memref<!tpu.dma_semaphore, #tpu.memory_space<semaphore_mem>>)
      %dma_wait3A_855 = arith.constant 0 : i32
      %dma_wait3A_856 = tpu.memref_slice %arg4[%multiple_of3A_339, %dma_wait3A_855] : memref<102400x128xf32, #tpu.memory_space<hbm>> -> memref<160x128xf32, #tpu.memory_space<hbm>>
      %dma_wait3A_857 = arith.constant 0 : i32
      %dma_wait3A_858 = tpu.memref_slice %arg4[%multiple_of3A_339, %dma_wait3A_857] : memref<102400x128xf32, #tpu.memory_space<hbm>> -> memref<160x128xf32, #tpu.memory_space<hbm>>
      tpu.wait_dma2 semaphore(%run_scoped3A : memref<!tpu.dma_semaphore, #tpu.memory_space<semaphore_mem>>) src(%arg8 : memref<160x128xf32, #tpu.memory_space<vmem>>) dst(%dma_wait3A_858 : memref<160x128xf32, #tpu.memory_space<hbm>>)
      tpu.yield
    }) : () -> ()
    %dma_start3A_340 = arith.constant 2880 : i32
    %dma_start3A_341 = tpu.memref_slice %arg5[%dma_start3A_340] : memref<6400xi32, #tpu.memory_space<vmem>> -> memref<320xi32, #tpu.memory_space<vmem>>
    %dma_start3A_342 = arith.constant 0 : i32
    %dma_start3A_343 = arith.constant 0 : i32
    %dma_start3A_344 = tpu.memref_slice %arg2[%dma_start3A_342, %dma_start3A_343] : memref<100000x128xf32, #tpu.memory_space<hbm>> -> memref<100000x128xf32, #tpu.memory_space<hbm>>
    tpu.enqueue_indirect_dma source(%dma_start3A_344 : memref<100000x128xf32, #tpu.memory_space<hbm>>) target(%arg7 : memref<320x128xf32, #tpu.memory_space<vmem>>) offsets(%dma_start3A_341 : memref<320xi32, #tpu.memory_space<vmem>>) semaphore(%arg10 : memref<!tpu.dma_semaphore, #tpu.memory_space<semaphore_mem>>)
    %dma_wait3A_345 = arith.constant 0 : i32
    %dma_wait3A_346 = arith.constant 0 : i32
    %dma_wait3A_347 = tpu.memref_slice %arg2[%dma_wait3A_345, %dma_wait3A_346] : memref<100000x128xf32, #tpu.memory_space<hbm>> -> memref<320x128xf32, #tpu.memory_space<hbm>>
    %dma_wait3A_348 = arith.constant 0 : i32
    %dma_wait3A_349 = arith.constant 0 : i32
    %dma_wait3A_350 = tpu.memref_slice %arg2[%dma_wait3A_348, %dma_wait3A_349] : memref<100000x128xf32, #tpu.memory_space<hbm>> -> memref<320x128xf32, #tpu.memory_space<hbm>>
    tpu.wait_dma2 semaphore(%arg9 : memref<!tpu.dma_semaphore, #tpu.memory_space<semaphore_mem>>) src(%dma_wait3A_350 : memref<320x128xf32, #tpu.memory_space<hbm>>) dst(%arg6 : memref<320x128xf32, #tpu.memory_space<vmem>>)
    %scan3A_351 = arith.constant 0 : i32
    %scan3A_352 = arith.constant 160 : i32
    %scan3A_353 = arith.addi %scan3A_351, %scan3A_352 : i32
    %scan3A_354 = arith.constant 1 : i32
    scf.for %scan3A_851 = %scan3A_351 to %scan3A_353 step %scan3A_354  : i32 {
      %mul3A_852 = arith.constant 1 : i32
      %mul3A_853 = arith.muli %scan3A_851, %mul3A_852 : i32
      %add3A_854 = arith.constant 0 : i32
      %add3A_855 = arith.addi %add3A_854, %mul3A_853 : i32
      %mul3A_856 = arith.constant 2 : i32
      %mul3A_857 = arith.muli %mul3A_856, %add3A_855 : i32
      %get3A = arith.index_cast %mul3A_857 : i32 to index
      %get3A_858 = arith.constant 0 : index
      %get3A_859 = tpu.vector_load %arg6[%get3A, %get3A_858] {strides = array<i32>} : memref<320x128xf32, #tpu.memory_space<vmem>>, vector<1x16xf32>,
      %get3A_860 = vector.shape_cast %get3A_859 : vector<1x16xf32> to vector<1x16xf32>
      %swap3A = arith.index_cast %add3A_855 : i32 to index
      %swap3A_861 = arith.constant 0 : index
      %swap3A_862 = tpu.vector_load %arg8[%swap3A, %swap3A_861] {strides = array<i32>} : memref<160x128xf32, #tpu.memory_space<vmem>>, vector<1x16xf32>,
      %swap3A_863 = vector.shape_cast %swap3A_862 : vector<1x16xf32> to vector<1x16xf32>
      %swap3A_864 = vector.shape_cast %get3A_860 : vector<1x16xf32> to vector<1x16xf32>
      tpu.vector_store %arg8[%swap3A, %swap3A_861], %swap3A_864 {strides = array<i32>} : memref<160x128xf32, #tpu.memory_space<vmem>>, vector<1x16xf32>,
      %mul3A_865 = arith.constant 2 : i32
      %mul3A_866 = arith.muli %mul3A_865, %add3A_855 : i32
      %add3A_867 = arith.constant 1 : i32
      %add3A_868 = arith.addi %mul3A_866, %add3A_867 : i32
      %get3A_869 = arith.index_cast %add3A_868 : i32 to index
      %get3A_870 = arith.constant 0 : index
      %get3A_871 = tpu.vector_load %arg6[%get3A_869, %get3A_870] {strides = array<i32>} : memref<320x128xf32, #tpu.memory_space<vmem>>, vector<1x16xf32>,
      %get3A_872 = vector.shape_cast %get3A_871 : vector<1x16xf32> to vector<1x16xf32>
      %swap3A_873 = arith.index_cast %add3A_855 : i32 to index
      %swap3A_874 = arith.constant 64 : index
      %swap3A_875 = tpu.vector_load %arg8[%swap3A_873, %swap3A_874] {strides = array<i32>} : memref<160x128xf32, #tpu.memory_space<vmem>>, vector<1x16xf32>,
      %swap3A_876 = vector.shape_cast %swap3A_875 : vector<1x16xf32> to vector<1x16xf32>
      %swap3A_877 = vector.shape_cast %get3A_872 : vector<1x16xf32> to vector<1x16xf32>
      tpu.vector_store %arg8[%swap3A_873, %swap3A_874], %swap3A_877 {strides = array<i32>} : memref<160x128xf32, #tpu.memory_space<vmem>>, vector<1x16xf32>,
      %mul3A_878 = arith.constant 2 : i32
      %mul3A_879 = arith.muli %mul3A_878, %add3A_855 : i32
      %get3A_880 = arith.index_cast %mul3A_879 : i32 to index
      %get3A_881 = arith.constant 16 : index
      %get3A_882 = tpu.vector_load %arg6[%get3A_880, %get3A_881] {strides = array<i32>} : memref<320x128xf32, #tpu.memory_space<vmem>>, vector<1x16xf32>,
      %get3A_883 = vector.shape_cast %get3A_882 : vector<1x16xf32> to vector<1x16xf32>
      %swap3A_884 = arith.index_cast %add3A_855 : i32 to index
      %swap3A_885 = arith.constant 16 : index
      %swap3A_886 = tpu.vector_load %arg8[%swap3A_884, %swap3A_885] {strides = array<i32>} : memref<160x128xf32, #tpu.memory_space<vmem>>, vector<1x16xf32>,
      %swap3A_887 = vector.shape_cast %swap3A_886 : vector<1x16xf32> to vector<1x16xf32>
      %swap3A_888 = vector.shape_cast %get3A_883 : vector<1x16xf32> to vector<1x16xf32>
      tpu.vector_store %arg8[%swap3A_884, %swap3A_885], %swap3A_888 {strides = array<i32>} : memref<160x128xf32, #tpu.memory_space<vmem>>, vector<1x16xf32>,
      %mul3A_889 = arith.constant 2 : i32
      %mul3A_890 = arith.muli %mul3A_889, %add3A_855 : i32
      %add3A_891 = arith.constant 1 : i32
      %add3A_892 = arith.addi %mul3A_890, %add3A_891 : i32
      %get3A_893 = arith.index_cast %add3A_892 : i32 to index
      %get3A_894 = arith.constant 16 : index
      %get3A_895 = tpu.vector_load %arg6[%get3A_893, %get3A_894] {strides = array<i32>} : memref<320x128xf32, #tpu.memory_space<vmem>>, vector<1x16xf32>,
      %get3A_896 = vector.shape_cast %get3A_895 : vector<1x16xf32> to vector<1x16xf32>
      %swap3A_897 = arith.index_cast %add3A_855 : i32 to index
      %swap3A_898 = arith.constant 80 : index
      %swap3A_899 = tpu.vector_load %arg8[%swap3A_897, %swap3A_898] {strides = array<i32>} : memref<160x128xf32, #tpu.memory_space<vmem>>, vector<1x16xf32>,
      %swap3A_900 = vector.shape_cast %swap3A_899 : vector<1x16xf32> to vector<1x16xf32>
      %swap3A_901 = vector.shape_cast %get3A_896 : vector<1x16xf32> to vector<1x16xf32>
      tpu.vector_store %arg8[%swap3A_897, %swap3A_898], %swap3A_901 {strides = array<i32>} : memref<160x128xf32, #tpu.memory_space<vmem>>, vector<1x16xf32>,
      %mul3A_902 = arith.constant 2 : i32
      %mul3A_903 = arith.muli %mul3A_902, %add3A_855 : i32
      %get3A_904 = arith.index_cast %mul3A_903 : i32 to index
      %get3A_905 = arith.constant 32 : index
      %get3A_906 = tpu.vector_load %arg6[%get3A_904, %get3A_905] {strides = array<i32>} : memref<320x128xf32, #tpu.memory_space<vmem>>, vector<1x16xf32>,
      %get3A_907 = vector.shape_cast %get3A_906 : vector<1x16xf32> to vector<1x16xf32>
      %swap3A_908 = arith.index_cast %add3A_855 : i32 to index
      %swap3A_909 = arith.constant 32 : index
      %swap3A_910 = tpu.vector_load %arg8[%swap3A_908, %swap3A_909] {strides = array<i32>} : memref<160x128xf32, #tpu.memory_space<vmem>>, vector<1x16xf32>,
      %swap3A_911 = vector.shape_cast %swap3A_910 : vector<1x16xf32> to vector<1x16xf32>
      %swap3A_912 = vector.shape_cast %get3A_907 : vector<1x16xf32> to vector<1x16xf32>
      tpu.vector_store %arg8[%swap3A_908, %swap3A_909], %swap3A_912 {strides = array<i32>} : memref<160x128xf32, #tpu.memory_space<vmem>>, vector<1x16xf32>,
      %mul3A_913 = arith.constant 2 : i32
      %mul3A_914 = arith.muli %mul3A_913, %add3A_855 : i32
      %add3A_915 = arith.constant 1 : i32
      %add3A_916 = arith.addi %mul3A_914, %add3A_915 : i32
      %get3A_917 = arith.index_cast %add3A_916 : i32 to index
      %get3A_918 = arith.constant 32 : index
      %get3A_919 = tpu.vector_load %arg6[%get3A_917, %get3A_918] {strides = array<i32>} : memref<320x128xf32, #tpu.memory_space<vmem>>, vector<1x16xf32>,
      %get3A_920 = vector.shape_cast %get3A_919 : vector<1x16xf32> to vector<1x16xf32>
      %swap3A_921 = arith.index_cast %add3A_855 : i32 to index
      %swap3A_922 = arith.constant 96 : index
      %swap3A_923 = tpu.vector_load %arg8[%swap3A_921, %swap3A_922] {strides = array<i32>} : memref<160x128xf32, #tpu.memory_space<vmem>>, vector<1x16xf32>,
      %swap3A_924 = vector.shape_cast %swap3A_923 : vector<1x16xf32> to vector<1x16xf32>
      %swap3A_925 = vector.shape_cast %get3A_920 : vector<1x16xf32> to vector<1x16xf32>
      tpu.vector_store %arg8[%swap3A_921, %swap3A_922], %swap3A_925 {strides = array<i32>} : memref<160x128xf32, #tpu.memory_space<vmem>>, vector<1x16xf32>,
      %mul3A_926 = arith.constant 2 : i32
      %mul3A_927 = arith.muli %mul3A_926, %add3A_855 : i32
      %get3A_928 = arith.index_cast %mul3A_927 : i32 to index
      %get3A_929 = arith.constant 48 : index
      %get3A_930 = tpu.vector_load %arg6[%get3A_928, %get3A_929] {strides = array<i32>} : memref<320x128xf32, #tpu.memory_space<vmem>>, vector<1x16xf32>,
      %get3A_931 = vector.shape_cast %get3A_930 : vector<1x16xf32> to vector<1x16xf32>
      %swap3A_932 = arith.index_cast %add3A_855 : i32 to index
      %swap3A_933 = arith.constant 48 : index
      %swap3A_934 = tpu.vector_load %arg8[%swap3A_932, %swap3A_933] {strides = array<i32>} : memref<160x128xf32, #tpu.memory_space<vmem>>, vector<1x16xf32>,
      %swap3A_935 = vector.shape_cast %swap3A_934 : vector<1x16xf32> to vector<1x16xf32>
      %swap3A_936 = vector.shape_cast %get3A_931 : vector<1x16xf32> to vector<1x16xf32>
      tpu.vector_store %arg8[%swap3A_932, %swap3A_933], %swap3A_936 {strides = array<i32>} : memref<160x128xf32, #tpu.memory_space<vmem>>, vector<1x16xf32>,
      %mul3A_937 = arith.constant 2 : i32
      %mul3A_938 = arith.muli %mul3A_937, %add3A_855 : i32
      %add3A_939 = arith.constant 1 : i32
      %add3A_940 = arith.addi %mul3A_938, %add3A_939 : i32
      %get3A_941 = arith.index_cast %add3A_940 : i32 to index
      %get3A_942 = arith.constant 48 : index
      %get3A_943 = tpu.vector_load %arg6[%get3A_941, %get3A_942] {strides = array<i32>} : memref<320x128xf32, #tpu.memory_space<vmem>>, vector<1x16xf32>,
      %get3A_944 = vector.shape_cast %get3A_943 : vector<1x16xf32> to vector<1x16xf32>
      %swap3A_945 = arith.index_cast %add3A_855 : i32 to index
      %swap3A_946 = arith.constant 112 : index
      %swap3A_947 = tpu.vector_load %arg8[%swap3A_945, %swap3A_946] {strides = array<i32>} : memref<160x128xf32, #tpu.memory_space<vmem>>, vector<1x16xf32>,
      %swap3A_948 = vector.shape_cast %swap3A_947 : vector<1x16xf32> to vector<1x16xf32>
      %swap3A_949 = vector.shape_cast %get3A_944 : vector<1x16xf32> to vector<1x16xf32>
      tpu.vector_store %arg8[%swap3A_945, %swap3A_946], %swap3A_949 {strides = array<i32>} : memref<160x128xf32, #tpu.memory_space<vmem>>, vector<1x16xf32>,
    }
    %scan3A_355 = arith.constant 160 : i32
    %add3A_356 = arith.constant 2560 : i32
    %add3A_357 = arith.addi %mul3A_2, %add3A_356 : i32
    %jit3A_358 = arith.constant 2 : i32
    %div3A_359 = arith.divsi %add3A_357, %jit3A_358 : i32
    %sign3A_360 = arith.constant 0 : i32
    %sign3A_361 = arith.cmpi sgt, %add3A_357, %sign3A_360 : i32
    %sign3A_362 = arith.extui %sign3A_361 : i1 to i32
    %sign3A_363 = arith.constant 0 : i32
    %sign3A_364 = arith.cmpi slt, %add3A_357, %sign3A_363 : i32
    %sign3A_365 = arith.extui %sign3A_364 : i1 to i32
    %sign3A_366 = arith.subi %sign3A_362, %sign3A_365 : i32
    %sign3A_367 = arith.constant 0 : i32
    %sign3A_368 = arith.cmpi sgt, %jit3A_358, %sign3A_367 : i32
    %sign3A_369 = arith.extui %sign3A_368 : i1 to i32
    %sign3A_370 = arith.constant 0 : i32
    %sign3A_371 = arith.cmpi slt, %jit3A_358, %sign3A_370 : i32
    %sign3A_372 = arith.extui %sign3A_371 : i1 to i32
    %sign3A_373 = arith.subi %sign3A_369, %sign3A_372 : i32
    %ne3A_374 = arith.cmpi ne, %sign3A_366, %sign3A_373 : i32
    %rem3A_375 = arith.remsi %add3A_357, %jit3A_358 : i32
    %ne3A_376 = arith.constant 0 : i32
    %ne3A_377 = arith.cmpi ne, %rem3A_375, %ne3A_376 : i32
    %and3A_378 = arith.andi %ne3A_374, %ne3A_377 : i1
    %sub3A_379 = arith.constant 1 : i32
    %sub3A_380 = arith.subi %div3A_359, %sub3A_379 : i32
    %select_n3A_381 = arith.select %and3A_378, %sub3A_380, %div3A_359 : i32
    %multiple_of3A_382 = tpu.assume_multiple %select_n3A_381, 8 : i32
    "tpu.region"() ({
      %run_scoped3A = tpu.sem_alloc : memref<!tpu.dma_semaphore, #tpu.memory_space<semaphore_mem>>
      %dma_start3A_851 = arith.constant 0 : i32
      %dma_start3A_852 = tpu.memref_slice %arg4[%multiple_of3A_382, %dma_start3A_851] : memref<102400x128xf32, #tpu.memory_space<hbm>> -> memref<160x128xf32, #tpu.memory_space<hbm>>
      %dma_start3A_853 = arith.constant 0 : i32
      %dma_start3A_854 = tpu.memref_slice %arg4[%multiple_of3A_382, %dma_start3A_853] : memref<102400x128xf32, #tpu.memory_space<hbm>> -> memref<160x128xf32, #tpu.memory_space<hbm>>
      tpu.enqueue_dma source(%arg8 : memref<160x128xf32, #tpu.memory_space<vmem>>) target(%dma_start3A_854 : memref<160x128xf32, #tpu.memory_space<hbm>>) target_semaphore(%run_scoped3A : memref<!tpu.dma_semaphore, #tpu.memory_space<semaphore_mem>>)
      %dma_wait3A_855 = arith.constant 0 : i32
      %dma_wait3A_856 = tpu.memref_slice %arg4[%multiple_of3A_382, %dma_wait3A_855] : memref<102400x128xf32, #tpu.memory_space<hbm>> -> memref<160x128xf32, #tpu.memory_space<hbm>>
      %dma_wait3A_857 = arith.constant 0 : i32
      %dma_wait3A_858 = tpu.memref_slice %arg4[%multiple_of3A_382, %dma_wait3A_857] : memref<102400x128xf32, #tpu.memory_space<hbm>> -> memref<160x128xf32, #tpu.memory_space<hbm>>
      tpu.wait_dma2 semaphore(%run_scoped3A : memref<!tpu.dma_semaphore, #tpu.memory_space<semaphore_mem>>) src(%arg8 : memref<160x128xf32, #tpu.memory_space<vmem>>) dst(%dma_wait3A_858 : memref<160x128xf32, #tpu.memory_space<hbm>>)
      tpu.yield
    }) : () -> ()
    %dma_start3A_383 = arith.constant 3200 : i32
    %dma_start3A_384 = tpu.memref_slice %arg5[%dma_start3A_383] : memref<6400xi32, #tpu.memory_space<vmem>> -> memref<320xi32, #tpu.memory_space<vmem>>
    %dma_start3A_385 = arith.constant 0 : i32
    %dma_start3A_386 = arith.constant 0 : i32
    %dma_start3A_387 = tpu.memref_slice %arg2[%dma_start3A_385, %dma_start3A_386] : memref<100000x128xf32, #tpu.memory_space<hbm>> -> memref<100000x128xf32, #tpu.memory_space<hbm>>
    tpu.enqueue_indirect_dma source(%dma_start3A_387 : memref<100000x128xf32, #tpu.memory_space<hbm>>) target(%arg6 : memref<320x128xf32, #tpu.memory_space<vmem>>) offsets(%dma_start3A_384 : memref<320xi32, #tpu.memory_space<vmem>>) semaphore(%arg9 : memref<!tpu.dma_semaphore, #tpu.memory_space<semaphore_mem>>)
    %dma_wait3A_388 = arith.constant 0 : i32
    %dma_wait3A_389 = arith.constant 0 : i32
    %dma_wait3A_390 = tpu.memref_slice %arg2[%dma_wait3A_388, %dma_wait3A_389] : memref<100000x128xf32, #tpu.memory_space<hbm>> -> memref<320x128xf32, #tpu.memory_space<hbm>>
    %dma_wait3A_391 = arith.constant 0 : i32
    %dma_wait3A_392 = arith.constant 0 : i32
    %dma_wait3A_393 = tpu.memref_slice %arg2[%dma_wait3A_391, %dma_wait3A_392] : memref<100000x128xf32, #tpu.memory_space<hbm>> -> memref<320x128xf32, #tpu.memory_space<hbm>>
    tpu.wait_dma2 semaphore(%arg10 : memref<!tpu.dma_semaphore, #tpu.memory_space<semaphore_mem>>) src(%dma_wait3A_393 : memref<320x128xf32, #tpu.memory_space<hbm>>) dst(%arg7 : memref<320x128xf32, #tpu.memory_space<vmem>>)
    %scan3A_394 = arith.constant 0 : i32
    %scan3A_395 = arith.constant 160 : i32
    %scan3A_396 = arith.addi %scan3A_394, %scan3A_395 : i32
    %scan3A_397 = arith.constant 1 : i32
    scf.for %scan3A_851 = %scan3A_394 to %scan3A_396 step %scan3A_397  : i32 {
      %mul3A_852 = arith.constant 1 : i32
      %mul3A_853 = arith.muli %scan3A_851, %mul3A_852 : i32
      %add3A_854 = arith.constant 0 : i32
      %add3A_855 = arith.addi %add3A_854, %mul3A_853 : i32
      %mul3A_856 = arith.constant 2 : i32
      %mul3A_857 = arith.muli %mul3A_856, %add3A_855 : i32
      %get3A = arith.index_cast %mul3A_857 : i32 to index
      %get3A_858 = arith.constant 0 : index
      %get3A_859 = tpu.vector_load %arg7[%get3A, %get3A_858] {strides = array<i32>} : memref<320x128xf32, #tpu.memory_space<vmem>>, vector<1x16xf32>,
      %get3A_860 = vector.shape_cast %get3A_859 : vector<1x16xf32> to vector<1x16xf32>
      %swap3A = arith.index_cast %add3A_855 : i32 to index
      %swap3A_861 = arith.constant 0 : index
      %swap3A_862 = tpu.vector_load %arg8[%swap3A, %swap3A_861] {strides = array<i32>} : memref<160x128xf32, #tpu.memory_space<vmem>>, vector<1x16xf32>,
      %swap3A_863 = vector.shape_cast %swap3A_862 : vector<1x16xf32> to vector<1x16xf32>
      %swap3A_864 = vector.shape_cast %get3A_860 : vector<1x16xf32> to vector<1x16xf32>
      tpu.vector_store %arg8[%swap3A, %swap3A_861], %swap3A_864 {strides = array<i32>} : memref<160x128xf32, #tpu.memory_space<vmem>>, vector<1x16xf32>,
      %mul3A_865 = arith.constant 2 : i32
      %mul3A_866 = arith.muli %mul3A_865, %add3A_855 : i32
      %add3A_867 = arith.constant 1 : i32
      %add3A_868 = arith.addi %mul3A_866, %add3A_867 : i32
      %get3A_869 = arith.index_cast %add3A_868 : i32 to index
      %get3A_870 = arith.constant 0 : index
      %get3A_871 = tpu.vector_load %arg7[%get3A_869, %get3A_870] {strides = array<i32>} : memref<320x128xf32, #tpu.memory_space<vmem>>, vector<1x16xf32>,
      %get3A_872 = vector.shape_cast %get3A_871 : vector<1x16xf32> to vector<1x16xf32>
      %swap3A_873 = arith.index_cast %add3A_855 : i32 to index
      %swap3A_874 = arith.constant 64 : index
      %swap3A_875 = tpu.vector_load %arg8[%swap3A_873, %swap3A_874] {strides = array<i32>} : memref<160x128xf32, #tpu.memory_space<vmem>>, vector<1x16xf32>,
      %swap3A_876 = vector.shape_cast %swap3A_875 : vector<1x16xf32> to vector<1x16xf32>
      %swap3A_877 = vector.shape_cast %get3A_872 : vector<1x16xf32> to vector<1x16xf32>
      tpu.vector_store %arg8[%swap3A_873, %swap3A_874], %swap3A_877 {strides = array<i32>} : memref<160x128xf32, #tpu.memory_space<vmem>>, vector<1x16xf32>,
      %mul3A_878 = arith.constant 2 : i32
      %mul3A_879 = arith.muli %mul3A_878, %add3A_855 : i32
      %get3A_880 = arith.index_cast %mul3A_879 : i32 to index
      %get3A_881 = arith.constant 16 : index
      %get3A_882 = tpu.vector_load %arg7[%get3A_880, %get3A_881] {strides = array<i32>} : memref<320x128xf32, #tpu.memory_space<vmem>>, vector<1x16xf32>,
      %get3A_883 = vector.shape_cast %get3A_882 : vector<1x16xf32> to vector<1x16xf32>
      %swap3A_884 = arith.index_cast %add3A_855 : i32 to index
      %swap3A_885 = arith.constant 16 : index
      %swap3A_886 = tpu.vector_load %arg8[%swap3A_884, %swap3A_885] {strides = array<i32>} : memref<160x128xf32, #tpu.memory_space<vmem>>, vector<1x16xf32>,
      %swap3A_887 = vector.shape_cast %swap3A_886 : vector<1x16xf32> to vector<1x16xf32>
      %swap3A_888 = vector.shape_cast %get3A_883 : vector<1x16xf32> to vector<1x16xf32>
      tpu.vector_store %arg8[%swap3A_884, %swap3A_885], %swap3A_888 {strides = array<i32>} : memref<160x128xf32, #tpu.memory_space<vmem>>, vector<1x16xf32>,
      %mul3A_889 = arith.constant 2 : i32
      %mul3A_890 = arith.muli %mul3A_889, %add3A_855 : i32
      %add3A_891 = arith.constant 1 : i32
      %add3A_892 = arith.addi %mul3A_890, %add3A_891 : i32
      %get3A_893 = arith.index_cast %add3A_892 : i32 to index
      %get3A_894 = arith.constant 16 : index
      %get3A_895 = tpu.vector_load %arg7[%get3A_893, %get3A_894] {strides = array<i32>} : memref<320x128xf32, #tpu.memory_space<vmem>>, vector<1x16xf32>,
      %get3A_896 = vector.shape_cast %get3A_895 : vector<1x16xf32> to vector<1x16xf32>
      %swap3A_897 = arith.index_cast %add3A_855 : i32 to index
      %swap3A_898 = arith.constant 80 : index
      %swap3A_899 = tpu.vector_load %arg8[%swap3A_897, %swap3A_898] {strides = array<i32>} : memref<160x128xf32, #tpu.memory_space<vmem>>, vector<1x16xf32>,
      %swap3A_900 = vector.shape_cast %swap3A_899 : vector<1x16xf32> to vector<1x16xf32>
      %swap3A_901 = vector.shape_cast %get3A_896 : vector<1x16xf32> to vector<1x16xf32>
      tpu.vector_store %arg8[%swap3A_897, %swap3A_898], %swap3A_901 {strides = array<i32>} : memref<160x128xf32, #tpu.memory_space<vmem>>, vector<1x16xf32>,
      %mul3A_902 = arith.constant 2 : i32
      %mul3A_903 = arith.muli %mul3A_902, %add3A_855 : i32
      %get3A_904 = arith.index_cast %mul3A_903 : i32 to index
      %get3A_905 = arith.constant 32 : index
      %get3A_906 = tpu.vector_load %arg7[%get3A_904, %get3A_905] {strides = array<i32>} : memref<320x128xf32, #tpu.memory_space<vmem>>, vector<1x16xf32>,
      %get3A_907 = vector.shape_cast %get3A_906 : vector<1x16xf32> to vector<1x16xf32>
      %swap3A_908 = arith.index_cast %add3A_855 : i32 to index
      %swap3A_909 = arith.constant 32 : index
      %swap3A_910 = tpu.vector_load %arg8[%swap3A_908, %swap3A_909] {strides = array<i32>} : memref<160x128xf32, #tpu.memory_space<vmem>>, vector<1x16xf32>,
      %swap3A_911 = vector.shape_cast %swap3A_910 : vector<1x16xf32> to vector<1x16xf32>
      %swap3A_912 = vector.shape_cast %get3A_907 : vector<1x16xf32> to vector<1x16xf32>
      tpu.vector_store %arg8[%swap3A_908, %swap3A_909], %swap3A_912 {strides = array<i32>} : memref<160x128xf32, #tpu.memory_space<vmem>>, vector<1x16xf32>,
      %mul3A_913 = arith.constant 2 : i32
      %mul3A_914 = arith.muli %mul3A_913, %add3A_855 : i32
      %add3A_915 = arith.constant 1 : i32
      %add3A_916 = arith.addi %mul3A_914, %add3A_915 : i32
      %get3A_917 = arith.index_cast %add3A_916 : i32 to index
      %get3A_918 = arith.constant 32 : index
      %get3A_919 = tpu.vector_load %arg7[%get3A_917, %get3A_918] {strides = array<i32>} : memref<320x128xf32, #tpu.memory_space<vmem>>, vector<1x16xf32>,
      %get3A_920 = vector.shape_cast %get3A_919 : vector<1x16xf32> to vector<1x16xf32>
      %swap3A_921 = arith.index_cast %add3A_855 : i32 to index
      %swap3A_922 = arith.constant 96 : index
      %swap3A_923 = tpu.vector_load %arg8[%swap3A_921, %swap3A_922] {strides = array<i32>} : memref<160x128xf32, #tpu.memory_space<vmem>>, vector<1x16xf32>,
      %swap3A_924 = vector.shape_cast %swap3A_923 : vector<1x16xf32> to vector<1x16xf32>
      %swap3A_925 = vector.shape_cast %get3A_920 : vector<1x16xf32> to vector<1x16xf32>
      tpu.vector_store %arg8[%swap3A_921, %swap3A_922], %swap3A_925 {strides = array<i32>} : memref<160x128xf32, #tpu.memory_space<vmem>>, vector<1x16xf32>,
      %mul3A_926 = arith.constant 2 : i32
      %mul3A_927 = arith.muli %mul3A_926, %add3A_855 : i32
      %get3A_928 = arith.index_cast %mul3A_927 : i32 to index
      %get3A_929 = arith.constant 48 : index
      %get3A_930 = tpu.vector_load %arg7[%get3A_928, %get3A_929] {strides = array<i32>} : memref<320x128xf32, #tpu.memory_space<vmem>>, vector<1x16xf32>,
      %get3A_931 = vector.shape_cast %get3A_930 : vector<1x16xf32> to vector<1x16xf32>
      %swap3A_932 = arith.index_cast %add3A_855 : i32 to index
      %swap3A_933 = arith.constant 48 : index
      %swap3A_934 = tpu.vector_load %arg8[%swap3A_932, %swap3A_933] {strides = array<i32>} : memref<160x128xf32, #tpu.memory_space<vmem>>, vector<1x16xf32>,
      %swap3A_935 = vector.shape_cast %swap3A_934 : vector<1x16xf32> to vector<1x16xf32>
      %swap3A_936 = vector.shape_cast %get3A_931 : vector<1x16xf32> to vector<1x16xf32>
      tpu.vector_store %arg8[%swap3A_932, %swap3A_933], %swap3A_936 {strides = array<i32>} : memref<160x128xf32, #tpu.memory_space<vmem>>, vector<1x16xf32>,
      %mul3A_937 = arith.constant 2 : i32
      %mul3A_938 = arith.muli %mul3A_937, %add3A_855 : i32
      %add3A_939 = arith.constant 1 : i32
      %add3A_940 = arith.addi %mul3A_938, %add3A_939 : i32
      %get3A_941 = arith.index_cast %add3A_940 : i32 to index
      %get3A_942 = arith.constant 48 : index
      %get3A_943 = tpu.vector_load %arg7[%get3A_941, %get3A_942] {strides = array<i32>} : memref<320x128xf32, #tpu.memory_space<vmem>>, vector<1x16xf32>,
      %get3A_944 = vector.shape_cast %get3A_943 : vector<1x16xf32> to vector<1x16xf32>
      %swap3A_945 = arith.index_cast %add3A_855 : i32 to index
      %swap3A_946 = arith.constant 112 : index
      %swap3A_947 = tpu.vector_load %arg8[%swap3A_945, %swap3A_946] {strides = array<i32>} : memref<160x128xf32, #tpu.memory_space<vmem>>, vector<1x16xf32>,
      %swap3A_948 = vector.shape_cast %swap3A_947 : vector<1x16xf32> to vector<1x16xf32>
      %swap3A_949 = vector.shape_cast %get3A_944 : vector<1x16xf32> to vector<1x16xf32>
      tpu.vector_store %arg8[%swap3A_945, %swap3A_946], %swap3A_949 {strides = array<i32>} : memref<160x128xf32, #tpu.memory_space<vmem>>, vector<1x16xf32>,
    }
    %scan3A_398 = arith.constant 160 : i32
    %add3A_399 = arith.constant 2880 : i32
    %add3A_400 = arith.addi %mul3A_2, %add3A_399 : i32
    %jit3A_401 = arith.constant 2 : i32
    %div3A_402 = arith.divsi %add3A_400, %jit3A_401 : i32
    %sign3A_403 = arith.constant 0 : i32
    %sign3A_404 = arith.cmpi sgt, %add3A_400, %sign3A_403 : i32
    %sign3A_405 = arith.extui %sign3A_404 : i1 to i32
    %sign3A_406 = arith.constant 0 : i32
    %sign3A_407 = arith.cmpi slt, %add3A_400, %sign3A_406 : i32
    %sign3A_408 = arith.extui %sign3A_407 : i1 to i32
    %sign3A_409 = arith.subi %sign3A_405, %sign3A_408 : i32
    %sign3A_410 = arith.constant 0 : i32
    %sign3A_411 = arith.cmpi sgt, %jit3A_401, %sign3A_410 : i32
    %sign3A_412 = arith.extui %sign3A_411 : i1 to i32
    %sign3A_413 = arith.constant 0 : i32
    %sign3A_414 = arith.cmpi slt, %jit3A_401, %sign3A_413 : i32
    %sign3A_415 = arith.extui %sign3A_414 : i1 to i32
    %sign3A_416 = arith.subi %sign3A_412, %sign3A_415 : i32
    %ne3A_417 = arith.cmpi ne, %sign3A_409, %sign3A_416 : i32
    %rem3A_418 = arith.remsi %add3A_400, %jit3A_401 : i32
    %ne3A_419 = arith.constant 0 : i32
    %ne3A_420 = arith.cmpi ne, %rem3A_418, %ne3A_419 : i32
    %and3A_421 = arith.andi %ne3A_417, %ne3A_420 : i1
    %sub3A_422 = arith.constant 1 : i32
    %sub3A_423 = arith.subi %div3A_402, %sub3A_422 : i32
    %select_n3A_424 = arith.select %and3A_421, %sub3A_423, %div3A_402 : i32
    %multiple_of3A_425 = tpu.assume_multiple %select_n3A_424, 8 : i32
    "tpu.region"() ({
      %run_scoped3A = tpu.sem_alloc : memref<!tpu.dma_semaphore, #tpu.memory_space<semaphore_mem>>
      %dma_start3A_851 = arith.constant 0 : i32
      %dma_start3A_852 = tpu.memref_slice %arg4[%multiple_of3A_425, %dma_start3A_851] : memref<102400x128xf32, #tpu.memory_space<hbm>> -> memref<160x128xf32, #tpu.memory_space<hbm>>
      %dma_start3A_853 = arith.constant 0 : i32
      %dma_start3A_854 = tpu.memref_slice %arg4[%multiple_of3A_425, %dma_start3A_853] : memref<102400x128xf32, #tpu.memory_space<hbm>> -> memref<160x128xf32, #tpu.memory_space<hbm>>
      tpu.enqueue_dma source(%arg8 : memref<160x128xf32, #tpu.memory_space<vmem>>) target(%dma_start3A_854 : memref<160x128xf32, #tpu.memory_space<hbm>>) target_semaphore(%run_scoped3A : memref<!tpu.dma_semaphore, #tpu.memory_space<semaphore_mem>>)
      %dma_wait3A_855 = arith.constant 0 : i32
      %dma_wait3A_856 = tpu.memref_slice %arg4[%multiple_of3A_425, %dma_wait3A_855] : memref<102400x128xf32, #tpu.memory_space<hbm>> -> memref<160x128xf32, #tpu.memory_space<hbm>>
      %dma_wait3A_857 = arith.constant 0 : i32
      %dma_wait3A_858 = tpu.memref_slice %arg4[%multiple_of3A_425, %dma_wait3A_857] : memref<102400x128xf32, #tpu.memory_space<hbm>> -> memref<160x128xf32, #tpu.memory_space<hbm>>
      tpu.wait_dma2 semaphore(%run_scoped3A : memref<!tpu.dma_semaphore, #tpu.memory_space<semaphore_mem>>) src(%arg8 : memref<160x128xf32, #tpu.memory_space<vmem>>) dst(%dma_wait3A_858 : memref<160x128xf32, #tpu.memory_space<hbm>>)
      tpu.yield
    }) : () -> ()
    %dma_start3A_426 = arith.constant 3520 : i32
    %dma_start3A_427 = tpu.memref_slice %arg5[%dma_start3A_426] : memref<6400xi32, #tpu.memory_space<vmem>> -> memref<320xi32, #tpu.memory_space<vmem>>
    %dma_start3A_428 = arith.constant 0 : i32
    %dma_start3A_429 = arith.constant 0 : i32
    %dma_start3A_430 = tpu.memref_slice %arg2[%dma_start3A_428, %dma_start3A_429] : memref<100000x128xf32, #tpu.memory_space<hbm>> -> memref<100000x128xf32, #tpu.memory_space<hbm>>
    tpu.enqueue_indirect_dma source(%dma_start3A_430 : memref<100000x128xf32, #tpu.memory_space<hbm>>) target(%arg7 : memref<320x128xf32, #tpu.memory_space<vmem>>) offsets(%dma_start3A_427 : memref<320xi32, #tpu.memory_space<vmem>>) semaphore(%arg10 : memref<!tpu.dma_semaphore, #tpu.memory_space<semaphore_mem>>)
    %dma_wait3A_431 = arith.constant 0 : i32
    %dma_wait3A_432 = arith.constant 0 : i32
    %dma_wait3A_433 = tpu.memref_slice %arg2[%dma_wait3A_431, %dma_wait3A_432] : memref<100000x128xf32, #tpu.memory_space<hbm>> -> memref<320x128xf32, #tpu.memory_space<hbm>>
    %dma_wait3A_434 = arith.constant 0 : i32
    %dma_wait3A_435 = arith.constant 0 : i32
    %dma_wait3A_436 = tpu.memref_slice %arg2[%dma_wait3A_434, %dma_wait3A_435] : memref<100000x128xf32, #tpu.memory_space<hbm>> -> memref<320x128xf32, #tpu.memory_space<hbm>>
    tpu.wait_dma2 semaphore(%arg9 : memref<!tpu.dma_semaphore, #tpu.memory_space<semaphore_mem>>) src(%dma_wait3A_436 : memref<320x128xf32, #tpu.memory_space<hbm>>) dst(%arg6 : memref<320x128xf32, #tpu.memory_space<vmem>>)
    %scan3A_437 = arith.constant 0 : i32
    %scan3A_438 = arith.constant 160 : i32
    %scan3A_439 = arith.addi %scan3A_437, %scan3A_438 : i32
    %scan3A_440 = arith.constant 1 : i32
    scf.for %scan3A_851 = %scan3A_437 to %scan3A_439 step %scan3A_440  : i32 {
      %mul3A_852 = arith.constant 1 : i32
      %mul3A_853 = arith.muli %scan3A_851, %mul3A_852 : i32
      %add3A_854 = arith.constant 0 : i32
      %add3A_855 = arith.addi %add3A_854, %mul3A_853 : i32
      %mul3A_856 = arith.constant 2 : i32
      %mul3A_857 = arith.muli %mul3A_856, %add3A_855 : i32
      %get3A = arith.index_cast %mul3A_857 : i32 to index
      %get3A_858 = arith.constant 0 : index
      %get3A_859 = tpu.vector_load %arg6[%get3A, %get3A_858] {strides = array<i32>} : memref<320x128xf32, #tpu.memory_space<vmem>>, vector<1x16xf32>,
      %get3A_860 = vector.shape_cast %get3A_859 : vector<1x16xf32> to vector<1x16xf32>
      %swap3A = arith.index_cast %add3A_855 : i32 to index
      %swap3A_861 = arith.constant 0 : index
      %swap3A_862 = tpu.vector_load %arg8[%swap3A, %swap3A_861] {strides = array<i32>} : memref<160x128xf32, #tpu.memory_space<vmem>>, vector<1x16xf32>,
      %swap3A_863 = vector.shape_cast %swap3A_862 : vector<1x16xf32> to vector<1x16xf32>
      %swap3A_864 = vector.shape_cast %get3A_860 : vector<1x16xf32> to vector<1x16xf32>
      tpu.vector_store %arg8[%swap3A, %swap3A_861], %swap3A_864 {strides = array<i32>} : memref<160x128xf32, #tpu.memory_space<vmem>>, vector<1x16xf32>,
      %mul3A_865 = arith.constant 2 : i32
      %mul3A_866 = arith.muli %mul3A_865, %add3A_855 : i32
      %add3A_867 = arith.constant 1 : i32
      %add3A_868 = arith.addi %mul3A_866, %add3A_867 : i32
      %get3A_869 = arith.index_cast %add3A_868 : i32 to index
      %get3A_870 = arith.constant 0 : index
      %get3A_871 = tpu.vector_load %arg6[%get3A_869, %get3A_870] {strides = array<i32>} : memref<320x128xf32, #tpu.memory_space<vmem>>, vector<1x16xf32>,
      %get3A_872 = vector.shape_cast %get3A_871 : vector<1x16xf32> to vector<1x16xf32>
      %swap3A_873 = arith.index_cast %add3A_855 : i32 to index
      %swap3A_874 = arith.constant 64 : index
      %swap3A_875 = tpu.vector_load %arg8[%swap3A_873, %swap3A_874] {strides = array<i32>} : memref<160x128xf32, #tpu.memory_space<vmem>>, vector<1x16xf32>,
      %swap3A_876 = vector.shape_cast %swap3A_875 : vector<1x16xf32> to vector<1x16xf32>
      %swap3A_877 = vector.shape_cast %get3A_872 : vector<1x16xf32> to vector<1x16xf32>
      tpu.vector_store %arg8[%swap3A_873, %swap3A_874], %swap3A_877 {strides = array<i32>} : memref<160x128xf32, #tpu.memory_space<vmem>>, vector<1x16xf32>,
      %mul3A_878 = arith.constant 2 : i32
      %mul3A_879 = arith.muli %mul3A_878, %add3A_855 : i32
      %get3A_880 = arith.index_cast %mul3A_879 : i32 to index
      %get3A_881 = arith.constant 16 : index
      %get3A_882 = tpu.vector_load %arg6[%get3A_880, %get3A_881] {strides = array<i32>} : memref<320x128xf32, #tpu.memory_space<vmem>>, vector<1x16xf32>,
      %get3A_883 = vector.shape_cast %get3A_882 : vector<1x16xf32> to vector<1x16xf32>
      %swap3A_884 = arith.index_cast %add3A_855 : i32 to index
      %swap3A_885 = arith.constant 16 : index
      %swap3A_886 = tpu.vector_load %arg8[%swap3A_884, %swap3A_885] {strides = array<i32>} : memref<160x128xf32, #tpu.memory_space<vmem>>, vector<1x16xf32>,
      %swap3A_887 = vector.shape_cast %swap3A_886 : vector<1x16xf32> to vector<1x16xf32>
      %swap3A_888 = vector.shape_cast %get3A_883 : vector<1x16xf32> to vector<1x16xf32>
      tpu.vector_store %arg8[%swap3A_884, %swap3A_885], %swap3A_888 {strides = array<i32>} : memref<160x128xf32, #tpu.memory_space<vmem>>, vector<1x16xf32>,
      %mul3A_889 = arith.constant 2 : i32
      %mul3A_890 = arith.muli %mul3A_889, %add3A_855 : i32
      %add3A_891 = arith.constant 1 : i32
      %add3A_892 = arith.addi %mul3A_890, %add3A_891 : i32
      %get3A_893 = arith.index_cast %add3A_892 : i32 to index
      %get3A_894 = arith.constant 16 : index
      %get3A_895 = tpu.vector_load %arg6[%get3A_893, %get3A_894] {strides = array<i32>} : memref<320x128xf32, #tpu.memory_space<vmem>>, vector<1x16xf32>,
      %get3A_896 = vector.shape_cast %get3A_895 : vector<1x16xf32> to vector<1x16xf32>
      %swap3A_897 = arith.index_cast %add3A_855 : i32 to index
      %swap3A_898 = arith.constant 80 : index
      %swap3A_899 = tpu.vector_load %arg8[%swap3A_897, %swap3A_898] {strides = array<i32>} : memref<160x128xf32, #tpu.memory_space<vmem>>, vector<1x16xf32>,
      %swap3A_900 = vector.shape_cast %swap3A_899 : vector<1x16xf32> to vector<1x16xf32>
      %swap3A_901 = vector.shape_cast %get3A_896 : vector<1x16xf32> to vector<1x16xf32>
      tpu.vector_store %arg8[%swap3A_897, %swap3A_898], %swap3A_901 {strides = array<i32>} : memref<160x128xf32, #tpu.memory_space<vmem>>, vector<1x16xf32>,
      %mul3A_902 = arith.constant 2 : i32
      %mul3A_903 = arith.muli %mul3A_902, %add3A_855 : i32
      %get3A_904 = arith.index_cast %mul3A_903 : i32 to index
      %get3A_905 = arith.constant 32 : index
      %get3A_906 = tpu.vector_load %arg6[%get3A_904, %get3A_905] {strides = array<i32>} : memref<320x128xf32, #tpu.memory_space<vmem>>, vector<1x16xf32>,
      %get3A_907 = vector.shape_cast %get3A_906 : vector<1x16xf32> to vector<1x16xf32>
      %swap3A_908 = arith.index_cast %add3A_855 : i32 to index
      %swap3A_909 = arith.constant 32 : index
      %swap3A_910 = tpu.vector_load %arg8[%swap3A_908, %swap3A_909] {strides = array<i32>} : memref<160x128xf32, #tpu.memory_space<vmem>>, vector<1x16xf32>,
      %swap3A_911 = vector.shape_cast %swap3A_910 : vector<1x16xf32> to vector<1x16xf32>
      %swap3A_912 = vector.shape_cast %get3A_907 : vector<1x16xf32> to vector<1x16xf32>
      tpu.vector_store %arg8[%swap3A_908, %swap3A_909], %swap3A_912 {strides = array<i32>} : memref<160x128xf32, #tpu.memory_space<vmem>>, vector<1x16xf32>,
      %mul3A_913 = arith.constant 2 : i32
      %mul3A_914 = arith.muli %mul3A_913, %add3A_855 : i32
      %add3A_915 = arith.constant 1 : i32
      %add3A_916 = arith.addi %mul3A_914, %add3A_915 : i32
      %get3A_917 = arith.index_cast %add3A_916 : i32 to index
      %get3A_918 = arith.constant 32 : index
      %get3A_919 = tpu.vector_load %arg6[%get3A_917, %get3A_918] {strides = array<i32>} : memref<320x128xf32, #tpu.memory_space<vmem>>, vector<1x16xf32>,
      %get3A_920 = vector.shape_cast %get3A_919 : vector<1x16xf32> to vector<1x16xf32>
      %swap3A_921 = arith.index_cast %add3A_855 : i32 to index
      %swap3A_922 = arith.constant 96 : index
      %swap3A_923 = tpu.vector_load %arg8[%swap3A_921, %swap3A_922] {strides = array<i32>} : memref<160x128xf32, #tpu.memory_space<vmem>>, vector<1x16xf32>,
      %swap3A_924 = vector.shape_cast %swap3A_923 : vector<1x16xf32> to vector<1x16xf32>
      %swap3A_925 = vector.shape_cast %get3A_920 : vector<1x16xf32> to vector<1x16xf32>
      tpu.vector_store %arg8[%swap3A_921, %swap3A_922], %swap3A_925 {strides = array<i32>} : memref<160x128xf32, #tpu.memory_space<vmem>>, vector<1x16xf32>,
      %mul3A_926 = arith.constant 2 : i32
      %mul3A_927 = arith.muli %mul3A_926, %add3A_855 : i32
      %get3A_928 = arith.index_cast %mul3A_927 : i32 to index
      %get3A_929 = arith.constant 48 : index
      %get3A_930 = tpu.vector_load %arg6[%get3A_928, %get3A_929] {strides = array<i32>} : memref<320x128xf32, #tpu.memory_space<vmem>>, vector<1x16xf32>,
      %get3A_931 = vector.shape_cast %get3A_930 : vector<1x16xf32> to vector<1x16xf32>
      %swap3A_932 = arith.index_cast %add3A_855 : i32 to index
      %swap3A_933 = arith.constant 48 : index
      %swap3A_934 = tpu.vector_load %arg8[%swap3A_932, %swap3A_933] {strides = array<i32>} : memref<160x128xf32, #tpu.memory_space<vmem>>, vector<1x16xf32>,
      %swap3A_935 = vector.shape_cast %swap3A_934 : vector<1x16xf32> to vector<1x16xf32>
      %swap3A_936 = vector.shape_cast %get3A_931 : vector<1x16xf32> to vector<1x16xf32>
      tpu.vector_store %arg8[%swap3A_932, %swap3A_933], %swap3A_936 {strides = array<i32>} : memref<160x128xf32, #tpu.memory_space<vmem>>, vector<1x16xf32>,
      %mul3A_937 = arith.constant 2 : i32
      %mul3A_938 = arith.muli %mul3A_937, %add3A_855 : i32
      %add3A_939 = arith.constant 1 : i32
      %add3A_940 = arith.addi %mul3A_938, %add3A_939 : i32
      %get3A_941 = arith.index_cast %add3A_940 : i32 to index
      %get3A_942 = arith.constant 48 : index
      %get3A_943 = tpu.vector_load %arg6[%get3A_941, %get3A_942] {strides = array<i32>} : memref<320x128xf32, #tpu.memory_space<vmem>>, vector<1x16xf32>,
      %get3A_944 = vector.shape_cast %get3A_943 : vector<1x16xf32> to vector<1x16xf32>
      %swap3A_945 = arith.index_cast %add3A_855 : i32 to index
      %swap3A_946 = arith.constant 112 : index
      %swap3A_947 = tpu.vector_load %arg8[%swap3A_945, %swap3A_946] {strides = array<i32>} : memref<160x128xf32, #tpu.memory_space<vmem>>, vector<1x16xf32>,
      %swap3A_948 = vector.shape_cast %swap3A_947 : vector<1x16xf32> to vector<1x16xf32>
      %swap3A_949 = vector.shape_cast %get3A_944 : vector<1x16xf32> to vector<1x16xf32>
      tpu.vector_store %arg8[%swap3A_945, %swap3A_946], %swap3A_949 {strides = array<i32>} : memref<160x128xf32, #tpu.memory_space<vmem>>, vector<1x16xf32>,
    }
    %scan3A_441 = arith.constant 160 : i32
    %add3A_442 = arith.constant 3200 : i32
    %add3A_443 = arith.addi %mul3A_2, %add3A_442 : i32
    %jit3A_444 = arith.constant 2 : i32
    %div3A_445 = arith.divsi %add3A_443, %jit3A_444 : i32
    %sign3A_446 = arith.constant 0 : i32
    %sign3A_447 = arith.cmpi sgt, %add3A_443, %sign3A_446 : i32
    %sign3A_448 = arith.extui %sign3A_447 : i1 to i32
    %sign3A_449 = arith.constant 0 : i32
    %sign3A_450 = arith.cmpi slt, %add3A_443, %sign3A_449 : i32
    %sign3A_451 = arith.extui %sign3A_450 : i1 to i32
    %sign3A_452 = arith.subi %sign3A_448, %sign3A_451 : i32
    %sign3A_453 = arith.constant 0 : i32
    %sign3A_454 = arith.cmpi sgt, %jit3A_444, %sign3A_453 : i32
    %sign3A_455 = arith.extui %sign3A_454 : i1 to i32
    %sign3A_456 = arith.constant 0 : i32
    %sign3A_457 = arith.cmpi slt, %jit3A_444, %sign3A_456 : i32
    %sign3A_458 = arith.extui %sign3A_457 : i1 to i32
    %sign3A_459 = arith.subi %sign3A_455, %sign3A_458 : i32
    %ne3A_460 = arith.cmpi ne, %sign3A_452, %sign3A_459 : i32
    %rem3A_461 = arith.remsi %add3A_443, %jit3A_444 : i32
    %ne3A_462 = arith.constant 0 : i32
    %ne3A_463 = arith.cmpi ne, %rem3A_461, %ne3A_462 : i32
    %and3A_464 = arith.andi %ne3A_460, %ne3A_463 : i1
    %sub3A_465 = arith.constant 1 : i32
    %sub3A_466 = arith.subi %div3A_445, %sub3A_465 : i32
    %select_n3A_467 = arith.select %and3A_464, %sub3A_466, %div3A_445 : i32
    %multiple_of3A_468 = tpu.assume_multiple %select_n3A_467, 8 : i32
    "tpu.region"() ({
      %run_scoped3A = tpu.sem_alloc : memref<!tpu.dma_semaphore, #tpu.memory_space<semaphore_mem>>
      %dma_start3A_851 = arith.constant 0 : i32
      %dma_start3A_852 = tpu.memref_slice %arg4[%multiple_of3A_468, %dma_start3A_851] : memref<102400x128xf32, #tpu.memory_space<hbm>> -> memref<160x128xf32, #tpu.memory_space<hbm>>
      %dma_start3A_853 = arith.constant 0 : i32
      %dma_start3A_854 = tpu.memref_slice %arg4[%multiple_of3A_468, %dma_start3A_853] : memref<102400x128xf32, #tpu.memory_space<hbm>> -> memref<160x128xf32, #tpu.memory_space<hbm>>
      tpu.enqueue_dma source(%arg8 : memref<160x128xf32, #tpu.memory_space<vmem>>) target(%dma_start3A_854 : memref<160x128xf32, #tpu.memory_space<hbm>>) target_semaphore(%run_scoped3A : memref<!tpu.dma_semaphore, #tpu.memory_space<semaphore_mem>>)
      %dma_wait3A_855 = arith.constant 0 : i32
      %dma_wait3A_856 = tpu.memref_slice %arg4[%multiple_of3A_468, %dma_wait3A_855] : memref<102400x128xf32, #tpu.memory_space<hbm>> -> memref<160x128xf32, #tpu.memory_space<hbm>>
      %dma_wait3A_857 = arith.constant 0 : i32
      %dma_wait3A_858 = tpu.memref_slice %arg4[%multiple_of3A_468, %dma_wait3A_857] : memref<102400x128xf32, #tpu.memory_space<hbm>> -> memref<160x128xf32, #tpu.memory_space<hbm>>
      tpu.wait_dma2 semaphore(%run_scoped3A : memref<!tpu.dma_semaphore, #tpu.memory_space<semaphore_mem>>) src(%arg8 : memref<160x128xf32, #tpu.memory_space<vmem>>) dst(%dma_wait3A_858 : memref<160x128xf32, #tpu.memory_space<hbm>>)
      tpu.yield
    }) : () -> ()
    %dma_start3A_469 = arith.constant 3840 : i32
    %dma_start3A_470 = tpu.memref_slice %arg5[%dma_start3A_469] : memref<6400xi32, #tpu.memory_space<vmem>> -> memref<320xi32, #tpu.memory_space<vmem>>
    %dma_start3A_471 = arith.constant 0 : i32
    %dma_start3A_472 = arith.constant 0 : i32
    %dma_start3A_473 = tpu.memref_slice %arg2[%dma_start3A_471, %dma_start3A_472] : memref<100000x128xf32, #tpu.memory_space<hbm>> -> memref<100000x128xf32, #tpu.memory_space<hbm>>
    tpu.enqueue_indirect_dma source(%dma_start3A_473 : memref<100000x128xf32, #tpu.memory_space<hbm>>) target(%arg6 : memref<320x128xf32, #tpu.memory_space<vmem>>) offsets(%dma_start3A_470 : memref<320xi32, #tpu.memory_space<vmem>>) semaphore(%arg9 : memref<!tpu.dma_semaphore, #tpu.memory_space<semaphore_mem>>)
    %dma_wait3A_474 = arith.constant 0 : i32
    %dma_wait3A_475 = arith.constant 0 : i32
    %dma_wait3A_476 = tpu.memref_slice %arg2[%dma_wait3A_474, %dma_wait3A_475] : memref<100000x128xf32, #tpu.memory_space<hbm>> -> memref<320x128xf32, #tpu.memory_space<hbm>>
    %dma_wait3A_477 = arith.constant 0 : i32
    %dma_wait3A_478 = arith.constant 0 : i32
    %dma_wait3A_479 = tpu.memref_slice %arg2[%dma_wait3A_477, %dma_wait3A_478] : memref<100000x128xf32, #tpu.memory_space<hbm>> -> memref<320x128xf32, #tpu.memory_space<hbm>>
    tpu.wait_dma2 semaphore(%arg10 : memref<!tpu.dma_semaphore, #tpu.memory_space<semaphore_mem>>) src(%dma_wait3A_479 : memref<320x128xf32, #tpu.memory_space<hbm>>) dst(%arg7 : memref<320x128xf32, #tpu.memory_space<vmem>>)
    %scan3A_480 = arith.constant 0 : i32
    %scan3A_481 = arith.constant 160 : i32
    %scan3A_482 = arith.addi %scan3A_480, %scan3A_481 : i32
    %scan3A_483 = arith.constant 1 : i32
    scf.for %scan3A_851 = %scan3A_480 to %scan3A_482 step %scan3A_483  : i32 {
      %mul3A_852 = arith.constant 1 : i32
      %mul3A_853 = arith.muli %scan3A_851, %mul3A_852 : i32
      %add3A_854 = arith.constant 0 : i32
      %add3A_855 = arith.addi %add3A_854, %mul3A_853 : i32
      %mul3A_856 = arith.constant 2 : i32
      %mul3A_857 = arith.muli %mul3A_856, %add3A_855 : i32
      %get3A = arith.index_cast %mul3A_857 : i32 to index
      %get3A_858 = arith.constant 0 : index
      %get3A_859 = tpu.vector_load %arg7[%get3A, %get3A_858] {strides = array<i32>} : memref<320x128xf32, #tpu.memory_space<vmem>>, vector<1x16xf32>,
      %get3A_860 = vector.shape_cast %get3A_859 : vector<1x16xf32> to vector<1x16xf32>
      %swap3A = arith.index_cast %add3A_855 : i32 to index
      %swap3A_861 = arith.constant 0 : index
      %swap3A_862 = tpu.vector_load %arg8[%swap3A, %swap3A_861] {strides = array<i32>} : memref<160x128xf32, #tpu.memory_space<vmem>>, vector<1x16xf32>,
      %swap3A_863 = vector.shape_cast %swap3A_862 : vector<1x16xf32> to vector<1x16xf32>
      %swap3A_864 = vector.shape_cast %get3A_860 : vector<1x16xf32> to vector<1x16xf32>
      tpu.vector_store %arg8[%swap3A, %swap3A_861], %swap3A_864 {strides = array<i32>} : memref<160x128xf32, #tpu.memory_space<vmem>>, vector<1x16xf32>,
      %mul3A_865 = arith.constant 2 : i32
      %mul3A_866 = arith.muli %mul3A_865, %add3A_855 : i32
      %add3A_867 = arith.constant 1 : i32
      %add3A_868 = arith.addi %mul3A_866, %add3A_867 : i32
      %get3A_869 = arith.index_cast %add3A_868 : i32 to index
      %get3A_870 = arith.constant 0 : index
      %get3A_871 = tpu.vector_load %arg7[%get3A_869, %get3A_870] {strides = array<i32>} : memref<320x128xf32, #tpu.memory_space<vmem>>, vector<1x16xf32>,
      %get3A_872 = vector.shape_cast %get3A_871 : vector<1x16xf32> to vector<1x16xf32>
      %swap3A_873 = arith.index_cast %add3A_855 : i32 to index
      %swap3A_874 = arith.constant 64 : index
      %swap3A_875 = tpu.vector_load %arg8[%swap3A_873, %swap3A_874] {strides = array<i32>} : memref<160x128xf32, #tpu.memory_space<vmem>>, vector<1x16xf32>,
      %swap3A_876 = vector.shape_cast %swap3A_875 : vector<1x16xf32> to vector<1x16xf32>
      %swap3A_877 = vector.shape_cast %get3A_872 : vector<1x16xf32> to vector<1x16xf32>
      tpu.vector_store %arg8[%swap3A_873, %swap3A_874], %swap3A_877 {strides = array<i32>} : memref<160x128xf32, #tpu.memory_space<vmem>>, vector<1x16xf32>,
      %mul3A_878 = arith.constant 2 : i32
      %mul3A_879 = arith.muli %mul3A_878, %add3A_855 : i32
      %get3A_880 = arith.index_cast %mul3A_879 : i32 to index
      %get3A_881 = arith.constant 16 : index
      %get3A_882 = tpu.vector_load %arg7[%get3A_880, %get3A_881] {strides = array<i32>} : memref<320x128xf32, #tpu.memory_space<vmem>>, vector<1x16xf32>,
      %get3A_883 = vector.shape_cast %get3A_882 : vector<1x16xf32> to vector<1x16xf32>
      %swap3A_884 = arith.index_cast %add3A_855 : i32 to index
      %swap3A_885 = arith.constant 16 : index
      %swap3A_886 = tpu.vector_load %arg8[%swap3A_884, %swap3A_885] {strides = array<i32>} : memref<160x128xf32, #tpu.memory_space<vmem>>, vector<1x16xf32>,
      %swap3A_887 = vector.shape_cast %swap3A_886 : vector<1x16xf32> to vector<1x16xf32>
      %swap3A_888 = vector.shape_cast %get3A_883 : vector<1x16xf32> to vector<1x16xf32>
      tpu.vector_store %arg8[%swap3A_884, %swap3A_885], %swap3A_888 {strides = array<i32>} : memref<160x128xf32, #tpu.memory_space<vmem>>, vector<1x16xf32>,
      %mul3A_889 = arith.constant 2 : i32
      %mul3A_890 = arith.muli %mul3A_889, %add3A_855 : i32
      %add3A_891 = arith.constant 1 : i32
      %add3A_892 = arith.addi %mul3A_890, %add3A_891 : i32
      %get3A_893 = arith.index_cast %add3A_892 : i32 to index
      %get3A_894 = arith.constant 16 : index
      %get3A_895 = tpu.vector_load %arg7[%get3A_893, %get3A_894] {strides = array<i32>} : memref<320x128xf32, #tpu.memory_space<vmem>>, vector<1x16xf32>,
      %get3A_896 = vector.shape_cast %get3A_895 : vector<1x16xf32> to vector<1x16xf32>
      %swap3A_897 = arith.index_cast %add3A_855 : i32 to index
      %swap3A_898 = arith.constant 80 : index
      %swap3A_899 = tpu.vector_load %arg8[%swap3A_897, %swap3A_898] {strides = array<i32>} : memref<160x128xf32, #tpu.memory_space<vmem>>, vector<1x16xf32>,
      %swap3A_900 = vector.shape_cast %swap3A_899 : vector<1x16xf32> to vector<1x16xf32>
      %swap3A_901 = vector.shape_cast %get3A_896 : vector<1x16xf32> to vector<1x16xf32>
      tpu.vector_store %arg8[%swap3A_897, %swap3A_898], %swap3A_901 {strides = array<i32>} : memref<160x128xf32, #tpu.memory_space<vmem>>, vector<1x16xf32>,
      %mul3A_902 = arith.constant 2 : i32
      %mul3A_903 = arith.muli %mul3A_902, %add3A_855 : i32
      %get3A_904 = arith.index_cast %mul3A_903 : i32 to index
      %get3A_905 = arith.constant 32 : index
      %get3A_906 = tpu.vector_load %arg7[%get3A_904, %get3A_905] {strides = array<i32>} : memref<320x128xf32, #tpu.memory_space<vmem>>, vector<1x16xf32>,
      %get3A_907 = vector.shape_cast %get3A_906 : vector<1x16xf32> to vector<1x16xf32>
      %swap3A_908 = arith.index_cast %add3A_855 : i32 to index
      %swap3A_909 = arith.constant 32 : index
      %swap3A_910 = tpu.vector_load %arg8[%swap3A_908, %swap3A_909] {strides = array<i32>} : memref<160x128xf32, #tpu.memory_space<vmem>>, vector<1x16xf32>,
      %swap3A_911 = vector.shape_cast %swap3A_910 : vector<1x16xf32> to vector<1x16xf32>
      %swap3A_912 = vector.shape_cast %get3A_907 : vector<1x16xf32> to vector<1x16xf32>
      tpu.vector_store %arg8[%swap3A_908, %swap3A_909], %swap3A_912 {strides = array<i32>} : memref<160x128xf32, #tpu.memory_space<vmem>>, vector<1x16xf32>,
      %mul3A_913 = arith.constant 2 : i32
      %mul3A_914 = arith.muli %mul3A_913, %add3A_855 : i32
      %add3A_915 = arith.constant 1 : i32
      %add3A_916 = arith.addi %mul3A_914, %add3A_915 : i32
      %get3A_917 = arith.index_cast %add3A_916 : i32 to index
      %get3A_918 = arith.constant 32 : index
      %get3A_919 = tpu.vector_load %arg7[%get3A_917, %get3A_918] {strides = array<i32>} : memref<320x128xf32, #tpu.memory_space<vmem>>, vector<1x16xf32>,
      %get3A_920 = vector.shape_cast %get3A_919 : vector<1x16xf32> to vector<1x16xf32>
      %swap3A_921 = arith.index_cast %add3A_855 : i32 to index
      %swap3A_922 = arith.constant 96 : index
      %swap3A_923 = tpu.vector_load %arg8[%swap3A_921, %swap3A_922] {strides = array<i32>} : memref<160x128xf32, #tpu.memory_space<vmem>>, vector<1x16xf32>,
      %swap3A_924 = vector.shape_cast %swap3A_923 : vector<1x16xf32> to vector<1x16xf32>
      %swap3A_925 = vector.shape_cast %get3A_920 : vector<1x16xf32> to vector<1x16xf32>
      tpu.vector_store %arg8[%swap3A_921, %swap3A_922], %swap3A_925 {strides = array<i32>} : memref<160x128xf32, #tpu.memory_space<vmem>>, vector<1x16xf32>,
      %mul3A_926 = arith.constant 2 : i32
      %mul3A_927 = arith.muli %mul3A_926, %add3A_855 : i32
      %get3A_928 = arith.index_cast %mul3A_927 : i32 to index
      %get3A_929 = arith.constant 48 : index
      %get3A_930 = tpu.vector_load %arg7[%get3A_928, %get3A_929] {strides = array<i32>} : memref<320x128xf32, #tpu.memory_space<vmem>>, vector<1x16xf32>,
      %get3A_931 = vector.shape_cast %get3A_930 : vector<1x16xf32> to vector<1x16xf32>
      %swap3A_932 = arith.index_cast %add3A_855 : i32 to index
      %swap3A_933 = arith.constant 48 : index
      %swap3A_934 = tpu.vector_load %arg8[%swap3A_932, %swap3A_933] {strides = array<i32>} : memref<160x128xf32, #tpu.memory_space<vmem>>, vector<1x16xf32>,
      %swap3A_935 = vector.shape_cast %swap3A_934 : vector<1x16xf32> to vector<1x16xf32>
      %swap3A_936 = vector.shape_cast %get3A_931 : vector<1x16xf32> to vector<1x16xf32>
      tpu.vector_store %arg8[%swap3A_932, %swap3A_933], %swap3A_936 {strides = array<i32>} : memref<160x128xf32, #tpu.memory_space<vmem>>, vector<1x16xf32>,
      %mul3A_937 = arith.constant 2 : i32
      %mul3A_938 = arith.muli %mul3A_937, %add3A_855 : i32
      %add3A_939 = arith.constant 1 : i32
      %add3A_940 = arith.addi %mul3A_938, %add3A_939 : i32
      %get3A_941 = arith.index_cast %add3A_940 : i32 to index
      %get3A_942 = arith.constant 48 : index
      %get3A_943 = tpu.vector_load %arg7[%get3A_941, %get3A_942] {strides = array<i32>} : memref<320x128xf32, #tpu.memory_space<vmem>>, vector<1x16xf32>,
      %get3A_944 = vector.shape_cast %get3A_943 : vector<1x16xf32> to vector<1x16xf32>
      %swap3A_945 = arith.index_cast %add3A_855 : i32 to index
      %swap3A_946 = arith.constant 112 : index
      %swap3A_947 = tpu.vector_load %arg8[%swap3A_945, %swap3A_946] {strides = array<i32>} : memref<160x128xf32, #tpu.memory_space<vmem>>, vector<1x16xf32>,
      %swap3A_948 = vector.shape_cast %swap3A_947 : vector<1x16xf32> to vector<1x16xf32>
      %swap3A_949 = vector.shape_cast %get3A_944 : vector<1x16xf32> to vector<1x16xf32>
      tpu.vector_store %arg8[%swap3A_945, %swap3A_946], %swap3A_949 {strides = array<i32>} : memref<160x128xf32, #tpu.memory_space<vmem>>, vector<1x16xf32>,
    }
    %scan3A_484 = arith.constant 160 : i32
    %add3A_485 = arith.constant 3520 : i32
    %add3A_486 = arith.addi %mul3A_2, %add3A_485 : i32
    %jit3A_487 = arith.constant 2 : i32
    %div3A_488 = arith.divsi %add3A_486, %jit3A_487 : i32
    %sign3A_489 = arith.constant 0 : i32
    %sign3A_490 = arith.cmpi sgt, %add3A_486, %sign3A_489 : i32
    %sign3A_491 = arith.extui %sign3A_490 : i1 to i32
    %sign3A_492 = arith.constant 0 : i32
    %sign3A_493 = arith.cmpi slt, %add3A_486, %sign3A_492 : i32
    %sign3A_494 = arith.extui %sign3A_493 : i1 to i32
    %sign3A_495 = arith.subi %sign3A_491, %sign3A_494 : i32
    %sign3A_496 = arith.constant 0 : i32
    %sign3A_497 = arith.cmpi sgt, %jit3A_487, %sign3A_496 : i32
    %sign3A_498 = arith.extui %sign3A_497 : i1 to i32
    %sign3A_499 = arith.constant 0 : i32
    %sign3A_500 = arith.cmpi slt, %jit3A_487, %sign3A_499 : i32
    %sign3A_501 = arith.extui %sign3A_500 : i1 to i32
    %sign3A_502 = arith.subi %sign3A_498, %sign3A_501 : i32
    %ne3A_503 = arith.cmpi ne, %sign3A_495, %sign3A_502 : i32
    %rem3A_504 = arith.remsi %add3A_486, %jit3A_487 : i32
    %ne3A_505 = arith.constant 0 : i32
    %ne3A_506 = arith.cmpi ne, %rem3A_504, %ne3A_505 : i32
    %and3A_507 = arith.andi %ne3A_503, %ne3A_506 : i1
    %sub3A_508 = arith.constant 1 : i32
    %sub3A_509 = arith.subi %div3A_488, %sub3A_508 : i32
    %select_n3A_510 = arith.select %and3A_507, %sub3A_509, %div3A_488 : i32
    %multiple_of3A_511 = tpu.assume_multiple %select_n3A_510, 8 : i32
    "tpu.region"() ({
      %run_scoped3A = tpu.sem_alloc : memref<!tpu.dma_semaphore, #tpu.memory_space<semaphore_mem>>
      %dma_start3A_851 = arith.constant 0 : i32
      %dma_start3A_852 = tpu.memref_slice %arg4[%multiple_of3A_511, %dma_start3A_851] : memref<102400x128xf32, #tpu.memory_space<hbm>> -> memref<160x128xf32, #tpu.memory_space<hbm>>
      %dma_start3A_853 = arith.constant 0 : i32
      %dma_start3A_854 = tpu.memref_slice %arg4[%multiple_of3A_511, %dma_start3A_853] : memref<102400x128xf32, #tpu.memory_space<hbm>> -> memref<160x128xf32, #tpu.memory_space<hbm>>
      tpu.enqueue_dma source(%arg8 : memref<160x128xf32, #tpu.memory_space<vmem>>) target(%dma_start3A_854 : memref<160x128xf32, #tpu.memory_space<hbm>>) target_semaphore(%run_scoped3A : memref<!tpu.dma_semaphore, #tpu.memory_space<semaphore_mem>>)
      %dma_wait3A_855 = arith.constant 0 : i32
      %dma_wait3A_856 = tpu.memref_slice %arg4[%multiple_of3A_511, %dma_wait3A_855] : memref<102400x128xf32, #tpu.memory_space<hbm>> -> memref<160x128xf32, #tpu.memory_space<hbm>>
      %dma_wait3A_857 = arith.constant 0 : i32
      %dma_wait3A_858 = tpu.memref_slice %arg4[%multiple_of3A_511, %dma_wait3A_857] : memref<102400x128xf32, #tpu.memory_space<hbm>> -> memref<160x128xf32, #tpu.memory_space<hbm>>
      tpu.wait_dma2 semaphore(%run_scoped3A : memref<!tpu.dma_semaphore, #tpu.memory_space<semaphore_mem>>) src(%arg8 : memref<160x128xf32, #tpu.memory_space<vmem>>) dst(%dma_wait3A_858 : memref<160x128xf32, #tpu.memory_space<hbm>>)
      tpu.yield
    }) : () -> ()
    %dma_start3A_512 = arith.constant 4160 : i32
    %dma_start3A_513 = tpu.memref_slice %arg5[%dma_start3A_512] : memref<6400xi32, #tpu.memory_space<vmem>> -> memref<320xi32, #tpu.memory_space<vmem>>
    %dma_start3A_514 = arith.constant 0 : i32
    %dma_start3A_515 = arith.constant 0 : i32
    %dma_start3A_516 = tpu.memref_slice %arg2[%dma_start3A_514, %dma_start3A_515] : memref<100000x128xf32, #tpu.memory_space<hbm>> -> memref<100000x128xf32, #tpu.memory_space<hbm>>
    tpu.enqueue_indirect_dma source(%dma_start3A_516 : memref<100000x128xf32, #tpu.memory_space<hbm>>) target(%arg7 : memref<320x128xf32, #tpu.memory_space<vmem>>) offsets(%dma_start3A_513 : memref<320xi32, #tpu.memory_space<vmem>>) semaphore(%arg10 : memref<!tpu.dma_semaphore, #tpu.memory_space<semaphore_mem>>)
    %dma_wait3A_517 = arith.constant 0 : i32
    %dma_wait3A_518 = arith.constant 0 : i32
    %dma_wait3A_519 = tpu.memref_slice %arg2[%dma_wait3A_517, %dma_wait3A_518] : memref<100000x128xf32, #tpu.memory_space<hbm>> -> memref<320x128xf32, #tpu.memory_space<hbm>>
    %dma_wait3A_520 = arith.constant 0 : i32
    %dma_wait3A_521 = arith.constant 0 : i32
    %dma_wait3A_522 = tpu.memref_slice %arg2[%dma_wait3A_520, %dma_wait3A_521] : memref<100000x128xf32, #tpu.memory_space<hbm>> -> memref<320x128xf32, #tpu.memory_space<hbm>>
    tpu.wait_dma2 semaphore(%arg9 : memref<!tpu.dma_semaphore, #tpu.memory_space<semaphore_mem>>) src(%dma_wait3A_522 : memref<320x128xf32, #tpu.memory_space<hbm>>) dst(%arg6 : memref<320x128xf32, #tpu.memory_space<vmem>>)
    %scan3A_523 = arith.constant 0 : i32
    %scan3A_524 = arith.constant 160 : i32
    %scan3A_525 = arith.addi %scan3A_523, %scan3A_524 : i32
    %scan3A_526 = arith.constant 1 : i32
    scf.for %scan3A_851 = %scan3A_523 to %scan3A_525 step %scan3A_526  : i32 {
      %mul3A_852 = arith.constant 1 : i32
      %mul3A_853 = arith.muli %scan3A_851, %mul3A_852 : i32
      %add3A_854 = arith.constant 0 : i32
      %add3A_855 = arith.addi %add3A_854, %mul3A_853 : i32
      %mul3A_856 = arith.constant 2 : i32
      %mul3A_857 = arith.muli %mul3A_856, %add3A_855 : i32
      %get3A = arith.index_cast %mul3A_857 : i32 to index
      %get3A_858 = arith.constant 0 : index
      %get3A_859 = tpu.vector_load %arg6[%get3A, %get3A_858] {strides = array<i32>} : memref<320x128xf32, #tpu.memory_space<vmem>>, vector<1x16xf32>,
      %get3A_860 = vector.shape_cast %get3A_859 : vector<1x16xf32> to vector<1x16xf32>
      %swap3A = arith.index_cast %add3A_855 : i32 to index
      %swap3A_861 = arith.constant 0 : index
      %swap3A_862 = tpu.vector_load %arg8[%swap3A, %swap3A_861] {strides = array<i32>} : memref<160x128xf32, #tpu.memory_space<vmem>>, vector<1x16xf32>,
      %swap3A_863 = vector.shape_cast %swap3A_862 : vector<1x16xf32> to vector<1x16xf32>
      %swap3A_864 = vector.shape_cast %get3A_860 : vector<1x16xf32> to vector<1x16xf32>
      tpu.vector_store %arg8[%swap3A, %swap3A_861], %swap3A_864 {strides = array<i32>} : memref<160x128xf32, #tpu.memory_space<vmem>>, vector<1x16xf32>,
      %mul3A_865 = arith.constant 2 : i32
      %mul3A_866 = arith.muli %mul3A_865, %add3A_855 : i32
      %add3A_867 = arith.constant 1 : i32
      %add3A_868 = arith.addi %mul3A_866, %add3A_867 : i32
      %get3A_869 = arith.index_cast %add3A_868 : i32 to index
      %get3A_870 = arith.constant 0 : index
      %get3A_871 = tpu.vector_load %arg6[%get3A_869, %get3A_870] {strides = array<i32>} : memref<320x128xf32, #tpu.memory_space<vmem>>, vector<1x16xf32>,
      %get3A_872 = vector.shape_cast %get3A_871 : vector<1x16xf32> to vector<1x16xf32>
      %swap3A_873 = arith.index_cast %add3A_855 : i32 to index
      %swap3A_874 = arith.constant 64 : index
      %swap3A_875 = tpu.vector_load %arg8[%swap3A_873, %swap3A_874] {strides = array<i32>} : memref<160x128xf32, #tpu.memory_space<vmem>>, vector<1x16xf32>,
      %swap3A_876 = vector.shape_cast %swap3A_875 : vector<1x16xf32> to vector<1x16xf32>
      %swap3A_877 = vector.shape_cast %get3A_872 : vector<1x16xf32> to vector<1x16xf32>
      tpu.vector_store %arg8[%swap3A_873, %swap3A_874], %swap3A_877 {strides = array<i32>} : memref<160x128xf32, #tpu.memory_space<vmem>>, vector<1x16xf32>,
      %mul3A_878 = arith.constant 2 : i32
      %mul3A_879 = arith.muli %mul3A_878, %add3A_855 : i32
      %get3A_880 = arith.index_cast %mul3A_879 : i32 to index
      %get3A_881 = arith.constant 16 : index
      %get3A_882 = tpu.vector_load %arg6[%get3A_880, %get3A_881] {strides = array<i32>} : memref<320x128xf32, #tpu.memory_space<vmem>>, vector<1x16xf32>,
      %get3A_883 = vector.shape_cast %get3A_882 : vector<1x16xf32> to vector<1x16xf32>
      %swap3A_884 = arith.index_cast %add3A_855 : i32 to index
      %swap3A_885 = arith.constant 16 : index
      %swap3A_886 = tpu.vector_load %arg8[%swap3A_884, %swap3A_885] {strides = array<i32>} : memref<160x128xf32, #tpu.memory_space<vmem>>, vector<1x16xf32>,
      %swap3A_887 = vector.shape_cast %swap3A_886 : vector<1x16xf32> to vector<1x16xf32>
      %swap3A_888 = vector.shape_cast %get3A_883 : vector<1x16xf32> to vector<1x16xf32>
      tpu.vector_store %arg8[%swap3A_884, %swap3A_885], %swap3A_888 {strides = array<i32>} : memref<160x128xf32, #tpu.memory_space<vmem>>, vector<1x16xf32>,
      %mul3A_889 = arith.constant 2 : i32
      %mul3A_890 = arith.muli %mul3A_889, %add3A_855 : i32
      %add3A_891 = arith.constant 1 : i32
      %add3A_892 = arith.addi %mul3A_890, %add3A_891 : i32
      %get3A_893 = arith.index_cast %add3A_892 : i32 to index
      %get3A_894 = arith.constant 16 : index
      %get3A_895 = tpu.vector_load %arg6[%get3A_893, %get3A_894] {strides = array<i32>} : memref<320x128xf32, #tpu.memory_space<vmem>>, vector<1x16xf32>,
      %get3A_896 = vector.shape_cast %get3A_895 : vector<1x16xf32> to vector<1x16xf32>
      %swap3A_897 = arith.index_cast %add3A_855 : i32 to index
      %swap3A_898 = arith.constant 80 : index
      %swap3A_899 = tpu.vector_load %arg8[%swap3A_897, %swap3A_898] {strides = array<i32>} : memref<160x128xf32, #tpu.memory_space<vmem>>, vector<1x16xf32>,
      %swap3A_900 = vector.shape_cast %swap3A_899 : vector<1x16xf32> to vector<1x16xf32>
      %swap3A_901 = vector.shape_cast %get3A_896 : vector<1x16xf32> to vector<1x16xf32>
      tpu.vector_store %arg8[%swap3A_897, %swap3A_898], %swap3A_901 {strides = array<i32>} : memref<160x128xf32, #tpu.memory_space<vmem>>, vector<1x16xf32>,
      %mul3A_902 = arith.constant 2 : i32
      %mul3A_903 = arith.muli %mul3A_902, %add3A_855 : i32
      %get3A_904 = arith.index_cast %mul3A_903 : i32 to index
      %get3A_905 = arith.constant 32 : index
      %get3A_906 = tpu.vector_load %arg6[%get3A_904, %get3A_905] {strides = array<i32>} : memref<320x128xf32, #tpu.memory_space<vmem>>, vector<1x16xf32>,
      %get3A_907 = vector.shape_cast %get3A_906 : vector<1x16xf32> to vector<1x16xf32>
      %swap3A_908 = arith.index_cast %add3A_855 : i32 to index
      %swap3A_909 = arith.constant 32 : index
      %swap3A_910 = tpu.vector_load %arg8[%swap3A_908, %swap3A_909] {strides = array<i32>} : memref<160x128xf32, #tpu.memory_space<vmem>>, vector<1x16xf32>,
      %swap3A_911 = vector.shape_cast %swap3A_910 : vector<1x16xf32> to vector<1x16xf32>
      %swap3A_912 = vector.shape_cast %get3A_907 : vector<1x16xf32> to vector<1x16xf32>
      tpu.vector_store %arg8[%swap3A_908, %swap3A_909], %swap3A_912 {strides = array<i32>} : memref<160x128xf32, #tpu.memory_space<vmem>>, vector<1x16xf32>,
      %mul3A_913 = arith.constant 2 : i32
      %mul3A_914 = arith.muli %mul3A_913, %add3A_855 : i32
      %add3A_915 = arith.constant 1 : i32
      %add3A_916 = arith.addi %mul3A_914, %add3A_915 : i32
      %get3A_917 = arith.index_cast %add3A_916 : i32 to index
      %get3A_918 = arith.constant 32 : index
      %get3A_919 = tpu.vector_load %arg6[%get3A_917, %get3A_918] {strides = array<i32>} : memref<320x128xf32, #tpu.memory_space<vmem>>, vector<1x16xf32>,
      %get3A_920 = vector.shape_cast %get3A_919 : vector<1x16xf32> to vector<1x16xf32>
      %swap3A_921 = arith.index_cast %add3A_855 : i32 to index
      %swap3A_922 = arith.constant 96 : index
      %swap3A_923 = tpu.vector_load %arg8[%swap3A_921, %swap3A_922] {strides = array<i32>} : memref<160x128xf32, #tpu.memory_space<vmem>>, vector<1x16xf32>,
      %swap3A_924 = vector.shape_cast %swap3A_923 : vector<1x16xf32> to vector<1x16xf32>
      %swap3A_925 = vector.shape_cast %get3A_920 : vector<1x16xf32> to vector<1x16xf32>
      tpu.vector_store %arg8[%swap3A_921, %swap3A_922], %swap3A_925 {strides = array<i32>} : memref<160x128xf32, #tpu.memory_space<vmem>>, vector<1x16xf32>,
      %mul3A_926 = arith.constant 2 : i32
      %mul3A_927 = arith.muli %mul3A_926, %add3A_855 : i32
      %get3A_928 = arith.index_cast %mul3A_927 : i32 to index
      %get3A_929 = arith.constant 48 : index
      %get3A_930 = tpu.vector_load %arg6[%get3A_928, %get3A_929] {strides = array<i32>} : memref<320x128xf32, #tpu.memory_space<vmem>>, vector<1x16xf32>,
      %get3A_931 = vector.shape_cast %get3A_930 : vector<1x16xf32> to vector<1x16xf32>
      %swap3A_932 = arith.index_cast %add3A_855 : i32 to index
      %swap3A_933 = arith.constant 48 : index
      %swap3A_934 = tpu.vector_load %arg8[%swap3A_932, %swap3A_933] {strides = array<i32>} : memref<160x128xf32, #tpu.memory_space<vmem>>, vector<1x16xf32>,
      %swap3A_935 = vector.shape_cast %swap3A_934 : vector<1x16xf32> to vector<1x16xf32>
      %swap3A_936 = vector.shape_cast %get3A_931 : vector<1x16xf32> to vector<1x16xf32>
      tpu.vector_store %arg8[%swap3A_932, %swap3A_933], %swap3A_936 {strides = array<i32>} : memref<160x128xf32, #tpu.memory_space<vmem>>, vector<1x16xf32>,
      %mul3A_937 = arith.constant 2 : i32
      %mul3A_938 = arith.muli %mul3A_937, %add3A_855 : i32
      %add3A_939 = arith.constant 1 : i32
      %add3A_940 = arith.addi %mul3A_938, %add3A_939 : i32
      %get3A_941 = arith.index_cast %add3A_940 : i32 to index
      %get3A_942 = arith.constant 48 : index
      %get3A_943 = tpu.vector_load %arg6[%get3A_941, %get3A_942] {strides = array<i32>} : memref<320x128xf32, #tpu.memory_space<vmem>>, vector<1x16xf32>,
      %get3A_944 = vector.shape_cast %get3A_943 : vector<1x16xf32> to vector<1x16xf32>
      %swap3A_945 = arith.index_cast %add3A_855 : i32 to index
      %swap3A_946 = arith.constant 112 : index
      %swap3A_947 = tpu.vector_load %arg8[%swap3A_945, %swap3A_946] {strides = array<i32>} : memref<160x128xf32, #tpu.memory_space<vmem>>, vector<1x16xf32>,
      %swap3A_948 = vector.shape_cast %swap3A_947 : vector<1x16xf32> to vector<1x16xf32>
      %swap3A_949 = vector.shape_cast %get3A_944 : vector<1x16xf32> to vector<1x16xf32>
      tpu.vector_store %arg8[%swap3A_945, %swap3A_946], %swap3A_949 {strides = array<i32>} : memref<160x128xf32, #tpu.memory_space<vmem>>, vector<1x16xf32>,
    }
    %scan3A_527 = arith.constant 160 : i32
    %add3A_528 = arith.constant 3840 : i32
    %add3A_529 = arith.addi %mul3A_2, %add3A_528 : i32
    %jit3A_530 = arith.constant 2 : i32
    %div3A_531 = arith.divsi %add3A_529, %jit3A_530 : i32
    %sign3A_532 = arith.constant 0 : i32
    %sign3A_533 = arith.cmpi sgt, %add3A_529, %sign3A_532 : i32
    %sign3A_534 = arith.extui %sign3A_533 : i1 to i32
    %sign3A_535 = arith.constant 0 : i32
    %sign3A_536 = arith.cmpi slt, %add3A_529, %sign3A_535 : i32
    %sign3A_537 = arith.extui %sign3A_536 : i1 to i32
    %sign3A_538 = arith.subi %sign3A_534, %sign3A_537 : i32
    %sign3A_539 = arith.constant 0 : i32
    %sign3A_540 = arith.cmpi sgt, %jit3A_530, %sign3A_539 : i32
    %sign3A_541 = arith.extui %sign3A_540 : i1 to i32
    %sign3A_542 = arith.constant 0 : i32
    %sign3A_543 = arith.cmpi slt, %jit3A_530, %sign3A_542 : i32
    %sign3A_544 = arith.extui %sign3A_543 : i1 to i32
    %sign3A_545 = arith.subi %sign3A_541, %sign3A_544 : i32
    %ne3A_546 = arith.cmpi ne, %sign3A_538, %sign3A_545 : i32
    %rem3A_547 = arith.remsi %add3A_529, %jit3A_530 : i32
    %ne3A_548 = arith.constant 0 : i32
    %ne3A_549 = arith.cmpi ne, %rem3A_547, %ne3A_548 : i32
    %and3A_550 = arith.andi %ne3A_546, %ne3A_549 : i1
    %sub3A_551 = arith.constant 1 : i32
    %sub3A_552 = arith.subi %div3A_531, %sub3A_551 : i32
    %select_n3A_553 = arith.select %and3A_550, %sub3A_552, %div3A_531 : i32
    %multiple_of3A_554 = tpu.assume_multiple %select_n3A_553, 8 : i32
    "tpu.region"() ({
      %run_scoped3A = tpu.sem_alloc : memref<!tpu.dma_semaphore, #tpu.memory_space<semaphore_mem>>
      %dma_start3A_851 = arith.constant 0 : i32
      %dma_start3A_852 = tpu.memref_slice %arg4[%multiple_of3A_554, %dma_start3A_851] : memref<102400x128xf32, #tpu.memory_space<hbm>> -> memref<160x128xf32, #tpu.memory_space<hbm>>
      %dma_start3A_853 = arith.constant 0 : i32
      %dma_start3A_854 = tpu.memref_slice %arg4[%multiple_of3A_554, %dma_start3A_853] : memref<102400x128xf32, #tpu.memory_space<hbm>> -> memref<160x128xf32, #tpu.memory_space<hbm>>
      tpu.enqueue_dma source(%arg8 : memref<160x128xf32, #tpu.memory_space<vmem>>) target(%dma_start3A_854 : memref<160x128xf32, #tpu.memory_space<hbm>>) target_semaphore(%run_scoped3A : memref<!tpu.dma_semaphore, #tpu.memory_space<semaphore_mem>>)
      %dma_wait3A_855 = arith.constant 0 : i32
      %dma_wait3A_856 = tpu.memref_slice %arg4[%multiple_of3A_554, %dma_wait3A_855] : memref<102400x128xf32, #tpu.memory_space<hbm>> -> memref<160x128xf32, #tpu.memory_space<hbm>>
      %dma_wait3A_857 = arith.constant 0 : i32
      %dma_wait3A_858 = tpu.memref_slice %arg4[%multiple_of3A_554, %dma_wait3A_857] : memref<102400x128xf32, #tpu.memory_space<hbm>> -> memref<160x128xf32, #tpu.memory_space<hbm>>
      tpu.wait_dma2 semaphore(%run_scoped3A : memref<!tpu.dma_semaphore, #tpu.memory_space<semaphore_mem>>) src(%arg8 : memref<160x128xf32, #tpu.memory_space<vmem>>) dst(%dma_wait3A_858 : memref<160x128xf32, #tpu.memory_space<hbm>>)
      tpu.yield
    }) : () -> ()
    %dma_start3A_555 = arith.constant 4480 : i32
    %dma_start3A_556 = tpu.memref_slice %arg5[%dma_start3A_555] : memref<6400xi32, #tpu.memory_space<vmem>> -> memref<320xi32, #tpu.memory_space<vmem>>
    %dma_start3A_557 = arith.constant 0 : i32
    %dma_start3A_558 = arith.constant 0 : i32
    %dma_start3A_559 = tpu.memref_slice %arg2[%dma_start3A_557, %dma_start3A_558] : memref<100000x128xf32, #tpu.memory_space<hbm>> -> memref<100000x128xf32, #tpu.memory_space<hbm>>
    tpu.enqueue_indirect_dma source(%dma_start3A_559 : memref<100000x128xf32, #tpu.memory_space<hbm>>) target(%arg6 : memref<320x128xf32, #tpu.memory_space<vmem>>) offsets(%dma_start3A_556 : memref<320xi32, #tpu.memory_space<vmem>>) semaphore(%arg9 : memref<!tpu.dma_semaphore, #tpu.memory_space<semaphore_mem>>)
    %dma_wait3A_560 = arith.constant 0 : i32
    %dma_wait3A_561 = arith.constant 0 : i32
    %dma_wait3A_562 = tpu.memref_slice %arg2[%dma_wait3A_560, %dma_wait3A_561] : memref<100000x128xf32, #tpu.memory_space<hbm>> -> memref<320x128xf32, #tpu.memory_space<hbm>>
    %dma_wait3A_563 = arith.constant 0 : i32
    %dma_wait3A_564 = arith.constant 0 : i32
    %dma_wait3A_565 = tpu.memref_slice %arg2[%dma_wait3A_563, %dma_wait3A_564] : memref<100000x128xf32, #tpu.memory_space<hbm>> -> memref<320x128xf32, #tpu.memory_space<hbm>>
    tpu.wait_dma2 semaphore(%arg10 : memref<!tpu.dma_semaphore, #tpu.memory_space<semaphore_mem>>) src(%dma_wait3A_565 : memref<320x128xf32, #tpu.memory_space<hbm>>) dst(%arg7 : memref<320x128xf32, #tpu.memory_space<vmem>>)
    %scan3A_566 = arith.constant 0 : i32
    %scan3A_567 = arith.constant 160 : i32
    %scan3A_568 = arith.addi %scan3A_566, %scan3A_567 : i32
    %scan3A_569 = arith.constant 1 : i32
    scf.for %scan3A_851 = %scan3A_566 to %scan3A_568 step %scan3A_569  : i32 {
      %mul3A_852 = arith.constant 1 : i32
      %mul3A_853 = arith.muli %scan3A_851, %mul3A_852 : i32
      %add3A_854 = arith.constant 0 : i32
      %add3A_855 = arith.addi %add3A_854, %mul3A_853 : i32
      %mul3A_856 = arith.constant 2 : i32
      %mul3A_857 = arith.muli %mul3A_856, %add3A_855 : i32
      %get3A = arith.index_cast %mul3A_857 : i32 to index
      %get3A_858 = arith.constant 0 : index
      %get3A_859 = tpu.vector_load %arg7[%get3A, %get3A_858] {strides = array<i32>} : memref<320x128xf32, #tpu.memory_space<vmem>>, vector<1x16xf32>,
      %get3A_860 = vector.shape_cast %get3A_859 : vector<1x16xf32> to vector<1x16xf32>
      %swap3A = arith.index_cast %add3A_855 : i32 to index
      %swap3A_861 = arith.constant 0 : index
      %swap3A_862 = tpu.vector_load %arg8[%swap3A, %swap3A_861] {strides = array<i32>} : memref<160x128xf32, #tpu.memory_space<vmem>>, vector<1x16xf32>,
      %swap3A_863 = vector.shape_cast %swap3A_862 : vector<1x16xf32> to vector<1x16xf32>
      %swap3A_864 = vector.shape_cast %get3A_860 : vector<1x16xf32> to vector<1x16xf32>
      tpu.vector_store %arg8[%swap3A, %swap3A_861], %swap3A_864 {strides = array<i32>} : memref<160x128xf32, #tpu.memory_space<vmem>>, vector<1x16xf32>,
      %mul3A_865 = arith.constant 2 : i32
      %mul3A_866 = arith.muli %mul3A_865, %add3A_855 : i32
      %add3A_867 = arith.constant 1 : i32
      %add3A_868 = arith.addi %mul3A_866, %add3A_867 : i32
      %get3A_869 = arith.index_cast %add3A_868 : i32 to index
      %get3A_870 = arith.constant 0 : index
      %get3A_871 = tpu.vector_load %arg7[%get3A_869, %get3A_870] {strides = array<i32>} : memref<320x128xf32, #tpu.memory_space<vmem>>, vector<1x16xf32>,
      %get3A_872 = vector.shape_cast %get3A_871 : vector<1x16xf32> to vector<1x16xf32>
      %swap3A_873 = arith.index_cast %add3A_855 : i32 to index
      %swap3A_874 = arith.constant 64 : index
      %swap3A_875 = tpu.vector_load %arg8[%swap3A_873, %swap3A_874] {strides = array<i32>} : memref<160x128xf32, #tpu.memory_space<vmem>>, vector<1x16xf32>,
      %swap3A_876 = vector.shape_cast %swap3A_875 : vector<1x16xf32> to vector<1x16xf32>
      %swap3A_877 = vector.shape_cast %get3A_872 : vector<1x16xf32> to vector<1x16xf32>
      tpu.vector_store %arg8[%swap3A_873, %swap3A_874], %swap3A_877 {strides = array<i32>} : memref<160x128xf32, #tpu.memory_space<vmem>>, vector<1x16xf32>,
      %mul3A_878 = arith.constant 2 : i32
      %mul3A_879 = arith.muli %mul3A_878, %add3A_855 : i32
      %get3A_880 = arith.index_cast %mul3A_879 : i32 to index
      %get3A_881 = arith.constant 16 : index
      %get3A_882 = tpu.vector_load %arg7[%get3A_880, %get3A_881] {strides = array<i32>} : memref<320x128xf32, #tpu.memory_space<vmem>>, vector<1x16xf32>,
      %get3A_883 = vector.shape_cast %get3A_882 : vector<1x16xf32> to vector<1x16xf32>
      %swap3A_884 = arith.index_cast %add3A_855 : i32 to index
      %swap3A_885 = arith.constant 16 : index
      %swap3A_886 = tpu.vector_load %arg8[%swap3A_884, %swap3A_885] {strides = array<i32>} : memref<160x128xf32, #tpu.memory_space<vmem>>, vector<1x16xf32>,
      %swap3A_887 = vector.shape_cast %swap3A_886 : vector<1x16xf32> to vector<1x16xf32>
      %swap3A_888 = vector.shape_cast %get3A_883 : vector<1x16xf32> to vector<1x16xf32>
      tpu.vector_store %arg8[%swap3A_884, %swap3A_885], %swap3A_888 {strides = array<i32>} : memref<160x128xf32, #tpu.memory_space<vmem>>, vector<1x16xf32>,
      %mul3A_889 = arith.constant 2 : i32
      %mul3A_890 = arith.muli %mul3A_889, %add3A_855 : i32
      %add3A_891 = arith.constant 1 : i32
      %add3A_892 = arith.addi %mul3A_890, %add3A_891 : i32
      %get3A_893 = arith.index_cast %add3A_892 : i32 to index
      %get3A_894 = arith.constant 16 : index
      %get3A_895 = tpu.vector_load %arg7[%get3A_893, %get3A_894] {strides = array<i32>} : memref<320x128xf32, #tpu.memory_space<vmem>>, vector<1x16xf32>,
      %get3A_896 = vector.shape_cast %get3A_895 : vector<1x16xf32> to vector<1x16xf32>
      %swap3A_897 = arith.index_cast %add3A_855 : i32 to index
      %swap3A_898 = arith.constant 80 : index
      %swap3A_899 = tpu.vector_load %arg8[%swap3A_897, %swap3A_898] {strides = array<i32>} : memref<160x128xf32, #tpu.memory_space<vmem>>, vector<1x16xf32>,
      %swap3A_900 = vector.shape_cast %swap3A_899 : vector<1x16xf32> to vector<1x16xf32>
      %swap3A_901 = vector.shape_cast %get3A_896 : vector<1x16xf32> to vector<1x16xf32>
      tpu.vector_store %arg8[%swap3A_897, %swap3A_898], %swap3A_901 {strides = array<i32>} : memref<160x128xf32, #tpu.memory_space<vmem>>, vector<1x16xf32>,
      %mul3A_902 = arith.constant 2 : i32
      %mul3A_903 = arith.muli %mul3A_902, %add3A_855 : i32
      %get3A_904 = arith.index_cast %mul3A_903 : i32 to index
      %get3A_905 = arith.constant 32 : index
      %get3A_906 = tpu.vector_load %arg7[%get3A_904, %get3A_905] {strides = array<i32>} : memref<320x128xf32, #tpu.memory_space<vmem>>, vector<1x16xf32>,
      %get3A_907 = vector.shape_cast %get3A_906 : vector<1x16xf32> to vector<1x16xf32>
      %swap3A_908 = arith.index_cast %add3A_855 : i32 to index
      %swap3A_909 = arith.constant 32 : index
      %swap3A_910 = tpu.vector_load %arg8[%swap3A_908, %swap3A_909] {strides = array<i32>} : memref<160x128xf32, #tpu.memory_space<vmem>>, vector<1x16xf32>,
      %swap3A_911 = vector.shape_cast %swap3A_910 : vector<1x16xf32> to vector<1x16xf32>
      %swap3A_912 = vector.shape_cast %get3A_907 : vector<1x16xf32> to vector<1x16xf32>
      tpu.vector_store %arg8[%swap3A_908, %swap3A_909], %swap3A_912 {strides = array<i32>} : memref<160x128xf32, #tpu.memory_space<vmem>>, vector<1x16xf32>,
      %mul3A_913 = arith.constant 2 : i32
      %mul3A_914 = arith.muli %mul3A_913, %add3A_855 : i32
      %add3A_915 = arith.constant 1 : i32
      %add3A_916 = arith.addi %mul3A_914, %add3A_915 : i32
      %get3A_917 = arith.index_cast %add3A_916 : i32 to index
      %get3A_918 = arith.constant 32 : index
      %get3A_919 = tpu.vector_load %arg7[%get3A_917, %get3A_918] {strides = array<i32>} : memref<320x128xf32, #tpu.memory_space<vmem>>, vector<1x16xf32>,
      %get3A_920 = vector.shape_cast %get3A_919 : vector<1x16xf32> to vector<1x16xf32>
      %swap3A_921 = arith.index_cast %add3A_855 : i32 to index
      %swap3A_922 = arith.constant 96 : index
      %swap3A_923 = tpu.vector_load %arg8[%swap3A_921, %swap3A_922] {strides = array<i32>} : memref<160x128xf32, #tpu.memory_space<vmem>>, vector<1x16xf32>,
      %swap3A_924 = vector.shape_cast %swap3A_923 : vector<1x16xf32> to vector<1x16xf32>
      %swap3A_925 = vector.shape_cast %get3A_920 : vector<1x16xf32> to vector<1x16xf32>
      tpu.vector_store %arg8[%swap3A_921, %swap3A_922], %swap3A_925 {strides = array<i32>} : memref<160x128xf32, #tpu.memory_space<vmem>>, vector<1x16xf32>,
      %mul3A_926 = arith.constant 2 : i32
      %mul3A_927 = arith.muli %mul3A_926, %add3A_855 : i32
      %get3A_928 = arith.index_cast %mul3A_927 : i32 to index
      %get3A_929 = arith.constant 48 : index
      %get3A_930 = tpu.vector_load %arg7[%get3A_928, %get3A_929] {strides = array<i32>} : memref<320x128xf32, #tpu.memory_space<vmem>>, vector<1x16xf32>,
      %get3A_931 = vector.shape_cast %get3A_930 : vector<1x16xf32> to vector<1x16xf32>
      %swap3A_932 = arith.index_cast %add3A_855 : i32 to index
      %swap3A_933 = arith.constant 48 : index
      %swap3A_934 = tpu.vector_load %arg8[%swap3A_932, %swap3A_933] {strides = array<i32>} : memref<160x128xf32, #tpu.memory_space<vmem>>, vector<1x16xf32>,
      %swap3A_935 = vector.shape_cast %swap3A_934 : vector<1x16xf32> to vector<1x16xf32>
      %swap3A_936 = vector.shape_cast %get3A_931 : vector<1x16xf32> to vector<1x16xf32>
      tpu.vector_store %arg8[%swap3A_932, %swap3A_933], %swap3A_936 {strides = array<i32>} : memref<160x128xf32, #tpu.memory_space<vmem>>, vector<1x16xf32>,
      %mul3A_937 = arith.constant 2 : i32
      %mul3A_938 = arith.muli %mul3A_937, %add3A_855 : i32
      %add3A_939 = arith.constant 1 : i32
      %add3A_940 = arith.addi %mul3A_938, %add3A_939 : i32
      %get3A_941 = arith.index_cast %add3A_940 : i32 to index
      %get3A_942 = arith.constant 48 : index
      %get3A_943 = tpu.vector_load %arg7[%get3A_941, %get3A_942] {strides = array<i32>} : memref<320x128xf32, #tpu.memory_space<vmem>>, vector<1x16xf32>,
      %get3A_944 = vector.shape_cast %get3A_943 : vector<1x16xf32> to vector<1x16xf32>
      %swap3A_945 = arith.index_cast %add3A_855 : i32 to index
      %swap3A_946 = arith.constant 112 : index
      %swap3A_947 = tpu.vector_load %arg8[%swap3A_945, %swap3A_946] {strides = array<i32>} : memref<160x128xf32, #tpu.memory_space<vmem>>, vector<1x16xf32>,
      %swap3A_948 = vector.shape_cast %swap3A_947 : vector<1x16xf32> to vector<1x16xf32>
      %swap3A_949 = vector.shape_cast %get3A_944 : vector<1x16xf32> to vector<1x16xf32>
      tpu.vector_store %arg8[%swap3A_945, %swap3A_946], %swap3A_949 {strides = array<i32>} : memref<160x128xf32, #tpu.memory_space<vmem>>, vector<1x16xf32>,
    }
    %scan3A_570 = arith.constant 160 : i32
    %add3A_571 = arith.constant 4160 : i32
    %add3A_572 = arith.addi %mul3A_2, %add3A_571 : i32
    %jit3A_573 = arith.constant 2 : i32
    %div3A_574 = arith.divsi %add3A_572, %jit3A_573 : i32
    %sign3A_575 = arith.constant 0 : i32
    %sign3A_576 = arith.cmpi sgt, %add3A_572, %sign3A_575 : i32
    %sign3A_577 = arith.extui %sign3A_576 : i1 to i32
    %sign3A_578 = arith.constant 0 : i32
    %sign3A_579 = arith.cmpi slt, %add3A_572, %sign3A_578 : i32
    %sign3A_580 = arith.extui %sign3A_579 : i1 to i32
    %sign3A_581 = arith.subi %sign3A_577, %sign3A_580 : i32
    %sign3A_582 = arith.constant 0 : i32
    %sign3A_583 = arith.cmpi sgt, %jit3A_573, %sign3A_582 : i32
    %sign3A_584 = arith.extui %sign3A_583 : i1 to i32
    %sign3A_585 = arith.constant 0 : i32
    %sign3A_586 = arith.cmpi slt, %jit3A_573, %sign3A_585 : i32
    %sign3A_587 = arith.extui %sign3A_586 : i1 to i32
    %sign3A_588 = arith.subi %sign3A_584, %sign3A_587 : i32
    %ne3A_589 = arith.cmpi ne, %sign3A_581, %sign3A_588 : i32
    %rem3A_590 = arith.remsi %add3A_572, %jit3A_573 : i32
    %ne3A_591 = arith.constant 0 : i32
    %ne3A_592 = arith.cmpi ne, %rem3A_590, %ne3A_591 : i32
    %and3A_593 = arith.andi %ne3A_589, %ne3A_592 : i1
    %sub3A_594 = arith.constant 1 : i32
    %sub3A_595 = arith.subi %div3A_574, %sub3A_594 : i32
    %select_n3A_596 = arith.select %and3A_593, %sub3A_595, %div3A_574 : i32
    %multiple_of3A_597 = tpu.assume_multiple %select_n3A_596, 8 : i32
    "tpu.region"() ({
      %run_scoped3A = tpu.sem_alloc : memref<!tpu.dma_semaphore, #tpu.memory_space<semaphore_mem>>
      %dma_start3A_851 = arith.constant 0 : i32
      %dma_start3A_852 = tpu.memref_slice %arg4[%multiple_of3A_597, %dma_start3A_851] : memref<102400x128xf32, #tpu.memory_space<hbm>> -> memref<160x128xf32, #tpu.memory_space<hbm>>
      %dma_start3A_853 = arith.constant 0 : i32
      %dma_start3A_854 = tpu.memref_slice %arg4[%multiple_of3A_597, %dma_start3A_853] : memref<102400x128xf32, #tpu.memory_space<hbm>> -> memref<160x128xf32, #tpu.memory_space<hbm>>
      tpu.enqueue_dma source(%arg8 : memref<160x128xf32, #tpu.memory_space<vmem>>) target(%dma_start3A_854 : memref<160x128xf32, #tpu.memory_space<hbm>>) target_semaphore(%run_scoped3A : memref<!tpu.dma_semaphore, #tpu.memory_space<semaphore_mem>>)
      %dma_wait3A_855 = arith.constant 0 : i32
      %dma_wait3A_856 = tpu.memref_slice %arg4[%multiple_of3A_597, %dma_wait3A_855] : memref<102400x128xf32, #tpu.memory_space<hbm>> -> memref<160x128xf32, #tpu.memory_space<hbm>>
      %dma_wait3A_857 = arith.constant 0 : i32
      %dma_wait3A_858 = tpu.memref_slice %arg4[%multiple_of3A_597, %dma_wait3A_857] : memref<102400x128xf32, #tpu.memory_space<hbm>> -> memref<160x128xf32, #tpu.memory_space<hbm>>
      tpu.wait_dma2 semaphore(%run_scoped3A : memref<!tpu.dma_semaphore, #tpu.memory_space<semaphore_mem>>) src(%arg8 : memref<160x128xf32, #tpu.memory_space<vmem>>) dst(%dma_wait3A_858 : memref<160x128xf32, #tpu.memory_space<hbm>>)
      tpu.yield
    }) : () -> ()
    %dma_start3A_598 = arith.constant 4800 : i32
    %dma_start3A_599 = tpu.memref_slice %arg5[%dma_start3A_598] : memref<6400xi32, #tpu.memory_space<vmem>> -> memref<320xi32, #tpu.memory_space<vmem>>
    %dma_start3A_600 = arith.constant 0 : i32
    %dma_start3A_601 = arith.constant 0 : i32
    %dma_start3A_602 = tpu.memref_slice %arg2[%dma_start3A_600, %dma_start3A_601] : memref<100000x128xf32, #tpu.memory_space<hbm>> -> memref<100000x128xf32, #tpu.memory_space<hbm>>
    tpu.enqueue_indirect_dma source(%dma_start3A_602 : memref<100000x128xf32, #tpu.memory_space<hbm>>) target(%arg7 : memref<320x128xf32, #tpu.memory_space<vmem>>) offsets(%dma_start3A_599 : memref<320xi32, #tpu.memory_space<vmem>>) semaphore(%arg10 : memref<!tpu.dma_semaphore, #tpu.memory_space<semaphore_mem>>)
    %dma_wait3A_603 = arith.constant 0 : i32
    %dma_wait3A_604 = arith.constant 0 : i32
    %dma_wait3A_605 = tpu.memref_slice %arg2[%dma_wait3A_603, %dma_wait3A_604] : memref<100000x128xf32, #tpu.memory_space<hbm>> -> memref<320x128xf32, #tpu.memory_space<hbm>>
    %dma_wait3A_606 = arith.constant 0 : i32
    %dma_wait3A_607 = arith.constant 0 : i32
    %dma_wait3A_608 = tpu.memref_slice %arg2[%dma_wait3A_606, %dma_wait3A_607] : memref<100000x128xf32, #tpu.memory_space<hbm>> -> memref<320x128xf32, #tpu.memory_space<hbm>>
    tpu.wait_dma2 semaphore(%arg9 : memref<!tpu.dma_semaphore, #tpu.memory_space<semaphore_mem>>) src(%dma_wait3A_608 : memref<320x128xf32, #tpu.memory_space<hbm>>) dst(%arg6 : memref<320x128xf32, #tpu.memory_space<vmem>>)
    %scan3A_609 = arith.constant 0 : i32
    %scan3A_610 = arith.constant 160 : i32
    %scan3A_611 = arith.addi %scan3A_609, %scan3A_610 : i32
    %scan3A_612 = arith.constant 1 : i32
    scf.for %scan3A_851 = %scan3A_609 to %scan3A_611 step %scan3A_612  : i32 {
      %mul3A_852 = arith.constant 1 : i32
      %mul3A_853 = arith.muli %scan3A_851, %mul3A_852 : i32
      %add3A_854 = arith.constant 0 : i32
      %add3A_855 = arith.addi %add3A_854, %mul3A_853 : i32
      %mul3A_856 = arith.constant 2 : i32
      %mul3A_857 = arith.muli %mul3A_856, %add3A_855 : i32
      %get3A = arith.index_cast %mul3A_857 : i32 to index
      %get3A_858 = arith.constant 0 : index
      %get3A_859 = tpu.vector_load %arg6[%get3A, %get3A_858] {strides = array<i32>} : memref<320x128xf32, #tpu.memory_space<vmem>>, vector<1x16xf32>,
      %get3A_860 = vector.shape_cast %get3A_859 : vector<1x16xf32> to vector<1x16xf32>
      %swap3A = arith.index_cast %add3A_855 : i32 to index
      %swap3A_861 = arith.constant 0 : index
      %swap3A_862 = tpu.vector_load %arg8[%swap3A, %swap3A_861] {strides = array<i32>} : memref<160x128xf32, #tpu.memory_space<vmem>>, vector<1x16xf32>,
      %swap3A_863 = vector.shape_cast %swap3A_862 : vector<1x16xf32> to vector<1x16xf32>
      %swap3A_864 = vector.shape_cast %get3A_860 : vector<1x16xf32> to vector<1x16xf32>
      tpu.vector_store %arg8[%swap3A, %swap3A_861], %swap3A_864 {strides = array<i32>} : memref<160x128xf32, #tpu.memory_space<vmem>>, vector<1x16xf32>,
      %mul3A_865 = arith.constant 2 : i32
      %mul3A_866 = arith.muli %mul3A_865, %add3A_855 : i32
      %add3A_867 = arith.constant 1 : i32
      %add3A_868 = arith.addi %mul3A_866, %add3A_867 : i32
      %get3A_869 = arith.index_cast %add3A_868 : i32 to index
      %get3A_870 = arith.constant 0 : index
      %get3A_871 = tpu.vector_load %arg6[%get3A_869, %get3A_870] {strides = array<i32>} : memref<320x128xf32, #tpu.memory_space<vmem>>, vector<1x16xf32>,
      %get3A_872 = vector.shape_cast %get3A_871 : vector<1x16xf32> to vector<1x16xf32>
      %swap3A_873 = arith.index_cast %add3A_855 : i32 to index
      %swap3A_874 = arith.constant 64 : index
      %swap3A_875 = tpu.vector_load %arg8[%swap3A_873, %swap3A_874] {strides = array<i32>} : memref<160x128xf32, #tpu.memory_space<vmem>>, vector<1x16xf32>,
      %swap3A_876 = vector.shape_cast %swap3A_875 : vector<1x16xf32> to vector<1x16xf32>
      %swap3A_877 = vector.shape_cast %get3A_872 : vector<1x16xf32> to vector<1x16xf32>
      tpu.vector_store %arg8[%swap3A_873, %swap3A_874], %swap3A_877 {strides = array<i32>} : memref<160x128xf32, #tpu.memory_space<vmem>>, vector<1x16xf32>,
      %mul3A_878 = arith.constant 2 : i32
      %mul3A_879 = arith.muli %mul3A_878, %add3A_855 : i32
      %get3A_880 = arith.index_cast %mul3A_879 : i32 to index
      %get3A_881 = arith.constant 16 : index
      %get3A_882 = tpu.vector_load %arg6[%get3A_880, %get3A_881] {strides = array<i32>} : memref<320x128xf32, #tpu.memory_space<vmem>>, vector<1x16xf32>,
      %get3A_883 = vector.shape_cast %get3A_882 : vector<1x16xf32> to vector<1x16xf32>
      %swap3A_884 = arith.index_cast %add3A_855 : i32 to index
      %swap3A_885 = arith.constant 16 : index
      %swap3A_886 = tpu.vector_load %arg8[%swap3A_884, %swap3A_885] {strides = array<i32>} : memref<160x128xf32, #tpu.memory_space<vmem>>, vector<1x16xf32>,
      %swap3A_887 = vector.shape_cast %swap3A_886 : vector<1x16xf32> to vector<1x16xf32>
      %swap3A_888 = vector.shape_cast %get3A_883 : vector<1x16xf32> to vector<1x16xf32>
      tpu.vector_store %arg8[%swap3A_884, %swap3A_885], %swap3A_888 {strides = array<i32>} : memref<160x128xf32, #tpu.memory_space<vmem>>, vector<1x16xf32>,
      %mul3A_889 = arith.constant 2 : i32
      %mul3A_890 = arith.muli %mul3A_889, %add3A_855 : i32
      %add3A_891 = arith.constant 1 : i32
      %add3A_892 = arith.addi %mul3A_890, %add3A_891 : i32
      %get3A_893 = arith.index_cast %add3A_892 : i32 to index
      %get3A_894 = arith.constant 16 : index
      %get3A_895 = tpu.vector_load %arg6[%get3A_893, %get3A_894] {strides = array<i32>} : memref<320x128xf32, #tpu.memory_space<vmem>>, vector<1x16xf32>,
      %get3A_896 = vector.shape_cast %get3A_895 : vector<1x16xf32> to vector<1x16xf32>
      %swap3A_897 = arith.index_cast %add3A_855 : i32 to index
      %swap3A_898 = arith.constant 80 : index
      %swap3A_899 = tpu.vector_load %arg8[%swap3A_897, %swap3A_898] {strides = array<i32>} : memref<160x128xf32, #tpu.memory_space<vmem>>, vector<1x16xf32>,
      %swap3A_900 = vector.shape_cast %swap3A_899 : vector<1x16xf32> to vector<1x16xf32>
      %swap3A_901 = vector.shape_cast %get3A_896 : vector<1x16xf32> to vector<1x16xf32>
      tpu.vector_store %arg8[%swap3A_897, %swap3A_898], %swap3A_901 {strides = array<i32>} : memref<160x128xf32, #tpu.memory_space<vmem>>, vector<1x16xf32>,
      %mul3A_902 = arith.constant 2 : i32
      %mul3A_903 = arith.muli %mul3A_902, %add3A_855 : i32
      %get3A_904 = arith.index_cast %mul3A_903 : i32 to index
      %get3A_905 = arith.constant 32 : index
      %get3A_906 = tpu.vector_load %arg6[%get3A_904, %get3A_905] {strides = array<i32>} : memref<320x128xf32, #tpu.memory_space<vmem>>, vector<1x16xf32>,
      %get3A_907 = vector.shape_cast %get3A_906 : vector<1x16xf32> to vector<1x16xf32>
      %swap3A_908 = arith.index_cast %add3A_855 : i32 to index
      %swap3A_909 = arith.constant 32 : index
      %swap3A_910 = tpu.vector_load %arg8[%swap3A_908, %swap3A_909] {strides = array<i32>} : memref<160x128xf32, #tpu.memory_space<vmem>>, vector<1x16xf32>,
      %swap3A_911 = vector.shape_cast %swap3A_910 : vector<1x16xf32> to vector<1x16xf32>
      %swap3A_912 = vector.shape_cast %get3A_907 : vector<1x16xf32> to vector<1x16xf32>
      tpu.vector_store %arg8[%swap3A_908, %swap3A_909], %swap3A_912 {strides = array<i32>} : memref<160x128xf32, #tpu.memory_space<vmem>>, vector<1x16xf32>,
      %mul3A_913 = arith.constant 2 : i32
      %mul3A_914 = arith.muli %mul3A_913, %add3A_855 : i32
      %add3A_915 = arith.constant 1 : i32
      %add3A_916 = arith.addi %mul3A_914, %add3A_915 : i32
      %get3A_917 = arith.index_cast %add3A_916 : i32 to index
      %get3A_918 = arith.constant 32 : index
      %get3A_919 = tpu.vector_load %arg6[%get3A_917, %get3A_918] {strides = array<i32>} : memref<320x128xf32, #tpu.memory_space<vmem>>, vector<1x16xf32>,
      %get3A_920 = vector.shape_cast %get3A_919 : vector<1x16xf32> to vector<1x16xf32>
      %swap3A_921 = arith.index_cast %add3A_855 : i32 to index
      %swap3A_922 = arith.constant 96 : index
      %swap3A_923 = tpu.vector_load %arg8[%swap3A_921, %swap3A_922] {strides = array<i32>} : memref<160x128xf32, #tpu.memory_space<vmem>>, vector<1x16xf32>,
      %swap3A_924 = vector.shape_cast %swap3A_923 : vector<1x16xf32> to vector<1x16xf32>
      %swap3A_925 = vector.shape_cast %get3A_920 : vector<1x16xf32> to vector<1x16xf32>
      tpu.vector_store %arg8[%swap3A_921, %swap3A_922], %swap3A_925 {strides = array<i32>} : memref<160x128xf32, #tpu.memory_space<vmem>>, vector<1x16xf32>,
      %mul3A_926 = arith.constant 2 : i32
      %mul3A_927 = arith.muli %mul3A_926, %add3A_855 : i32
      %get3A_928 = arith.index_cast %mul3A_927 : i32 to index
      %get3A_929 = arith.constant 48 : index
      %get3A_930 = tpu.vector_load %arg6[%get3A_928, %get3A_929] {strides = array<i32>} : memref<320x128xf32, #tpu.memory_space<vmem>>, vector<1x16xf32>,
      %get3A_931 = vector.shape_cast %get3A_930 : vector<1x16xf32> to vector<1x16xf32>
      %swap3A_932 = arith.index_cast %add3A_855 : i32 to index
      %swap3A_933 = arith.constant 48 : index
      %swap3A_934 = tpu.vector_load %arg8[%swap3A_932, %swap3A_933] {strides = array<i32>} : memref<160x128xf32, #tpu.memory_space<vmem>>, vector<1x16xf32>,
      %swap3A_935 = vector.shape_cast %swap3A_934 : vector<1x16xf32> to vector<1x16xf32>
      %swap3A_936 = vector.shape_cast %get3A_931 : vector<1x16xf32> to vector<1x16xf32>
      tpu.vector_store %arg8[%swap3A_932, %swap3A_933], %swap3A_936 {strides = array<i32>} : memref<160x128xf32, #tpu.memory_space<vmem>>, vector<1x16xf32>,
      %mul3A_937 = arith.constant 2 : i32
      %mul3A_938 = arith.muli %mul3A_937, %add3A_855 : i32
      %add3A_939 = arith.constant 1 : i32
      %add3A_940 = arith.addi %mul3A_938, %add3A_939 : i32
      %get3A_941 = arith.index_cast %add3A_940 : i32 to index
      %get3A_942 = arith.constant 48 : index
      %get3A_943 = tpu.vector_load %arg6[%get3A_941, %get3A_942] {strides = array<i32>} : memref<320x128xf32, #tpu.memory_space<vmem>>, vector<1x16xf32>,
      %get3A_944 = vector.shape_cast %get3A_943 : vector<1x16xf32> to vector<1x16xf32>
      %swap3A_945 = arith.index_cast %add3A_855 : i32 to index
      %swap3A_946 = arith.constant 112 : index
      %swap3A_947 = tpu.vector_load %arg8[%swap3A_945, %swap3A_946] {strides = array<i32>} : memref<160x128xf32, #tpu.memory_space<vmem>>, vector<1x16xf32>,
      %swap3A_948 = vector.shape_cast %swap3A_947 : vector<1x16xf32> to vector<1x16xf32>
      %swap3A_949 = vector.shape_cast %get3A_944 : vector<1x16xf32> to vector<1x16xf32>
      tpu.vector_store %arg8[%swap3A_945, %swap3A_946], %swap3A_949 {strides = array<i32>} : memref<160x128xf32, #tpu.memory_space<vmem>>, vector<1x16xf32>,
    }
    %scan3A_613 = arith.constant 160 : i32
    %add3A_614 = arith.constant 4480 : i32
    %add3A_615 = arith.addi %mul3A_2, %add3A_614 : i32
    %jit3A_616 = arith.constant 2 : i32
    %div3A_617 = arith.divsi %add3A_615, %jit3A_616 : i32
    %sign3A_618 = arith.constant 0 : i32
    %sign3A_619 = arith.cmpi sgt, %add3A_615, %sign3A_618 : i32
    %sign3A_620 = arith.extui %sign3A_619 : i1 to i32
    %sign3A_621 = arith.constant 0 : i32
    %sign3A_622 = arith.cmpi slt, %add3A_615, %sign3A_621 : i32
    %sign3A_623 = arith.extui %sign3A_622 : i1 to i32
    %sign3A_624 = arith.subi %sign3A_620, %sign3A_623 : i32
    %sign3A_625 = arith.constant 0 : i32
    %sign3A_626 = arith.cmpi sgt, %jit3A_616, %sign3A_625 : i32
    %sign3A_627 = arith.extui %sign3A_626 : i1 to i32
    %sign3A_628 = arith.constant 0 : i32
    %sign3A_629 = arith.cmpi slt, %jit3A_616, %sign3A_628 : i32
    %sign3A_630 = arith.extui %sign3A_629 : i1 to i32
    %sign3A_631 = arith.subi %sign3A_627, %sign3A_630 : i32
    %ne3A_632 = arith.cmpi ne, %sign3A_624, %sign3A_631 : i32
    %rem3A_633 = arith.remsi %add3A_615, %jit3A_616 : i32
    %ne3A_634 = arith.constant 0 : i32
    %ne3A_635 = arith.cmpi ne, %rem3A_633, %ne3A_634 : i32
    %and3A_636 = arith.andi %ne3A_632, %ne3A_635 : i1
    %sub3A_637 = arith.constant 1 : i32
    %sub3A_638 = arith.subi %div3A_617, %sub3A_637 : i32
    %select_n3A_639 = arith.select %and3A_636, %sub3A_638, %div3A_617 : i32
    %multiple_of3A_640 = tpu.assume_multiple %select_n3A_639, 8 : i32
    "tpu.region"() ({
      %run_scoped3A = tpu.sem_alloc : memref<!tpu.dma_semaphore, #tpu.memory_space<semaphore_mem>>
      %dma_start3A_851 = arith.constant 0 : i32
      %dma_start3A_852 = tpu.memref_slice %arg4[%multiple_of3A_640, %dma_start3A_851] : memref<102400x128xf32, #tpu.memory_space<hbm>> -> memref<160x128xf32, #tpu.memory_space<hbm>>
      %dma_start3A_853 = arith.constant 0 : i32
      %dma_start3A_854 = tpu.memref_slice %arg4[%multiple_of3A_640, %dma_start3A_853] : memref<102400x128xf32, #tpu.memory_space<hbm>> -> memref<160x128xf32, #tpu.memory_space<hbm>>
      tpu.enqueue_dma source(%arg8 : memref<160x128xf32, #tpu.memory_space<vmem>>) target(%dma_start3A_854 : memref<160x128xf32, #tpu.memory_space<hbm>>) target_semaphore(%run_scoped3A : memref<!tpu.dma_semaphore, #tpu.memory_space<semaphore_mem>>)
      %dma_wait3A_855 = arith.constant 0 : i32
      %dma_wait3A_856 = tpu.memref_slice %arg4[%multiple_of3A_640, %dma_wait3A_855] : memref<102400x128xf32, #tpu.memory_space<hbm>> -> memref<160x128xf32, #tpu.memory_space<hbm>>
      %dma_wait3A_857 = arith.constant 0 : i32
      %dma_wait3A_858 = tpu.memref_slice %arg4[%multiple_of3A_640, %dma_wait3A_857] : memref<102400x128xf32, #tpu.memory_space<hbm>> -> memref<160x128xf32, #tpu.memory_space<hbm>>
      tpu.wait_dma2 semaphore(%run_scoped3A : memref<!tpu.dma_semaphore, #tpu.memory_space<semaphore_mem>>) src(%arg8 : memref<160x128xf32, #tpu.memory_space<vmem>>) dst(%dma_wait3A_858 : memref<160x128xf32, #tpu.memory_space<hbm>>)
      tpu.yield
    }) : () -> ()
    %dma_start3A_641 = arith.constant 5120 : i32
    %dma_start3A_642 = tpu.memref_slice %arg5[%dma_start3A_641] : memref<6400xi32, #tpu.memory_space<vmem>> -> memref<320xi32, #tpu.memory_space<vmem>>
    %dma_start3A_643 = arith.constant 0 : i32
    %dma_start3A_644 = arith.constant 0 : i32
    %dma_start3A_645 = tpu.memref_slice %arg2[%dma_start3A_643, %dma_start3A_644] : memref<100000x128xf32, #tpu.memory_space<hbm>> -> memref<100000x128xf32, #tpu.memory_space<hbm>>
    tpu.enqueue_indirect_dma source(%dma_start3A_645 : memref<100000x128xf32, #tpu.memory_space<hbm>>) target(%arg6 : memref<320x128xf32, #tpu.memory_space<vmem>>) offsets(%dma_start3A_642 : memref<320xi32, #tpu.memory_space<vmem>>) semaphore(%arg9 : memref<!tpu.dma_semaphore, #tpu.memory_space<semaphore_mem>>)
    %dma_wait3A_646 = arith.constant 0 : i32
    %dma_wait3A_647 = arith.constant 0 : i32
    %dma_wait3A_648 = tpu.memref_slice %arg2[%dma_wait3A_646, %dma_wait3A_647] : memref<100000x128xf32, #tpu.memory_space<hbm>> -> memref<320x128xf32, #tpu.memory_space<hbm>>
    %dma_wait3A_649 = arith.constant 0 : i32
    %dma_wait3A_650 = arith.constant 0 : i32
    %dma_wait3A_651 = tpu.memref_slice %arg2[%dma_wait3A_649, %dma_wait3A_650] : memref<100000x128xf32, #tpu.memory_space<hbm>> -> memref<320x128xf32, #tpu.memory_space<hbm>>
    tpu.wait_dma2 semaphore(%arg10 : memref<!tpu.dma_semaphore, #tpu.memory_space<semaphore_mem>>) src(%dma_wait3A_651 : memref<320x128xf32, #tpu.memory_space<hbm>>) dst(%arg7 : memref<320x128xf32, #tpu.memory_space<vmem>>)
    %scan3A_652 = arith.constant 0 : i32
    %scan3A_653 = arith.constant 160 : i32
    %scan3A_654 = arith.addi %scan3A_652, %scan3A_653 : i32
    %scan3A_655 = arith.constant 1 : i32
    scf.for %scan3A_851 = %scan3A_652 to %scan3A_654 step %scan3A_655  : i32 {
      %mul3A_852 = arith.constant 1 : i32
      %mul3A_853 = arith.muli %scan3A_851, %mul3A_852 : i32
      %add3A_854 = arith.constant 0 : i32
      %add3A_855 = arith.addi %add3A_854, %mul3A_853 : i32
      %mul3A_856 = arith.constant 2 : i32
      %mul3A_857 = arith.muli %mul3A_856, %add3A_855 : i32
      %get3A = arith.index_cast %mul3A_857 : i32 to index
      %get3A_858 = arith.constant 0 : index
      %get3A_859 = tpu.vector_load %arg7[%get3A, %get3A_858] {strides = array<i32>} : memref<320x128xf32, #tpu.memory_space<vmem>>, vector<1x16xf32>,
      %get3A_860 = vector.shape_cast %get3A_859 : vector<1x16xf32> to vector<1x16xf32>
      %swap3A = arith.index_cast %add3A_855 : i32 to index
      %swap3A_861 = arith.constant 0 : index
      %swap3A_862 = tpu.vector_load %arg8[%swap3A, %swap3A_861] {strides = array<i32>} : memref<160x128xf32, #tpu.memory_space<vmem>>, vector<1x16xf32>,
      %swap3A_863 = vector.shape_cast %swap3A_862 : vector<1x16xf32> to vector<1x16xf32>
      %swap3A_864 = vector.shape_cast %get3A_860 : vector<1x16xf32> to vector<1x16xf32>
      tpu.vector_store %arg8[%swap3A, %swap3A_861], %swap3A_864 {strides = array<i32>} : memref<160x128xf32, #tpu.memory_space<vmem>>, vector<1x16xf32>,
      %mul3A_865 = arith.constant 2 : i32
      %mul3A_866 = arith.muli %mul3A_865, %add3A_855 : i32
      %add3A_867 = arith.constant 1 : i32
      %add3A_868 = arith.addi %mul3A_866, %add3A_867 : i32
      %get3A_869 = arith.index_cast %add3A_868 : i32 to index
      %get3A_870 = arith.constant 0 : index
      %get3A_871 = tpu.vector_load %arg7[%get3A_869, %get3A_870] {strides = array<i32>} : memref<320x128xf32, #tpu.memory_space<vmem>>, vector<1x16xf32>,
      %get3A_872 = vector.shape_cast %get3A_871 : vector<1x16xf32> to vector<1x16xf32>
      %swap3A_873 = arith.index_cast %add3A_855 : i32 to index
      %swap3A_874 = arith.constant 64 : index
      %swap3A_875 = tpu.vector_load %arg8[%swap3A_873, %swap3A_874] {strides = array<i32>} : memref<160x128xf32, #tpu.memory_space<vmem>>, vector<1x16xf32>,
      %swap3A_876 = vector.shape_cast %swap3A_875 : vector<1x16xf32> to vector<1x16xf32>
      %swap3A_877 = vector.shape_cast %get3A_872 : vector<1x16xf32> to vector<1x16xf32>
      tpu.vector_store %arg8[%swap3A_873, %swap3A_874], %swap3A_877 {strides = array<i32>} : memref<160x128xf32, #tpu.memory_space<vmem>>, vector<1x16xf32>,
      %mul3A_878 = arith.constant 2 : i32
      %mul3A_879 = arith.muli %mul3A_878, %add3A_855 : i32
      %get3A_880 = arith.index_cast %mul3A_879 : i32 to index
      %get3A_881 = arith.constant 16 : index
      %get3A_882 = tpu.vector_load %arg7[%get3A_880, %get3A_881] {strides = array<i32>} : memref<320x128xf32, #tpu.memory_space<vmem>>, vector<1x16xf32>,
      %get3A_883 = vector.shape_cast %get3A_882 : vector<1x16xf32> to vector<1x16xf32>
      %swap3A_884 = arith.index_cast %add3A_855 : i32 to index
      %swap3A_885 = arith.constant 16 : index
      %swap3A_886 = tpu.vector_load %arg8[%swap3A_884, %swap3A_885] {strides = array<i32>} : memref<160x128xf32, #tpu.memory_space<vmem>>, vector<1x16xf32>,
      %swap3A_887 = vector.shape_cast %swap3A_886 : vector<1x16xf32> to vector<1x16xf32>
      %swap3A_888 = vector.shape_cast %get3A_883 : vector<1x16xf32> to vector<1x16xf32>
      tpu.vector_store %arg8[%swap3A_884, %swap3A_885], %swap3A_888 {strides = array<i32>} : memref<160x128xf32, #tpu.memory_space<vmem>>, vector<1x16xf32>,
      %mul3A_889 = arith.constant 2 : i32
      %mul3A_890 = arith.muli %mul3A_889, %add3A_855 : i32
      %add3A_891 = arith.constant 1 : i32
      %add3A_892 = arith.addi %mul3A_890, %add3A_891 : i32
      %get3A_893 = arith.index_cast %add3A_892 : i32 to index
      %get3A_894 = arith.constant 16 : index
      %get3A_895 = tpu.vector_load %arg7[%get3A_893, %get3A_894] {strides = array<i32>} : memref<320x128xf32, #tpu.memory_space<vmem>>, vector<1x16xf32>,
      %get3A_896 = vector.shape_cast %get3A_895 : vector<1x16xf32> to vector<1x16xf32>
      %swap3A_897 = arith.index_cast %add3A_855 : i32 to index
      %swap3A_898 = arith.constant 80 : index
      %swap3A_899 = tpu.vector_load %arg8[%swap3A_897, %swap3A_898] {strides = array<i32>} : memref<160x128xf32, #tpu.memory_space<vmem>>, vector<1x16xf32>,
      %swap3A_900 = vector.shape_cast %swap3A_899 : vector<1x16xf32> to vector<1x16xf32>
      %swap3A_901 = vector.shape_cast %get3A_896 : vector<1x16xf32> to vector<1x16xf32>
      tpu.vector_store %arg8[%swap3A_897, %swap3A_898], %swap3A_901 {strides = array<i32>} : memref<160x128xf32, #tpu.memory_space<vmem>>, vector<1x16xf32>,
      %mul3A_902 = arith.constant 2 : i32
      %mul3A_903 = arith.muli %mul3A_902, %add3A_855 : i32
      %get3A_904 = arith.index_cast %mul3A_903 : i32 to index
      %get3A_905 = arith.constant 32 : index
      %get3A_906 = tpu.vector_load %arg7[%get3A_904, %get3A_905] {strides = array<i32>} : memref<320x128xf32, #tpu.memory_space<vmem>>, vector<1x16xf32>,
      %get3A_907 = vector.shape_cast %get3A_906 : vector<1x16xf32> to vector<1x16xf32>
      %swap3A_908 = arith.index_cast %add3A_855 : i32 to index
      %swap3A_909 = arith.constant 32 : index
      %swap3A_910 = tpu.vector_load %arg8[%swap3A_908, %swap3A_909] {strides = array<i32>} : memref<160x128xf32, #tpu.memory_space<vmem>>, vector<1x16xf32>,
      %swap3A_911 = vector.shape_cast %swap3A_910 : vector<1x16xf32> to vector<1x16xf32>
      %swap3A_912 = vector.shape_cast %get3A_907 : vector<1x16xf32> to vector<1x16xf32>
      tpu.vector_store %arg8[%swap3A_908, %swap3A_909], %swap3A_912 {strides = array<i32>} : memref<160x128xf32, #tpu.memory_space<vmem>>, vector<1x16xf32>,
      %mul3A_913 = arith.constant 2 : i32
      %mul3A_914 = arith.muli %mul3A_913, %add3A_855 : i32
      %add3A_915 = arith.constant 1 : i32
      %add3A_916 = arith.addi %mul3A_914, %add3A_915 : i32
      %get3A_917 = arith.index_cast %add3A_916 : i32 to index
      %get3A_918 = arith.constant 32 : index
      %get3A_919 = tpu.vector_load %arg7[%get3A_917, %get3A_918] {strides = array<i32>} : memref<320x128xf32, #tpu.memory_space<vmem>>, vector<1x16xf32>,
      %get3A_920 = vector.shape_cast %get3A_919 : vector<1x16xf32> to vector<1x16xf32>
      %swap3A_921 = arith.index_cast %add3A_855 : i32 to index
      %swap3A_922 = arith.constant 96 : index
      %swap3A_923 = tpu.vector_load %arg8[%swap3A_921, %swap3A_922] {strides = array<i32>} : memref<160x128xf32, #tpu.memory_space<vmem>>, vector<1x16xf32>,
      %swap3A_924 = vector.shape_cast %swap3A_923 : vector<1x16xf32> to vector<1x16xf32>
      %swap3A_925 = vector.shape_cast %get3A_920 : vector<1x16xf32> to vector<1x16xf32>
      tpu.vector_store %arg8[%swap3A_921, %swap3A_922], %swap3A_925 {strides = array<i32>} : memref<160x128xf32, #tpu.memory_space<vmem>>, vector<1x16xf32>,
      %mul3A_926 = arith.constant 2 : i32
      %mul3A_927 = arith.muli %mul3A_926, %add3A_855 : i32
      %get3A_928 = arith.index_cast %mul3A_927 : i32 to index
      %get3A_929 = arith.constant 48 : index
      %get3A_930 = tpu.vector_load %arg7[%get3A_928, %get3A_929] {strides = array<i32>} : memref<320x128xf32, #tpu.memory_space<vmem>>, vector<1x16xf32>,
      %get3A_931 = vector.shape_cast %get3A_930 : vector<1x16xf32> to vector<1x16xf32>
      %swap3A_932 = arith.index_cast %add3A_855 : i32 to index
      %swap3A_933 = arith.constant 48 : index
      %swap3A_934 = tpu.vector_load %arg8[%swap3A_932, %swap3A_933] {strides = array<i32>} : memref<160x128xf32, #tpu.memory_space<vmem>>, vector<1x16xf32>,
      %swap3A_935 = vector.shape_cast %swap3A_934 : vector<1x16xf32> to vector<1x16xf32>
      %swap3A_936 = vector.shape_cast %get3A_931 : vector<1x16xf32> to vector<1x16xf32>
      tpu.vector_store %arg8[%swap3A_932, %swap3A_933], %swap3A_936 {strides = array<i32>} : memref<160x128xf32, #tpu.memory_space<vmem>>, vector<1x16xf32>,
      %mul3A_937 = arith.constant 2 : i32
      %mul3A_938 = arith.muli %mul3A_937, %add3A_855 : i32
      %add3A_939 = arith.constant 1 : i32
      %add3A_940 = arith.addi %mul3A_938, %add3A_939 : i32
      %get3A_941 = arith.index_cast %add3A_940 : i32 to index
      %get3A_942 = arith.constant 48 : index
      %get3A_943 = tpu.vector_load %arg7[%get3A_941, %get3A_942] {strides = array<i32>} : memref<320x128xf32, #tpu.memory_space<vmem>>, vector<1x16xf32>,
      %get3A_944 = vector.shape_cast %get3A_943 : vector<1x16xf32> to vector<1x16xf32>
      %swap3A_945 = arith.index_cast %add3A_855 : i32 to index
      %swap3A_946 = arith.constant 112 : index
      %swap3A_947 = tpu.vector_load %arg8[%swap3A_945, %swap3A_946] {strides = array<i32>} : memref<160x128xf32, #tpu.memory_space<vmem>>, vector<1x16xf32>,
      %swap3A_948 = vector.shape_cast %swap3A_947 : vector<1x16xf32> to vector<1x16xf32>
      %swap3A_949 = vector.shape_cast %get3A_944 : vector<1x16xf32> to vector<1x16xf32>
      tpu.vector_store %arg8[%swap3A_945, %swap3A_946], %swap3A_949 {strides = array<i32>} : memref<160x128xf32, #tpu.memory_space<vmem>>, vector<1x16xf32>,
    }
    %scan3A_656 = arith.constant 160 : i32
    %add3A_657 = arith.constant 4800 : i32
    %add3A_658 = arith.addi %mul3A_2, %add3A_657 : i32
    %jit3A_659 = arith.constant 2 : i32
    %div3A_660 = arith.divsi %add3A_658, %jit3A_659 : i32
    %sign3A_661 = arith.constant 0 : i32
    %sign3A_662 = arith.cmpi sgt, %add3A_658, %sign3A_661 : i32
    %sign3A_663 = arith.extui %sign3A_662 : i1 to i32
    %sign3A_664 = arith.constant 0 : i32
    %sign3A_665 = arith.cmpi slt, %add3A_658, %sign3A_664 : i32
    %sign3A_666 = arith.extui %sign3A_665 : i1 to i32
    %sign3A_667 = arith.subi %sign3A_663, %sign3A_666 : i32
    %sign3A_668 = arith.constant 0 : i32
    %sign3A_669 = arith.cmpi sgt, %jit3A_659, %sign3A_668 : i32
    %sign3A_670 = arith.extui %sign3A_669 : i1 to i32
    %sign3A_671 = arith.constant 0 : i32
    %sign3A_672 = arith.cmpi slt, %jit3A_659, %sign3A_671 : i32
    %sign3A_673 = arith.extui %sign3A_672 : i1 to i32
    %sign3A_674 = arith.subi %sign3A_670, %sign3A_673 : i32
    %ne3A_675 = arith.cmpi ne, %sign3A_667, %sign3A_674 : i32
    %rem3A_676 = arith.remsi %add3A_658, %jit3A_659 : i32
    %ne3A_677 = arith.constant 0 : i32
    %ne3A_678 = arith.cmpi ne, %rem3A_676, %ne3A_677 : i32
    %and3A_679 = arith.andi %ne3A_675, %ne3A_678 : i1
    %sub3A_680 = arith.constant 1 : i32
    %sub3A_681 = arith.subi %div3A_660, %sub3A_680 : i32
    %select_n3A_682 = arith.select %and3A_679, %sub3A_681, %div3A_660 : i32
    %multiple_of3A_683 = tpu.assume_multiple %select_n3A_682, 8 : i32
    "tpu.region"() ({
      %run_scoped3A = tpu.sem_alloc : memref<!tpu.dma_semaphore, #tpu.memory_space<semaphore_mem>>
      %dma_start3A_851 = arith.constant 0 : i32
      %dma_start3A_852 = tpu.memref_slice %arg4[%multiple_of3A_683, %dma_start3A_851] : memref<102400x128xf32, #tpu.memory_space<hbm>> -> memref<160x128xf32, #tpu.memory_space<hbm>>
      %dma_start3A_853 = arith.constant 0 : i32
      %dma_start3A_854 = tpu.memref_slice %arg4[%multiple_of3A_683, %dma_start3A_853] : memref<102400x128xf32, #tpu.memory_space<hbm>> -> memref<160x128xf32, #tpu.memory_space<hbm>>
      tpu.enqueue_dma source(%arg8 : memref<160x128xf32, #tpu.memory_space<vmem>>) target(%dma_start3A_854 : memref<160x128xf32, #tpu.memory_space<hbm>>) target_semaphore(%run_scoped3A : memref<!tpu.dma_semaphore, #tpu.memory_space<semaphore_mem>>)
      %dma_wait3A_855 = arith.constant 0 : i32
      %dma_wait3A_856 = tpu.memref_slice %arg4[%multiple_of3A_683, %dma_wait3A_855] : memref<102400x128xf32, #tpu.memory_space<hbm>> -> memref<160x128xf32, #tpu.memory_space<hbm>>
      %dma_wait3A_857 = arith.constant 0 : i32
      %dma_wait3A_858 = tpu.memref_slice %arg4[%multiple_of3A_683, %dma_wait3A_857] : memref<102400x128xf32, #tpu.memory_space<hbm>> -> memref<160x128xf32, #tpu.memory_space<hbm>>
      tpu.wait_dma2 semaphore(%run_scoped3A : memref<!tpu.dma_semaphore, #tpu.memory_space<semaphore_mem>>) src(%arg8 : memref<160x128xf32, #tpu.memory_space<vmem>>) dst(%dma_wait3A_858 : memref<160x128xf32, #tpu.memory_space<hbm>>)
      tpu.yield
    }) : () -> ()
    %dma_start3A_684 = arith.constant 5440 : i32
    %dma_start3A_685 = tpu.memref_slice %arg5[%dma_start3A_684] : memref<6400xi32, #tpu.memory_space<vmem>> -> memref<320xi32, #tpu.memory_space<vmem>>
    %dma_start3A_686 = arith.constant 0 : i32
    %dma_start3A_687 = arith.constant 0 : i32
    %dma_start3A_688 = tpu.memref_slice %arg2[%dma_start3A_686, %dma_start3A_687] : memref<100000x128xf32, #tpu.memory_space<hbm>> -> memref<100000x128xf32, #tpu.memory_space<hbm>>
    tpu.enqueue_indirect_dma source(%dma_start3A_688 : memref<100000x128xf32, #tpu.memory_space<hbm>>) target(%arg7 : memref<320x128xf32, #tpu.memory_space<vmem>>) offsets(%dma_start3A_685 : memref<320xi32, #tpu.memory_space<vmem>>) semaphore(%arg10 : memref<!tpu.dma_semaphore, #tpu.memory_space<semaphore_mem>>)
    %dma_wait3A_689 = arith.constant 0 : i32
    %dma_wait3A_690 = arith.constant 0 : i32
    %dma_wait3A_691 = tpu.memref_slice %arg2[%dma_wait3A_689, %dma_wait3A_690] : memref<100000x128xf32, #tpu.memory_space<hbm>> -> memref<320x128xf32, #tpu.memory_space<hbm>>
    %dma_wait3A_692 = arith.constant 0 : i32
    %dma_wait3A_693 = arith.constant 0 : i32
    %dma_wait3A_694 = tpu.memref_slice %arg2[%dma_wait3A_692, %dma_wait3A_693] : memref<100000x128xf32, #tpu.memory_space<hbm>> -> memref<320x128xf32, #tpu.memory_space<hbm>>
    tpu.wait_dma2 semaphore(%arg9 : memref<!tpu.dma_semaphore, #tpu.memory_space<semaphore_mem>>) src(%dma_wait3A_694 : memref<320x128xf32, #tpu.memory_space<hbm>>) dst(%arg6 : memref<320x128xf32, #tpu.memory_space<vmem>>)
    %scan3A_695 = arith.constant 0 : i32
    %scan3A_696 = arith.constant 160 : i32
    %scan3A_697 = arith.addi %scan3A_695, %scan3A_696 : i32
    %scan3A_698 = arith.constant 1 : i32
    scf.for %scan3A_851 = %scan3A_695 to %scan3A_697 step %scan3A_698  : i32 {
      %mul3A_852 = arith.constant 1 : i32
      %mul3A_853 = arith.muli %scan3A_851, %mul3A_852 : i32
      %add3A_854 = arith.constant 0 : i32
      %add3A_855 = arith.addi %add3A_854, %mul3A_853 : i32
      %mul3A_856 = arith.constant 2 : i32
      %mul3A_857 = arith.muli %mul3A_856, %add3A_855 : i32
      %get3A = arith.index_cast %mul3A_857 : i32 to index
      %get3A_858 = arith.constant 0 : index
      %get3A_859 = tpu.vector_load %arg6[%get3A, %get3A_858] {strides = array<i32>} : memref<320x128xf32, #tpu.memory_space<vmem>>, vector<1x16xf32>,
      %get3A_860 = vector.shape_cast %get3A_859 : vector<1x16xf32> to vector<1x16xf32>
      %swap3A = arith.index_cast %add3A_855 : i32 to index
      %swap3A_861 = arith.constant 0 : index
      %swap3A_862 = tpu.vector_load %arg8[%swap3A, %swap3A_861] {strides = array<i32>} : memref<160x128xf32, #tpu.memory_space<vmem>>, vector<1x16xf32>,
      %swap3A_863 = vector.shape_cast %swap3A_862 : vector<1x16xf32> to vector<1x16xf32>
      %swap3A_864 = vector.shape_cast %get3A_860 : vector<1x16xf32> to vector<1x16xf32>
      tpu.vector_store %arg8[%swap3A, %swap3A_861], %swap3A_864 {strides = array<i32>} : memref<160x128xf32, #tpu.memory_space<vmem>>, vector<1x16xf32>,
      %mul3A_865 = arith.constant 2 : i32
      %mul3A_866 = arith.muli %mul3A_865, %add3A_855 : i32
      %add3A_867 = arith.constant 1 : i32
      %add3A_868 = arith.addi %mul3A_866, %add3A_867 : i32
      %get3A_869 = arith.index_cast %add3A_868 : i32 to index
      %get3A_870 = arith.constant 0 : index
      %get3A_871 = tpu.vector_load %arg6[%get3A_869, %get3A_870] {strides = array<i32>} : memref<320x128xf32, #tpu.memory_space<vmem>>, vector<1x16xf32>,
      %get3A_872 = vector.shape_cast %get3A_871 : vector<1x16xf32> to vector<1x16xf32>
      %swap3A_873 = arith.index_cast %add3A_855 : i32 to index
      %swap3A_874 = arith.constant 64 : index
      %swap3A_875 = tpu.vector_load %arg8[%swap3A_873, %swap3A_874] {strides = array<i32>} : memref<160x128xf32, #tpu.memory_space<vmem>>, vector<1x16xf32>,
      %swap3A_876 = vector.shape_cast %swap3A_875 : vector<1x16xf32> to vector<1x16xf32>
      %swap3A_877 = vector.shape_cast %get3A_872 : vector<1x16xf32> to vector<1x16xf32>
      tpu.vector_store %arg8[%swap3A_873, %swap3A_874], %swap3A_877 {strides = array<i32>} : memref<160x128xf32, #tpu.memory_space<vmem>>, vector<1x16xf32>,
      %mul3A_878 = arith.constant 2 : i32
      %mul3A_879 = arith.muli %mul3A_878, %add3A_855 : i32
      %get3A_880 = arith.index_cast %mul3A_879 : i32 to index
      %get3A_881 = arith.constant 16 : index
      %get3A_882 = tpu.vector_load %arg6[%get3A_880, %get3A_881] {strides = array<i32>} : memref<320x128xf32, #tpu.memory_space<vmem>>, vector<1x16xf32>,
      %get3A_883 = vector.shape_cast %get3A_882 : vector<1x16xf32> to vector<1x16xf32>
      %swap3A_884 = arith.index_cast %add3A_855 : i32 to index
      %swap3A_885 = arith.constant 16 : index
      %swap3A_886 = tpu.vector_load %arg8[%swap3A_884, %swap3A_885] {strides = array<i32>} : memref<160x128xf32, #tpu.memory_space<vmem>>, vector<1x16xf32>,
      %swap3A_887 = vector.shape_cast %swap3A_886 : vector<1x16xf32> to vector<1x16xf32>
      %swap3A_888 = vector.shape_cast %get3A_883 : vector<1x16xf32> to vector<1x16xf32>
      tpu.vector_store %arg8[%swap3A_884, %swap3A_885], %swap3A_888 {strides = array<i32>} : memref<160x128xf32, #tpu.memory_space<vmem>>, vector<1x16xf32>,
      %mul3A_889 = arith.constant 2 : i32
      %mul3A_890 = arith.muli %mul3A_889, %add3A_855 : i32
      %add3A_891 = arith.constant 1 : i32
      %add3A_892 = arith.addi %mul3A_890, %add3A_891 : i32
      %get3A_893 = arith.index_cast %add3A_892 : i32 to index
      %get3A_894 = arith.constant 16 : index
      %get3A_895 = tpu.vector_load %arg6[%get3A_893, %get3A_894] {strides = array<i32>} : memref<320x128xf32, #tpu.memory_space<vmem>>, vector<1x16xf32>,
      %get3A_896 = vector.shape_cast %get3A_895 : vector<1x16xf32> to vector<1x16xf32>
      %swap3A_897 = arith.index_cast %add3A_855 : i32 to index
      %swap3A_898 = arith.constant 80 : index
      %swap3A_899 = tpu.vector_load %arg8[%swap3A_897, %swap3A_898] {strides = array<i32>} : memref<160x128xf32, #tpu.memory_space<vmem>>, vector<1x16xf32>,
      %swap3A_900 = vector.shape_cast %swap3A_899 : vector<1x16xf32> to vector<1x16xf32>
      %swap3A_901 = vector.shape_cast %get3A_896 : vector<1x16xf32> to vector<1x16xf32>
      tpu.vector_store %arg8[%swap3A_897, %swap3A_898], %swap3A_901 {strides = array<i32>} : memref<160x128xf32, #tpu.memory_space<vmem>>, vector<1x16xf32>,
      %mul3A_902 = arith.constant 2 : i32
      %mul3A_903 = arith.muli %mul3A_902, %add3A_855 : i32
      %get3A_904 = arith.index_cast %mul3A_903 : i32 to index
      %get3A_905 = arith.constant 32 : index
      %get3A_906 = tpu.vector_load %arg6[%get3A_904, %get3A_905] {strides = array<i32>} : memref<320x128xf32, #tpu.memory_space<vmem>>, vector<1x16xf32>,
      %get3A_907 = vector.shape_cast %get3A_906 : vector<1x16xf32> to vector<1x16xf32>
      %swap3A_908 = arith.index_cast %add3A_855 : i32 to index
      %swap3A_909 = arith.constant 32 : index
      %swap3A_910 = tpu.vector_load %arg8[%swap3A_908, %swap3A_909] {strides = array<i32>} : memref<160x128xf32, #tpu.memory_space<vmem>>, vector<1x16xf32>,
      %swap3A_911 = vector.shape_cast %swap3A_910 : vector<1x16xf32> to vector<1x16xf32>
      %swap3A_912 = vector.shape_cast %get3A_907 : vector<1x16xf32> to vector<1x16xf32>
      tpu.vector_store %arg8[%swap3A_908, %swap3A_909], %swap3A_912 {strides = array<i32>} : memref<160x128xf32, #tpu.memory_space<vmem>>, vector<1x16xf32>,
      %mul3A_913 = arith.constant 2 : i32
      %mul3A_914 = arith.muli %mul3A_913, %add3A_855 : i32
      %add3A_915 = arith.constant 1 : i32
      %add3A_916 = arith.addi %mul3A_914, %add3A_915 : i32
      %get3A_917 = arith.index_cast %add3A_916 : i32 to index
      %get3A_918 = arith.constant 32 : index
      %get3A_919 = tpu.vector_load %arg6[%get3A_917, %get3A_918] {strides = array<i32>} : memref<320x128xf32, #tpu.memory_space<vmem>>, vector<1x16xf32>,
      %get3A_920 = vector.shape_cast %get3A_919 : vector<1x16xf32> to vector<1x16xf32>
      %swap3A_921 = arith.index_cast %add3A_855 : i32 to index
      %swap3A_922 = arith.constant 96 : index
      %swap3A_923 = tpu.vector_load %arg8[%swap3A_921, %swap3A_922] {strides = array<i32>} : memref<160x128xf32, #tpu.memory_space<vmem>>, vector<1x16xf32>,
      %swap3A_924 = vector.shape_cast %swap3A_923 : vector<1x16xf32> to vector<1x16xf32>
      %swap3A_925 = vector.shape_cast %get3A_920 : vector<1x16xf32> to vector<1x16xf32>
      tpu.vector_store %arg8[%swap3A_921, %swap3A_922], %swap3A_925 {strides = array<i32>} : memref<160x128xf32, #tpu.memory_space<vmem>>, vector<1x16xf32>,
      %mul3A_926 = arith.constant 2 : i32
      %mul3A_927 = arith.muli %mul3A_926, %add3A_855 : i32
      %get3A_928 = arith.index_cast %mul3A_927 : i32 to index
      %get3A_929 = arith.constant 48 : index
      %get3A_930 = tpu.vector_load %arg6[%get3A_928, %get3A_929] {strides = array<i32>} : memref<320x128xf32, #tpu.memory_space<vmem>>, vector<1x16xf32>,
      %get3A_931 = vector.shape_cast %get3A_930 : vector<1x16xf32> to vector<1x16xf32>
      %swap3A_932 = arith.index_cast %add3A_855 : i32 to index
      %swap3A_933 = arith.constant 48 : index
      %swap3A_934 = tpu.vector_load %arg8[%swap3A_932, %swap3A_933] {strides = array<i32>} : memref<160x128xf32, #tpu.memory_space<vmem>>, vector<1x16xf32>,
      %swap3A_935 = vector.shape_cast %swap3A_934 : vector<1x16xf32> to vector<1x16xf32>
      %swap3A_936 = vector.shape_cast %get3A_931 : vector<1x16xf32> to vector<1x16xf32>
      tpu.vector_store %arg8[%swap3A_932, %swap3A_933], %swap3A_936 {strides = array<i32>} : memref<160x128xf32, #tpu.memory_space<vmem>>, vector<1x16xf32>,
      %mul3A_937 = arith.constant 2 : i32
      %mul3A_938 = arith.muli %mul3A_937, %add3A_855 : i32
      %add3A_939 = arith.constant 1 : i32
      %add3A_940 = arith.addi %mul3A_938, %add3A_939 : i32
      %get3A_941 = arith.index_cast %add3A_940 : i32 to index
      %get3A_942 = arith.constant 48 : index
      %get3A_943 = tpu.vector_load %arg6[%get3A_941, %get3A_942] {strides = array<i32>} : memref<320x128xf32, #tpu.memory_space<vmem>>, vector<1x16xf32>,
      %get3A_944 = vector.shape_cast %get3A_943 : vector<1x16xf32> to vector<1x16xf32>
      %swap3A_945 = arith.index_cast %add3A_855 : i32 to index
      %swap3A_946 = arith.constant 112 : index
      %swap3A_947 = tpu.vector_load %arg8[%swap3A_945, %swap3A_946] {strides = array<i32>} : memref<160x128xf32, #tpu.memory_space<vmem>>, vector<1x16xf32>,
      %swap3A_948 = vector.shape_cast %swap3A_947 : vector<1x16xf32> to vector<1x16xf32>
      %swap3A_949 = vector.shape_cast %get3A_944 : vector<1x16xf32> to vector<1x16xf32>
      tpu.vector_store %arg8[%swap3A_945, %swap3A_946], %swap3A_949 {strides = array<i32>} : memref<160x128xf32, #tpu.memory_space<vmem>>, vector<1x16xf32>,
    }
    %scan3A_699 = arith.constant 160 : i32
    %add3A_700 = arith.constant 5120 : i32
    %add3A_701 = arith.addi %mul3A_2, %add3A_700 : i32
    %jit3A_702 = arith.constant 2 : i32
    %div3A_703 = arith.divsi %add3A_701, %jit3A_702 : i32
    %sign3A_704 = arith.constant 0 : i32
    %sign3A_705 = arith.cmpi sgt, %add3A_701, %sign3A_704 : i32
    %sign3A_706 = arith.extui %sign3A_705 : i1 to i32
    %sign3A_707 = arith.constant 0 : i32
    %sign3A_708 = arith.cmpi slt, %add3A_701, %sign3A_707 : i32
    %sign3A_709 = arith.extui %sign3A_708 : i1 to i32
    %sign3A_710 = arith.subi %sign3A_706, %sign3A_709 : i32
    %sign3A_711 = arith.constant 0 : i32
    %sign3A_712 = arith.cmpi sgt, %jit3A_702, %sign3A_711 : i32
    %sign3A_713 = arith.extui %sign3A_712 : i1 to i32
    %sign3A_714 = arith.constant 0 : i32
    %sign3A_715 = arith.cmpi slt, %jit3A_702, %sign3A_714 : i32
    %sign3A_716 = arith.extui %sign3A_715 : i1 to i32
    %sign3A_717 = arith.subi %sign3A_713, %sign3A_716 : i32
    %ne3A_718 = arith.cmpi ne, %sign3A_710, %sign3A_717 : i32
    %rem3A_719 = arith.remsi %add3A_701, %jit3A_702 : i32
    %ne3A_720 = arith.constant 0 : i32
    %ne3A_721 = arith.cmpi ne, %rem3A_719, %ne3A_720 : i32
    %and3A_722 = arith.andi %ne3A_718, %ne3A_721 : i1
    %sub3A_723 = arith.constant 1 : i32
    %sub3A_724 = arith.subi %div3A_703, %sub3A_723 : i32
    %select_n3A_725 = arith.select %and3A_722, %sub3A_724, %div3A_703 : i32
    %multiple_of3A_726 = tpu.assume_multiple %select_n3A_725, 8 : i32
    "tpu.region"() ({
      %run_scoped3A = tpu.sem_alloc : memref<!tpu.dma_semaphore, #tpu.memory_space<semaphore_mem>>
      %dma_start3A_851 = arith.constant 0 : i32
      %dma_start3A_852 = tpu.memref_slice %arg4[%multiple_of3A_726, %dma_start3A_851] : memref<102400x128xf32, #tpu.memory_space<hbm>> -> memref<160x128xf32, #tpu.memory_space<hbm>>
      %dma_start3A_853 = arith.constant 0 : i32
      %dma_start3A_854 = tpu.memref_slice %arg4[%multiple_of3A_726, %dma_start3A_853] : memref<102400x128xf32, #tpu.memory_space<hbm>> -> memref<160x128xf32, #tpu.memory_space<hbm>>
      tpu.enqueue_dma source(%arg8 : memref<160x128xf32, #tpu.memory_space<vmem>>) target(%dma_start3A_854 : memref<160x128xf32, #tpu.memory_space<hbm>>) target_semaphore(%run_scoped3A : memref<!tpu.dma_semaphore, #tpu.memory_space<semaphore_mem>>)
      %dma_wait3A_855 = arith.constant 0 : i32
      %dma_wait3A_856 = tpu.memref_slice %arg4[%multiple_of3A_726, %dma_wait3A_855] : memref<102400x128xf32, #tpu.memory_space<hbm>> -> memref<160x128xf32, #tpu.memory_space<hbm>>
      %dma_wait3A_857 = arith.constant 0 : i32
      %dma_wait3A_858 = tpu.memref_slice %arg4[%multiple_of3A_726, %dma_wait3A_857] : memref<102400x128xf32, #tpu.memory_space<hbm>> -> memref<160x128xf32, #tpu.memory_space<hbm>>
      tpu.wait_dma2 semaphore(%run_scoped3A : memref<!tpu.dma_semaphore, #tpu.memory_space<semaphore_mem>>) src(%arg8 : memref<160x128xf32, #tpu.memory_space<vmem>>) dst(%dma_wait3A_858 : memref<160x128xf32, #tpu.memory_space<hbm>>)
      tpu.yield
    }) : () -> ()
    %dma_start3A_727 = arith.constant 5760 : i32
    %dma_start3A_728 = tpu.memref_slice %arg5[%dma_start3A_727] : memref<6400xi32, #tpu.memory_space<vmem>> -> memref<320xi32, #tpu.memory_space<vmem>>
    %dma_start3A_729 = arith.constant 0 : i32
    %dma_start3A_730 = arith.constant 0 : i32
    %dma_start3A_731 = tpu.memref_slice %arg2[%dma_start3A_729, %dma_start3A_730] : memref<100000x128xf32, #tpu.memory_space<hbm>> -> memref<100000x128xf32, #tpu.memory_space<hbm>>
    tpu.enqueue_indirect_dma source(%dma_start3A_731 : memref<100000x128xf32, #tpu.memory_space<hbm>>) target(%arg6 : memref<320x128xf32, #tpu.memory_space<vmem>>) offsets(%dma_start3A_728 : memref<320xi32, #tpu.memory_space<vmem>>) semaphore(%arg9 : memref<!tpu.dma_semaphore, #tpu.memory_space<semaphore_mem>>)
    %dma_wait3A_732 = arith.constant 0 : i32
    %dma_wait3A_733 = arith.constant 0 : i32
    %dma_wait3A_734 = tpu.memref_slice %arg2[%dma_wait3A_732, %dma_wait3A_733] : memref<100000x128xf32, #tpu.memory_space<hbm>> -> memref<320x128xf32, #tpu.memory_space<hbm>>
    %dma_wait3A_735 = arith.constant 0 : i32
    %dma_wait3A_736 = arith.constant 0 : i32
    %dma_wait3A_737 = tpu.memref_slice %arg2[%dma_wait3A_735, %dma_wait3A_736] : memref<100000x128xf32, #tpu.memory_space<hbm>> -> memref<320x128xf32, #tpu.memory_space<hbm>>
    tpu.wait_dma2 semaphore(%arg10 : memref<!tpu.dma_semaphore, #tpu.memory_space<semaphore_mem>>) src(%dma_wait3A_737 : memref<320x128xf32, #tpu.memory_space<hbm>>) dst(%arg7 : memref<320x128xf32, #tpu.memory_space<vmem>>)
    %scan3A_738 = arith.constant 0 : i32
    %scan3A_739 = arith.constant 160 : i32
    %scan3A_740 = arith.addi %scan3A_738, %scan3A_739 : i32
    %scan3A_741 = arith.constant 1 : i32
    scf.for %scan3A_851 = %scan3A_738 to %scan3A_740 step %scan3A_741  : i32 {
      %mul3A_852 = arith.constant 1 : i32
      %mul3A_853 = arith.muli %scan3A_851, %mul3A_852 : i32
      %add3A_854 = arith.constant 0 : i32
      %add3A_855 = arith.addi %add3A_854, %mul3A_853 : i32
      %mul3A_856 = arith.constant 2 : i32
      %mul3A_857 = arith.muli %mul3A_856, %add3A_855 : i32
      %get3A = arith.index_cast %mul3A_857 : i32 to index
      %get3A_858 = arith.constant 0 : index
      %get3A_859 = tpu.vector_load %arg7[%get3A, %get3A_858] {strides = array<i32>} : memref<320x128xf32, #tpu.memory_space<vmem>>, vector<1x16xf32>,
      %get3A_860 = vector.shape_cast %get3A_859 : vector<1x16xf32> to vector<1x16xf32>
      %swap3A = arith.index_cast %add3A_855 : i32 to index
      %swap3A_861 = arith.constant 0 : index
      %swap3A_862 = tpu.vector_load %arg8[%swap3A, %swap3A_861] {strides = array<i32>} : memref<160x128xf32, #tpu.memory_space<vmem>>, vector<1x16xf32>,
      %swap3A_863 = vector.shape_cast %swap3A_862 : vector<1x16xf32> to vector<1x16xf32>
      %swap3A_864 = vector.shape_cast %get3A_860 : vector<1x16xf32> to vector<1x16xf32>
      tpu.vector_store %arg8[%swap3A, %swap3A_861], %swap3A_864 {strides = array<i32>} : memref<160x128xf32, #tpu.memory_space<vmem>>, vector<1x16xf32>,
      %mul3A_865 = arith.constant 2 : i32
      %mul3A_866 = arith.muli %mul3A_865, %add3A_855 : i32
      %add3A_867 = arith.constant 1 : i32
      %add3A_868 = arith.addi %mul3A_866, %add3A_867 : i32
      %get3A_869 = arith.index_cast %add3A_868 : i32 to index
      %get3A_870 = arith.constant 0 : index
      %get3A_871 = tpu.vector_load %arg7[%get3A_869, %get3A_870] {strides = array<i32>} : memref<320x128xf32, #tpu.memory_space<vmem>>, vector<1x16xf32>,
      %get3A_872 = vector.shape_cast %get3A_871 : vector<1x16xf32> to vector<1x16xf32>
      %swap3A_873 = arith.index_cast %add3A_855 : i32 to index
      %swap3A_874 = arith.constant 64 : index
      %swap3A_875 = tpu.vector_load %arg8[%swap3A_873, %swap3A_874] {strides = array<i32>} : memref<160x128xf32, #tpu.memory_space<vmem>>, vector<1x16xf32>,
      %swap3A_876 = vector.shape_cast %swap3A_875 : vector<1x16xf32> to vector<1x16xf32>
      %swap3A_877 = vector.shape_cast %get3A_872 : vector<1x16xf32> to vector<1x16xf32>
      tpu.vector_store %arg8[%swap3A_873, %swap3A_874], %swap3A_877 {strides = array<i32>} : memref<160x128xf32, #tpu.memory_space<vmem>>, vector<1x16xf32>,
      %mul3A_878 = arith.constant 2 : i32
      %mul3A_879 = arith.muli %mul3A_878, %add3A_855 : i32
      %get3A_880 = arith.index_cast %mul3A_879 : i32 to index
      %get3A_881 = arith.constant 16 : index
      %get3A_882 = tpu.vector_load %arg7[%get3A_880, %get3A_881] {strides = array<i32>} : memref<320x128xf32, #tpu.memory_space<vmem>>, vector<1x16xf32>,
      %get3A_883 = vector.shape_cast %get3A_882 : vector<1x16xf32> to vector<1x16xf32>
      %swap3A_884 = arith.index_cast %add3A_855 : i32 to index
      %swap3A_885 = arith.constant 16 : index
      %swap3A_886 = tpu.vector_load %arg8[%swap3A_884, %swap3A_885] {strides = array<i32>} : memref<160x128xf32, #tpu.memory_space<vmem>>, vector<1x16xf32>,
      %swap3A_887 = vector.shape_cast %swap3A_886 : vector<1x16xf32> to vector<1x16xf32>
      %swap3A_888 = vector.shape_cast %get3A_883 : vector<1x16xf32> to vector<1x16xf32>
      tpu.vector_store %arg8[%swap3A_884, %swap3A_885], %swap3A_888 {strides = array<i32>} : memref<160x128xf32, #tpu.memory_space<vmem>>, vector<1x16xf32>,
      %mul3A_889 = arith.constant 2 : i32
      %mul3A_890 = arith.muli %mul3A_889, %add3A_855 : i32
      %add3A_891 = arith.constant 1 : i32
      %add3A_892 = arith.addi %mul3A_890, %add3A_891 : i32
      %get3A_893 = arith.index_cast %add3A_892 : i32 to index
      %get3A_894 = arith.constant 16 : index
      %get3A_895 = tpu.vector_load %arg7[%get3A_893, %get3A_894] {strides = array<i32>} : memref<320x128xf32, #tpu.memory_space<vmem>>, vector<1x16xf32>,
      %get3A_896 = vector.shape_cast %get3A_895 : vector<1x16xf32> to vector<1x16xf32>
      %swap3A_897 = arith.index_cast %add3A_855 : i32 to index
      %swap3A_898 = arith.constant 80 : index
      %swap3A_899 = tpu.vector_load %arg8[%swap3A_897, %swap3A_898] {strides = array<i32>} : memref<160x128xf32, #tpu.memory_space<vmem>>, vector<1x16xf32>,
      %swap3A_900 = vector.shape_cast %swap3A_899 : vector<1x16xf32> to vector<1x16xf32>
      %swap3A_901 = vector.shape_cast %get3A_896 : vector<1x16xf32> to vector<1x16xf32>
      tpu.vector_store %arg8[%swap3A_897, %swap3A_898], %swap3A_901 {strides = array<i32>} : memref<160x128xf32, #tpu.memory_space<vmem>>, vector<1x16xf32>,
      %mul3A_902 = arith.constant 2 : i32
      %mul3A_903 = arith.muli %mul3A_902, %add3A_855 : i32
      %get3A_904 = arith.index_cast %mul3A_903 : i32 to index
      %get3A_905 = arith.constant 32 : index
      %get3A_906 = tpu.vector_load %arg7[%get3A_904, %get3A_905] {strides = array<i32>} : memref<320x128xf32, #tpu.memory_space<vmem>>, vector<1x16xf32>,
      %get3A_907 = vector.shape_cast %get3A_906 : vector<1x16xf32> to vector<1x16xf32>
      %swap3A_908 = arith.index_cast %add3A_855 : i32 to index
      %swap3A_909 = arith.constant 32 : index
      %swap3A_910 = tpu.vector_load %arg8[%swap3A_908, %swap3A_909] {strides = array<i32>} : memref<160x128xf32, #tpu.memory_space<vmem>>, vector<1x16xf32>,
      %swap3A_911 = vector.shape_cast %swap3A_910 : vector<1x16xf32> to vector<1x16xf32>
      %swap3A_912 = vector.shape_cast %get3A_907 : vector<1x16xf32> to vector<1x16xf32>
      tpu.vector_store %arg8[%swap3A_908, %swap3A_909], %swap3A_912 {strides = array<i32>} : memref<160x128xf32, #tpu.memory_space<vmem>>, vector<1x16xf32>,
      %mul3A_913 = arith.constant 2 : i32
      %mul3A_914 = arith.muli %mul3A_913, %add3A_855 : i32
      %add3A_915 = arith.constant 1 : i32
      %add3A_916 = arith.addi %mul3A_914, %add3A_915 : i32
      %get3A_917 = arith.index_cast %add3A_916 : i32 to index
      %get3A_918 = arith.constant 32 : index
      %get3A_919 = tpu.vector_load %arg7[%get3A_917, %get3A_918] {strides = array<i32>} : memref<320x128xf32, #tpu.memory_space<vmem>>, vector<1x16xf32>,
      %get3A_920 = vector.shape_cast %get3A_919 : vector<1x16xf32> to vector<1x16xf32>
      %swap3A_921 = arith.index_cast %add3A_855 : i32 to index
      %swap3A_922 = arith.constant 96 : index
      %swap3A_923 = tpu.vector_load %arg8[%swap3A_921, %swap3A_922] {strides = array<i32>} : memref<160x128xf32, #tpu.memory_space<vmem>>, vector<1x16xf32>,
      %swap3A_924 = vector.shape_cast %swap3A_923 : vector<1x16xf32> to vector<1x16xf32>
      %swap3A_925 = vector.shape_cast %get3A_920 : vector<1x16xf32> to vector<1x16xf32>
      tpu.vector_store %arg8[%swap3A_921, %swap3A_922], %swap3A_925 {strides = array<i32>} : memref<160x128xf32, #tpu.memory_space<vmem>>, vector<1x16xf32>,
      %mul3A_926 = arith.constant 2 : i32
      %mul3A_927 = arith.muli %mul3A_926, %add3A_855 : i32
      %get3A_928 = arith.index_cast %mul3A_927 : i32 to index
      %get3A_929 = arith.constant 48 : index
      %get3A_930 = tpu.vector_load %arg7[%get3A_928, %get3A_929] {strides = array<i32>} : memref<320x128xf32, #tpu.memory_space<vmem>>, vector<1x16xf32>,
      %get3A_931 = vector.shape_cast %get3A_930 : vector<1x16xf32> to vector<1x16xf32>
      %swap3A_932 = arith.index_cast %add3A_855 : i32 to index
      %swap3A_933 = arith.constant 48 : index
      %swap3A_934 = tpu.vector_load %arg8[%swap3A_932, %swap3A_933] {strides = array<i32>} : memref<160x128xf32, #tpu.memory_space<vmem>>, vector<1x16xf32>,
      %swap3A_935 = vector.shape_cast %swap3A_934 : vector<1x16xf32> to vector<1x16xf32>
      %swap3A_936 = vector.shape_cast %get3A_931 : vector<1x16xf32> to vector<1x16xf32>
      tpu.vector_store %arg8[%swap3A_932, %swap3A_933], %swap3A_936 {strides = array<i32>} : memref<160x128xf32, #tpu.memory_space<vmem>>, vector<1x16xf32>,
      %mul3A_937 = arith.constant 2 : i32
      %mul3A_938 = arith.muli %mul3A_937, %add3A_855 : i32
      %add3A_939 = arith.constant 1 : i32
      %add3A_940 = arith.addi %mul3A_938, %add3A_939 : i32
      %get3A_941 = arith.index_cast %add3A_940 : i32 to index
      %get3A_942 = arith.constant 48 : index
      %get3A_943 = tpu.vector_load %arg7[%get3A_941, %get3A_942] {strides = array<i32>} : memref<320x128xf32, #tpu.memory_space<vmem>>, vector<1x16xf32>,
      %get3A_944 = vector.shape_cast %get3A_943 : vector<1x16xf32> to vector<1x16xf32>
      %swap3A_945 = arith.index_cast %add3A_855 : i32 to index
      %swap3A_946 = arith.constant 112 : index
      %swap3A_947 = tpu.vector_load %arg8[%swap3A_945, %swap3A_946] {strides = array<i32>} : memref<160x128xf32, #tpu.memory_space<vmem>>, vector<1x16xf32>,
      %swap3A_948 = vector.shape_cast %swap3A_947 : vector<1x16xf32> to vector<1x16xf32>
      %swap3A_949 = vector.shape_cast %get3A_944 : vector<1x16xf32> to vector<1x16xf32>
      tpu.vector_store %arg8[%swap3A_945, %swap3A_946], %swap3A_949 {strides = array<i32>} : memref<160x128xf32, #tpu.memory_space<vmem>>, vector<1x16xf32>,
    }
    %scan3A_742 = arith.constant 160 : i32
    %add3A_743 = arith.constant 5440 : i32
    %add3A_744 = arith.addi %mul3A_2, %add3A_743 : i32
    %jit3A_745 = arith.constant 2 : i32
    %div3A_746 = arith.divsi %add3A_744, %jit3A_745 : i32
    %sign3A_747 = arith.constant 0 : i32
    %sign3A_748 = arith.cmpi sgt, %add3A_744, %sign3A_747 : i32
    %sign3A_749 = arith.extui %sign3A_748 : i1 to i32
    %sign3A_750 = arith.constant 0 : i32
    %sign3A_751 = arith.cmpi slt, %add3A_744, %sign3A_750 : i32
    %sign3A_752 = arith.extui %sign3A_751 : i1 to i32
    %sign3A_753 = arith.subi %sign3A_749, %sign3A_752 : i32
    %sign3A_754 = arith.constant 0 : i32
    %sign3A_755 = arith.cmpi sgt, %jit3A_745, %sign3A_754 : i32
    %sign3A_756 = arith.extui %sign3A_755 : i1 to i32
    %sign3A_757 = arith.constant 0 : i32
    %sign3A_758 = arith.cmpi slt, %jit3A_745, %sign3A_757 : i32
    %sign3A_759 = arith.extui %sign3A_758 : i1 to i32
    %sign3A_760 = arith.subi %sign3A_756, %sign3A_759 : i32
    %ne3A_761 = arith.cmpi ne, %sign3A_753, %sign3A_760 : i32
    %rem3A_762 = arith.remsi %add3A_744, %jit3A_745 : i32
    %ne3A_763 = arith.constant 0 : i32
    %ne3A_764 = arith.cmpi ne, %rem3A_762, %ne3A_763 : i32
    %and3A_765 = arith.andi %ne3A_761, %ne3A_764 : i1
    %sub3A_766 = arith.constant 1 : i32
    %sub3A_767 = arith.subi %div3A_746, %sub3A_766 : i32
    %select_n3A_768 = arith.select %and3A_765, %sub3A_767, %div3A_746 : i32
    %multiple_of3A_769 = tpu.assume_multiple %select_n3A_768, 8 : i32
    "tpu.region"() ({
      %run_scoped3A = tpu.sem_alloc : memref<!tpu.dma_semaphore, #tpu.memory_space<semaphore_mem>>
      %dma_start3A_851 = arith.constant 0 : i32
      %dma_start3A_852 = tpu.memref_slice %arg4[%multiple_of3A_769, %dma_start3A_851] : memref<102400x128xf32, #tpu.memory_space<hbm>> -> memref<160x128xf32, #tpu.memory_space<hbm>>
      %dma_start3A_853 = arith.constant 0 : i32
      %dma_start3A_854 = tpu.memref_slice %arg4[%multiple_of3A_769, %dma_start3A_853] : memref<102400x128xf32, #tpu.memory_space<hbm>> -> memref<160x128xf32, #tpu.memory_space<hbm>>
      tpu.enqueue_dma source(%arg8 : memref<160x128xf32, #tpu.memory_space<vmem>>) target(%dma_start3A_854 : memref<160x128xf32, #tpu.memory_space<hbm>>) target_semaphore(%run_scoped3A : memref<!tpu.dma_semaphore, #tpu.memory_space<semaphore_mem>>)
      %dma_wait3A_855 = arith.constant 0 : i32
      %dma_wait3A_856 = tpu.memref_slice %arg4[%multiple_of3A_769, %dma_wait3A_855] : memref<102400x128xf32, #tpu.memory_space<hbm>> -> memref<160x128xf32, #tpu.memory_space<hbm>>
      %dma_wait3A_857 = arith.constant 0 : i32
      %dma_wait3A_858 = tpu.memref_slice %arg4[%multiple_of3A_769, %dma_wait3A_857] : memref<102400x128xf32, #tpu.memory_space<hbm>> -> memref<160x128xf32, #tpu.memory_space<hbm>>
      tpu.wait_dma2 semaphore(%run_scoped3A : memref<!tpu.dma_semaphore, #tpu.memory_space<semaphore_mem>>) src(%arg8 : memref<160x128xf32, #tpu.memory_space<vmem>>) dst(%dma_wait3A_858 : memref<160x128xf32, #tpu.memory_space<hbm>>)
      tpu.yield
    }) : () -> ()
    %dma_start3A_770 = arith.constant 6080 : i32
    %dma_start3A_771 = tpu.memref_slice %arg5[%dma_start3A_770] : memref<6400xi32, #tpu.memory_space<vmem>> -> memref<320xi32, #tpu.memory_space<vmem>>
    %dma_start3A_772 = arith.constant 0 : i32
    %dma_start3A_773 = arith.constant 0 : i32
    %dma_start3A_774 = tpu.memref_slice %arg2[%dma_start3A_772, %dma_start3A_773] : memref<100000x128xf32, #tpu.memory_space<hbm>> -> memref<100000x128xf32, #tpu.memory_space<hbm>>
    tpu.enqueue_indirect_dma source(%dma_start3A_774 : memref<100000x128xf32, #tpu.memory_space<hbm>>) target(%arg7 : memref<320x128xf32, #tpu.memory_space<vmem>>) offsets(%dma_start3A_771 : memref<320xi32, #tpu.memory_space<vmem>>) semaphore(%arg10 : memref<!tpu.dma_semaphore, #tpu.memory_space<semaphore_mem>>)
    %dma_wait3A_775 = arith.constant 0 : i32
    %dma_wait3A_776 = arith.constant 0 : i32
    %dma_wait3A_777 = tpu.memref_slice %arg2[%dma_wait3A_775, %dma_wait3A_776] : memref<100000x128xf32, #tpu.memory_space<hbm>> -> memref<320x128xf32, #tpu.memory_space<hbm>>
    %dma_wait3A_778 = arith.constant 0 : i32
    %dma_wait3A_779 = arith.constant 0 : i32
    %dma_wait3A_780 = tpu.memref_slice %arg2[%dma_wait3A_778, %dma_wait3A_779] : memref<100000x128xf32, #tpu.memory_space<hbm>> -> memref<320x128xf32, #tpu.memory_space<hbm>>
    tpu.wait_dma2 semaphore(%arg9 : memref<!tpu.dma_semaphore, #tpu.memory_space<semaphore_mem>>) src(%dma_wait3A_780 : memref<320x128xf32, #tpu.memory_space<hbm>>) dst(%arg6 : memref<320x128xf32, #tpu.memory_space<vmem>>)
    %scan3A_781 = arith.constant 0 : i32
    %scan3A_782 = arith.constant 160 : i32
    %scan3A_783 = arith.addi %scan3A_781, %scan3A_782 : i32
    %scan3A_784 = arith.constant 1 : i32
    scf.for %scan3A_851 = %scan3A_781 to %scan3A_783 step %scan3A_784  : i32 {
      %mul3A_852 = arith.constant 1 : i32
      %mul3A_853 = arith.muli %scan3A_851, %mul3A_852 : i32
      %add3A_854 = arith.constant 0 : i32
      %add3A_855 = arith.addi %add3A_854, %mul3A_853 : i32
      %mul3A_856 = arith.constant 2 : i32
      %mul3A_857 = arith.muli %mul3A_856, %add3A_855 : i32
      %get3A = arith.index_cast %mul3A_857 : i32 to index
      %get3A_858 = arith.constant 0 : index
      %get3A_859 = tpu.vector_load %arg6[%get3A, %get3A_858] {strides = array<i32>} : memref<320x128xf32, #tpu.memory_space<vmem>>, vector<1x16xf32>,
      %get3A_860 = vector.shape_cast %get3A_859 : vector<1x16xf32> to vector<1x16xf32>
      %swap3A = arith.index_cast %add3A_855 : i32 to index
      %swap3A_861 = arith.constant 0 : index
      %swap3A_862 = tpu.vector_load %arg8[%swap3A, %swap3A_861] {strides = array<i32>} : memref<160x128xf32, #tpu.memory_space<vmem>>, vector<1x16xf32>,
      %swap3A_863 = vector.shape_cast %swap3A_862 : vector<1x16xf32> to vector<1x16xf32>
      %swap3A_864 = vector.shape_cast %get3A_860 : vector<1x16xf32> to vector<1x16xf32>
      tpu.vector_store %arg8[%swap3A, %swap3A_861], %swap3A_864 {strides = array<i32>} : memref<160x128xf32, #tpu.memory_space<vmem>>, vector<1x16xf32>,
      %mul3A_865 = arith.constant 2 : i32
      %mul3A_866 = arith.muli %mul3A_865, %add3A_855 : i32
      %add3A_867 = arith.constant 1 : i32
      %add3A_868 = arith.addi %mul3A_866, %add3A_867 : i32
      %get3A_869 = arith.index_cast %add3A_868 : i32 to index
      %get3A_870 = arith.constant 0 : index
      %get3A_871 = tpu.vector_load %arg6[%get3A_869, %get3A_870] {strides = array<i32>} : memref<320x128xf32, #tpu.memory_space<vmem>>, vector<1x16xf32>,
      %get3A_872 = vector.shape_cast %get3A_871 : vector<1x16xf32> to vector<1x16xf32>
      %swap3A_873 = arith.index_cast %add3A_855 : i32 to index
      %swap3A_874 = arith.constant 64 : index
      %swap3A_875 = tpu.vector_load %arg8[%swap3A_873, %swap3A_874] {strides = array<i32>} : memref<160x128xf32, #tpu.memory_space<vmem>>, vector<1x16xf32>,
      %swap3A_876 = vector.shape_cast %swap3A_875 : vector<1x16xf32> to vector<1x16xf32>
      %swap3A_877 = vector.shape_cast %get3A_872 : vector<1x16xf32> to vector<1x16xf32>
      tpu.vector_store %arg8[%swap3A_873, %swap3A_874], %swap3A_877 {strides = array<i32>} : memref<160x128xf32, #tpu.memory_space<vmem>>, vector<1x16xf32>,
      %mul3A_878 = arith.constant 2 : i32
      %mul3A_879 = arith.muli %mul3A_878, %add3A_855 : i32
      %get3A_880 = arith.index_cast %mul3A_879 : i32 to index
      %get3A_881 = arith.constant 16 : index
      %get3A_882 = tpu.vector_load %arg6[%get3A_880, %get3A_881] {strides = array<i32>} : memref<320x128xf32, #tpu.memory_space<vmem>>, vector<1x16xf32>,
      %get3A_883 = vector.shape_cast %get3A_882 : vector<1x16xf32> to vector<1x16xf32>
      %swap3A_884 = arith.index_cast %add3A_855 : i32 to index
      %swap3A_885 = arith.constant 16 : index
      %swap3A_886 = tpu.vector_load %arg8[%swap3A_884, %swap3A_885] {strides = array<i32>} : memref<160x128xf32, #tpu.memory_space<vmem>>, vector<1x16xf32>,
      %swap3A_887 = vector.shape_cast %swap3A_886 : vector<1x16xf32> to vector<1x16xf32>
      %swap3A_888 = vector.shape_cast %get3A_883 : vector<1x16xf32> to vector<1x16xf32>
      tpu.vector_store %arg8[%swap3A_884, %swap3A_885], %swap3A_888 {strides = array<i32>} : memref<160x128xf32, #tpu.memory_space<vmem>>, vector<1x16xf32>,
      %mul3A_889 = arith.constant 2 : i32
      %mul3A_890 = arith.muli %mul3A_889, %add3A_855 : i32
      %add3A_891 = arith.constant 1 : i32
      %add3A_892 = arith.addi %mul3A_890, %add3A_891 : i32
      %get3A_893 = arith.index_cast %add3A_892 : i32 to index
      %get3A_894 = arith.constant 16 : index
      %get3A_895 = tpu.vector_load %arg6[%get3A_893, %get3A_894] {strides = array<i32>} : memref<320x128xf32, #tpu.memory_space<vmem>>, vector<1x16xf32>,
      %get3A_896 = vector.shape_cast %get3A_895 : vector<1x16xf32> to vector<1x16xf32>
      %swap3A_897 = arith.index_cast %add3A_855 : i32 to index
      %swap3A_898 = arith.constant 80 : index
      %swap3A_899 = tpu.vector_load %arg8[%swap3A_897, %swap3A_898] {strides = array<i32>} : memref<160x128xf32, #tpu.memory_space<vmem>>, vector<1x16xf32>,
      %swap3A_900 = vector.shape_cast %swap3A_899 : vector<1x16xf32> to vector<1x16xf32>
      %swap3A_901 = vector.shape_cast %get3A_896 : vector<1x16xf32> to vector<1x16xf32>
      tpu.vector_store %arg8[%swap3A_897, %swap3A_898], %swap3A_901 {strides = array<i32>} : memref<160x128xf32, #tpu.memory_space<vmem>>, vector<1x16xf32>,
      %mul3A_902 = arith.constant 2 : i32
      %mul3A_903 = arith.muli %mul3A_902, %add3A_855 : i32
      %get3A_904 = arith.index_cast %mul3A_903 : i32 to index
      %get3A_905 = arith.constant 32 : index
      %get3A_906 = tpu.vector_load %arg6[%get3A_904, %get3A_905] {strides = array<i32>} : memref<320x128xf32, #tpu.memory_space<vmem>>, vector<1x16xf32>,
      %get3A_907 = vector.shape_cast %get3A_906 : vector<1x16xf32> to vector<1x16xf32>
      %swap3A_908 = arith.index_cast %add3A_855 : i32 to index
      %swap3A_909 = arith.constant 32 : index
      %swap3A_910 = tpu.vector_load %arg8[%swap3A_908, %swap3A_909] {strides = array<i32>} : memref<160x128xf32, #tpu.memory_space<vmem>>, vector<1x16xf32>,
      %swap3A_911 = vector.shape_cast %swap3A_910 : vector<1x16xf32> to vector<1x16xf32>
      %swap3A_912 = vector.shape_cast %get3A_907 : vector<1x16xf32> to vector<1x16xf32>
      tpu.vector_store %arg8[%swap3A_908, %swap3A_909], %swap3A_912 {strides = array<i32>} : memref<160x128xf32, #tpu.memory_space<vmem>>, vector<1x16xf32>,
      %mul3A_913 = arith.constant 2 : i32
      %mul3A_914 = arith.muli %mul3A_913, %add3A_855 : i32
      %add3A_915 = arith.constant 1 : i32
      %add3A_916 = arith.addi %mul3A_914, %add3A_915 : i32
      %get3A_917 = arith.index_cast %add3A_916 : i32 to index
      %get3A_918 = arith.constant 32 : index
      %get3A_919 = tpu.vector_load %arg6[%get3A_917, %get3A_918] {strides = array<i32>} : memref<320x128xf32, #tpu.memory_space<vmem>>, vector<1x16xf32>,
      %get3A_920 = vector.shape_cast %get3A_919 : vector<1x16xf32> to vector<1x16xf32>
      %swap3A_921 = arith.index_cast %add3A_855 : i32 to index
      %swap3A_922 = arith.constant 96 : index
      %swap3A_923 = tpu.vector_load %arg8[%swap3A_921, %swap3A_922] {strides = array<i32>} : memref<160x128xf32, #tpu.memory_space<vmem>>, vector<1x16xf32>,
      %swap3A_924 = vector.shape_cast %swap3A_923 : vector<1x16xf32> to vector<1x16xf32>
      %swap3A_925 = vector.shape_cast %get3A_920 : vector<1x16xf32> to vector<1x16xf32>
      tpu.vector_store %arg8[%swap3A_921, %swap3A_922], %swap3A_925 {strides = array<i32>} : memref<160x128xf32, #tpu.memory_space<vmem>>, vector<1x16xf32>,
      %mul3A_926 = arith.constant 2 : i32
      %mul3A_927 = arith.muli %mul3A_926, %add3A_855 : i32
      %get3A_928 = arith.index_cast %mul3A_927 : i32 to index
      %get3A_929 = arith.constant 48 : index
      %get3A_930 = tpu.vector_load %arg6[%get3A_928, %get3A_929] {strides = array<i32>} : memref<320x128xf32, #tpu.memory_space<vmem>>, vector<1x16xf32>,
      %get3A_931 = vector.shape_cast %get3A_930 : vector<1x16xf32> to vector<1x16xf32>
      %swap3A_932 = arith.index_cast %add3A_855 : i32 to index
      %swap3A_933 = arith.constant 48 : index
      %swap3A_934 = tpu.vector_load %arg8[%swap3A_932, %swap3A_933] {strides = array<i32>} : memref<160x128xf32, #tpu.memory_space<vmem>>, vector<1x16xf32>,
      %swap3A_935 = vector.shape_cast %swap3A_934 : vector<1x16xf32> to vector<1x16xf32>
      %swap3A_936 = vector.shape_cast %get3A_931 : vector<1x16xf32> to vector<1x16xf32>
      tpu.vector_store %arg8[%swap3A_932, %swap3A_933], %swap3A_936 {strides = array<i32>} : memref<160x128xf32, #tpu.memory_space<vmem>>, vector<1x16xf32>,
      %mul3A_937 = arith.constant 2 : i32
      %mul3A_938 = arith.muli %mul3A_937, %add3A_855 : i32
      %add3A_939 = arith.constant 1 : i32
      %add3A_940 = arith.addi %mul3A_938, %add3A_939 : i32
      %get3A_941 = arith.index_cast %add3A_940 : i32 to index
      %get3A_942 = arith.constant 48 : index
      %get3A_943 = tpu.vector_load %arg6[%get3A_941, %get3A_942] {strides = array<i32>} : memref<320x128xf32, #tpu.memory_space<vmem>>, vector<1x16xf32>,
      %get3A_944 = vector.shape_cast %get3A_943 : vector<1x16xf32> to vector<1x16xf32>
      %swap3A_945 = arith.index_cast %add3A_855 : i32 to index
      %swap3A_946 = arith.constant 112 : index
      %swap3A_947 = tpu.vector_load %arg8[%swap3A_945, %swap3A_946] {strides = array<i32>} : memref<160x128xf32, #tpu.memory_space<vmem>>, vector<1x16xf32>,
      %swap3A_948 = vector.shape_cast %swap3A_947 : vector<1x16xf32> to vector<1x16xf32>
      %swap3A_949 = vector.shape_cast %get3A_944 : vector<1x16xf32> to vector<1x16xf32>
      tpu.vector_store %arg8[%swap3A_945, %swap3A_946], %swap3A_949 {strides = array<i32>} : memref<160x128xf32, #tpu.memory_space<vmem>>, vector<1x16xf32>,
    }
    %scan3A_785 = arith.constant 160 : i32
    %add3A_786 = arith.constant 5760 : i32
    %add3A_787 = arith.addi %mul3A_2, %add3A_786 : i32
    %jit3A_788 = arith.constant 2 : i32
    %div3A_789 = arith.divsi %add3A_787, %jit3A_788 : i32
    %sign3A_790 = arith.constant 0 : i32
    %sign3A_791 = arith.cmpi sgt, %add3A_787, %sign3A_790 : i32
    %sign3A_792 = arith.extui %sign3A_791 : i1 to i32
    %sign3A_793 = arith.constant 0 : i32
    %sign3A_794 = arith.cmpi slt, %add3A_787, %sign3A_793 : i32
    %sign3A_795 = arith.extui %sign3A_794 : i1 to i32
    %sign3A_796 = arith.subi %sign3A_792, %sign3A_795 : i32
    %sign3A_797 = arith.constant 0 : i32
    %sign3A_798 = arith.cmpi sgt, %jit3A_788, %sign3A_797 : i32
    %sign3A_799 = arith.extui %sign3A_798 : i1 to i32
    %sign3A_800 = arith.constant 0 : i32
    %sign3A_801 = arith.cmpi slt, %jit3A_788, %sign3A_800 : i32
    %sign3A_802 = arith.extui %sign3A_801 : i1 to i32
    %sign3A_803 = arith.subi %sign3A_799, %sign3A_802 : i32
    %ne3A_804 = arith.cmpi ne, %sign3A_796, %sign3A_803 : i32
    %rem3A_805 = arith.remsi %add3A_787, %jit3A_788 : i32
    %ne3A_806 = arith.constant 0 : i32
    %ne3A_807 = arith.cmpi ne, %rem3A_805, %ne3A_806 : i32
    %and3A_808 = arith.andi %ne3A_804, %ne3A_807 : i1
    %sub3A_809 = arith.constant 1 : i32
    %sub3A_810 = arith.subi %div3A_789, %sub3A_809 : i32
    %select_n3A_811 = arith.select %and3A_808, %sub3A_810, %div3A_789 : i32
    %multiple_of3A_812 = tpu.assume_multiple %select_n3A_811, 8 : i32
    "tpu.region"() ({
      %run_scoped3A = tpu.sem_alloc : memref<!tpu.dma_semaphore, #tpu.memory_space<semaphore_mem>>
      %dma_start3A_851 = arith.constant 0 : i32
      %dma_start3A_852 = tpu.memref_slice %arg4[%multiple_of3A_812, %dma_start3A_851] : memref<102400x128xf32, #tpu.memory_space<hbm>> -> memref<160x128xf32, #tpu.memory_space<hbm>>
      %dma_start3A_853 = arith.constant 0 : i32
      %dma_start3A_854 = tpu.memref_slice %arg4[%multiple_of3A_812, %dma_start3A_853] : memref<102400x128xf32, #tpu.memory_space<hbm>> -> memref<160x128xf32, #tpu.memory_space<hbm>>
      tpu.enqueue_dma source(%arg8 : memref<160x128xf32, #tpu.memory_space<vmem>>) target(%dma_start3A_854 : memref<160x128xf32, #tpu.memory_space<hbm>>) target_semaphore(%run_scoped3A : memref<!tpu.dma_semaphore, #tpu.memory_space<semaphore_mem>>)
      %dma_wait3A_855 = arith.constant 0 : i32
      %dma_wait3A_856 = tpu.memref_slice %arg4[%multiple_of3A_812, %dma_wait3A_855] : memref<102400x128xf32, #tpu.memory_space<hbm>> -> memref<160x128xf32, #tpu.memory_space<hbm>>
      %dma_wait3A_857 = arith.constant 0 : i32
      %dma_wait3A_858 = tpu.memref_slice %arg4[%multiple_of3A_812, %dma_wait3A_857] : memref<102400x128xf32, #tpu.memory_space<hbm>> -> memref<160x128xf32, #tpu.memory_space<hbm>>
      tpu.wait_dma2 semaphore(%run_scoped3A : memref<!tpu.dma_semaphore, #tpu.memory_space<semaphore_mem>>) src(%arg8 : memref<160x128xf32, #tpu.memory_space<vmem>>) dst(%dma_wait3A_858 : memref<160x128xf32, #tpu.memory_space<hbm>>)
      tpu.yield
    }) : () -> ()
    %dma_wait3A_813 = arith.constant 0 : i32
    %dma_wait3A_814 = arith.constant 0 : i32
    %dma_wait3A_815 = tpu.memref_slice %arg2[%dma_wait3A_813, %dma_wait3A_814] : memref<100000x128xf32, #tpu.memory_space<hbm>> -> memref<320x128xf32, #tpu.memory_space<hbm>>
    %dma_wait3A_816 = arith.constant 0 : i32
    %dma_wait3A_817 = arith.constant 0 : i32
    %dma_wait3A_818 = tpu.memref_slice %arg2[%dma_wait3A_816, %dma_wait3A_817] : memref<100000x128xf32, #tpu.memory_space<hbm>> -> memref<320x128xf32, #tpu.memory_space<hbm>>
    tpu.wait_dma2 semaphore(%arg10 : memref<!tpu.dma_semaphore, #tpu.memory_space<semaphore_mem>>) src(%dma_wait3A_818 : memref<320x128xf32, #tpu.memory_space<hbm>>) dst(%arg7 : memref<320x128xf32, #tpu.memory_space<vmem>>)
    %scan3A_819 = arith.constant 0 : i32
    %scan3A_820 = arith.constant 160 : i32
    %scan3A_821 = arith.addi %scan3A_819, %scan3A_820 : i32
    %scan3A_822 = arith.constant 1 : i32
    scf.for %scan3A_851 = %scan3A_819 to %scan3A_821 step %scan3A_822  : i32 {
      %mul3A_852 = arith.constant 1 : i32
      %mul3A_853 = arith.muli %scan3A_851, %mul3A_852 : i32
      %add3A_854 = arith.constant 0 : i32
      %add3A_855 = arith.addi %add3A_854, %mul3A_853 : i32
      %mul3A_856 = arith.constant 2 : i32
      %mul3A_857 = arith.muli %mul3A_856, %add3A_855 : i32
      %get3A = arith.index_cast %mul3A_857 : i32 to index
      %get3A_858 = arith.constant 0 : index
      %get3A_859 = tpu.vector_load %arg7[%get3A, %get3A_858] {strides = array<i32>} : memref<320x128xf32, #tpu.memory_space<vmem>>, vector<1x16xf32>,
      %get3A_860 = vector.shape_cast %get3A_859 : vector<1x16xf32> to vector<1x16xf32>
      %swap3A = arith.index_cast %add3A_855 : i32 to index
      %swap3A_861 = arith.constant 0 : index
      %swap3A_862 = tpu.vector_load %arg8[%swap3A, %swap3A_861] {strides = array<i32>} : memref<160x128xf32, #tpu.memory_space<vmem>>, vector<1x16xf32>,
      %swap3A_863 = vector.shape_cast %swap3A_862 : vector<1x16xf32> to vector<1x16xf32>
      %swap3A_864 = vector.shape_cast %get3A_860 : vector<1x16xf32> to vector<1x16xf32>
      tpu.vector_store %arg8[%swap3A, %swap3A_861], %swap3A_864 {strides = array<i32>} : memref<160x128xf32, #tpu.memory_space<vmem>>, vector<1x16xf32>,
      %mul3A_865 = arith.constant 2 : i32
      %mul3A_866 = arith.muli %mul3A_865, %add3A_855 : i32
      %add3A_867 = arith.constant 1 : i32
      %add3A_868 = arith.addi %mul3A_866, %add3A_867 : i32
      %get3A_869 = arith.index_cast %add3A_868 : i32 to index
      %get3A_870 = arith.constant 0 : index
      %get3A_871 = tpu.vector_load %arg7[%get3A_869, %get3A_870] {strides = array<i32>} : memref<320x128xf32, #tpu.memory_space<vmem>>, vector<1x16xf32>,
      %get3A_872 = vector.shape_cast %get3A_871 : vector<1x16xf32> to vector<1x16xf32>
      %swap3A_873 = arith.index_cast %add3A_855 : i32 to index
      %swap3A_874 = arith.constant 64 : index
      %swap3A_875 = tpu.vector_load %arg8[%swap3A_873, %swap3A_874] {strides = array<i32>} : memref<160x128xf32, #tpu.memory_space<vmem>>, vector<1x16xf32>,
      %swap3A_876 = vector.shape_cast %swap3A_875 : vector<1x16xf32> to vector<1x16xf32>
      %swap3A_877 = vector.shape_cast %get3A_872 : vector<1x16xf32> to vector<1x16xf32>
      tpu.vector_store %arg8[%swap3A_873, %swap3A_874], %swap3A_877 {strides = array<i32>} : memref<160x128xf32, #tpu.memory_space<vmem>>, vector<1x16xf32>,
      %mul3A_878 = arith.constant 2 : i32
      %mul3A_879 = arith.muli %mul3A_878, %add3A_855 : i32
      %get3A_880 = arith.index_cast %mul3A_879 : i32 to index
      %get3A_881 = arith.constant 16 : index
      %get3A_882 = tpu.vector_load %arg7[%get3A_880, %get3A_881] {strides = array<i32>} : memref<320x128xf32, #tpu.memory_space<vmem>>, vector<1x16xf32>,
      %get3A_883 = vector.shape_cast %get3A_882 : vector<1x16xf32> to vector<1x16xf32>
      %swap3A_884 = arith.index_cast %add3A_855 : i32 to index
      %swap3A_885 = arith.constant 16 : index
      %swap3A_886 = tpu.vector_load %arg8[%swap3A_884, %swap3A_885] {strides = array<i32>} : memref<160x128xf32, #tpu.memory_space<vmem>>, vector<1x16xf32>,
      %swap3A_887 = vector.shape_cast %swap3A_886 : vector<1x16xf32> to vector<1x16xf32>
      %swap3A_888 = vector.shape_cast %get3A_883 : vector<1x16xf32> to vector<1x16xf32>
      tpu.vector_store %arg8[%swap3A_884, %swap3A_885], %swap3A_888 {strides = array<i32>} : memref<160x128xf32, #tpu.memory_space<vmem>>, vector<1x16xf32>,
      %mul3A_889 = arith.constant 2 : i32
      %mul3A_890 = arith.muli %mul3A_889, %add3A_855 : i32
      %add3A_891 = arith.constant 1 : i32
      %add3A_892 = arith.addi %mul3A_890, %add3A_891 : i32
      %get3A_893 = arith.index_cast %add3A_892 : i32 to index
      %get3A_894 = arith.constant 16 : index
      %get3A_895 = tpu.vector_load %arg7[%get3A_893, %get3A_894] {strides = array<i32>} : memref<320x128xf32, #tpu.memory_space<vmem>>, vector<1x16xf32>,
      %get3A_896 = vector.shape_cast %get3A_895 : vector<1x16xf32> to vector<1x16xf32>
      %swap3A_897 = arith.index_cast %add3A_855 : i32 to index
      %swap3A_898 = arith.constant 80 : index
      %swap3A_899 = tpu.vector_load %arg8[%swap3A_897, %swap3A_898] {strides = array<i32>} : memref<160x128xf32, #tpu.memory_space<vmem>>, vector<1x16xf32>,
      %swap3A_900 = vector.shape_cast %swap3A_899 : vector<1x16xf32> to vector<1x16xf32>
      %swap3A_901 = vector.shape_cast %get3A_896 : vector<1x16xf32> to vector<1x16xf32>
      tpu.vector_store %arg8[%swap3A_897, %swap3A_898], %swap3A_901 {strides = array<i32>} : memref<160x128xf32, #tpu.memory_space<vmem>>, vector<1x16xf32>,
      %mul3A_902 = arith.constant 2 : i32
      %mul3A_903 = arith.muli %mul3A_902, %add3A_855 : i32
      %get3A_904 = arith.index_cast %mul3A_903 : i32 to index
      %get3A_905 = arith.constant 32 : index
      %get3A_906 = tpu.vector_load %arg7[%get3A_904, %get3A_905] {strides = array<i32>} : memref<320x128xf32, #tpu.memory_space<vmem>>, vector<1x16xf32>,
      %get3A_907 = vector.shape_cast %get3A_906 : vector<1x16xf32> to vector<1x16xf32>
      %swap3A_908 = arith.index_cast %add3A_855 : i32 to index
      %swap3A_909 = arith.constant 32 : index
      %swap3A_910 = tpu.vector_load %arg8[%swap3A_908, %swap3A_909] {strides = array<i32>} : memref<160x128xf32, #tpu.memory_space<vmem>>, vector<1x16xf32>,
      %swap3A_911 = vector.shape_cast %swap3A_910 : vector<1x16xf32> to vector<1x16xf32>
      %swap3A_912 = vector.shape_cast %get3A_907 : vector<1x16xf32> to vector<1x16xf32>
      tpu.vector_store %arg8[%swap3A_908, %swap3A_909], %swap3A_912 {strides = array<i32>} : memref<160x128xf32, #tpu.memory_space<vmem>>, vector<1x16xf32>,
      %mul3A_913 = arith.constant 2 : i32
      %mul3A_914 = arith.muli %mul3A_913, %add3A_855 : i32
      %add3A_915 = arith.constant 1 : i32
      %add3A_916 = arith.addi %mul3A_914, %add3A_915 : i32
      %get3A_917 = arith.index_cast %add3A_916 : i32 to index
      %get3A_918 = arith.constant 32 : index
      %get3A_919 = tpu.vector_load %arg7[%get3A_917, %get3A_918] {strides = array<i32>} : memref<320x128xf32, #tpu.memory_space<vmem>>, vector<1x16xf32>,
      %get3A_920 = vector.shape_cast %get3A_919 : vector<1x16xf32> to vector<1x16xf32>
      %swap3A_921 = arith.index_cast %add3A_855 : i32 to index
      %swap3A_922 = arith.constant 96 : index
      %swap3A_923 = tpu.vector_load %arg8[%swap3A_921, %swap3A_922] {strides = array<i32>} : memref<160x128xf32, #tpu.memory_space<vmem>>, vector<1x16xf32>,
      %swap3A_924 = vector.shape_cast %swap3A_923 : vector<1x16xf32> to vector<1x16xf32>
      %swap3A_925 = vector.shape_cast %get3A_920 : vector<1x16xf32> to vector<1x16xf32>
      tpu.vector_store %arg8[%swap3A_921, %swap3A_922], %swap3A_925 {strides = array<i32>} : memref<160x128xf32, #tpu.memory_space<vmem>>, vector<1x16xf32>,
      %mul3A_926 = arith.constant 2 : i32
      %mul3A_927 = arith.muli %mul3A_926, %add3A_855 : i32
      %get3A_928 = arith.index_cast %mul3A_927 : i32 to index
      %get3A_929 = arith.constant 48 : index
      %get3A_930 = tpu.vector_load %arg7[%get3A_928, %get3A_929] {strides = array<i32>} : memref<320x128xf32, #tpu.memory_space<vmem>>, vector<1x16xf32>,
      %get3A_931 = vector.shape_cast %get3A_930 : vector<1x16xf32> to vector<1x16xf32>
      %swap3A_932 = arith.index_cast %add3A_855 : i32 to index
      %swap3A_933 = arith.constant 48 : index
      %swap3A_934 = tpu.vector_load %arg8[%swap3A_932, %swap3A_933] {strides = array<i32>} : memref<160x128xf32, #tpu.memory_space<vmem>>, vector<1x16xf32>,
      %swap3A_935 = vector.shape_cast %swap3A_934 : vector<1x16xf32> to vector<1x16xf32>
      %swap3A_936 = vector.shape_cast %get3A_931 : vector<1x16xf32> to vector<1x16xf32>
      tpu.vector_store %arg8[%swap3A_932, %swap3A_933], %swap3A_936 {strides = array<i32>} : memref<160x128xf32, #tpu.memory_space<vmem>>, vector<1x16xf32>,
      %mul3A_937 = arith.constant 2 : i32
      %mul3A_938 = arith.muli %mul3A_937, %add3A_855 : i32
      %add3A_939 = arith.constant 1 : i32
      %add3A_940 = arith.addi %mul3A_938, %add3A_939 : i32
      %get3A_941 = arith.index_cast %add3A_940 : i32 to index
      %get3A_942 = arith.constant 48 : index
      %get3A_943 = tpu.vector_load %arg7[%get3A_941, %get3A_942] {strides = array<i32>} : memref<320x128xf32, #tpu.memory_space<vmem>>, vector<1x16xf32>,
      %get3A_944 = vector.shape_cast %get3A_943 : vector<1x16xf32> to vector<1x16xf32>
      %swap3A_945 = arith.index_cast %add3A_855 : i32 to index
      %swap3A_946 = arith.constant 112 : index
      %swap3A_947 = tpu.vector_load %arg8[%swap3A_945, %swap3A_946] {strides = array<i32>} : memref<160x128xf32, #tpu.memory_space<vmem>>, vector<1x16xf32>,
      %swap3A_948 = vector.shape_cast %swap3A_947 : vector<1x16xf32> to vector<1x16xf32>
      %swap3A_949 = vector.shape_cast %get3A_944 : vector<1x16xf32> to vector<1x16xf32>
      tpu.vector_store %arg8[%swap3A_945, %swap3A_946], %swap3A_949 {strides = array<i32>} : memref<160x128xf32, #tpu.memory_space<vmem>>, vector<1x16xf32>,
    }
    %scan3A_823 = arith.constant 160 : i32
    %add3A_824 = arith.constant 6080 : i32
    %add3A_825 = arith.addi %mul3A_2, %add3A_824 : i32
    %jit3A_826 = arith.constant 2 : i32
    %div3A_827 = arith.divsi %add3A_825, %jit3A_826 : i32
    %sign3A_828 = arith.constant 0 : i32
    %sign3A_829 = arith.cmpi sgt, %add3A_825, %sign3A_828 : i32
    %sign3A_830 = arith.extui %sign3A_829 : i1 to i32
    %sign3A_831 = arith.constant 0 : i32
    %sign3A_832 = arith.cmpi slt, %add3A_825, %sign3A_831 : i32
    %sign3A_833 = arith.extui %sign3A_832 : i1 to i32
    %sign3A_834 = arith.subi %sign3A_830, %sign3A_833 : i32
    %sign3A_835 = arith.constant 0 : i32
    %sign3A_836 = arith.cmpi sgt, %jit3A_826, %sign3A_835 : i32
    %sign3A_837 = arith.extui %sign3A_836 : i1 to i32
    %sign3A_838 = arith.constant 0 : i32
    %sign3A_839 = arith.cmpi slt, %jit3A_826, %sign3A_838 : i32
    %sign3A_840 = arith.extui %sign3A_839 : i1 to i32
    %sign3A_841 = arith.subi %sign3A_837, %sign3A_840 : i32
    %ne3A_842 = arith.cmpi ne, %sign3A_834, %sign3A_841 : i32
    %rem3A_843 = arith.remsi %add3A_825, %jit3A_826 : i32
    %ne3A_844 = arith.constant 0 : i32
    %ne3A_845 = arith.cmpi ne, %rem3A_843, %ne3A_844 : i32
    %and3A_846 = arith.andi %ne3A_842, %ne3A_845 : i1
    %sub3A_847 = arith.constant 1 : i32
    %sub3A_848 = arith.subi %div3A_827, %sub3A_847 : i32
    %select_n3A_849 = arith.select %and3A_846, %sub3A_848, %div3A_827 : i32
    %multiple_of3A_850 = tpu.assume_multiple %select_n3A_849, 8 : i32
    "tpu.region"() ({
      %run_scoped3A = tpu.sem_alloc : memref<!tpu.dma_semaphore, #tpu.memory_space<semaphore_mem>>
      %dma_start3A_851 = arith.constant 0 : i32
      %dma_start3A_852 = tpu.memref_slice %arg4[%multiple_of3A_850, %dma_start3A_851] : memref<102400x128xf32, #tpu.memory_space<hbm>> -> memref<160x128xf32, #tpu.memory_space<hbm>>
      %dma_start3A_853 = arith.constant 0 : i32
      %dma_start3A_854 = tpu.memref_slice %arg4[%multiple_of3A_850, %dma_start3A_853] : memref<102400x128xf32, #tpu.memory_space<hbm>> -> memref<160x128xf32, #tpu.memory_space<hbm>>
      tpu.enqueue_dma source(%arg8 : memref<160x128xf32, #tpu.memory_space<vmem>>) target(%dma_start3A_854 : memref<160x128xf32, #tpu.memory_space<hbm>>) target_semaphore(%run_scoped3A : memref<!tpu.dma_semaphore, #tpu.memory_space<semaphore_mem>>)
      %dma_wait3A_855 = arith.constant 0 : i32
      %dma_wait3A_856 = tpu.memref_slice %arg4[%multiple_of3A_850, %dma_wait3A_855] : memref<102400x128xf32, #tpu.memory_space<hbm>> -> memref<160x128xf32, #tpu.memory_space<hbm>>
      %dma_wait3A_857 = arith.constant 0 : i32
      %dma_wait3A_858 = tpu.memref_slice %arg4[%multiple_of3A_850, %dma_wait3A_857] : memref<102400x128xf32, #tpu.memory_space<hbm>> -> memref<160x128xf32, #tpu.memory_space<hbm>>
      tpu.wait_dma2 semaphore(%run_scoped3A : memref<!tpu.dma_semaphore, #tpu.memory_space<semaphore_mem>>) src(%arg8 : memref<160x128xf32, #tpu.memory_space<vmem>>) dst(%dma_wait3A_858 : memref<160x128xf32, #tpu.memory_space<hbm>>)
      tpu.yield
    }) : () -> ()
    return
  }
}

</mosaic_0001>

<sc_bundles>
// kernel: kernel.3.cloned.1.call-start
scs
__scs_entry_jumppad:
0x0: {  	(pc) =	sbr.rel $0x88, $3  }
0x1: {  	(tag) =	ssettag $0x0;
	lr =	simm.s32 $0x1  }
0x2: {  	[smem:$0x3F9F] =	sst lr;
	_ =	strace $0xD0000000  }
0x3: {  	_ = 	snop  }
0x4: {  	_ = 	snop  }
0x5: {  	_ = 	snop  }
0x6: {  	_ = 	snop  }
0x7: {  	_ = 	snop  }
__scs_overlays_trampoline_lowered:
0x8: {  	[smem:$0x3FAE] =	sst s0  }
0x9: {  	[smem:$0x3FAF] =	sst s1  }
0xa: {  	[smem:$0x3FB0] =	sst s2  }
0xb: {  	[smem:$0x3FB1] =	sst s3  }
0xc: {  	[smem:$0x3FB2] =	sst s4  }
0xd: {  	[smem:$0x3FB3] =	sst s5  }
0xe: {  	[smem:$0x3FB4] =	sst s6  }
0xf: {  	[smem:$0x3FB5] =	sst s7  }
0x10: {  	[smem:$0x3FB6] =	sst s8  }
0x11: {  	[smem:$0x3FB7] =	sst s9;
	s0 =	simm.s32 @!p0 $0x0  }
0x12: {  	s1 =	sld [smem:$0x3F9D];
	s0 =	simm.s32 @p0 $0x1  }
0x13: {  	[smem:$0x3FB8] =	sst s0;
	s0 =	simm.s32 @!p1 $0x0  }
0x14: {  	s2 =	sld [smem:$0x3F9C];
	s0 =	simm.s32 @p1 $0x1  }
0x15: {  	[smem:$0x3FB9] =	sst s0;
	s0 =	simm.s32 @!p2 $0x0  }
0x16: {  	s3 =	sld [smem:$0x3FDB];
	s0 =	simm.s32 @p2 $0x1  }
0x17: {  	s4 =	simm.s32 $0x1BF5;
	[smem:$0x3FBB] =	sst s0  }
0x18: {  	s0 =	sld [smem:$0x3F9E];
	_ =	swait.ge [sflag:s4], $0x0  }
0x19: {  	s7 =	sld [smem:$0x3F9F]  }
0x1a: {  	s8 =	sadd.s32 $0xFFFFE003, lr  }
0x1b: {  	s9 =	sadd.s32 $0xFFFFFEF7, lr;
	s5 =	simm.s32 $0xFFFFFFFF;
	p2 =	slt.u32 s8, $0xFFFFF086  }
0x1c: {  	p1 =	slt.u32 s9, $0xF7A;
	s5 =	simm.s32 @!p2 $0x0  }
0x1d: {  	s5 =	simm.s32 @p1 $0x1;
	p0 =	seq.s32 s7, s2  }
0x1e: {  	s7 =	smul.u32 @!p0 $0xF7A, s2;
	p2 =	seq.s32 @!p0 s5, $0x0  }
0x1f: {  	s9 =	smul.u32 $0xF7A, s1;
	s8 =	simm.s32 @!p0 $0x1BF5;
	p2 =	por !p2, p0  }
0x20: {  	[sflag:s8] =	ssyncset.s32 @!p0 $0xFFFFF086;
	s6 =	sadd.s32 @!p0 s3, s7;
	s7 =	simm.s32 @!p0 $0x108  }
0x21: {  	s3 =	sadd.s32 s3, s9;
	s6 =	sadd.s32 @!p0 $0x88, s6;
	s7 =	simm.s32 @p2 $0x1082  }
0x22: {  	[simem:s7], [sflag:s8] =	dma.local @!p0 [hbm:s6], $0xF7A  }
0x23: {  	s9 =	sor.u32 $0xD0000000, s2;
	s6 =	simm.s32 $0x108;
	_ =	swait.ge @!p0 [sflag:s8], $0x0  }
0x24: {  	s3 =	sadd.s32 $0x88, s3;
	s6 =	simm.s32 @!p1 $0x1082;
	[sflag:s4] =	ssyncset.s32 $0xFFFFF086  }
0x25: {  	[simem:s6], [sflag:s4] =	dma.local [hbm:s3], $0xF7A  }
0x26: {  	[smem:$0x3F9F] =	sst s1;
	(tag) =	ssettag s2;
	_ =	strace s9  }
0x27: {  	s1 =	sld [smem:$0x3FAF]  }
0x28: {  	s2 =	sld [smem:$0x3FB0]  }
0x29: {  	s4 =	sld [smem:$0x3FB2]  }
0x2a: {  	p0 =	seq.s32 s5, $0x0;
	s5 =	sld [smem:$0x3FB3]  }
0x2b: {  	s6 =	sld [smem:$0x3FB4]  }
0x2c: {  	s7 =	sld [smem:$0x3FB5]  }
0x2d: {  	s3 =	simm.s32 $0x108;
	s8 =	sld [smem:$0x3FB6]  }
0x2e: {  	s3 =	simm.s32 @!p0 $0x1082;
	s9 =	sld [smem:$0x3FB7]  }
0x2f: {  	lr =	sadd.s32 s0, s3;
	s0 =	sld [smem:$0x3FAE]  }
0x30: {  	s3 =	sld [smem:$0x3FB1]  }
0x31: {  	[smem:$0x3FBA] =	sst s10  }
0x32: {  	s10 =	sld [smem:$0x3FB8];
	_ =	sdelay $0x3  }
0x33: {  	p0 =	seq.s32 s10, $0x1;
	s10 =	sld [smem:$0x3FBA];
	_ =	sdelay $0x3  }
0x34: {  	[smem:$0x3FBA] =	sst s10  }
0x35: {  	s10 =	sld [smem:$0x3FB9];
	_ =	sdelay $0x3  }
0x36: {  	p1 =	seq.s32 s10, $0x1;
	s10 =	sld [smem:$0x3FBA];
	_ =	sdelay $0x3  }
0x37: {  	[smem:$0x3FBA] =	sst s10  }
0x38: {  	s10 =	sld [smem:$0x3FBB]  }
0x39: {  	_ = 	snop;
	(pc) =	sbr.ind lr, $3  }
0x3a: {  	_ = 	snop  }
0x3b: {  	_ = 	snop  }
0x3c: {  	p2 =	seq.s32 s10, $0x1;
	s10 =	sld [smem:$0x3FBA]  }
0x3d: {  	_ =	shalt  }
0x3e: {  	_ =	shalt  }
0x3f: {  	_ =	shalt  }
0x40: {  	_ =	shalt  }
0x41: {  	_ =	shalt  }
0x42: {  	_ =	shalt  }
0x43: {  	_ =	shalt  }
0x44: {  	_ =	shalt  }
0x45: {  	_ =	shalt  }
0x46: {  	_ =	shalt  }
0x47: {  	_ =	shalt  }
0x48: {  	_ =	shalt  }
0x49: {  	_ =	shalt  }
0x4a: {  	_ =	shalt  }
0x4b: {  	_ =	shalt  }
0x4c: {  	_ =	shalt  }
0x4d: {  	_ =	shalt  }
0x4e: {  	_ =	shalt  }
0x4f: {  	_ =	shalt  }
0x50: {  	_ =	shalt  }
0x51: {  	_ =	shalt  }
0x52: {  	_ =	shalt  }
0x53: {  	_ =	shalt  }
0x54: {  	_ =	shalt  }
0x55: {  	_ =	shalt  }
0x56: {  	_ =	shalt  }
0x57: {  	_ =	shalt  }
0x58: {  	_ =	shalt  }
0x59: {  	_ =	shalt  }
0x5a: {  	_ =	shalt  }
0x5b: {  	_ =	shalt  }
0x5c: {  	_ =	shalt  }
0x5d: {  	_ =	shalt  }
0x5e: {  	_ =	shalt  }
0x5f: {  	_ =	shalt  }
0x60: {  	_ =	shalt  }
0x61: {  	_ =	shalt  }
0x62: {  	_ =	shalt  }
0x63: {  	_ =	shalt  }
0x64: {  	_ =	shalt  }
0x65: {  	_ =	shalt  }
0x66: {  	_ =	shalt  }
0x67: {  	_ =	shalt  }
0x68: {  	_ =	shalt  }
0x69: {  	_ =	shalt  }
0x6a: {  	_ =	shalt  }
0x6b: {  	_ =	shalt  }
0x6c: {  	_ =	shalt  }
0x6d: {  	_ =	shalt  }
0x6e: {  	_ =	shalt  }
0x6f: {  	_ =	shalt  }
0x70: {  	_ =	shalt  }
0x71: {  	_ =	shalt  }
0x72: {  	_ =	shalt  }
0x73: {  	_ =	shalt  }
0x74: {  	_ =	shalt  }
0x75: {  	_ =	shalt  }
0x76: {  	_ =	shalt  }
0x77: {  	_ =	shalt  }
0x78: {  	_ =	shalt  }
0x79: {  	_ =	shalt  }
0x7a: {  	_ =	shalt  }
0x7b: {  	_ =	shalt  }
0x7c: {  	_ =	shalt  }
0x7d: {  	_ =	shalt  }
0x7e: {  	_ =	shalt  }
0x7f: {  	_ =	shalt  }
0x80: {  	_ =	shalt  }
0x81: {  	_ =	shalt  }
0x82: {  	_ =	shalt  }
0x83: {  	_ =	shalt  }
0x84: {  	_ =	shalt  }
0x85: {  	_ =	shalt  }
0x86: {  	_ =	shalt  }
0x87: {  	_ =	shalt  }
.Lfunc_end0:
.L_simem_size_0:
called_computation.1_lowered:
.L_overlay_start_0:
0x88: {  	s2 =	sld [smem:$0x3FD9]  }
0x89: {  	s3 =	sld [smem:$0x3FFE];
	_ =	sdelay $0x1  }
0x8a: {  	s1 =	srdreg.scid  }
0x8b: {  	s0 =	sand.u32 $0x1, s1  }
0x8c: {  	s17 =	sshll.u32 s0, $0xA;
	s2 =	sadd.s32 s3, s2  }
0x8d: {  	s2 =	sadd.s32 s2, s17  }
0x8e: {  	[smem:$0x3FC6] =	sst s2  }
0x8f: {  	_ = 	snop  }
0x90: {  	s2 =	sld [smem:$0x3FD0];
	(tm) =	ssettm $0x1  }
0x91: {  	s18 =	sld [smem:$0x3FFB];
	_ =	sdelay $0x3  }
0x92: {  	_ =	strace s18  }
0x93: {  	s3 =	sld [smem:$0x3FFC];
	_ =	sdelay $0x3  }
0x94: {  	_ =	strace s3  }
0x95: {  	s3 =	sld [smem:$0x3FFD];
	_ =	sdelay $0x3  }
0x96: {  	_ =	strace s3  }
0x97: {  	_ =	strace $0x8FFFFFFF  }
0x98: {  	s19 =	sld [smem:$0x3FDB];
	_ =	sdelay $0x1  }
0x99: {  	s4 =	simm.s32 $_scs_section_size  }
0x9a: {  	s5 =	simm.s32 $_size__tile_overlayer_lowered;
	s6 =	simm.s32 $_tile_overlayer_lowered  }
0x9b: {  	s22 =	simm.s32 $0x1BFF;
	s21 =	sshll.u32 s6, $0x1;
	s3 =	sadd.s32 s4, s19  }
0x9c: {  	s7 =	simm.s32 $0x0;
	s20 =	sshll.u32 s5, $0x1;
	s5 =	sadd.s32 s21, s3  }
0x9d: {  	[timem:s7], [sflag:s22] =	dma.local [hbm:s5], s20  }
0x9e: {  	_ =	swait.ge [sflag:s22], s20  }
0x9f: {  	s4 =	ssub.s32 $0x0, s20;
	[sflag:s22] =	ssyncset.done $0x0  }
0xa0: {  	[sflag:s22] =	ssyncadd.s32 s4;
	_ =	sdelay $0x1  }
0xa1: {  	s23 =	simm.s32 $0x1B8B  }
0xa2: {  	_ =	swait.ge [sflag:s23], $0x1  }
0xa3: {  	[sflag:s23] =	ssyncset.done $0x0  }
0xa4: {  	s25 =	simm.s32 $0x1B8E;
	s24 =	sld [smem:$0x3FFE];
	[sflag:s23] =	ssyncadd.s32 $0xFFFFFFFF  }
0xa5: {  	s26 =	simm.s32 $execute0_lowered;
	[smem:$0x3FD2] =	sst s25  }
0xa6: {  	s5 =	sshll.u32 s26, $0x1;
	_ =	strace $0x80000046;
	[dreg:$0x1] =	wrdreg $0xFFFFFFFF  }
0xa7: {  	s28 =	simm.s32 $_size_execute0_lowered;
	s3 =	sadd.s32 s3, s5;
	[dreg:$0x0] =	wrdreg $0x0  }
0xa8: {  	s5 =	sshll.u32 s28, $0x1;
	[dreg:$0x2] =	wrdreg s3  }
0xa9: {  	[dreg:$0x3] =	wrdreg s5  }
0xaa: {  	[dreg:$0x4] =	wrdreg $0xC0  }
0xab: {  	_ =	task [dreg:s7], $0x5FFFF  }
0xac: {  	[dreg:$0x1] =	wrdreg $0xFFFFFFFF  }
0xad: {  	[dreg:$0x0] =	wrdreg $0x60  }
0xae: {  	[dreg:$0x2] =	wrdreg s24  }
0xaf: {  	[dreg:$0x3] =	wrdreg s2  }
0xb0: {  	[dreg:$0x4] =	wrdreg $0x9  }
0xb1: {  	_ =	task.clear_ibuf [dreg:s7], $0x5FFFF;
	_ =	strace $0x90000046  }
0xb2: {  	s29 =	simm.s32 $0x9;
	_ =	strace $0x80000048  }
0xb3: {  	_ =	swait.ge [sflag:s29], $0x1  }
0xb4: {  	[sflag:s29] =	ssyncadd.s32 $0xFFFFFFFF  }
0xb5: {  	_ =	strace $0x90000048  }
0xb6: {  	_ =	sfence  }
0xb7: {  	s30 =	sld [smem:$0x0];
	_ =	sdelay $0x2  }
0xb8: {  	s31 =	sshll.u32 s1, $0xD;
	s1 =	sshrl.u32 s1, $0x2  }
0xb9: {  	s3 =	sand.u32 $0x4000, s31;
	s1 =	sadd.s32 s1, s30  }
0xba: {  	s0 =	sor.u32 s3, s0;
	s1 =	sshll.u32 s1, $0x11  }
0xbb: {  	s0 =	sor.u32 s1, s0  }
0xbc: {  	s0 =	sadd.s32 $0x8F2B, s0  }
0xbd: {  	[sflag:s0] =	ssyncadd.remote.s32 $0x1  }
0xbe: {  	_ =	sfence.sel $0xFFFF  }
0xbf: {  	[dreg:$0x0] =	wrdreg $0xFFFFFFFF;
	(pc) =	sbr.abs _section_cstart, $3  }
0xc0: {  	[dreg:$0x1] =	wrdreg $0xFFFFFFFF  }
0xc1: {  	_ =	task.clear_ibuf [dreg:s7], $0x2FFFF;
	_ =	strace $0x9FFFFFFF  }
0xc2: {  	(tm) =	ssettm $0x7FFFFFFF  }
0xc3: {  	_ =	shalt  }
tec
execute0_lowered:
.L_overlay_start_1:
0x0: {  	(tag) =	ssettag $0x1  }
0x1: {  	s0 =	rddreg [dreg:$0x0]  }
0x2: {  	s3 =	srdreg.scid;
	s5 =	stileid.u32  }
0x3: {  	s1 =	rddreg [dreg:$0x1];
	s4 =	sand.u32 $0x1, s3;
	s23 =	sshll.u32 s5, $0x1  }
0x4: {  	s2 =	simm.s32 $0x0;
	s28 =	simm.s32 $0x140;
	s5 =	sor.u32 s4, s23  }
0x5: {  	s29 =	simm.s32 $0x1900;
	s30 =	simm.s32 $0xB900;
	s6 =	smul.u32 $0x64000, s5  }
0x6: {  	s31 =	simm.s32 $0x1;
	s4 =	ssub.s32 $0x2, s4;
	s7 =	smul.u32 $0x320, s5  }
0x7: {  	[smem:$0x7FF] =	sst s2;
	s8 =	sshrl.u32 s4, $0x1;
	s5 =	smul.u32 $0xC800, s5  }
0x8: {  	s3 =	sadd.s32 $0x6C00, s0;
	_ =	strace $0x80000047;
	s4 =	ssub.s32 s4, s8  }
0x9: {  	s6 =	sshrl.u32 s6, $0x3;
	s0 =	sadd.s32 s7, s0;
	s24 =	sadd.s32 s1, s5  }
0xa: {  	s6 =	sadd.s32 s1, s6;
	s0 =	sadd.s32 $0x800, s0;
	[dreg:$0x4] =	wrdreg s24  }
0xb: {  	s1 =	simm.s32 $0x2;
	[dreg:$0x3] =	wrdreg s0;
	s25 =	sadd.s32 $0xA00, s6  }
0xc: {  	s26 =	sadd.s32 $0x1400, s6;
	s8 =	sadd.s32 $0x1E00, s6;
	s9 =	sadd.s32 $0x2800, s6  }
0xd: {  	s10 =	sadd.s32 $0x3200, s6;
	s11 =	sadd.s32 $0x3C00, s6;
	s12 =	sadd.s32 $0x4600, s6  }
0xe: {  	s13 =	sadd.s32 $0x5000, s6;
	s14 =	sadd.s32 $0x5A00, s6;
	s15 =	sadd.s32 $0x6400, s6  }
0xf: {  	s16 =	sadd.s32 $0x6E00, s6;
	s17 =	sadd.s32 $0x7800, s6;
	s18 =	sadd.s32 $0x8200, s6  }
0x10: {  	s19 =	sadd.s32 $0x8C00, s6;
	s20 =	sadd.s32 $0x9600, s6;
	s21 =	sadd.s32 $0xA000, s6  }
0x11: {  	s22 =	sadd.s32 $0xAA00, s6;
	s23 =	sadd.s32 $0xB400, s6;
	[dreg:$0x5] =	wrdreg s25  }
0x12: {  	s24 =	sadd.s32 $0xBE00, s6;
	s0 =	simm.s32 $0x15900;
	[dreg:$0x6] =	wrdreg s26  }
0x13: {  	s25 =	smax.u32 s4, $0x1;
	s26 =	simm.s32 $0x3;
	s4 =	simm.s32 $0x0  }
.LBB2_1:
0x14: {  	s5 =	rddreg [dreg:$0x3]  }
0x15: {  	[tilespmem:s2], [sflag:$0x3] =	stream.linear.gather [hbm4b:s5+s2], $0x1900, $0x38;
	[tilespmem:$0x1A900] =	vst v63  }
0x16: {  	_ =	swait.ge [sflag:s26], $0x1900  }
0x17: {  	[sflag:s26] =	ssyncset.done $0x0  }
0x18: {  	[sflag:s26] =	ssyncadd.s32 $0xFFFFE700  }
0x19: {  	[tilespmem:s29], [sflag:$0x1] =	stream.indirect.gather [hbm4b:s3+s28], $0x80, s2, s28, $0xb8;
	[tilespmem:$0x1A900] =	vst v63  }
0x1a: {  	_ = 	snop  }
0x1b: {  	[tilespmem:s30], [sflag:$0x2] =	stream.indirect.gather [hbm4b:s3+s28], $0x80, s28, s28, $0xb8;
	[tilespmem:$0x1A900] =	vst v63  }
0x1c: {  	_ =	swait.ge [sflag:s31], $0xA000  }
0x1d: {  	[sflag:s31] =	ssyncset.done $0x0  }
0x1e: {  	s6 =	simm.s32 $0xB0;
	[sflag:s31] =	ssyncadd.s32 $0xFFFF6000  }
0x1f: {  	v0 =	vld [tilespmem:s6+$0x1850];
	_ =	sdelay $0x3  }
0x20: {  	s5 =	simm.s32 $0x15940  }
0x21: {  	[tilespmem:s5+$0xFFFFFFC0] =	vst v0  }
0x22: {  	v0 =	vld [tilespmem:s6+$0x18D0];
	_ =	sdelay $0x4  }
0x23: {  	[tilespmem:s5+$0x0] =	vst v0  }
0x24: {  	v0 =	vld [tilespmem:s6+$0x1860];
	_ =	sdelay $0x4  }
0x25: {  	[tilespmem:s5+$0xFFFFFFD0] =	vst v0  }
0x26: {  	v0 =	vld [tilespmem:s6+$0x18E0];
	_ =	sdelay $0x4  }
0x27: {  	[tilespmem:s5+$0x10] =	vst v0  }
0x28: {  	v0 =	vld [tilespmem:s6+$0x1870];
	_ =	sdelay $0x4  }
0x29: {  	[tilespmem:s5+$0xFFFFFFE0] =	vst v0  }
0x2a: {  	v0 =	vld [tilespmem:s6+$0x18F0];
	_ =	sdelay $0x4  }
0x2b: {  	[tilespmem:s5+$0x20] =	vst v0  }
0x2c: {  	v0 =	vld [tilespmem:s6+$0x1880];
	_ =	sdelay $0x4  }
0x2d: {  	[tilespmem:s5+$0xFFFFFFF0] =	vst v0  }
0x2e: {  	v0 =	vld [tilespmem:s6+$0x1900];
	_ =	sdelay $0x4  }
0x2f: {  	s7 =	simm.s32 $0xAC0;
	s6 =	simm.s32 $0x1B0;
	[tilespmem:s5+$0x30] =	vst v0  }
.LBB2_2:
0x30: {  	p0 =	sne.s32 s7, $0x27EC0;
	v0 =	vld [tilespmem:s6+$0x1850];
	_ =	sdelay $0x3  }
0x31: {  	s5 =	sadd.s32 $0x80, s5  }
0x32: {  	[tilespmem:s5+$0xFFFFFFC0] =	vst v0  }
0x33: {  	v0 =	vld [tilespmem:s6+$0x18D0];
	_ =	sdelay $0x4  }
0x34: {  	[tilespmem:s5+$0x0] =	vst v0  }
0x35: {  	v0 =	vld [tilespmem:s6+$0x1860];
	_ =	sdelay $0x4  }
0x36: {  	[tilespmem:s5+$0xFFFFFFD0] =	vst v0  }
0x37: {  	v0 =	vld [tilespmem:s6+$0x18E0];
	_ =	sdelay $0x4  }
0x38: {  	[tilespmem:s5+$0x10] =	vst v0  }
0x39: {  	v0 =	vld [tilespmem:s6+$0x1870];
	_ =	sdelay $0x4  }
0x3a: {  	[tilespmem:s5+$0xFFFFFFE0] =	vst v0  }
0x3b: {  	v0 =	vld [tilespmem:s6+$0x18F0];
	_ =	sdelay $0x4  }
0x3c: {  	[tilespmem:s5+$0x20] =	vst v0  }
0x3d: {  	v0 =	vld [tilespmem:s6+$0x1880];
	_ =	sdelay $0x4  }
0x3e: {  	[tilespmem:s5+$0xFFFFFFF0] =	vst v0  }
0x3f: {  	v0 =	vld [tilespmem:s6+$0x1900]  }
.Ltmp0:
0x40: {  	(pc) =	sbr.rel @p0 .LBB2_2-.Ltmp0, $2  }
0x41: {  	_ =	sdelay $0x2  }
0x42: {  	s6 =	sshra.s32 s7, $0x2;
	s7 =	sadd.s32 $0x400, s7;
	[tilespmem:s5+$0x30] =	vst v0  }
0x43: {  	v0 =	vld [tilespmem:s6+$0x1850];
	_ =	sdelay $0x3  }
0x44: {  	s5 =	sadd.s32 $0x80, s5  }
0x45: {  	[tilespmem:s5+$0xFFFFFFC0] =	vst v0  }
0x46: {  	v0 =	vld [tilespmem:s6+$0x18D0];
	_ =	sdelay $0x4  }
0x47: {  	[tilespmem:s5+$0x0] =	vst v0  }
0x48: {  	v0 =	vld [tilespmem:s6+$0x1860];
	_ =	sdelay $0x4  }
0x49: {  	[tilespmem:s5+$0xFFFFFFD0] =	vst v0  }
0x4a: {  	v0 =	vld [tilespmem:s6+$0x18E0];
	_ =	sdelay $0x4  }
0x4b: {  	[tilespmem:s5+$0x10] =	vst v0  }
0x4c: {  	v0 =	vld [tilespmem:s6+$0x1870];
	_ =	sdelay $0x4  }
0x4d: {  	[tilespmem:s5+$0xFFFFFFE0] =	vst v0  }
0x4e: {  	v0 =	vld [tilespmem:s6+$0x18F0];
	_ =	sdelay $0x4  }
0x4f: {  	[tilespmem:s5+$0x20] =	vst v0  }
0x50: {  	v0 =	vld [tilespmem:s6+$0x1880];
	_ =	sdelay $0x4  }
0x51: {  	[tilespmem:s5+$0xFFFFFFF0] =	vst v0  }
0x52: {  	v0 =	vld [tilespmem:s6+$0x1900];
	_ =	sdelay $0x4  }
0x53: {  	s7 =	rddreg [dreg:$0x4];
	[tilespmem:s5+$0x30] =	vst v0  }
0x54: {  	[hbm4b:s7+s2] =	stream.linear.scatter [tilespmem:s0], [sflag:$0x3], $0x5000, $0x38;
	[tilespmem:$0x1A900] =	vst v63  }
0x55: {  	_ =	swait.ge [sflag:s26], $0x5000  }
0x56: {  	[sflag:s26] =	ssyncset.done $0x0  }
0x57: {  	s6 =	simm.s32 $0x280;
	[sflag:s26] =	ssyncadd.s32 $0xFFFFB000  }
0x58: {  	[tilespmem:s29], [sflag:$0x1] =	stream.indirect.gather [hbm4b:s3+s28], $0x80, s6, s28, $0xb8;
	[tilespmem:$0x1A900] =	vst v63  }
0x59: {  	_ =	swait.ge [sflag:s1], $0xA000  }
0x5a: {  	[sflag:s1] =	ssyncset.done $0x0  }
0x5b: {  	s7 =	simm.s32 $0xB0;
	[sflag:s1] =	ssyncadd.s32 $0xFFFF6000  }
0x5c: {  	v63 =	vld [tilespmem:s7+$0xB850];
	_ =	sdelay $0x3  }
0x5d: {  	s5 =	simm.s32 $0x15940  }
0x5e: {  	[tilespmem:s5+$0xFFFFFFC0] =	vst v63  }
0x5f: {  	v0 =	vld [tilespmem:s7+$0xB8D0];
	_ =	sdelay $0x4  }
0x60: {  	[tilespmem:s5+$0x0] =	vst v0  }
0x61: {  	v0 =	vld [tilespmem:s7+$0xB860];
	_ =	sdelay $0x4  }
0x62: {  	[tilespmem:s5+$0xFFFFFFD0] =	vst v0  }
0x63: {  	v0 =	vld [tilespmem:s7+$0xB8E0];
	_ =	sdelay $0x4  }
0x64: {  	[tilespmem:s5+$0x10] =	vst v0  }
0x65: {  	v0 =	vld [tilespmem:s7+$0xB870];
	_ =	sdelay $0x4  }
0x66: {  	[tilespmem:s5+$0xFFFFFFE0] =	vst v0  }
0x67: {  	v0 =	vld [tilespmem:s7+$0xB8F0];
	_ =	sdelay $0x4  }
0x68: {  	[tilespmem:s5+$0x20] =	vst v0  }
0x69: {  	v0 =	vld [tilespmem:s7+$0xB880];
	_ =	sdelay $0x4  }
0x6a: {  	[tilespmem:s5+$0xFFFFFFF0] =	vst v0  }
0x6b: {  	v0 =	vld [tilespmem:s7+$0xB900];
	_ =	sdelay $0x4  }
0x6c: {  	s6 =	simm.s32 $0x1B0;
	s7 =	simm.s32 $0xAC0;
	[tilespmem:s5+$0x30] =	vst v0  }
.LBB2_4:
0x6d: {  	p0 =	sne.s32 s7, $0x27EC0;
	v0 =	vld [tilespmem:s6+$0xB850];
	_ =	sdelay $0x3  }
0x6e: {  	s5 =	sadd.s32 $0x80, s5  }
0x6f: {  	[tilespmem:s5+$0xFFFFFFC0] =	vst v0  }
0x70: {  	v0 =	vld [tilespmem:s6+$0xB8D0];
	_ =	sdelay $0x4  }
0x71: {  	[tilespmem:s5+$0x0] =	vst v0  }
0x72: {  	v0 =	vld [tilespmem:s6+$0xB860];
	_ =	sdelay $0x4  }
0x73: {  	[tilespmem:s5+$0xFFFFFFD0] =	vst v0  }
0x74: {  	v0 =	vld [tilespmem:s6+$0xB8E0];
	_ =	sdelay $0x4  }
0x75: {  	[tilespmem:s5+$0x10] =	vst v0  }
0x76: {  	v0 =	vld [tilespmem:s6+$0xB870];
	_ =	sdelay $0x4  }
0x77: {  	[tilespmem:s5+$0xFFFFFFE0] =	vst v0  }
0x78: {  	v0 =	vld [tilespmem:s6+$0xB8F0];
	_ =	sdelay $0x4  }
0x79: {  	[tilespmem:s5+$0x20] =	vst v0  }
0x7a: {  	v0 =	vld [tilespmem:s6+$0xB880];
	_ =	sdelay $0x4  }
0x7b: {  	[tilespmem:s5+$0xFFFFFFF0] =	vst v0  }
0x7c: {  	v0 =	vld [tilespmem:s6+$0xB900]  }
.Ltmp1:
0x7d: {  	(pc) =	sbr.rel @p0 .LBB2_4-.Ltmp1, $2  }
0x7e: {  	_ =	sdelay $0x2  }
0x7f: {  	s6 =	sshra.s32 s7, $0x2;
	s7 =	sadd.s32 $0x400, s7;
	[tilespmem:s5+$0x30] =	vst v0  }
0x80: {  	v0 =	vld [tilespmem:s6+$0xB850];
	_ =	sdelay $0x3  }
0x81: {  	s5 =	sadd.s32 $0x80, s5  }
0x82: {  	[tilespmem:s5+$0xFFFFFFC0] =	vst v0  }
0x83: {  	v0 =	vld [tilespmem:s6+$0xB8D0];
	_ =	sdelay $0x4  }
0x84: {  	[tilespmem:s5+$0x0] =	vst v0  }
0x85: {  	v0 =	vld [tilespmem:s6+$0xB860];
	_ =	sdelay $0x4  }
0x86: {  	[tilespmem:s5+$0xFFFFFFD0] =	vst v0  }
0x87: {  	v0 =	vld [tilespmem:s6+$0xB8E0];
	_ =	sdelay $0x4  }
0x88: {  	[tilespmem:s5+$0x10] =	vst v0  }
0x89: {  	v0 =	vld [tilespmem:s6+$0xB870];
	_ =	sdelay $0x4  }
0x8a: {  	[tilespmem:s5+$0xFFFFFFE0] =	vst v0  }
0x8b: {  	v0 =	vld [tilespmem:s6+$0xB8F0];
	_ =	sdelay $0x4  }
0x8c: {  	[tilespmem:s5+$0x20] =	vst v0  }
0x8d: {  	v0 =	vld [tilespmem:s6+$0xB880];
	_ =	sdelay $0x4  }
0x8e: {  	[tilespmem:s5+$0xFFFFFFF0] =	vst v0  }
0x8f: {  	v0 =	vld [tilespmem:s6+$0xB900];
	_ =	sdelay $0x4  }
0x90: {  	s7 =	rddreg [dreg:$0x5];
	[tilespmem:s5+$0x30] =	vst v0  }
0x91: {  	[hbm4b:s7+s2] =	stream.linear.scatter [tilespmem:s0], [sflag:$0x3], $0x5000, $0x38;
	[tilespmem:$0x1A900] =	vst v63  }
0x92: {  	_ =	swait.ge [sflag:s26], $0x5000  }
0x93: {  	[sflag:s26] =	ssyncset.done $0x0  }
0x94: {  	s6 =	simm.s32 $0x3C0;
	[sflag:s26] =	ssyncadd.s32 $0xFFFFB000  }
0x95: {  	[tilespmem:s30], [sflag:$0x2] =	stream.indirect.gather [hbm4b:s3+s28], $0x80, s6, s28, $0xb8;
	[tilespmem:$0x1A900] =	vst v63  }
0x96: {  	_ =	swait.ge [sflag:s31], $0xA000  }
0x97: {  	[sflag:s31] =	ssyncset.done $0x0  }
0x98: {  	s7 =	simm.s32 $0xB0;
	[sflag:s31] =	ssyncadd.s32 $0xFFFF6000  }
0x99: {  	v63 =	vld [tilespmem:s7+$0x1850];
	_ =	sdelay $0x3  }
0x9a: {  	s5 =	simm.s32 $0x15940  }
0x9b: {  	[tilespmem:s5+$0xFFFFFFC0] =	vst v63  }
0x9c: {  	v0 =	vld [tilespmem:s7+$0x18D0];
	_ =	sdelay $0x4  }
0x9d: {  	[tilespmem:s5+$0x0] =	vst v0  }
0x9e: {  	v0 =	vld [tilespmem:s7+$0x1860];
	_ =	sdelay $0x4  }
0x9f: {  	[tilespmem:s5+$0xFFFFFFD0] =	vst v0  }
0xa0: {  	v0 =	vld [tilespmem:s7+$0x18E0];
	_ =	sdelay $0x4  }
0xa1: {  	[tilespmem:s5+$0x10] =	vst v0  }
0xa2: {  	v0 =	vld [tilespmem:s7+$0x1870];
	_ =	sdelay $0x4  }
0xa3: {  	[tilespmem:s5+$0xFFFFFFE0] =	vst v0  }
0xa4: {  	v0 =	vld [tilespmem:s7+$0x18F0];
	_ =	sdelay $0x4  }
0xa5: {  	[tilespmem:s5+$0x20] =	vst v0  }
0xa6: {  	v0 =	vld [tilespmem:s7+$0x1880];
	_ =	sdelay $0x4  }
0xa7: {  	[tilespmem:s5+$0xFFFFFFF0] =	vst v0  }
0xa8: {  	v0 =	vld [tilespmem:s7+$0x1900];
	_ =	sdelay $0x4  }
0xa9: {  	s6 =	simm.s32 $0x1B0;
	s7 =	simm.s32 $0xAC0;
	[tilespmem:s5+$0x30] =	vst v0  }
.LBB2_6:
0xaa: {  	p0 =	sne.s32 s7, $0x27EC0;
	v0 =	vld [tilespmem:s6+$0x1850];
	_ =	sdelay $0x3  }
0xab: {  	s5 =	sadd.s32 $0x80, s5  }
0xac: {  	[tilespmem:s5+$0xFFFFFFC0] =	vst v0  }
0xad: {  	v0 =	vld [tilespmem:s6+$0x18D0];
	_ =	sdelay $0x4  }
0xae: {  	[tilespmem:s5+$0x0] =	vst v0  }
0xaf: {  	v0 =	vld [tilespmem:s6+$0x1860];
	_ =	sdelay $0x4  }
0xb0: {  	[tilespmem:s5+$0xFFFFFFD0] =	vst v0  }
0xb1: {  	v0 =	vld [tilespmem:s6+$0x18E0];
	_ =	sdelay $0x4  }
0xb2: {  	[tilespmem:s5+$0x10] =	vst v0  }
0xb3: {  	v0 =	vld [tilespmem:s6+$0x1870];
	_ =	sdelay $0x4  }
0xb4: {  	[tilespmem:s5+$0xFFFFFFE0] =	vst v0  }
0xb5: {  	v0 =	vld [tilespmem:s6+$0x18F0];
	_ =	sdelay $0x4  }
0xb6: {  	[tilespmem:s5+$0x20] =	vst v0  }
0xb7: {  	v0 =	vld [tilespmem:s6+$0x1880];
	_ =	sdelay $0x4  }
0xb8: {  	[tilespmem:s5+$0xFFFFFFF0] =	vst v0  }
0xb9: {  	v0 =	vld [tilespmem:s6+$0x1900]  }
.Ltmp2:
0xba: {  	(pc) =	sbr.rel @p0 .LBB2_6-.Ltmp2, $2  }
0xbb: {  	_ =	sdelay $0x2  }
0xbc: {  	s6 =	sshra.s32 s7, $0x2;
	s7 =	sadd.s32 $0x400, s7;
	[tilespmem:s5+$0x30] =	vst v0  }
0xbd: {  	v0 =	vld [tilespmem:s6+$0x1850];
	_ =	sdelay $0x3  }
0xbe: {  	s5 =	sadd.s32 $0x80, s5  }
0xbf: {  	[tilespmem:s5+$0xFFFFFFC0] =	vst v0  }
0xc0: {  	v0 =	vld [tilespmem:s6+$0x18D0];
	_ =	sdelay $0x4  }
0xc1: {  	[tilespmem:s5+$0x0] =	vst v0  }
0xc2: {  	v0 =	vld [tilespmem:s6+$0x1860];
	_ =	sdelay $0x4  }
0xc3: {  	[tilespmem:s5+$0xFFFFFFD0] =	vst v0  }
0xc4: {  	v0 =	vld [tilespmem:s6+$0x18E0];
	_ =	sdelay $0x4  }
0xc5: {  	[tilespmem:s5+$0x10] =	vst v0  }
0xc6: {  	v0 =	vld [tilespmem:s6+$0x1870];
	_ =	sdelay $0x4  }
0xc7: {  	[tilespmem:s5+$0xFFFFFFE0] =	vst v0  }
0xc8: {  	v0 =	vld [tilespmem:s6+$0x18F0];
	_ =	sdelay $0x4  }
0xc9: {  	[tilespmem:s5+$0x20] =	vst v0  }
0xca: {  	v0 =	vld [tilespmem:s6+$0x1880];
	_ =	sdelay $0x4  }
0xcb: {  	[tilespmem:s5+$0xFFFFFFF0] =	vst v0  }
0xcc: {  	v0 =	vld [tilespmem:s6+$0x1900];
	_ =	sdelay $0x4  }
0xcd: {  	s7 =	rddreg [dreg:$0x6];
	[tilespmem:s5+$0x30] =	vst v0  }
0xce: {  	[hbm4b:s7+s2] =	stream.linear.scatter [tilespmem:s0], [sflag:$0x3], $0x5000, $0x38;
	[tilespmem:$0x1A900] =	vst v63  }
0xcf: {  	_ =	swait.ge [sflag:s26], $0x5000  }
0xd0: {  	[sflag:s26] =	ssyncset.done $0x0  }
0xd1: {  	s6 =	simm.s32 $0x500;
	[sflag:s26] =	ssyncadd.s32 $0xFFFFB000  }
0xd2: {  	[tilespmem:s29], [sflag:$0x1] =	stream.indirect.gather [hbm4b:s3+s28], $0x80, s6, s28, $0xb8;
	[tilespmem:$0x1A900] =	vst v63  }
0xd3: {  	_ =	swait.ge [sflag:s1], $0xA000  }
0xd4: {  	[sflag:s1] =	ssyncset.done $0x0  }
0xd5: {  	s7 =	simm.s32 $0xB0;
	[sflag:s1] =	ssyncadd.s32 $0xFFFF6000  }
0xd6: {  	v63 =	vld [tilespmem:s7+$0xB850];
	_ =	sdelay $0x3  }
0xd7: {  	s5 =	simm.s32 $0x15940  }
0xd8: {  	[tilespmem:s5+$0xFFFFFFC0] =	vst v63  }
0xd9: {  	v0 =	vld [tilespmem:s7+$0xB8D0];
	_ =	sdelay $0x4  }
0xda: {  	[tilespmem:s5+$0x0] =	vst v0  }
0xdb: {  	v0 =	vld [tilespmem:s7+$0xB860];
	_ =	sdelay $0x4  }
0xdc: {  	[tilespmem:s5+$0xFFFFFFD0] =	vst v0  }
0xdd: {  	v0 =	vld [tilespmem:s7+$0xB8E0];
	_ =	sdelay $0x4  }
0xde: {  	[tilespmem:s5+$0x10] =	vst v0  }
0xdf: {  	v0 =	vld [tilespmem:s7+$0xB870];
	_ =	sdelay $0x4  }
0xe0: {  	[tilespmem:s5+$0xFFFFFFE0] =	vst v0  }
0xe1: {  	v0 =	vld [tilespmem:s7+$0xB8F0];
	_ =	sdelay $0x4  }
0xe2: {  	[tilespmem:s5+$0x20] =	vst v0  }
0xe3: {  	v0 =	vld [tilespmem:s7+$0xB880];
	_ =	sdelay $0x4  }
0xe4: {  	[tilespmem:s5+$0xFFFFFFF0] =	vst v0  }
0xe5: {  	v0 =	vld [tilespmem:s7+$0xB900];
	_ =	sdelay $0x4  }
0xe6: {  	s6 =	simm.s32 $0x1B0;
	s7 =	simm.s32 $0xAC0;
	[tilespmem:s5+$0x30] =	vst v0  }
.LBB2_8:
0xe7: {  	p0 =	sne.s32 s7, $0x27EC0;
	v0 =	vld [tilespmem:s6+$0xB850];
	_ =	sdelay $0x3  }
0xe8: {  	s5 =	sadd.s32 $0x80, s5  }
0xe9: {  	[tilespmem:s5+$0xFFFFFFC0] =	vst v0  }
0xea: {  	v0 =	vld [tilespmem:s6+$0xB8D0];
	_ =	sdelay $0x4  }
0xeb: {  	[tilespmem:s5+$0x0] =	vst v0  }
0xec: {  	v0 =	vld [tilespmem:s6+$0xB860];
	_ =	sdelay $0x4  }
0xed: {  	[tilespmem:s5+$0xFFFFFFD0] =	vst v0  }
0xee: {  	v0 =	vld [tilespmem:s6+$0xB8E0];
	_ =	sdelay $0x4  }
0xef: {  	[tilespmem:s5+$0x10] =	vst v0  }
0xf0: {  	v0 =	vld [tilespmem:s6+$0xB870];
	_ =	sdelay $0x4  }
0xf1: {  	[tilespmem:s5+$0xFFFFFFE0] =	vst v0  }
0xf2: {  	v0 =	vld [tilespmem:s6+$0xB8F0];
	_ =	sdelay $0x4  }
0xf3: {  	[tilespmem:s5+$0x20] =	vst v0  }
0xf4: {  	v0 =	vld [tilespmem:s6+$0xB880];
	_ =	sdelay $0x4  }
0xf5: {  	[tilespmem:s5+$0xFFFFFFF0] =	vst v0  }
0xf6: {  	v0 =	vld [tilespmem:s6+$0xB900]  }
.Ltmp3:
0xf7: {  	(pc) =	sbr.rel @p0 .LBB2_8-.Ltmp3, $2  }
0xf8: {  	_ =	sdelay $0x2  }
0xf9: {  	s6 =	sshra.s32 s7, $0x2;
	s7 =	sadd.s32 $0x400, s7;
	[tilespmem:s5+$0x30] =	vst v0  }
0xfa: {  	v0 =	vld [tilespmem:s6+$0xB850];
	_ =	sdelay $0x3  }
0xfb: {  	s5 =	sadd.s32 $0x80, s5  }
0xfc: {  	[tilespmem:s5+$0xFFFFFFC0] =	vst v0  }
0xfd: {  	v0 =	vld [tilespmem:s6+$0xB8D0];
	_ =	sdelay $0x4  }
0xfe: {  	[tilespmem:s5+$0x0] =	vst v0  }
0xff: {  	v0 =	vld [tilespmem:s6+$0xB860];
	_ =	sdelay $0x4  }
0x100: {  	[tilespmem:s5+$0xFFFFFFD0] =	vst v0  }
0x101: {  	v0 =	vld [tilespmem:s6+$0xB8E0];
	_ =	sdelay $0x4  }
0x102: {  	[tilespmem:s5+$0x10] =	vst v0  }
0x103: {  	v0 =	vld [tilespmem:s6+$0xB870];
	_ =	sdelay $0x4  }
0x104: {  	[tilespmem:s5+$0xFFFFFFE0] =	vst v0  }
0x105: {  	v0 =	vld [tilespmem:s6+$0xB8F0];
	_ =	sdelay $0x4  }
0x106: {  	[tilespmem:s5+$0x20] =	vst v0  }
0x107: {  	v0 =	vld [tilespmem:s6+$0xB880];
	_ =	sdelay $0x4  }
0x108: {  	[tilespmem:s5+$0xFFFFFFF0] =	vst v0  }
0x109: {  	v0 =	vld [tilespmem:s6+$0xB900];
	_ =	sdelay $0x4  }
0x10a: {  	[tilespmem:s5+$0x30] =	vst v0  }
0x10b: {  	[hbm4b:s8+s2] =	stream.linear.scatter [tilespmem:s0], [sflag:$0x3], $0x5000, $0x38;
	[tilespmem:$0x1A900] =	vst v63  }
0x10c: {  	_ =	swait.ge [sflag:s26], $0x5000  }
0x10d: {  	[sflag:s26] =	ssyncset.done $0x0  }
0x10e: {  	s6 =	simm.s32 $0x640;
	[sflag:s26] =	ssyncadd.s32 $0xFFFFB000  }
0x10f: {  	[tilespmem:s30], [sflag:$0x2] =	stream.indirect.gather [hbm4b:s3+s28], $0x80, s6, s28, $0xb8;
	[tilespmem:$0x1A900] =	vst v63  }
0x110: {  	_ =	swait.ge [sflag:s31], $0xA000  }
0x111: {  	[sflag:s31] =	ssyncset.done $0x0  }
0x112: {  	s7 =	simm.s32 $0xB0;
	[sflag:s31] =	ssyncadd.s32 $0xFFFF6000  }
0x113: {  	v63 =	vld [tilespmem:s7+$0x1850];
	_ =	sdelay $0x3  }
0x114: {  	s5 =	simm.s32 $0x15940  }
0x115: {  	[tilespmem:s5+$0xFFFFFFC0] =	vst v63  }
0x116: {  	v0 =	vld [tilespmem:s7+$0x18D0];
	_ =	sdelay $0x4  }
0x117: {  	[tilespmem:s5+$0x0] =	vst v0  }
0x118: {  	v0 =	vld [tilespmem:s7+$0x1860];
	_ =	sdelay $0x4  }
0x119: {  	[tilespmem:s5+$0xFFFFFFD0] =	vst v0  }
0x11a: {  	v0 =	vld [tilespmem:s7+$0x18E0];
	_ =	sdelay $0x4  }
0x11b: {  	[tilespmem:s5+$0x10] =	vst v0  }
0x11c: {  	v0 =	vld [tilespmem:s7+$0x1870];
	_ =	sdelay $0x4  }
0x11d: {  	[tilespmem:s5+$0xFFFFFFE0] =	vst v0  }
0x11e: {  	v0 =	vld [tilespmem:s7+$0x18F0];
	_ =	sdelay $0x4  }
0x11f: {  	[tilespmem:s5+$0x20] =	vst v0  }
0x120: {  	v0 =	vld [tilespmem:s7+$0x1880];
	_ =	sdelay $0x4  }
0x121: {  	[tilespmem:s5+$0xFFFFFFF0] =	vst v0  }
0x122: {  	v0 =	vld [tilespmem:s7+$0x1900];
	_ =	sdelay $0x4  }
0x123: {  	s6 =	simm.s32 $0x1B0;
	s7 =	simm.s32 $0xAC0;
	[tilespmem:s5+$0x30] =	vst v0  }
.LBB2_10:
0x124: {  	p0 =	sne.s32 s7, $0x27EC0;
	v0 =	vld [tilespmem:s6+$0x1850];
	_ =	sdelay $0x3  }
0x125: {  	s5 =	sadd.s32 $0x80, s5  }
0x126: {  	[tilespmem:s5+$0xFFFFFFC0] =	vst v0  }
0x127: {  	v0 =	vld [tilespmem:s6+$0x18D0];
	_ =	sdelay $0x4  }
0x128: {  	[tilespmem:s5+$0x0] =	vst v0  }
0x129: {  	v0 =	vld [tilespmem:s6+$0x1860];
	_ =	sdelay $0x4  }
0x12a: {  	[tilespmem:s5+$0xFFFFFFD0] =	vst v0  }
0x12b: {  	v0 =	vld [tilespmem:s6+$0x18E0];
	_ =	sdelay $0x4  }
0x12c: {  	[tilespmem:s5+$0x10] =	vst v0  }
0x12d: {  	v0 =	vld [tilespmem:s6+$0x1870];
	_ =	sdelay $0x4  }
0x12e: {  	[tilespmem:s5+$0xFFFFFFE0] =	vst v0  }
0x12f: {  	v0 =	vld [tilespmem:s6+$0x18F0];
	_ =	sdelay $0x4  }
0x130: {  	[tilespmem:s5+$0x20] =	vst v0  }
0x131: {  	v0 =	vld [tilespmem:s6+$0x1880];
	_ =	sdelay $0x4  }
0x132: {  	[tilespmem:s5+$0xFFFFFFF0] =	vst v0  }
0x133: {  	v0 =	vld [tilespmem:s6+$0x1900]  }
.Ltmp4:
0x134: {  	(pc) =	sbr.rel @p0 .LBB2_10-.Ltmp4, $2  }
0x135: {  	_ =	sdelay $0x2  }
0x136: {  	s6 =	sshra.s32 s7, $0x2;
	s7 =	sadd.s32 $0x400, s7;
	[tilespmem:s5+$0x30] =	vst v0  }
0x137: {  	v0 =	vld [tilespmem:s6+$0x1850];
	_ =	sdelay $0x3  }
0x138: {  	s5 =	sadd.s32 $0x80, s5  }
0x139: {  	[tilespmem:s5+$0xFFFFFFC0] =	vst v0  }
0x13a: {  	v0 =	vld [tilespmem:s6+$0x18D0];
	_ =	sdelay $0x4  }
0x13b: {  	[tilespmem:s5+$0x0] =	vst v0  }
0x13c: {  	v0 =	vld [tilespmem:s6+$0x1860];
	_ =	sdelay $0x4  }
0x13d: {  	[tilespmem:s5+$0xFFFFFFD0] =	vst v0  }
0x13e: {  	v0 =	vld [tilespmem:s6+$0x18E0];
	_ =	sdelay $0x4  }
0x13f: {  	[tilespmem:s5+$0x10] =	vst v0  }
0x140: {  	v0 =	vld [tilespmem:s6+$0x1870];
	_ =	sdelay $0x4  }
0x141: {  	[tilespmem:s5+$0xFFFFFFE0] =	vst v0  }
0x142: {  	v0 =	vld [tilespmem:s6+$0x18F0];
	_ =	sdelay $0x4  }
0x143: {  	[tilespmem:s5+$0x20] =	vst v0  }
0x144: {  	v0 =	vld [tilespmem:s6+$0x1880];
	_ =	sdelay $0x4  }
0x145: {  	[tilespmem:s5+$0xFFFFFFF0] =	vst v0  }
0x146: {  	v0 =	vld [tilespmem:s6+$0x1900];
	_ =	sdelay $0x4  }
0x147: {  	[tilespmem:s5+$0x30] =	vst v0  }
0x148: {  	[hbm4b:s9+s2] =	stream.linear.scatter [tilespmem:s0], [sflag:$0x3], $0x5000, $0x38;
	[tilespmem:$0x1A900] =	vst v63  }
0x149: {  	_ =	swait.ge [sflag:s26], $0x5000  }
0x14a: {  	[sflag:s26] =	ssyncset.done $0x0  }
0x14b: {  	s6 =	simm.s32 $0x780;
	[sflag:s26] =	ssyncadd.s32 $0xFFFFB000  }
0x14c: {  	[tilespmem:s29], [sflag:$0x1] =	stream.indirect.gather [hbm4b:s3+s28], $0x80, s6, s28, $0xb8;
	[tilespmem:$0x1A900] =	vst v63  }
0x14d: {  	_ =	swait.ge [sflag:s1], $0xA000  }
0x14e: {  	[sflag:s1] =	ssyncset.done $0x0  }
0x14f: {  	s7 =	simm.s32 $0xB0;
	[sflag:s1] =	ssyncadd.s32 $0xFFFF6000  }
0x150: {  	v63 =	vld [tilespmem:s7+$0xB850];
	_ =	sdelay $0x3  }
0x151: {  	s5 =	simm.s32 $0x15940  }
0x152: {  	[tilespmem:s5+$0xFFFFFFC0] =	vst v63  }
0x153: {  	v0 =	vld [tilespmem:s7+$0xB8D0];
	_ =	sdelay $0x4  }
0x154: {  	[tilespmem:s5+$0x0] =	vst v0  }
0x155: {  	v0 =	vld [tilespmem:s7+$0xB860];
	_ =	sdelay $0x4  }
0x156: {  	[tilespmem:s5+$0xFFFFFFD0] =	vst v0  }
0x157: {  	v0 =	vld [tilespmem:s7+$0xB8E0];
	_ =	sdelay $0x4  }
0x158: {  	[tilespmem:s5+$0x10] =	vst v0  }
0x159: {  	v0 =	vld [tilespmem:s7+$0xB870];
	_ =	sdelay $0x4  }
0x15a: {  	[tilespmem:s5+$0xFFFFFFE0] =	vst v0  }
0x15b: {  	v0 =	vld [tilespmem:s7+$0xB8F0];
	_ =	sdelay $0x4  }
0x15c: {  	[tilespmem:s5+$0x20] =	vst v0  }
0x15d: {  	v0 =	vld [tilespmem:s7+$0xB880];
	_ =	sdelay $0x4  }
0x15e: {  	[tilespmem:s5+$0xFFFFFFF0] =	vst v0  }
0x15f: {  	v0 =	vld [tilespmem:s7+$0xB900];
	_ =	sdelay $0x4  }
0x160: {  	s6 =	simm.s32 $0x1B0;
	s7 =	simm.s32 $0xAC0;
	[tilespmem:s5+$0x30] =	vst v0  }
.LBB2_12:
0x161: {  	p0 =	sne.s32 s7, $0x27EC0;
	v0 =	vld [tilespmem:s6+$0xB850];
	_ =	sdelay $0x3  }
0x162: {  	s5 =	sadd.s32 $0x80, s5  }
0x163: {  	[tilespmem:s5+$0xFFFFFFC0] =	vst v0  }
0x164: {  	v0 =	vld [tilespmem:s6+$0xB8D0];
	_ =	sdelay $0x4  }
0x165: {  	[tilespmem:s5+$0x0] =	vst v0  }
0x166: {  	v0 =	vld [tilespmem:s6+$0xB860];
	_ =	sdelay $0x4  }
0x167: {  	[tilespmem:s5+$0xFFFFFFD0] =	vst v0  }
0x168: {  	v0 =	vld [tilespmem:s6+$0xB8E0];
	_ =	sdelay $0x4  }
0x169: {  	[tilespmem:s5+$0x10] =	vst v0  }
0x16a: {  	v0 =	vld [tilespmem:s6+$0xB870];
	_ =	sdelay $0x4  }
0x16b: {  	[tilespmem:s5+$0xFFFFFFE0] =	vst v0  }
0x16c: {  	v0 =	vld [tilespmem:s6+$0xB8F0];
	_ =	sdelay $0x4  }
0x16d: {  	[tilespmem:s5+$0x20] =	vst v0  }
0x16e: {  	v0 =	vld [tilespmem:s6+$0xB880];
	_ =	sdelay $0x4  }
0x16f: {  	[tilespmem:s5+$0xFFFFFFF0] =	vst v0  }
0x170: {  	v0 =	vld [tilespmem:s6+$0xB900]  }
.Ltmp5:
0x171: {  	(pc) =	sbr.rel @p0 .LBB2_12-.Ltmp5, $2  }
0x172: {  	_ =	sdelay $0x2  }
0x173: {  	s6 =	sshra.s32 s7, $0x2;
	s7 =	sadd.s32 $0x400, s7;
	[tilespmem:s5+$0x30] =	vst v0  }
0x174: {  	v0 =	vld [tilespmem:s6+$0xB850];
	_ =	sdelay $0x3  }
0x175: {  	s5 =	sadd.s32 $0x80, s5  }
0x176: {  	[tilespmem:s5+$0xFFFFFFC0] =	vst v0  }
0x177: {  	v0 =	vld [tilespmem:s6+$0xB8D0];
	_ =	sdelay $0x4  }
0x178: {  	[tilespmem:s5+$0x0] =	vst v0  }
0x179: {  	v0 =	vld [tilespmem:s6+$0xB860];
	_ =	sdelay $0x4  }
0x17a: {  	[tilespmem:s5+$0xFFFFFFD0] =	vst v0  }
0x17b: {  	v0 =	vld [tilespmem:s6+$0xB8E0];
	_ =	sdelay $0x4  }
0x17c: {  	[tilespmem:s5+$0x10] =	vst v0  }
0x17d: {  	v0 =	vld [tilespmem:s6+$0xB870];
	_ =	sdelay $0x4  }
0x17e: {  	[tilespmem:s5+$0xFFFFFFE0] =	vst v0  }
0x17f: {  	v0 =	vld [tilespmem:s6+$0xB8F0];
	_ =	sdelay $0x4  }
0x180: {  	[tilespmem:s5+$0x20] =	vst v0  }
0x181: {  	v0 =	vld [tilespmem:s6+$0xB880];
	_ =	sdelay $0x4  }
0x182: {  	[tilespmem:s5+$0xFFFFFFF0] =	vst v0  }
0x183: {  	v0 =	vld [tilespmem:s6+$0xB900];
	_ =	sdelay $0x4  }
0x184: {  	[tilespmem:s5+$0x30] =	vst v0  }
0x185: {  	[hbm4b:s10+s2] =	stream.linear.scatter [tilespmem:s0], [sflag:$0x3], $0x5000, $0x38;
	[tilespmem:$0x1A900] =	vst v63  }
0x186: {  	_ =	swait.ge [sflag:s26], $0x5000  }
0x187: {  	[sflag:s26] =	ssyncset.done $0x0  }
0x188: {  	s6 =	simm.s32 $0x8C0;
	[sflag:s26] =	ssyncadd.s32 $0xFFFFB000  }
0x189: {  	[tilespmem:s30], [sflag:$0x2] =	stream.indirect.gather [hbm4b:s3+s28], $0x80, s6, s28, $0xb8;
	[tilespmem:$0x1A900] =	vst v63  }
0x18a: {  	_ =	swait.ge [sflag:s31], $0xA000  }
0x18b: {  	[sflag:s31] =	ssyncset.done $0x0  }
0x18c: {  	s7 =	simm.s32 $0xB0;
	[sflag:s31] =	ssyncadd.s32 $0xFFFF6000  }
0x18d: {  	v63 =	vld [tilespmem:s7+$0x1850];
	_ =	sdelay $0x3  }
0x18e: {  	s5 =	simm.s32 $0x15940  }
0x18f: {  	[tilespmem:s5+$0xFFFFFFC0] =	vst v63  }
0x190: {  	v0 =	vld [tilespmem:s7+$0x18D0];
	_ =	sdelay $0x4  }
0x191: {  	[tilespmem:s5+$0x0] =	vst v0  }
0x192: {  	v0 =	vld [tilespmem:s7+$0x1860];
	_ =	sdelay $0x4  }
0x193: {  	[tilespmem:s5+$0xFFFFFFD0] =	vst v0  }
0x194: {  	v0 =	vld [tilespmem:s7+$0x18E0];
	_ =	sdelay $0x4  }
0x195: {  	[tilespmem:s5+$0x10] =	vst v0  }
0x196: {  	v0 =	vld [tilespmem:s7+$0x1870];
	_ =	sdelay $0x4  }
0x197: {  	[tilespmem:s5+$0xFFFFFFE0] =	vst v0  }
0x198: {  	v0 =	vld [tilespmem:s7+$0x18F0];
	_ =	sdelay $0x4  }
0x199: {  	[tilespmem:s5+$0x20] =	vst v0  }
0x19a: {  	v0 =	vld [tilespmem:s7+$0x1880];
	_ =	sdelay $0x4  }
0x19b: {  	[tilespmem:s5+$0xFFFFFFF0] =	vst v0  }
0x19c: {  	v0 =	vld [tilespmem:s7+$0x1900];
	_ =	sdelay $0x4  }
0x19d: {  	s6 =	simm.s32 $0x1B0;
	s7 =	simm.s32 $0xAC0;
	[tilespmem:s5+$0x30] =	vst v0  }
.LBB2_14:
0x19e: {  	p0 =	sne.s32 s7, $0x27EC0;
	v0 =	vld [tilespmem:s6+$0x1850];
	_ =	sdelay $0x3  }
0x19f: {  	s5 =	sadd.s32 $0x80, s5  }
0x1a0: {  	[tilespmem:s5+$0xFFFFFFC0] =	vst v0  }
0x1a1: {  	v0 =	vld [tilespmem:s6+$0x18D0];
	_ =	sdelay $0x4  }
0x1a2: {  	[tilespmem:s5+$0x0] =	vst v0  }
0x1a3: {  	v0 =	vld [tilespmem:s6+$0x1860];
	_ =	sdelay $0x4  }
0x1a4: {  	[tilespmem:s5+$0xFFFFFFD0] =	vst v0  }
0x1a5: {  	v0 =	vld [tilespmem:s6+$0x18E0];
	_ =	sdelay $0x4  }
0x1a6: {  	[tilespmem:s5+$0x10] =	vst v0  }
0x1a7: {  	v0 =	vld [tilespmem:s6+$0x1870];
	_ =	sdelay $0x4  }
0x1a8: {  	[tilespmem:s5+$0xFFFFFFE0] =	vst v0  }
0x1a9: {  	v0 =	vld [tilespmem:s6+$0x18F0];
	_ =	sdelay $0x4  }
0x1aa: {  	[tilespmem:s5+$0x20] =	vst v0  }
0x1ab: {  	v0 =	vld [tilespmem:s6+$0x1880];
	_ =	sdelay $0x4  }
0x1ac: {  	[tilespmem:s5+$0xFFFFFFF0] =	vst v0  }
0x1ad: {  	v0 =	vld [tilespmem:s6+$0x1900]  }
.Ltmp6:
0x1ae: {  	(pc) =	sbr.rel @p0 .LBB2_14-.Ltmp6, $2  }
0x1af: {  	_ =	sdelay $0x2  }
0x1b0: {  	s6 =	sshra.s32 s7, $0x2;
	s7 =	sadd.s32 $0x400, s7;
	[tilespmem:s5+$0x30] =	vst v0  }
0x1b1: {  	v0 =	vld [tilespmem:s6+$0x1850];
	_ =	sdelay $0x3  }
0x1b2: {  	s5 =	sadd.s32 $0x80, s5  }
0x1b3: {  	[tilespmem:s5+$0xFFFFFFC0] =	vst v0  }
0x1b4: {  	v0 =	vld [tilespmem:s6+$0x18D0];
	_ =	sdelay $0x4  }
0x1b5: {  	[tilespmem:s5+$0x0] =	vst v0  }
0x1b6: {  	v0 =	vld [tilespmem:s6+$0x1860];
	_ =	sdelay $0x4  }
0x1b7: {  	[tilespmem:s5+$0xFFFFFFD0] =	vst v0  }
0x1b8: {  	v0 =	vld [tilespmem:s6+$0x18E0];
	_ =	sdelay $0x4  }
0x1b9: {  	[tilespmem:s5+$0x10] =	vst v0  }
0x1ba: {  	v0 =	vld [tilespmem:s6+$0x1870];
	_ =	sdelay $0x4  }
0x1bb: {  	[tilespmem:s5+$0xFFFFFFE0] =	vst v0  }
0x1bc: {  	v0 =	vld [tilespmem:s6+$0x18F0];
	_ =	sdelay $0x4  }
0x1bd: {  	[tilespmem:s5+$0x20] =	vst v0  }
0x1be: {  	v0 =	vld [tilespmem:s6+$0x1880];
	_ =	sdelay $0x4  }
0x1bf: {  	[tilespmem:s5+$0xFFFFFFF0] =	vst v0  }
0x1c0: {  	v0 =	vld [tilespmem:s6+$0x1900];
	_ =	sdelay $0x4  }
0x1c1: {  	[tilespmem:s5+$0x30] =	vst v0  }
0x1c2: {  	[hbm4b:s11+s2] =	stream.linear.scatter [tilespmem:s0], [sflag:$0x3], $0x5000, $0x38;
	[tilespmem:$0x1A900] =	vst v63  }
0x1c3: {  	_ =	swait.ge [sflag:s26], $0x5000  }
0x1c4: {  	[sflag:s26] =	ssyncset.done $0x0  }
0x1c5: {  	s6 =	simm.s32 $0xA00;
	[sflag:s26] =	ssyncadd.s32 $0xFFFFB000  }
0x1c6: {  	[tilespmem:s29], [sflag:$0x1] =	stream.indirect.gather [hbm4b:s3+s28], $0x80, s6, s28, $0xb8;
	[tilespmem:$0x1A900] =	vst v63  }
0x1c7: {  	_ =	swait.ge [sflag:s1], $0xA000  }
0x1c8: {  	[sflag:s1] =	ssyncset.done $0x0  }
0x1c9: {  	s7 =	simm.s32 $0xB0;
	[sflag:s1] =	ssyncadd.s32 $0xFFFF6000  }
0x1ca: {  	v63 =	vld [tilespmem:s7+$0xB850];
	_ =	sdelay $0x3  }
0x1cb: {  	s5 =	simm.s32 $0x15940  }
0x1cc: {  	[tilespmem:s5+$0xFFFFFFC0] =	vst v63  }
0x1cd: {  	v0 =	vld [tilespmem:s7+$0xB8D0];
	_ =	sdelay $0x4  }
0x1ce: {  	[tilespmem:s5+$0x0] =	vst v0  }
0x1cf: {  	v0 =	vld [tilespmem:s7+$0xB860];
	_ =	sdelay $0x4  }
0x1d0: {  	[tilespmem:s5+$0xFFFFFFD0] =	vst v0  }
0x1d1: {  	v0 =	vld [tilespmem:s7+$0xB8E0];
	_ =	sdelay $0x4  }
0x1d2: {  	[tilespmem:s5+$0x10] =	vst v0  }
0x1d3: {  	v0 =	vld [tilespmem:s7+$0xB870];
	_ =	sdelay $0x4  }
0x1d4: {  	[tilespmem:s5+$0xFFFFFFE0] =	vst v0  }
0x1d5: {  	v0 =	vld [tilespmem:s7+$0xB8F0];
	_ =	sdelay $0x4  }
0x1d6: {  	[tilespmem:s5+$0x20] =	vst v0  }
0x1d7: {  	v0 =	vld [tilespmem:s7+$0xB880];
	_ =	sdelay $0x4  }
0x1d8: {  	[tilespmem:s5+$0xFFFFFFF0] =	vst v0  }
0x1d9: {  	v0 =	vld [tilespmem:s7+$0xB900];
	_ =	sdelay $0x4  }
0x1da: {  	s6 =	simm.s32 $0x1B0;
	s7 =	simm.s32 $0xAC0;
	[tilespmem:s5+$0x30] =	vst v0  }
.LBB2_16:
0x1db: {  	p0 =	sne.s32 s7, $0x27EC0;
	v0 =	vld [tilespmem:s6+$0xB850];
	_ =	sdelay $0x3  }
0x1dc: {  	s5 =	sadd.s32 $0x80, s5  }
0x1dd: {  	[tilespmem:s5+$0xFFFFFFC0] =	vst v0  }
0x1de: {  	v0 =	vld [tilespmem:s6+$0xB8D0];
	_ =	sdelay $0x4  }
0x1df: {  	[tilespmem:s5+$0x0] =	vst v0  }
0x1e0: {  	v0 =	vld [tilespmem:s6+$0xB860];
	_ =	sdelay $0x4  }
0x1e1: {  	[tilespmem:s5+$0xFFFFFFD0] =	vst v0  }
0x1e2: {  	v0 =	vld [tilespmem:s6+$0xB8E0];
	_ =	sdelay $0x4  }
0x1e3: {  	[tilespmem:s5+$0x10] =	vst v0  }
0x1e4: {  	v0 =	vld [tilespmem:s6+$0xB870];
	_ =	sdelay $0x4  }
0x1e5: {  	[tilespmem:s5+$0xFFFFFFE0] =	vst v0  }
0x1e6: {  	v0 =	vld [tilespmem:s6+$0xB8F0];
	_ =	sdelay $0x4  }
0x1e7: {  	[tilespmem:s5+$0x20] =	vst v0  }
0x1e8: {  	v0 =	vld [tilespmem:s6+$0xB880];
	_ =	sdelay $0x4  }
0x1e9: {  	[tilespmem:s5+$0xFFFFFFF0] =	vst v0  }
0x1ea: {  	v0 =	vld [tilespmem:s6+$0xB900]  }
.Ltmp7:
0x1eb: {  	(pc) =	sbr.rel @p0 .LBB2_16-.Ltmp7, $2  }
0x1ec: {  	_ =	sdelay $0x2  }
0x1ed: {  	s6 =	sshra.s32 s7, $0x2;
	s7 =	sadd.s32 $0x400, s7;
	[tilespmem:s5+$0x30] =	vst v0  }
0x1ee: {  	v0 =	vld [tilespmem:s6+$0xB850];
	_ =	sdelay $0x3  }
0x1ef: {  	s5 =	sadd.s32 $0x80, s5  }
0x1f0: {  	[tilespmem:s5+$0xFFFFFFC0] =	vst v0  }
0x1f1: {  	v0 =	vld [tilespmem:s6+$0xB8D0];
	_ =	sdelay $0x4  }
0x1f2: {  	[tilespmem:s5+$0x0] =	vst v0  }
0x1f3: {  	v0 =	vld [tilespmem:s6+$0xB860];
	_ =	sdelay $0x4  }
0x1f4: {  	[tilespmem:s5+$0xFFFFFFD0] =	vst v0  }
0x1f5: {  	v0 =	vld [tilespmem:s6+$0xB8E0];
	_ =	sdelay $0x4  }
0x1f6: {  	[tilespmem:s5+$0x10] =	vst v0  }
0x1f7: {  	v0 =	vld [tilespmem:s6+$0xB870];
	_ =	sdelay $0x4  }
0x1f8: {  	[tilespmem:s5+$0xFFFFFFE0] =	vst v0  }
0x1f9: {  	v0 =	vld [tilespmem:s6+$0xB8F0];
	_ =	sdelay $0x4  }
0x1fa: {  	[tilespmem:s5+$0x20] =	vst v0  }
0x1fb: {  	v0 =	vld [tilespmem:s6+$0xB880];
	_ =	sdelay $0x4  }
0x1fc: {  	[tilespmem:s5+$0xFFFFFFF0] =	vst v0  }
0x1fd: {  	v0 =	vld [tilespmem:s6+$0xB900];
	_ =	sdelay $0x4  }
0x1fe: {  	[tilespmem:s5+$0x30] =	vst v0  }
0x1ff: {  	[hbm4b:s12+s2] =	stream.linear.scatter [tilespmem:s0], [sflag:$0x3], $0x5000, $0x38;
	[tilespmem:$0x1A900] =	vst v63  }
0x200: {  	_ =	swait.ge [sflag:s26], $0x5000  }
0x201: {  	[sflag:s26] =	ssyncset.done $0x0  }
0x202: {  	s6 =	simm.s32 $0xB40;
	[sflag:s26] =	ssyncadd.s32 $0xFFFFB000  }
0x203: {  	[tilespmem:s30], [sflag:$0x2] =	stream.indirect.gather [hbm4b:s3+s28], $0x80, s6, s28, $0xb8;
	[tilespmem:$0x1A900] =	vst v63  }
0x204: {  	_ =	swait.ge [sflag:s31], $0xA000  }
0x205: {  	[sflag:s31] =	ssyncset.done $0x0  }
0x206: {  	s7 =	simm.s32 $0xB0;
	[sflag:s31] =	ssyncadd.s32 $0xFFFF6000  }
0x207: {  	v63 =	vld [tilespmem:s7+$0x1850];
	_ =	sdelay $0x3  }
0x208: {  	s5 =	simm.s32 $0x15940  }
0x209: {  	[tilespmem:s5+$0xFFFFFFC0] =	vst v63  }
0x20a: {  	v0 =	vld [tilespmem:s7+$0x18D0];
	_ =	sdelay $0x4  }
0x20b: {  	[tilespmem:s5+$0x0] =	vst v0  }
0x20c: {  	v0 =	vld [tilespmem:s7+$0x1860];
	_ =	sdelay $0x4  }
0x20d: {  	[tilespmem:s5+$0xFFFFFFD0] =	vst v0  }
0x20e: {  	v0 =	vld [tilespmem:s7+$0x18E0];
	_ =	sdelay $0x4  }
0x20f: {  	[tilespmem:s5+$0x10] =	vst v0  }
0x210: {  	v0 =	vld [tilespmem:s7+$0x1870];
	_ =	sdelay $0x4  }
0x211: {  	[tilespmem:s5+$0xFFFFFFE0] =	vst v0  }
0x212: {  	v0 =	vld [tilespmem:s7+$0x18F0];
	_ =	sdelay $0x4  }
0x213: {  	[tilespmem:s5+$0x20] =	vst v0  }
0x214: {  	v0 =	vld [tilespmem:s7+$0x1880];
	_ =	sdelay $0x4  }
0x215: {  	[tilespmem:s5+$0xFFFFFFF0] =	vst v0  }
0x216: {  	v0 =	vld [tilespmem:s7+$0x1900];
	_ =	sdelay $0x4  }
0x217: {  	s6 =	simm.s32 $0x1B0;
	s7 =	simm.s32 $0xAC0;
	[tilespmem:s5+$0x30] =	vst v0  }
.LBB2_18:
0x218: {  	p0 =	sne.s32 s7, $0x27EC0;
	v0 =	vld [tilespmem:s6+$0x1850];
	_ =	sdelay $0x3  }
0x219: {  	s5 =	sadd.s32 $0x80, s5  }
0x21a: {  	[tilespmem:s5+$0xFFFFFFC0] =	vst v0  }
0x21b: {  	v0 =	vld [tilespmem:s6+$0x18D0];
	_ =	sdelay $0x4  }
0x21c: {  	[tilespmem:s5+$0x0] =	vst v0  }
0x21d: {  	v0 =	vld [tilespmem:s6+$0x1860];
	_ =	sdelay $0x4  }
0x21e: {  	[tilespmem:s5+$0xFFFFFFD0] =	vst v0  }
0x21f: {  	v0 =	vld [tilespmem:s6+$0x18E0];
	_ =	sdelay $0x4  }
0x220: {  	[tilespmem:s5+$0x10] =	vst v0  }
0x221: {  	v0 =	vld [tilespmem:s6+$0x1870];
	_ =	sdelay $0x4  }
0x222: {  	[tilespmem:s5+$0xFFFFFFE0] =	vst v0  }
0x223: {  	v0 =	vld [tilespmem:s6+$0x18F0];
	_ =	sdelay $0x4  }
0x224: {  	[tilespmem:s5+$0x20] =	vst v0  }
0x225: {  	v0 =	vld [tilespmem:s6+$0x1880];
	_ =	sdelay $0x4  }
0x226: {  	[tilespmem:s5+$0xFFFFFFF0] =	vst v0  }
0x227: {  	v0 =	vld [tilespmem:s6+$0x1900]  }
.Ltmp8:
0x228: {  	(pc) =	sbr.rel @p0 .LBB2_18-.Ltmp8, $2  }
0x229: {  	_ =	sdelay $0x2  }
0x22a: {  	s6 =	sshra.s32 s7, $0x2;
	s7 =	sadd.s32 $0x400, s7;
	[tilespmem:s5+$0x30] =	vst v0  }
0x22b: {  	v0 =	vld [tilespmem:s6+$0x1850];
	_ =	sdelay $0x3  }
0x22c: {  	s5 =	sadd.s32 $0x80, s5  }
0x22d: {  	[tilespmem:s5+$0xFFFFFFC0] =	vst v0  }
0x22e: {  	v0 =	vld [tilespmem:s6+$0x18D0];
	_ =	sdelay $0x4  }
0x22f: {  	[tilespmem:s5+$0x0] =	vst v0  }
0x230: {  	v0 =	vld [tilespmem:s6+$0x1860];
	_ =	sdelay $0x4  }
0x231: {  	[tilespmem:s5+$0xFFFFFFD0] =	vst v0  }
0x232: {  	v0 =	vld [tilespmem:s6+$0x18E0];
	_ =	sdelay $0x4  }
0x233: {  	[tilespmem:s5+$0x10] =	vst v0  }
0x234: {  	v0 =	vld [tilespmem:s6+$0x1870];
	_ =	sdelay $0x4  }
0x235: {  	[tilespmem:s5+$0xFFFFFFE0] =	vst v0  }
0x236: {  	v0 =	vld [tilespmem:s6+$0x18F0];
	_ =	sdelay $0x4  }
0x237: {  	[tilespmem:s5+$0x20] =	vst v0  }
0x238: {  	v0 =	vld [tilespmem:s6+$0x1880];
	_ =	sdelay $0x4  }
0x239: {  	[tilespmem:s5+$0xFFFFFFF0] =	vst v0  }
0x23a: {  	v0 =	vld [tilespmem:s6+$0x1900];
	_ =	sdelay $0x4  }
0x23b: {  	[tilespmem:s5+$0x30] =	vst v0  }
0x23c: {  	[hbm4b:s13+s2] =	stream.linear.scatter [tilespmem:s0], [sflag:$0x3], $0x5000, $0x38;
	[tilespmem:$0x1A900] =	vst v63  }
0x23d: {  	_ =	swait.ge [sflag:s26], $0x5000  }
0x23e: {  	[sflag:s26] =	ssyncset.done $0x0  }
0x23f: {  	s6 =	simm.s32 $0xC80;
	[sflag:s26] =	ssyncadd.s32 $0xFFFFB000  }
0x240: {  	[tilespmem:s29], [sflag:$0x1] =	stream.indirect.gather [hbm4b:s3+s28], $0x80, s6, s28, $0xb8;
	[tilespmem:$0x1A900] =	vst v63  }
0x241: {  	_ =	swait.ge [sflag:s1], $0xA000  }
0x242: {  	[sflag:s1] =	ssyncset.done $0x0  }
0x243: {  	s7 =	simm.s32 $0xB0;
	[sflag:s1] =	ssyncadd.s32 $0xFFFF6000  }
0x244: {  	v63 =	vld [tilespmem:s7+$0xB850];
	_ =	sdelay $0x3  }
0x245: {  	s5 =	simm.s32 $0x15940  }
0x246: {  	[tilespmem:s5+$0xFFFFFFC0] =	vst v63  }
0x247: {  	v0 =	vld [tilespmem:s7+$0xB8D0];
	_ =	sdelay $0x4  }
0x248: {  	[tilespmem:s5+$0x0] =	vst v0  }
0x249: {  	v0 =	vld [tilespmem:s7+$0xB860];
	_ =	sdelay $0x4  }
0x24a: {  	[tilespmem:s5+$0xFFFFFFD0] =	vst v0  }
0x24b: {  	v0 =	vld [tilespmem:s7+$0xB8E0];
	_ =	sdelay $0x4  }
0x24c: {  	[tilespmem:s5+$0x10] =	vst v0  }
0x24d: {  	v0 =	vld [tilespmem:s7+$0xB870];
	_ =	sdelay $0x4  }
0x24e: {  	[tilespmem:s5+$0xFFFFFFE0] =	vst v0  }
0x24f: {  	v0 =	vld [tilespmem:s7+$0xB8F0];
	_ =	sdelay $0x4  }
0x250: {  	[tilespmem:s5+$0x20] =	vst v0  }
0x251: {  	v0 =	vld [tilespmem:s7+$0xB880];
	_ =	sdelay $0x4  }
0x252: {  	[tilespmem:s5+$0xFFFFFFF0] =	vst v0  }
0x253: {  	v0 =	vld [tilespmem:s7+$0xB900];
	_ =	sdelay $0x4  }
0x254: {  	s6 =	simm.s32 $0x1B0;
	s7 =	simm.s32 $0xAC0;
	[tilespmem:s5+$0x30] =	vst v0  }
.LBB2_20:
0x255: {  	p0 =	sne.s32 s7, $0x27EC0;
	v0 =	vld [tilespmem:s6+$0xB850];
	_ =	sdelay $0x3  }
0x256: {  	s5 =	sadd.s32 $0x80, s5  }
0x257: {  	[tilespmem:s5+$0xFFFFFFC0] =	vst v0  }
0x258: {  	v0 =	vld [tilespmem:s6+$0xB8D0];
	_ =	sdelay $0x4  }
0x259: {  	[tilespmem:s5+$0x0] =	vst v0  }
0x25a: {  	v0 =	vld [tilespmem:s6+$0xB860];
	_ =	sdelay $0x4  }
0x25b: {  	[tilespmem:s5+$0xFFFFFFD0] =	vst v0  }
0x25c: {  	v0 =	vld [tilespmem:s6+$0xB8E0];
	_ =	sdelay $0x4  }
0x25d: {  	[tilespmem:s5+$0x10] =	vst v0  }
0x25e: {  	v0 =	vld [tilespmem:s6+$0xB870];
	_ =	sdelay $0x4  }
0x25f: {  	[tilespmem:s5+$0xFFFFFFE0] =	vst v0  }
0x260: {  	v0 =	vld [tilespmem:s6+$0xB8F0];
	_ =	sdelay $0x4  }
0x261: {  	[tilespmem:s5+$0x20] =	vst v0  }
0x262: {  	v0 =	vld [tilespmem:s6+$0xB880];
	_ =	sdelay $0x4  }
0x263: {  	[tilespmem:s5+$0xFFFFFFF0] =	vst v0  }
0x264: {  	v0 =	vld [tilespmem:s6+$0xB900]  }
.Ltmp9:
0x265: {  	(pc) =	sbr.rel @p0 .LBB2_20-.Ltmp9, $2  }
0x266: {  	_ =	sdelay $0x2  }
0x267: {  	s6 =	sshra.s32 s7, $0x2;
	s7 =	sadd.s32 $0x400, s7;
	[tilespmem:s5+$0x30] =	vst v0  }
0x268: {  	v0 =	vld [tilespmem:s6+$0xB850];
	_ =	sdelay $0x3  }
0x269: {  	s5 =	sadd.s32 $0x80, s5  }
0x26a: {  	[tilespmem:s5+$0xFFFFFFC0] =	vst v0  }
0x26b: {  	v0 =	vld [tilespmem:s6+$0xB8D0];
	_ =	sdelay $0x4  }
0x26c: {  	[tilespmem:s5+$0x0] =	vst v0  }
0x26d: {  	v0 =	vld [tilespmem:s6+$0xB860];
	_ =	sdelay $0x4  }
0x26e: {  	[tilespmem:s5+$0xFFFFFFD0] =	vst v0  }
0x26f: {  	v0 =	vld [tilespmem:s6+$0xB8E0];
	_ =	sdelay $0x4  }
0x270: {  	[tilespmem:s5+$0x10] =	vst v0  }
0x271: {  	v0 =	vld [tilespmem:s6+$0xB870];
	_ =	sdelay $0x4  }
0x272: {  	[tilespmem:s5+$0xFFFFFFE0] =	vst v0  }
0x273: {  	v0 =	vld [tilespmem:s6+$0xB8F0];
	_ =	sdelay $0x4  }
0x274: {  	[tilespmem:s5+$0x20] =	vst v0  }
0x275: {  	v0 =	vld [tilespmem:s6+$0xB880];
	_ =	sdelay $0x4  }
0x276: {  	[tilespmem:s5+$0xFFFFFFF0] =	vst v0  }
0x277: {  	v0 =	vld [tilespmem:s6+$0xB900];
	_ =	sdelay $0x4  }
0x278: {  	[tilespmem:s5+$0x30] =	vst v0  }
0x279: {  	[hbm4b:s14+s2] =	stream.linear.scatter [tilespmem:s0], [sflag:$0x3], $0x5000, $0x38;
	[tilespmem:$0x1A900] =	vst v63  }
0x27a: {  	_ =	swait.ge [sflag:s26], $0x5000  }
0x27b: {  	[sflag:s26] =	ssyncset.done $0x0  }
0x27c: {  	s6 =	simm.s32 $0xDC0;
	[sflag:s26] =	ssyncadd.s32 $0xFFFFB000  }
0x27d: {  	[tilespmem:s30], [sflag:$0x2] =	stream.indirect.gather [hbm4b:s3+s28], $0x80, s6, s28, $0xb8;
	[tilespmem:$0x1A900] =	vst v63  }
0x27e: {  	_ =	swait.ge [sflag:s31], $0xA000  }
0x27f: {  	[sflag:s31] =	ssyncset.done $0x0  }
0x280: {  	s7 =	simm.s32 $0xB0;
	[sflag:s31] =	ssyncadd.s32 $0xFFFF6000  }
0x281: {  	v63 =	vld [tilespmem:s7+$0x1850];
	_ =	sdelay $0x3  }
0x282: {  	s5 =	simm.s32 $0x15940  }
0x283: {  	[tilespmem:s5+$0xFFFFFFC0] =	vst v63  }
0x284: {  	v0 =	vld [tilespmem:s7+$0x18D0];
	_ =	sdelay $0x4  }
0x285: {  	[tilespmem:s5+$0x0] =	vst v0  }
0x286: {  	v0 =	vld [tilespmem:s7+$0x1860];
	_ =	sdelay $0x4  }
0x287: {  	[tilespmem:s5+$0xFFFFFFD0] =	vst v0  }
0x288: {  	v0 =	vld [tilespmem:s7+$0x18E0];
	_ =	sdelay $0x4  }
0x289: {  	[tilespmem:s5+$0x10] =	vst v0  }
0x28a: {  	v0 =	vld [tilespmem:s7+$0x1870];
	_ =	sdelay $0x4  }
0x28b: {  	[tilespmem:s5+$0xFFFFFFE0] =	vst v0  }
0x28c: {  	v0 =	vld [tilespmem:s7+$0x18F0];
	_ =	sdelay $0x4  }
0x28d: {  	[tilespmem:s5+$0x20] =	vst v0  }
0x28e: {  	v0 =	vld [tilespmem:s7+$0x1880];
	_ =	sdelay $0x4  }
0x28f: {  	[tilespmem:s5+$0xFFFFFFF0] =	vst v0  }
0x290: {  	v0 =	vld [tilespmem:s7+$0x1900];
	_ =	sdelay $0x4  }
0x291: {  	s6 =	simm.s32 $0x1B0;
	s7 =	simm.s32 $0xAC0;
	[tilespmem:s5+$0x30] =	vst v0  }
.LBB2_22:
0x292: {  	p0 =	sne.s32 s7, $0x27EC0;
	v0 =	vld [tilespmem:s6+$0x1850];
	_ =	sdelay $0x3  }
0x293: {  	s5 =	sadd.s32 $0x80, s5  }
0x294: {  	[tilespmem:s5+$0xFFFFFFC0] =	vst v0  }
0x295: {  	v0 =	vld [tilespmem:s6+$0x18D0];
	_ =	sdelay $0x4  }
0x296: {  	[tilespmem:s5+$0x0] =	vst v0  }
0x297: {  	v0 =	vld [tilespmem:s6+$0x1860];
	_ =	sdelay $0x4  }
0x298: {  	[tilespmem:s5+$0xFFFFFFD0] =	vst v0  }
0x299: {  	v0 =	vld [tilespmem:s6+$0x18E0];
	_ =	sdelay $0x4  }
0x29a: {  	[tilespmem:s5+$0x10] =	vst v0  }
0x29b: {  	v0 =	vld [tilespmem:s6+$0x1870];
	_ =	sdelay $0x4  }
0x29c: {  	[tilespmem:s5+$0xFFFFFFE0] =	vst v0  }
0x29d: {  	v0 =	vld [tilespmem:s6+$0x18F0];
	_ =	sdelay $0x4  }
0x29e: {  	[tilespmem:s5+$0x20] =	vst v0  }
0x29f: {  	v0 =	vld [tilespmem:s6+$0x1880];
	_ =	sdelay $0x4  }
0x2a0: {  	[tilespmem:s5+$0xFFFFFFF0] =	vst v0  }
0x2a1: {  	v0 =	vld [tilespmem:s6+$0x1900]  }
.Ltmp10:
0x2a2: {  	(pc) =	sbr.rel @p0 .LBB2_22-.Ltmp10, $2  }
0x2a3: {  	_ =	sdelay $0x2  }
0x2a4: {  	s6 =	sshra.s32 s7, $0x2;
	s7 =	sadd.s32 $0x400, s7;
	[tilespmem:s5+$0x30] =	vst v0  }
0x2a5: {  	v0 =	vld [tilespmem:s6+$0x1850];
	_ =	sdelay $0x3  }
0x2a6: {  	s5 =	sadd.s32 $0x80, s5  }
0x2a7: {  	[tilespmem:s5+$0xFFFFFFC0] =	vst v0  }
0x2a8: {  	v0 =	vld [tilespmem:s6+$0x18D0];
	_ =	sdelay $0x4  }
0x2a9: {  	[tilespmem:s5+$0x0] =	vst v0  }
0x2aa: {  	v0 =	vld [tilespmem:s6+$0x1860];
	_ =	sdelay $0x4  }
0x2ab: {  	[tilespmem:s5+$0xFFFFFFD0] =	vst v0  }
0x2ac: {  	v0 =	vld [tilespmem:s6+$0x18E0];
	_ =	sdelay $0x4  }
0x2ad: {  	[tilespmem:s5+$0x10] =	vst v0  }
0x2ae: {  	v0 =	vld [tilespmem:s6+$0x1870];
	_ =	sdelay $0x4  }
0x2af: {  	[tilespmem:s5+$0xFFFFFFE0] =	vst v0  }
0x2b0: {  	v0 =	vld [tilespmem:s6+$0x18F0];
	_ =	sdelay $0x4  }
0x2b1: {  	[tilespmem:s5+$0x20] =	vst v0  }
0x2b2: {  	v0 =	vld [tilespmem:s6+$0x1880];
	_ =	sdelay $0x4  }
0x2b3: {  	[tilespmem:s5+$0xFFFFFFF0] =	vst v0  }
0x2b4: {  	v0 =	vld [tilespmem:s6+$0x1900];
	_ =	sdelay $0x4  }
0x2b5: {  	[tilespmem:s5+$0x30] =	vst v0  }
0x2b6: {  	[hbm4b:s15+s2] =	stream.linear.scatter [tilespmem:s0], [sflag:$0x3], $0x5000, $0x38;
	[tilespmem:$0x1A900] =	vst v63  }
0x2b7: {  	_ =	swait.ge [sflag:s26], $0x5000  }
0x2b8: {  	[sflag:s26] =	ssyncset.done $0x0  }
0x2b9: {  	s6 =	simm.s32 $0xF00;
	[sflag:s26] =	ssyncadd.s32 $0xFFFFB000  }
0x2ba: {  	[tilespmem:s29], [sflag:$0x1] =	stream.indirect.gather [hbm4b:s3+s28], $0x80, s6, s28, $0xb8;
	[tilespmem:$0x1A900] =	vst v63  }
0x2bb: {  	_ =	swait.ge [sflag:s1], $0xA000  }
0x2bc: {  	[sflag:s1] =	ssyncset.done $0x0  }
0x2bd: {  	s7 =	simm.s32 $0xB0;
	[sflag:s1] =	ssyncadd.s32 $0xFFFF6000  }
0x2be: {  	v63 =	vld [tilespmem:s7+$0xB850];
	_ =	sdelay $0x3  }
0x2bf: {  	s5 =	simm.s32 $0x15940  }
0x2c0: {  	[tilespmem:s5+$0xFFFFFFC0] =	vst v63  }
0x2c1: {  	v0 =	vld [tilespmem:s7+$0xB8D0];
	_ =	sdelay $0x4  }
0x2c2: {  	[tilespmem:s5+$0x0] =	vst v0  }
0x2c3: {  	v0 =	vld [tilespmem:s7+$0xB860];
	_ =	sdelay $0x4  }
0x2c4: {  	[tilespmem:s5+$0xFFFFFFD0] =	vst v0  }
0x2c5: {  	v0 =	vld [tilespmem:s7+$0xB8E0];
	_ =	sdelay $0x4  }
0x2c6: {  	[tilespmem:s5+$0x10] =	vst v0  }
0x2c7: {  	v0 =	vld [tilespmem:s7+$0xB870];
	_ =	sdelay $0x4  }
0x2c8: {  	[tilespmem:s5+$0xFFFFFFE0] =	vst v0  }
0x2c9: {  	v0 =	vld [tilespmem:s7+$0xB8F0];
	_ =	sdelay $0x4  }
0x2ca: {  	[tilespmem:s5+$0x20] =	vst v0  }
0x2cb: {  	v0 =	vld [tilespmem:s7+$0xB880];
	_ =	sdelay $0x4  }
0x2cc: {  	[tilespmem:s5+$0xFFFFFFF0] =	vst v0  }
0x2cd: {  	v0 =	vld [tilespmem:s7+$0xB900];
	_ =	sdelay $0x4  }
0x2ce: {  	s6 =	simm.s32 $0x1B0;
	s7 =	simm.s32 $0xAC0;
	[tilespmem:s5+$0x30] =	vst v0  }
.LBB2_24:
0x2cf: {  	p0 =	sne.s32 s7, $0x27EC0;
	v0 =	vld [tilespmem:s6+$0xB850];
	_ =	sdelay $0x3  }
0x2d0: {  	s5 =	sadd.s32 $0x80, s5  }
0x2d1: {  	[tilespmem:s5+$0xFFFFFFC0] =	vst v0  }
0x2d2: {  	v0 =	vld [tilespmem:s6+$0xB8D0];
	_ =	sdelay $0x4  }
0x2d3: {  	[tilespmem:s5+$0x0] =	vst v0  }
0x2d4: {  	v0 =	vld [tilespmem:s6+$0xB860];
	_ =	sdelay $0x4  }
0x2d5: {  	[tilespmem:s5+$0xFFFFFFD0] =	vst v0  }
0x2d6: {  	v0 =	vld [tilespmem:s6+$0xB8E0];
	_ =	sdelay $0x4  }
0x2d7: {  	[tilespmem:s5+$0x10] =	vst v0  }
0x2d8: {  	v0 =	vld [tilespmem:s6+$0xB870];
	_ =	sdelay $0x4  }
0x2d9: {  	[tilespmem:s5+$0xFFFFFFE0] =	vst v0  }
0x2da: {  	v0 =	vld [tilespmem:s6+$0xB8F0];
	_ =	sdelay $0x4  }
0x2db: {  	[tilespmem:s5+$0x20] =	vst v0  }
0x2dc: {  	v0 =	vld [tilespmem:s6+$0xB880];
	_ =	sdelay $0x4  }
0x2dd: {  	[tilespmem:s5+$0xFFFFFFF0] =	vst v0  }
0x2de: {  	v0 =	vld [tilespmem:s6+$0xB900]  }
.Ltmp11:
0x2df: {  	(pc) =	sbr.rel @p0 .LBB2_24-.Ltmp11, $2  }
0x2e0: {  	_ =	sdelay $0x2  }
0x2e1: {  	s6 =	sshra.s32 s7, $0x2;
	s7 =	sadd.s32 $0x400, s7;
	[tilespmem:s5+$0x30] =	vst v0  }
0x2e2: {  	v0 =	vld [tilespmem:s6+$0xB850];
	_ =	sdelay $0x3  }
0x2e3: {  	s5 =	sadd.s32 $0x80, s5  }
0x2e4: {  	[tilespmem:s5+$0xFFFFFFC0] =	vst v0  }
0x2e5: {  	v0 =	vld [tilespmem:s6+$0xB8D0];
	_ =	sdelay $0x4  }
0x2e6: {  	[tilespmem:s5+$0x0] =	vst v0  }
0x2e7: {  	v0 =	vld [tilespmem:s6+$0xB860];
	_ =	sdelay $0x4  }
0x2e8: {  	[tilespmem:s5+$0xFFFFFFD0] =	vst v0  }
0x2e9: {  	v0 =	vld [tilespmem:s6+$0xB8E0];
	_ =	sdelay $0x4  }
0x2ea: {  	[tilespmem:s5+$0x10] =	vst v0  }
0x2eb: {  	v0 =	vld [tilespmem:s6+$0xB870];
	_ =	sdelay $0x4  }
0x2ec: {  	[tilespmem:s5+$0xFFFFFFE0] =	vst v0  }
0x2ed: {  	v0 =	vld [tilespmem:s6+$0xB8F0];
	_ =	sdelay $0x4  }
0x2ee: {  	[tilespmem:s5+$0x20] =	vst v0  }
0x2ef: {  	v0 =	vld [tilespmem:s6+$0xB880];
	_ =	sdelay $0x4  }
0x2f0: {  	[tilespmem:s5+$0xFFFFFFF0] =	vst v0  }
0x2f1: {  	v0 =	vld [tilespmem:s6+$0xB900];
	_ =	sdelay $0x4  }
0x2f2: {  	[tilespmem:s5+$0x30] =	vst v0  }
0x2f3: {  	[hbm4b:s16+s2] =	stream.linear.scatter [tilespmem:s0], [sflag:$0x3], $0x5000, $0x38;
	[tilespmem:$0x1A900] =	vst v63  }
0x2f4: {  	_ =	swait.ge [sflag:s26], $0x5000  }
0x2f5: {  	[sflag:s26] =	ssyncset.done $0x0  }
0x2f6: {  	s6 =	simm.s32 $0x1040;
	[sflag:s26] =	ssyncadd.s32 $0xFFFFB000  }
0x2f7: {  	[tilespmem:s30], [sflag:$0x2] =	stream.indirect.gather [hbm4b:s3+s28], $0x80, s6, s28, $0xb8;
	[tilespmem:$0x1A900] =	vst v63  }
0x2f8: {  	_ =	swait.ge [sflag:s31], $0xA000  }
0x2f9: {  	[sflag:s31] =	ssyncset.done $0x0  }
0x2fa: {  	s7 =	simm.s32 $0xB0;
	[sflag:s31] =	ssyncadd.s32 $0xFFFF6000  }
0x2fb: {  	v63 =	vld [tilespmem:s7+$0x1850];
	_ =	sdelay $0x3  }
0x2fc: {  	s5 =	simm.s32 $0x15940  }
0x2fd: {  	[tilespmem:s5+$0xFFFFFFC0] =	vst v63  }
0x2fe: {  	v0 =	vld [tilespmem:s7+$0x18D0];
	_ =	sdelay $0x4  }
0x2ff: {  	[tilespmem:s5+$0x0] =	vst v0  }
0x300: {  	v0 =	vld [tilespmem:s7+$0x1860];
	_ =	sdelay $0x4  }
0x301: {  	[tilespmem:s5+$0xFFFFFFD0] =	vst v0  }
0x302: {  	v0 =	vld [tilespmem:s7+$0x18E0];
	_ =	sdelay $0x4  }
0x303: {  	[tilespmem:s5+$0x10] =	vst v0  }
0x304: {  	v0 =	vld [tilespmem:s7+$0x1870];
	_ =	sdelay $0x4  }
0x305: {  	[tilespmem:s5+$0xFFFFFFE0] =	vst v0  }
0x306: {  	v0 =	vld [tilespmem:s7+$0x18F0];
	_ =	sdelay $0x4  }
0x307: {  	[tilespmem:s5+$0x20] =	vst v0  }
0x308: {  	v0 =	vld [tilespmem:s7+$0x1880];
	_ =	sdelay $0x4  }
0x309: {  	[tilespmem:s5+$0xFFFFFFF0] =	vst v0  }
0x30a: {  	v0 =	vld [tilespmem:s7+$0x1900];
	_ =	sdelay $0x4  }
0x30b: {  	s6 =	simm.s32 $0x1B0;
	s7 =	simm.s32 $0xAC0;
	[tilespmem:s5+$0x30] =	vst v0  }
.LBB2_26:
0x30c: {  	p0 =	sne.s32 s7, $0x27EC0;
	v0 =	vld [tilespmem:s6+$0x1850];
	_ =	sdelay $0x3  }
0x30d: {  	s5 =	sadd.s32 $0x80, s5  }
0x30e: {  	[tilespmem:s5+$0xFFFFFFC0] =	vst v0  }
0x30f: {  	v0 =	vld [tilespmem:s6+$0x18D0];
	_ =	sdelay $0x4  }
0x310: {  	[tilespmem:s5+$0x0] =	vst v0  }
0x311: {  	v0 =	vld [tilespmem:s6+$0x1860];
	_ =	sdelay $0x4  }
0x312: {  	[tilespmem:s5+$0xFFFFFFD0] =	vst v0  }
0x313: {  	v0 =	vld [tilespmem:s6+$0x18E0];
	_ =	sdelay $0x4  }
0x314: {  	[tilespmem:s5+$0x10] =	vst v0  }
0x315: {  	v0 =	vld [tilespmem:s6+$0x1870];
	_ =	sdelay $0x4  }
0x316: {  	[tilespmem:s5+$0xFFFFFFE0] =	vst v0  }
0x317: {  	v0 =	vld [tilespmem:s6+$0x18F0];
	_ =	sdelay $0x4  }
0x318: {  	[tilespmem:s5+$0x20] =	vst v0  }
0x319: {  	v0 =	vld [tilespmem:s6+$0x1880];
	_ =	sdelay $0x4  }
0x31a: {  	[tilespmem:s5+$0xFFFFFFF0] =	vst v0  }
0x31b: {  	v0 =	vld [tilespmem:s6+$0x1900]  }
.Ltmp12:
0x31c: {  	(pc) =	sbr.rel @p0 .LBB2_26-.Ltmp12, $2  }
0x31d: {  	_ =	sdelay $0x2  }
0x31e: {  	s6 =	sshra.s32 s7, $0x2;
	s7 =	sadd.s32 $0x400, s7;
	[tilespmem:s5+$0x30] =	vst v0  }
0x31f: {  	v0 =	vld [tilespmem:s6+$0x1850];
	_ =	sdelay $0x3  }
0x320: {  	s5 =	sadd.s32 $0x80, s5  }
0x321: {  	[tilespmem:s5+$0xFFFFFFC0] =	vst v0  }
0x322: {  	v0 =	vld [tilespmem:s6+$0x18D0];
	_ =	sdelay $0x4  }
0x323: {  	[tilespmem:s5+$0x0] =	vst v0  }
0x324: {  	v0 =	vld [tilespmem:s6+$0x1860];
	_ =	sdelay $0x4  }
0x325: {  	[tilespmem:s5+$0xFFFFFFD0] =	vst v0  }
0x326: {  	v0 =	vld [tilespmem:s6+$0x18E0];
	_ =	sdelay $0x4  }
0x327: {  	[tilespmem:s5+$0x10] =	vst v0  }
0x328: {  	v0 =	vld [tilespmem:s6+$0x1870];
	_ =	sdelay $0x4  }
0x329: {  	[tilespmem:s5+$0xFFFFFFE0] =	vst v0  }
0x32a: {  	v0 =	vld [tilespmem:s6+$0x18F0];
	_ =	sdelay $0x4  }
0x32b: {  	[tilespmem:s5+$0x20] =	vst v0  }
0x32c: {  	v0 =	vld [tilespmem:s6+$0x1880];
	_ =	sdelay $0x4  }
0x32d: {  	[tilespmem:s5+$0xFFFFFFF0] =	vst v0  }
0x32e: {  	v0 =	vld [tilespmem:s6+$0x1900];
	_ =	sdelay $0x4  }
0x32f: {  	[tilespmem:s5+$0x30] =	vst v0  }
0x330: {  	[hbm4b:s17+s2] =	stream.linear.scatter [tilespmem:s0], [sflag:$0x3], $0x5000, $0x38;
	[tilespmem:$0x1A900] =	vst v63  }
0x331: {  	_ =	swait.ge [sflag:s26], $0x5000  }
0x332: {  	[sflag:s26] =	ssyncset.done $0x0  }
0x333: {  	s6 =	simm.s32 $0x1180;
	[sflag:s26] =	ssyncadd.s32 $0xFFFFB000  }
0x334: {  	[tilespmem:s29], [sflag:$0x1] =	stream.indirect.gather [hbm4b:s3+s28], $0x80, s6, s28, $0xb8;
	[tilespmem:$0x1A900] =	vst v63  }
0x335: {  	_ =	swait.ge [sflag:s1], $0xA000  }
0x336: {  	[sflag:s1] =	ssyncset.done $0x0  }
0x337: {  	s7 =	simm.s32 $0xB0;
	[sflag:s1] =	ssyncadd.s32 $0xFFFF6000  }
0x338: {  	v63 =	vld [tilespmem:s7+$0xB850];
	_ =	sdelay $0x3  }
0x339: {  	s5 =	simm.s32 $0x15940  }
0x33a: {  	[tilespmem:s5+$0xFFFFFFC0] =	vst v63  }
0x33b: {  	v0 =	vld [tilespmem:s7+$0xB8D0];
	_ =	sdelay $0x4  }
0x33c: {  	[tilespmem:s5+$0x0] =	vst v0  }
0x33d: {  	v0 =	vld [tilespmem:s7+$0xB860];
	_ =	sdelay $0x4  }
0x33e: {  	[tilespmem:s5+$0xFFFFFFD0] =	vst v0  }
0x33f: {  	v0 =	vld [tilespmem:s7+$0xB8E0];
	_ =	sdelay $0x4  }
0x340: {  	[tilespmem:s5+$0x10] =	vst v0  }
0x341: {  	v0 =	vld [tilespmem:s7+$0xB870];
	_ =	sdelay $0x4  }
0x342: {  	[tilespmem:s5+$0xFFFFFFE0] =	vst v0  }
0x343: {  	v0 =	vld [tilespmem:s7+$0xB8F0];
	_ =	sdelay $0x4  }
0x344: {  	[tilespmem:s5+$0x20] =	vst v0  }
0x345: {  	v0 =	vld [tilespmem:s7+$0xB880];
	_ =	sdelay $0x4  }
0x346: {  	[tilespmem:s5+$0xFFFFFFF0] =	vst v0  }
0x347: {  	v0 =	vld [tilespmem:s7+$0xB900];
	_ =	sdelay $0x4  }
0x348: {  	s6 =	simm.s32 $0x1B0;
	s7 =	simm.s32 $0xAC0;
	[tilespmem:s5+$0x30] =	vst v0  }
.LBB2_28:
0x349: {  	p0 =	sne.s32 s7, $0x27EC0;
	v0 =	vld [tilespmem:s6+$0xB850];
	_ =	sdelay $0x3  }
0x34a: {  	s5 =	sadd.s32 $0x80, s5  }
0x34b: {  	[tilespmem:s5+$0xFFFFFFC0] =	vst v0  }
0x34c: {  	v0 =	vld [tilespmem:s6+$0xB8D0];
	_ =	sdelay $0x4  }
0x34d: {  	[tilespmem:s5+$0x0] =	vst v0  }
0x34e: {  	v0 =	vld [tilespmem:s6+$0xB860];
	_ =	sdelay $0x4  }
0x34f: {  	[tilespmem:s5+$0xFFFFFFD0] =	vst v0  }
0x350: {  	v0 =	vld [tilespmem:s6+$0xB8E0];
	_ =	sdelay $0x4  }
0x351: {  	[tilespmem:s5+$0x10] =	vst v0  }
0x352: {  	v0 =	vld [tilespmem:s6+$0xB870];
	_ =	sdelay $0x4  }
0x353: {  	[tilespmem:s5+$0xFFFFFFE0] =	vst v0  }
0x354: {  	v0 =	vld [tilespmem:s6+$0xB8F0];
	_ =	sdelay $0x4  }
0x355: {  	[tilespmem:s5+$0x20] =	vst v0  }
0x356: {  	v0 =	vld [tilespmem:s6+$0xB880];
	_ =	sdelay $0x4  }
0x357: {  	[tilespmem:s5+$0xFFFFFFF0] =	vst v0  }
0x358: {  	v0 =	vld [tilespmem:s6+$0xB900]  }
.Ltmp13:
0x359: {  	(pc) =	sbr.rel @p0 .LBB2_28-.Ltmp13, $2  }
0x35a: {  	_ =	sdelay $0x2  }
0x35b: {  	s6 =	sshra.s32 s7, $0x2;
	s7 =	sadd.s32 $0x400, s7;
	[tilespmem:s5+$0x30] =	vst v0  }
0x35c: {  	v0 =	vld [tilespmem:s6+$0xB850];
	_ =	sdelay $0x3  }
0x35d: {  	s5 =	sadd.s32 $0x80, s5  }
0x35e: {  	[tilespmem:s5+$0xFFFFFFC0] =	vst v0  }
0x35f: {  	v0 =	vld [tilespmem:s6+$0xB8D0];
	_ =	sdelay $0x4  }
0x360: {  	[tilespmem:s5+$0x0] =	vst v0  }
0x361: {  	v0 =	vld [tilespmem:s6+$0xB860];
	_ =	sdelay $0x4  }
0x362: {  	[tilespmem:s5+$0xFFFFFFD0] =	vst v0  }
0x363: {  	v0 =	vld [tilespmem:s6+$0xB8E0];
	_ =	sdelay $0x4  }
0x364: {  	[tilespmem:s5+$0x10] =	vst v0  }
0x365: {  	v0 =	vld [tilespmem:s6+$0xB870];
	_ =	sdelay $0x4  }
0x366: {  	[tilespmem:s5+$0xFFFFFFE0] =	vst v0  }
0x367: {  	v0 =	vld [tilespmem:s6+$0xB8F0];
	_ =	sdelay $0x4  }
0x368: {  	[tilespmem:s5+$0x20] =	vst v0  }
0x369: {  	v0 =	vld [tilespmem:s6+$0xB880];
	_ =	sdelay $0x4  }
0x36a: {  	[tilespmem:s5+$0xFFFFFFF0] =	vst v0  }
0x36b: {  	v0 =	vld [tilespmem:s6+$0xB900];
	_ =	sdelay $0x4  }
0x36c: {  	[tilespmem:s5+$0x30] =	vst v0  }
0x36d: {  	[hbm4b:s18+s2] =	stream.linear.scatter [tilespmem:s0], [sflag:$0x3], $0x5000, $0x38;
	[tilespmem:$0x1A900] =	vst v63  }
0x36e: {  	_ =	swait.ge [sflag:s26], $0x5000  }
0x36f: {  	[sflag:s26] =	ssyncset.done $0x0  }
0x370: {  	s6 =	simm.s32 $0x12C0;
	[sflag:s26] =	ssyncadd.s32 $0xFFFFB000  }
0x371: {  	[tilespmem:s30], [sflag:$0x2] =	stream.indirect.gather [hbm4b:s3+s28], $0x80, s6, s28, $0xb8;
	[tilespmem:$0x1A900] =	vst v63  }
0x372: {  	_ =	swait.ge [sflag:s31], $0xA000  }
0x373: {  	[sflag:s31] =	ssyncset.done $0x0  }
0x374: {  	s7 =	simm.s32 $0xB0;
	[sflag:s31] =	ssyncadd.s32 $0xFFFF6000  }
0x375: {  	v63 =	vld [tilespmem:s7+$0x1850];
	_ =	sdelay $0x3  }
0x376: {  	s5 =	simm.s32 $0x15940  }
0x377: {  	[tilespmem:s5+$0xFFFFFFC0] =	vst v63  }
0x378: {  	v0 =	vld [tilespmem:s7+$0x18D0];
	_ =	sdelay $0x4  }
0x379: {  	[tilespmem:s5+$0x0] =	vst v0  }
0x37a: {  	v0 =	vld [tilespmem:s7+$0x1860];
	_ =	sdelay $0x4  }
0x37b: {  	[tilespmem:s5+$0xFFFFFFD0] =	vst v0  }
0x37c: {  	v0 =	vld [tilespmem:s7+$0x18E0];
	_ =	sdelay $0x4  }
0x37d: {  	[tilespmem:s5+$0x10] =	vst v0  }
0x37e: {  	v0 =	vld [tilespmem:s7+$0x1870];
	_ =	sdelay $0x4  }
0x37f: {  	[tilespmem:s5+$0xFFFFFFE0] =	vst v0  }
0x380: {  	v0 =	vld [tilespmem:s7+$0x18F0];
	_ =	sdelay $0x4  }
0x381: {  	[tilespmem:s5+$0x20] =	vst v0  }
0x382: {  	v0 =	vld [tilespmem:s7+$0x1880];
	_ =	sdelay $0x4  }
0x383: {  	[tilespmem:s5+$0xFFFFFFF0] =	vst v0  }
0x384: {  	v0 =	vld [tilespmem:s7+$0x1900];
	_ =	sdelay $0x4  }
0x385: {  	s6 =	simm.s32 $0x1B0;
	s7 =	simm.s32 $0xAC0;
	[tilespmem:s5+$0x30] =	vst v0  }
.LBB2_30:
0x386: {  	p0 =	sne.s32 s7, $0x27EC0;
	v0 =	vld [tilespmem:s6+$0x1850];
	_ =	sdelay $0x3  }
0x387: {  	s5 =	sadd.s32 $0x80, s5  }
0x388: {  	[tilespmem:s5+$0xFFFFFFC0] =	vst v0  }
0x389: {  	v0 =	vld [tilespmem:s6+$0x18D0];
	_ =	sdelay $0x4  }
0x38a: {  	[tilespmem:s5+$0x0] =	vst v0  }
0x38b: {  	v0 =	vld [tilespmem:s6+$0x1860];
	_ =	sdelay $0x4  }
0x38c: {  	[tilespmem:s5+$0xFFFFFFD0] =	vst v0  }
0x38d: {  	v0 =	vld [tilespmem:s6+$0x18E0];
	_ =	sdelay $0x4  }
0x38e: {  	[tilespmem:s5+$0x10] =	vst v0  }
0x38f: {  	v0 =	vld [tilespmem:s6+$0x1870];
	_ =	sdelay $0x4  }
0x390: {  	[tilespmem:s5+$0xFFFFFFE0] =	vst v0  }
0x391: {  	v0 =	vld [tilespmem:s6+$0x18F0];
	_ =	sdelay $0x4  }
0x392: {  	[tilespmem:s5+$0x20] =	vst v0  }
0x393: {  	v0 =	vld [tilespmem:s6+$0x1880];
	_ =	sdelay $0x4  }
0x394: {  	[tilespmem:s5+$0xFFFFFFF0] =	vst v0  }
0x395: {  	v0 =	vld [tilespmem:s6+$0x1900]  }
.Ltmp14:
0x396: {  	(pc) =	sbr.rel @p0 .LBB2_30-.Ltmp14, $2  }
0x397: {  	_ =	sdelay $0x2  }
0x398: {  	s6 =	sshra.s32 s7, $0x2;
	s7 =	sadd.s32 $0x400, s7;
	[tilespmem:s5+$0x30] =	vst v0  }
0x399: {  	v0 =	vld [tilespmem:s6+$0x1850];
	_ =	sdelay $0x3  }
0x39a: {  	s5 =	sadd.s32 $0x80, s5  }
0x39b: {  	[tilespmem:s5+$0xFFFFFFC0] =	vst v0  }
0x39c: {  	v0 =	vld [tilespmem:s6+$0x18D0];
	_ =	sdelay $0x4  }
0x39d: {  	[tilespmem:s5+$0x0] =	vst v0  }
0x39e: {  	v0 =	vld [tilespmem:s6+$0x1860];
	_ =	sdelay $0x4  }
0x39f: {  	[tilespmem:s5+$0xFFFFFFD0] =	vst v0  }
0x3a0: {  	v0 =	vld [tilespmem:s6+$0x18E0];
	_ =	sdelay $0x4  }
0x3a1: {  	[tilespmem:s5+$0x10] =	vst v0  }
0x3a2: {  	v0 =	vld [tilespmem:s6+$0x1870];
	_ =	sdelay $0x4  }
0x3a3: {  	[tilespmem:s5+$0xFFFFFFE0] =	vst v0  }
0x3a4: {  	v0 =	vld [tilespmem:s6+$0x18F0];
	_ =	sdelay $0x4  }
0x3a5: {  	[tilespmem:s5+$0x20] =	vst v0  }
0x3a6: {  	v0 =	vld [tilespmem:s6+$0x1880];
	_ =	sdelay $0x4  }
0x3a7: {  	[tilespmem:s5+$0xFFFFFFF0] =	vst v0  }
0x3a8: {  	v0 =	vld [tilespmem:s6+$0x1900];
	_ =	sdelay $0x4  }
0x3a9: {  	[tilespmem:s5+$0x30] =	vst v0  }
0x3aa: {  	[hbm4b:s19+s2] =	stream.linear.scatter [tilespmem:s0], [sflag:$0x3], $0x5000, $0x38;
	[tilespmem:$0x1A900] =	vst v63  }
0x3ab: {  	_ =	swait.ge [sflag:s26], $0x5000  }
0x3ac: {  	[sflag:s26] =	ssyncset.done $0x0  }
0x3ad: {  	s6 =	simm.s32 $0x1400;
	[sflag:s26] =	ssyncadd.s32 $0xFFFFB000  }
0x3ae: {  	[tilespmem:s29], [sflag:$0x1] =	stream.indirect.gather [hbm4b:s3+s28], $0x80, s6, s28, $0xb8;
	[tilespmem:$0x1A900] =	vst v63  }
0x3af: {  	_ =	swait.ge [sflag:s1], $0xA000  }
0x3b0: {  	[sflag:s1] =	ssyncset.done $0x0  }
0x3b1: {  	s7 =	simm.s32 $0xB0;
	[sflag:s1] =	ssyncadd.s32 $0xFFFF6000  }
0x3b2: {  	v63 =	vld [tilespmem:s7+$0xB850];
	_ =	sdelay $0x3  }
0x3b3: {  	s5 =	simm.s32 $0x15940  }
0x3b4: {  	[tilespmem:s5+$0xFFFFFFC0] =	vst v63  }
0x3b5: {  	v0 =	vld [tilespmem:s7+$0xB8D0];
	_ =	sdelay $0x4  }
0x3b6: {  	[tilespmem:s5+$0x0] =	vst v0  }
0x3b7: {  	v0 =	vld [tilespmem:s7+$0xB860];
	_ =	sdelay $0x4  }
0x3b8: {  	[tilespmem:s5+$0xFFFFFFD0] =	vst v0  }
0x3b9: {  	v0 =	vld [tilespmem:s7+$0xB8E0];
	_ =	sdelay $0x4  }
0x3ba: {  	[tilespmem:s5+$0x10] =	vst v0  }
0x3bb: {  	v0 =	vld [tilespmem:s7+$0xB870];
	_ =	sdelay $0x4  }
0x3bc: {  	[tilespmem:s5+$0xFFFFFFE0] =	vst v0  }
0x3bd: {  	v0 =	vld [tilespmem:s7+$0xB8F0];
	_ =	sdelay $0x4  }
0x3be: {  	[tilespmem:s5+$0x20] =	vst v0  }
0x3bf: {  	v0 =	vld [tilespmem:s7+$0xB880];
	_ =	sdelay $0x4  }
0x3c0: {  	[tilespmem:s5+$0xFFFFFFF0] =	vst v0  }
0x3c1: {  	v0 =	vld [tilespmem:s7+$0xB900];
	_ =	sdelay $0x4  }
0x3c2: {  	s6 =	simm.s32 $0x1B0;
	s7 =	simm.s32 $0xAC0;
	[tilespmem:s5+$0x30] =	vst v0  }
.LBB2_32:
0x3c3: {  	p0 =	sne.s32 s7, $0x27EC0;
	v0 =	vld [tilespmem:s6+$0xB850];
	_ =	sdelay $0x3  }
0x3c4: {  	s5 =	sadd.s32 $0x80, s5  }
0x3c5: {  	[tilespmem:s5+$0xFFFFFFC0] =	vst v0  }
0x3c6: {  	v0 =	vld [tilespmem:s6+$0xB8D0];
	_ =	sdelay $0x4  }
0x3c7: {  	[tilespmem:s5+$0x0] =	vst v0  }
0x3c8: {  	v0 =	vld [tilespmem:s6+$0xB860];
	_ =	sdelay $0x4  }
0x3c9: {  	[tilespmem:s5+$0xFFFFFFD0] =	vst v0  }
0x3ca: {  	v0 =	vld [tilespmem:s6+$0xB8E0];
	_ =	sdelay $0x4  }
0x3cb: {  	[tilespmem:s5+$0x10] =	vst v0  }
0x3cc: {  	v0 =	vld [tilespmem:s6+$0xB870];
	_ =	sdelay $0x4  }
0x3cd: {  	[tilespmem:s5+$0xFFFFFFE0] =	vst v0  }
0x3ce: {  	v0 =	vld [tilespmem:s6+$0xB8F0];
	_ =	sdelay $0x4  }
0x3cf: {  	[tilespmem:s5+$0x20] =	vst v0  }
0x3d0: {  	v0 =	vld [tilespmem:s6+$0xB880];
	_ =	sdelay $0x4  }
0x3d1: {  	[tilespmem:s5+$0xFFFFFFF0] =	vst v0  }
0x3d2: {  	v0 =	vld [tilespmem:s6+$0xB900]  }
.Ltmp15:
0x3d3: {  	(pc) =	sbr.rel @p0 .LBB2_32-.Ltmp15, $2  }
0x3d4: {  	_ =	sdelay $0x2  }
0x3d5: {  	s6 =	sshra.s32 s7, $0x2;
	s7 =	sadd.s32 $0x400, s7;
	[tilespmem:s5+$0x30] =	vst v0  }
0x3d6: {  	v0 =	vld [tilespmem:s6+$0xB850];
	_ =	sdelay $0x3  }
0x3d7: {  	s5 =	sadd.s32 $0x80, s5  }
0x3d8: {  	[tilespmem:s5+$0xFFFFFFC0] =	vst v0  }
0x3d9: {  	v0 =	vld [tilespmem:s6+$0xB8D0];
	_ =	sdelay $0x4  }
0x3da: {  	[tilespmem:s5+$0x0] =	vst v0  }
0x3db: {  	v0 =	vld [tilespmem:s6+$0xB860];
	_ =	sdelay $0x4  }
0x3dc: {  	[tilespmem:s5+$0xFFFFFFD0] =	vst v0  }
0x3dd: {  	v0 =	vld [tilespmem:s6+$0xB8E0];
	_ =	sdelay $0x4  }
0x3de: {  	[tilespmem:s5+$0x10] =	vst v0  }
0x3df: {  	v0 =	vld [tilespmem:s6+$0xB870];
	_ =	sdelay $0x4  }
0x3e0: {  	[tilespmem:s5+$0xFFFFFFE0] =	vst v0  }
0x3e1: {  	v0 =	vld [tilespmem:s6+$0xB8F0];
	_ =	sdelay $0x4  }
0x3e2: {  	[tilespmem:s5+$0x20] =	vst v0  }
0x3e3: {  	v0 =	vld [tilespmem:s6+$0xB880];
	_ =	sdelay $0x4  }
0x3e4: {  	[tilespmem:s5+$0xFFFFFFF0] =	vst v0  }
0x3e5: {  	v0 =	vld [tilespmem:s6+$0xB900];
	_ =	sdelay $0x4  }
0x3e6: {  	[tilespmem:s5+$0x30] =	vst v0  }
0x3e7: {  	[hbm4b:s20+s2] =	stream.linear.scatter [tilespmem:s0], [sflag:$0x3], $0x5000, $0x38;
	[tilespmem:$0x1A900] =	vst v63  }
0x3e8: {  	_ =	swait.ge [sflag:s26], $0x5000  }
0x3e9: {  	[sflag:s26] =	ssyncset.done $0x0  }
0x3ea: {  	s6 =	simm.s32 $0x1540;
	[sflag:s26] =	ssyncadd.s32 $0xFFFFB000  }
0x3eb: {  	[tilespmem:s30], [sflag:$0x2] =	stream.indirect.gather [hbm4b:s3+s28], $0x80, s6, s28, $0xb8;
	[tilespmem:$0x1A900] =	vst v63  }
0x3ec: {  	_ =	swait.ge [sflag:s31], $0xA000  }
0x3ed: {  	[sflag:s31] =	ssyncset.done $0x0  }
0x3ee: {  	s7 =	simm.s32 $0xB0;
	[sflag:s31] =	ssyncadd.s32 $0xFFFF6000  }
0x3ef: {  	v63 =	vld [tilespmem:s7+$0x1850];
	_ =	sdelay $0x3  }
0x3f0: {  	s5 =	simm.s32 $0x15940  }
0x3f1: {  	[tilespmem:s5+$0xFFFFFFC0] =	vst v63  }
0x3f2: {  	v0 =	vld [tilespmem:s7+$0x18D0];
	_ =	sdelay $0x4  }
0x3f3: {  	[tilespmem:s5+$0x0] =	vst v0  }
0x3f4: {  	v0 =	vld [tilespmem:s7+$0x1860];
	_ =	sdelay $0x4  }
0x3f5: {  	[tilespmem:s5+$0xFFFFFFD0] =	vst v0  }
0x3f6: {  	v0 =	vld [tilespmem:s7+$0x18E0];
	_ =	sdelay $0x4  }
0x3f7: {  	[tilespmem:s5+$0x10] =	vst v0  }
0x3f8: {  	v0 =	vld [tilespmem:s7+$0x1870];
	_ =	sdelay $0x4  }
0x3f9: {  	[tilespmem:s5+$0xFFFFFFE0] =	vst v0  }
0x3fa: {  	v0 =	vld [tilespmem:s7+$0x18F0];
	_ =	sdelay $0x4  }
0x3fb: {  	[tilespmem:s5+$0x20] =	vst v0  }
0x3fc: {  	v0 =	vld [tilespmem:s7+$0x1880];
	_ =	sdelay $0x4  }
0x3fd: {  	[tilespmem:s5+$0xFFFFFFF0] =	vst v0  }
0x3fe: {  	v0 =	vld [tilespmem:s7+$0x1900];
	_ =	sdelay $0x4  }
0x3ff: {  	s6 =	simm.s32 $0x1B0;
	s7 =	simm.s32 $0xAC0;
	[tilespmem:s5+$0x30] =	vst v0  }
.LBB2_34:
0x400: {  	p0 =	sne.s32 s7, $0x27EC0;
	v0 =	vld [tilespmem:s6+$0x1850];
	_ =	sdelay $0x3  }
0x401: {  	s5 =	sadd.s32 $0x80, s5  }
0x402: {  	[tilespmem:s5+$0xFFFFFFC0] =	vst v0  }
0x403: {  	v0 =	vld [tilespmem:s6+$0x18D0];
	_ =	sdelay $0x4  }
0x404: {  	[tilespmem:s5+$0x0] =	vst v0  }
0x405: {  	v0 =	vld [tilespmem:s6+$0x1860];
	_ =	sdelay $0x4  }
0x406: {  	[tilespmem:s5+$0xFFFFFFD0] =	vst v0  }
0x407: {  	v0 =	vld [tilespmem:s6+$0x18E0];
	_ =	sdelay $0x4  }
0x408: {  	[tilespmem:s5+$0x10] =	vst v0  }
0x409: {  	v0 =	vld [tilespmem:s6+$0x1870];
	_ =	sdelay $0x4  }
0x40a: {  	[tilespmem:s5+$0xFFFFFFE0] =	vst v0  }
0x40b: {  	v0 =	vld [tilespmem:s6+$0x18F0];
	_ =	sdelay $0x4  }
0x40c: {  	[tilespmem:s5+$0x20] =	vst v0  }
0x40d: {  	v0 =	vld [tilespmem:s6+$0x1880];
	_ =	sdelay $0x4  }
0x40e: {  	[tilespmem:s5+$0xFFFFFFF0] =	vst v0  }
0x40f: {  	v0 =	vld [tilespmem:s6+$0x1900]  }
.Ltmp16:
0x410: {  	(pc) =	sbr.rel @p0 .LBB2_34-.Ltmp16, $2  }
0x411: {  	_ =	sdelay $0x2  }
0x412: {  	s6 =	sshra.s32 s7, $0x2;
	s7 =	sadd.s32 $0x400, s7;
	[tilespmem:s5+$0x30] =	vst v0  }
0x413: {  	v0 =	vld [tilespmem:s6+$0x1850];
	_ =	sdelay $0x3  }
0x414: {  	s5 =	sadd.s32 $0x80, s5  }
0x415: {  	[tilespmem:s5+$0xFFFFFFC0] =	vst v0  }
0x416: {  	v0 =	vld [tilespmem:s6+$0x18D0];
	_ =	sdelay $0x4  }
0x417: {  	[tilespmem:s5+$0x0] =	vst v0  }
0x418: {  	v0 =	vld [tilespmem:s6+$0x1860];
	_ =	sdelay $0x4  }
0x419: {  	[tilespmem:s5+$0xFFFFFFD0] =	vst v0  }
0x41a: {  	v0 =	vld [tilespmem:s6+$0x18E0];
	_ =	sdelay $0x4  }
0x41b: {  	[tilespmem:s5+$0x10] =	vst v0  }
0x41c: {  	v0 =	vld [tilespmem:s6+$0x1870];
	_ =	sdelay $0x4  }
0x41d: {  	[tilespmem:s5+$0xFFFFFFE0] =	vst v0  }
0x41e: {  	v0 =	vld [tilespmem:s6+$0x18F0];
	_ =	sdelay $0x4  }
0x41f: {  	[tilespmem:s5+$0x20] =	vst v0  }
0x420: {  	v0 =	vld [tilespmem:s6+$0x1880];
	_ =	sdelay $0x4  }
0x421: {  	[tilespmem:s5+$0xFFFFFFF0] =	vst v0  }
0x422: {  	v0 =	vld [tilespmem:s6+$0x1900];
	_ =	sdelay $0x4  }
0x423: {  	[tilespmem:s5+$0x30] =	vst v0  }
0x424: {  	[hbm4b:s21+s2] =	stream.linear.scatter [tilespmem:s0], [sflag:$0x3], $0x5000, $0x38;
	[tilespmem:$0x1A900] =	vst v63  }
0x425: {  	_ =	swait.ge [sflag:s26], $0x5000  }
0x426: {  	[sflag:s26] =	ssyncset.done $0x0  }
0x427: {  	s6 =	simm.s32 $0x1680;
	[sflag:s26] =	ssyncadd.s32 $0xFFFFB000  }
0x428: {  	[tilespmem:s29], [sflag:$0x1] =	stream.indirect.gather [hbm4b:s3+s28], $0x80, s6, s28, $0xb8;
	[tilespmem:$0x1A900] =	vst v63  }
0x429: {  	_ =	swait.ge [sflag:s1], $0xA000  }
0x42a: {  	[sflag:s1] =	ssyncset.done $0x0  }
0x42b: {  	s7 =	simm.s32 $0xB0;
	[sflag:s1] =	ssyncadd.s32 $0xFFFF6000  }
0x42c: {  	v63 =	vld [tilespmem:s7+$0xB850];
	_ =	sdelay $0x3  }
0x42d: {  	s5 =	simm.s32 $0x15940  }
0x42e: {  	[tilespmem:s5+$0xFFFFFFC0] =	vst v63  }
0x42f: {  	v0 =	vld [tilespmem:s7+$0xB8D0];
	_ =	sdelay $0x4  }
0x430: {  	[tilespmem:s5+$0x0] =	vst v0  }
0x431: {  	v0 =	vld [tilespmem:s7+$0xB860];
	_ =	sdelay $0x4  }
0x432: {  	[tilespmem:s5+$0xFFFFFFD0] =	vst v0  }
0x433: {  	v0 =	vld [tilespmem:s7+$0xB8E0];
	_ =	sdelay $0x4  }
0x434: {  	[tilespmem:s5+$0x10] =	vst v0  }
0x435: {  	v0 =	vld [tilespmem:s7+$0xB870];
	_ =	sdelay $0x4  }
0x436: {  	[tilespmem:s5+$0xFFFFFFE0] =	vst v0  }
0x437: {  	v0 =	vld [tilespmem:s7+$0xB8F0];
	_ =	sdelay $0x4  }
0x438: {  	[tilespmem:s5+$0x20] =	vst v0  }
0x439: {  	v0 =	vld [tilespmem:s7+$0xB880];
	_ =	sdelay $0x4  }
0x43a: {  	[tilespmem:s5+$0xFFFFFFF0] =	vst v0  }
0x43b: {  	v0 =	vld [tilespmem:s7+$0xB900];
	_ =	sdelay $0x4  }
0x43c: {  	s6 =	simm.s32 $0x1B0;
	s7 =	simm.s32 $0xAC0;
	[tilespmem:s5+$0x30] =	vst v0  }
.LBB2_36:
0x43d: {  	p0 =	sne.s32 s7, $0x27EC0;
	v0 =	vld [tilespmem:s6+$0xB850];
	_ =	sdelay $0x3  }
0x43e: {  	s5 =	sadd.s32 $0x80, s5  }
0x43f: {  	[tilespmem:s5+$0xFFFFFFC0] =	vst v0  }
0x440: {  	v0 =	vld [tilespmem:s6+$0xB8D0];
	_ =	sdelay $0x4  }
0x441: {  	[tilespmem:s5+$0x0] =	vst v0  }
0x442: {  	v0 =	vld [tilespmem:s6+$0xB860];
	_ =	sdelay $0x4  }
0x443: {  	[tilespmem:s5+$0xFFFFFFD0] =	vst v0  }
0x444: {  	v0 =	vld [tilespmem:s6+$0xB8E0];
	_ =	sdelay $0x4  }
0x445: {  	[tilespmem:s5+$0x10] =	vst v0  }
0x446: {  	v0 =	vld [tilespmem:s6+$0xB870];
	_ =	sdelay $0x4  }
0x447: {  	[tilespmem:s5+$0xFFFFFFE0] =	vst v0  }
0x448: {  	v0 =	vld [tilespmem:s6+$0xB8F0];
	_ =	sdelay $0x4  }
0x449: {  	[tilespmem:s5+$0x20] =	vst v0  }
0x44a: {  	v0 =	vld [tilespmem:s6+$0xB880];
	_ =	sdelay $0x4  }
0x44b: {  	[tilespmem:s5+$0xFFFFFFF0] =	vst v0  }
0x44c: {  	v0 =	vld [tilespmem:s6+$0xB900]  }
.Ltmp17:
0x44d: {  	(pc) =	sbr.rel @p0 .LBB2_36-.Ltmp17, $2  }
0x44e: {  	_ =	sdelay $0x2  }
0x44f: {  	s6 =	sshra.s32 s7, $0x2;
	s7 =	sadd.s32 $0x400, s7;
	[tilespmem:s5+$0x30] =	vst v0  }
0x450: {  	v0 =	vld [tilespmem:s6+$0xB850];
	_ =	sdelay $0x3  }
0x451: {  	s5 =	sadd.s32 $0x80, s5  }
0x452: {  	[tilespmem:s5+$0xFFFFFFC0] =	vst v0  }
0x453: {  	v0 =	vld [tilespmem:s6+$0xB8D0];
	_ =	sdelay $0x4  }
0x454: {  	[tilespmem:s5+$0x0] =	vst v0  }
0x455: {  	v0 =	vld [tilespmem:s6+$0xB860];
	_ =	sdelay $0x4  }
0x456: {  	[tilespmem:s5+$0xFFFFFFD0] =	vst v0  }
0x457: {  	v0 =	vld [tilespmem:s6+$0xB8E0];
	_ =	sdelay $0x4  }
0x458: {  	[tilespmem:s5+$0x10] =	vst v0  }
0x459: {  	v0 =	vld [tilespmem:s6+$0xB870];
	_ =	sdelay $0x4  }
0x45a: {  	[tilespmem:s5+$0xFFFFFFE0] =	vst v0  }
0x45b: {  	v0 =	vld [tilespmem:s6+$0xB8F0];
	_ =	sdelay $0x4  }
0x45c: {  	[tilespmem:s5+$0x20] =	vst v0  }
0x45d: {  	v0 =	vld [tilespmem:s6+$0xB880];
	_ =	sdelay $0x4  }
0x45e: {  	[tilespmem:s5+$0xFFFFFFF0] =	vst v0  }
0x45f: {  	v0 =	vld [tilespmem:s6+$0xB900];
	_ =	sdelay $0x4  }
0x460: {  	[tilespmem:s5+$0x30] =	vst v0  }
0x461: {  	[hbm4b:s22+s2] =	stream.linear.scatter [tilespmem:s0], [sflag:$0x3], $0x5000, $0x38;
	[tilespmem:$0x1A900] =	vst v63  }
0x462: {  	_ =	swait.ge [sflag:s26], $0x5000  }
0x463: {  	[sflag:s26] =	ssyncset.done $0x0  }
0x464: {  	s6 =	simm.s32 $0x17C0;
	[sflag:s26] =	ssyncadd.s32 $0xFFFFB000  }
0x465: {  	[tilespmem:s30], [sflag:$0x2] =	stream.indirect.gather [hbm4b:s3+s28], $0x80, s6, s28, $0xb8;
	[tilespmem:$0x1A900] =	vst v63  }
0x466: {  	_ =	swait.ge [sflag:s31], $0xA000  }
0x467: {  	[sflag:s31] =	ssyncset.done $0x0  }
0x468: {  	s7 =	simm.s32 $0xB0;
	[sflag:s31] =	ssyncadd.s32 $0xFFFF6000  }
0x469: {  	v63 =	vld [tilespmem:s7+$0x1850];
	_ =	sdelay $0x3  }
0x46a: {  	s5 =	simm.s32 $0x15940  }
0x46b: {  	[tilespmem:s5+$0xFFFFFFC0] =	vst v63  }
0x46c: {  	v0 =	vld [tilespmem:s7+$0x18D0];
	_ =	sdelay $0x4  }
0x46d: {  	[tilespmem:s5+$0x0] =	vst v0  }
0x46e: {  	v0 =	vld [tilespmem:s7+$0x1860];
	_ =	sdelay $0x4  }
0x46f: {  	[tilespmem:s5+$0xFFFFFFD0] =	vst v0  }
0x470: {  	v0 =	vld [tilespmem:s7+$0x18E0];
	_ =	sdelay $0x4  }
0x471: {  	[tilespmem:s5+$0x10] =	vst v0  }
0x472: {  	v0 =	vld [tilespmem:s7+$0x1870];
	_ =	sdelay $0x4  }
0x473: {  	[tilespmem:s5+$0xFFFFFFE0] =	vst v0  }
0x474: {  	v0 =	vld [tilespmem:s7+$0x18F0];
	_ =	sdelay $0x4  }
0x475: {  	[tilespmem:s5+$0x20] =	vst v0  }
0x476: {  	v0 =	vld [tilespmem:s7+$0x1880];
	_ =	sdelay $0x4  }
0x477: {  	[tilespmem:s5+$0xFFFFFFF0] =	vst v0  }
0x478: {  	v0 =	vld [tilespmem:s7+$0x1900];
	_ =	sdelay $0x4  }
0x479: {  	s6 =	simm.s32 $0x1B0;
	s7 =	simm.s32 $0xAC0;
	[tilespmem:s5+$0x30] =	vst v0  }
.LBB2_38:
0x47a: {  	p0 =	sne.s32 s7, $0x27EC0;
	v0 =	vld [tilespmem:s6+$0x1850];
	_ =	sdelay $0x3  }
0x47b: {  	s5 =	sadd.s32 $0x80, s5  }
0x47c: {  	[tilespmem:s5+$0xFFFFFFC0] =	vst v0  }
0x47d: {  	v0 =	vld [tilespmem:s6+$0x18D0];
	_ =	sdelay $0x4  }
0x47e: {  	[tilespmem:s5+$0x0] =	vst v0  }
0x47f: {  	v0 =	vld [tilespmem:s6+$0x1860];
	_ =	sdelay $0x4  }
0x480: {  	[tilespmem:s5+$0xFFFFFFD0] =	vst v0  }
0x481: {  	v0 =	vld [tilespmem:s6+$0x18E0];
	_ =	sdelay $0x4  }
0x482: {  	[tilespmem:s5+$0x10] =	vst v0  }
0x483: {  	v0 =	vld [tilespmem:s6+$0x1870];
	_ =	sdelay $0x4  }
0x484: {  	[tilespmem:s5+$0xFFFFFFE0] =	vst v0  }
0x485: {  	v0 =	vld [tilespmem:s6+$0x18F0];
	_ =	sdelay $0x4  }
0x486: {  	[tilespmem:s5+$0x20] =	vst v0  }
0x487: {  	v0 =	vld [tilespmem:s6+$0x1880];
	_ =	sdelay $0x4  }
0x488: {  	[tilespmem:s5+$0xFFFFFFF0] =	vst v0  }
0x489: {  	v0 =	vld [tilespmem:s6+$0x1900]  }
.Ltmp18:
0x48a: {  	(pc) =	sbr.rel @p0 .LBB2_38-.Ltmp18, $2  }
0x48b: {  	_ =	sdelay $0x2  }
0x48c: {  	s6 =	sshra.s32 s7, $0x2;
	s7 =	sadd.s32 $0x400, s7;
	[tilespmem:s5+$0x30] =	vst v0  }
0x48d: {  	v0 =	vld [tilespmem:s6+$0x1850];
	_ =	sdelay $0x3  }
0x48e: {  	s5 =	sadd.s32 $0x80, s5  }
0x48f: {  	[tilespmem:s5+$0xFFFFFFC0] =	vst v0  }
0x490: {  	v0 =	vld [tilespmem:s6+$0x18D0];
	_ =	sdelay $0x4  }
0x491: {  	[tilespmem:s5+$0x0] =	vst v0  }
0x492: {  	v0 =	vld [tilespmem:s6+$0x1860];
	_ =	sdelay $0x4  }
0x493: {  	[tilespmem:s5+$0xFFFFFFD0] =	vst v0  }
0x494: {  	v0 =	vld [tilespmem:s6+$0x18E0];
	_ =	sdelay $0x4  }
0x495: {  	[tilespmem:s5+$0x10] =	vst v0  }
0x496: {  	v0 =	vld [tilespmem:s6+$0x1870];
	_ =	sdelay $0x4  }
0x497: {  	[tilespmem:s5+$0xFFFFFFE0] =	vst v0  }
0x498: {  	v0 =	vld [tilespmem:s6+$0x18F0];
	_ =	sdelay $0x4  }
0x499: {  	[tilespmem:s5+$0x20] =	vst v0  }
0x49a: {  	v0 =	vld [tilespmem:s6+$0x1880];
	_ =	sdelay $0x4  }
0x49b: {  	[tilespmem:s5+$0xFFFFFFF0] =	vst v0  }
0x49c: {  	v0 =	vld [tilespmem:s6+$0x1900];
	_ =	sdelay $0x4  }
0x49d: {  	[tilespmem:s5+$0x30] =	vst v0  }
0x49e: {  	[hbm4b:s23+s2] =	stream.linear.scatter [tilespmem:s0], [sflag:$0x3], $0x5000, $0x38;
	[tilespmem:$0x1A900] =	vst v63  }
0x49f: {  	_ =	swait.ge [sflag:s26], $0x5000  }
0x4a0: {  	[sflag:s26] =	ssyncset.done $0x0  }
0x4a1: {  	[sflag:s26] =	ssyncadd.s32 $0xFFFFB000  }
0x4a2: {  	_ =	swait.ge [sflag:s1], $0xA000  }
0x4a3: {  	[sflag:s1] =	ssyncset.done $0x0  }
0x4a4: {  	s7 =	simm.s32 $0xB0;
	[sflag:s1] =	ssyncadd.s32 $0xFFFF6000  }
0x4a5: {  	v63 =	vld [tilespmem:s7+$0xB850];
	_ =	sdelay $0x3  }
0x4a6: {  	s5 =	simm.s32 $0x15940  }
0x4a7: {  	[tilespmem:s5+$0xFFFFFFC0] =	vst v63  }
0x4a8: {  	v0 =	vld [tilespmem:s7+$0xB8D0];
	_ =	sdelay $0x4  }
0x4a9: {  	[tilespmem:s5+$0x0] =	vst v0  }
0x4aa: {  	v0 =	vld [tilespmem:s7+$0xB860];
	_ =	sdelay $0x4  }
0x4ab: {  	[tilespmem:s5+$0xFFFFFFD0] =	vst v0  }
0x4ac: {  	v0 =	vld [tilespmem:s7+$0xB8E0];
	_ =	sdelay $0x4  }
0x4ad: {  	[tilespmem:s5+$0x10] =	vst v0  }
0x4ae: {  	v0 =	vld [tilespmem:s7+$0xB870];
	_ =	sdelay $0x4  }
0x4af: {  	[tilespmem:s5+$0xFFFFFFE0] =	vst v0  }
0x4b0: {  	v0 =	vld [tilespmem:s7+$0xB8F0];
	_ =	sdelay $0x4  }
0x4b1: {  	[tilespmem:s5+$0x20] =	vst v0  }
0x4b2: {  	v0 =	vld [tilespmem:s7+$0xB880];
	_ =	sdelay $0x4  }
0x4b3: {  	[tilespmem:s5+$0xFFFFFFF0] =	vst v0  }
0x4b4: {  	v0 =	vld [tilespmem:s7+$0xB900];
	_ =	sdelay $0x4  }
0x4b5: {  	s6 =	simm.s32 $0x1B0;
	s7 =	simm.s32 $0xAC0;
	[tilespmem:s5+$0x30] =	vst v0  }
.LBB2_40:
0x4b6: {  	p0 =	sne.s32 s7, $0x27EC0;
	v0 =	vld [tilespmem:s6+$0xB850];
	_ =	sdelay $0x3  }
0x4b7: {  	s5 =	sadd.s32 $0x80, s5  }
0x4b8: {  	[tilespmem:s5+$0xFFFFFFC0] =	vst v0  }
0x4b9: {  	v0 =	vld [tilespmem:s6+$0xB8D0];
	_ =	sdelay $0x4  }
0x4ba: {  	[tilespmem:s5+$0x0] =	vst v0  }
0x4bb: {  	v0 =	vld [tilespmem:s6+$0xB860];
	_ =	sdelay $0x4  }
0x4bc: {  	[tilespmem:s5+$0xFFFFFFD0] =	vst v0  }
0x4bd: {  	v0 =	vld [tilespmem:s6+$0xB8E0];
	_ =	sdelay $0x4  }
0x4be: {  	[tilespmem:s5+$0x10] =	vst v0  }
0x4bf: {  	v0 =	vld [tilespmem:s6+$0xB870];
	_ =	sdelay $0x4  }
0x4c0: {  	[tilespmem:s5+$0xFFFFFFE0] =	vst v0  }
0x4c1: {  	v0 =	vld [tilespmem:s6+$0xB8F0];
	_ =	sdelay $0x4  }
0x4c2: {  	[tilespmem:s5+$0x20] =	vst v0  }
0x4c3: {  	v0 =	vld [tilespmem:s6+$0xB880];
	_ =	sdelay $0x4  }
0x4c4: {  	[tilespmem:s5+$0xFFFFFFF0] =	vst v0  }
0x4c5: {  	v0 =	vld [tilespmem:s6+$0xB900]  }
.Ltmp19:
0x4c6: {  	(pc) =	sbr.rel @p0 .LBB2_40-.Ltmp19, $2  }
0x4c7: {  	_ =	sdelay $0x2  }
0x4c8: {  	s6 =	sshra.s32 s7, $0x2;
	s7 =	sadd.s32 $0x400, s7;
	[tilespmem:s5+$0x30] =	vst v0  }
0x4c9: {  	v0 =	vld [tilespmem:s6+$0xB850];
	_ =	sdelay $0x3  }
0x4ca: {  	s5 =	sadd.s32 $0x80, s5  }
0x4cb: {  	[tilespmem:s5+$0xFFFFFFC0] =	vst v0  }
0x4cc: {  	v0 =	vld [tilespmem:s6+$0xB8D0];
	_ =	sdelay $0x4  }
0x4cd: {  	[tilespmem:s5+$0x0] =	vst v0  }
0x4ce: {  	v0 =	vld [tilespmem:s6+$0xB860];
	_ =	sdelay $0x4  }
0x4cf: {  	[tilespmem:s5+$0xFFFFFFD0] =	vst v0  }
0x4d0: {  	v0 =	vld [tilespmem:s6+$0xB8E0];
	_ =	sdelay $0x4  }
0x4d1: {  	[tilespmem:s5+$0x10] =	vst v0  }
0x4d2: {  	v0 =	vld [tilespmem:s6+$0xB870];
	_ =	sdelay $0x4  }
0x4d3: {  	[tilespmem:s5+$0xFFFFFFE0] =	vst v0  }
0x4d4: {  	v0 =	vld [tilespmem:s6+$0xB8F0];
	_ =	sdelay $0x4  }
0x4d5: {  	[tilespmem:s5+$0x20] =	vst v0  }
0x4d6: {  	v0 =	vld [tilespmem:s6+$0xB880];
	_ =	sdelay $0x4  }
0x4d7: {  	[tilespmem:s5+$0xFFFFFFF0] =	vst v0  }
0x4d8: {  	v0 =	vld [tilespmem:s6+$0xB900];
	_ =	sdelay $0x2  }
0x4d9: {  	s4 =	sadd.s32 $0x1, s4  }
0x4da: {  	p0 =	sne.s32 s4, s25  }
.Ltmp20:
0x4db: {  	[tilespmem:s5+$0x30] =	vst v0;
	(pc) =	sbr.rel @p0 .LBB2_1-.Ltmp20, $4  }
0x4dc: {  	[hbm4b:s24+s2] =	stream.linear.scatter [tilespmem:s0], [sflag:$0x3], $0x5000, $0x38;
	[tilespmem:$0x1A900] =	vst v63  }
0x4dd: {  	_ =	swait.ge [sflag:s26], $0x5000  }
0x4de: {  	[sflag:s26] =	ssyncset.done $0x0  }
0x4df: {  	[sflag:s26] =	ssyncadd.s32 $0xFFFFB000  }
0x4e0: {  	_ =	sfence.sel $0x180000  }
0x4e1: {  	[bflag:$0x0] =	sbarrier.arrive $0xFFFF  }
0x4e2: {  	_ =	strace $0x90000047  }
0x4e3: {  	s0 =	stileid.u32;
	[bflag:$0x2] =	sbarrier.arrive $0xFFFF  }
0x4e4: {  	p0 =	sne.s32 s0, $0x0;
	s0 =	rddreg [dreg:$0x2]  }
0x4e5: {  	s0 =	sadd.s32 @!p0 $0x100000, s0  }
0x4e6: {  	[sflag:s0] =	ssyncadd.tile.s32 @!p0 $0x1;
	_ =	shalt  }
.Lfunc_end2:
_tile_overlayer_lowered:
.L_overlay_start_2:
0x4e7: {  	(tag) =	ssettag $0x2  }
0x4e8: {  	s0 =	rddreg [dreg:$0x0];
	s2 =	stileid.u32  }
0x4e9: {  	s1 =	rddreg [dreg:$0x1];
	p0 =	sne.s32 s2, $0x0  }
0x4ea: {  	s3 =	rddreg [dreg:$0x2];
	[bflag:$0x3] =	sbarrier.arrive $0xFFFF;
	s2 =	simm.s32 @!p0 $0x1C03  }
0x4eb: {  	[timem:s3], [sflag:s2] =	dma.local @!p0 [hbm:s0], s1  }
0x4ec: {  	s0 =	simm.s32 @!p0 $0x3  }
0x4ed: {  	_ =	swait.ge @!p0 [sflag:s0], s1  }
0x4ee: {  	s1 =	ssub.s32 @!p0 $0x0, s1;
	[sflag:s0] =	ssyncset.done @!p0 $0x0  }
0x4ef: {  	[sflag:s0] =	ssyncadd.s32 @!p0 s1  }
0x4f0: {  	[bflag:$0x3] =	sbarrier.arrive $0xFFFF  }
0x4f1: {  	_ =	shalt  }

// kernel: sparse-core-data-format-call.cloned.1.call-start
scs
called_computation_lowered:
.L_overlay_start_0:
0x0: {  	s2 =	sld [smem:$0x3FD9]  }
0x1: {  	s3 =	sld [smem:$0x3FFE];
	_ =	sdelay $0x1  }
0x2: {  	s1 =	srdreg.scid  }
0x3: {  	s0 =	sand.u32 $0x1, s1  }
0x4: {  	s18 =	sshll.u32 s0, $0xA;
	s2 =	sadd.s32 s3, s2  }
0x5: {  	s2 =	sadd.s32 s2, s18  }
0x6: {  	[smem:$0x3FC6] =	sst s2  }
0x7: {  	_ = 	snop  }
0x8: {  	s2 =	sld [smem:$0x3FD0];
	(tm) =	ssettm $0x1  }
0x9: {  	s19 =	sld [smem:$0x3FFB];
	_ =	sdelay $0x3  }
0xa: {  	_ =	strace s19  }
0xb: {  	s3 =	sld [smem:$0x3FFC];
	_ =	sdelay $0x3  }
0xc: {  	_ =	strace s3  }
0xd: {  	s3 =	sld [smem:$0x3FFD];
	_ =	sdelay $0x3  }
0xe: {  	_ =	strace s3  }
0xf: {  	_ =	strace $0x8FFFFFFF  }
0x10: {  	s20 =	sld [smem:$0x3FDB];
	_ =	sdelay $0x1  }
0x11: {  	s4 =	simm.s32 $_scs_section_size  }
0x12: {  	s5 =	simm.s32 $_size__tile_overlayer_lowered;
	s6 =	simm.s32 $_tile_overlayer_lowered  }
0x13: {  	s23 =	simm.s32 $0x1BFF;
	s22 =	sshll.u32 s6, $0x1;
	s3 =	sadd.s32 s4, s20  }
0x14: {  	s7 =	simm.s32 $0x0;
	s21 =	sshll.u32 s5, $0x1;
	s5 =	sadd.s32 s22, s3  }
0x15: {  	[timem:s7], [sflag:s23] =	dma.local [hbm:s5], s21  }
0x16: {  	_ =	swait.ge [sflag:s23], s21  }
0x17: {  	s4 =	ssub.s32 $0x0, s21;
	[sflag:s23] =	ssyncset.done $0x0  }
0x18: {  	[sflag:s23] =	ssyncadd.s32 s4;
	_ =	sdelay $0x1  }
0x19: {  	s24 =	simm.s32 $0x1B8B  }
0x1a: {  	_ =	swait.ge [sflag:s24], $0x1  }
0x1b: {  	[sflag:s24] =	ssyncset.done $0x0  }
0x1c: {  	s26 =	simm.s32 $0x1B8E;
	s25 =	sld [smem:$0x3FFE];
	[sflag:s24] =	ssyncadd.s32 $0xFFFFFFFF  }
0x1d: {  	s27 =	simm.s32 $execute0_lowered;
	[smem:$0x3FD2] =	sst s26  }
0x1e: {  	s5 =	sshll.u32 s27, $0x1;
	_ =	strace $0x80000049;
	[dreg:$0x1] =	wrdreg $0xFFFFFFFF  }
0x1f: {  	s28 =	simm.s32 $_size_execute0_lowered;
	s3 =	sadd.s32 s3, s5;
	[dreg:$0x0] =	wrdreg $0x0  }
0x20: {  	s5 =	sshll.u32 s28, $0x1;
	[dreg:$0x2] =	wrdreg s3  }
0x21: {  	[dreg:$0x3] =	wrdreg s5  }
0x22: {  	[dreg:$0x4] =	wrdreg $0xC0  }
0x23: {  	_ =	task [dreg:s7], $0x5FFFF  }
0x24: {  	[dreg:$0x1] =	wrdreg $0xFFFFFFFF  }
0x25: {  	[dreg:$0x0] =	wrdreg $0x60  }
0x26: {  	[dreg:$0x2] =	wrdreg s25  }
0x27: {  	[dreg:$0x3] =	wrdreg s2  }
0x28: {  	[dreg:$0x4] =	wrdreg $0x9  }
0x29: {  	_ =	task.clear_ibuf [dreg:s7], $0x5FFFF;
	_ =	strace $0x90000049  }
0x2a: {  	s29 =	simm.s32 $0x9;
	_ =	strace $0x8000004B  }
0x2b: {  	_ =	swait.ge [sflag:s29], $0x1  }
0x2c: {  	[sflag:s29] =	ssyncadd.s32 $0xFFFFFFFF  }
0x2d: {  	_ =	strace $0x9000004B  }
0x2e: {  	_ =	sfence  }
0x2f: {  	s30 =	sld [smem:$0x0];
	_ =	sdelay $0x2  }
0x30: {  	s31 =	sshll.u32 s1, $0xD;
	s1 =	sshrl.u32 s1, $0x2  }
0x31: {  	s3 =	sand.u32 $0x4000, s31;
	s1 =	sadd.s32 s1, s30  }
0x32: {  	s0 =	sor.u32 s3, s0;
	s1 =	sshll.u32 s1, $0x11  }
0x33: {  	s0 =	sor.u32 s1, s0  }
0x34: {  	s0 =	sadd.s32 $0x8F2B, s0  }
0x35: {  	[sflag:s0] =	ssyncadd.remote.s32 $0x1  }
0x36: {  	_ =	sfence.sel $0xFFFF  }
0x37: {  	[dreg:$0x0] =	wrdreg $0xFFFFFFFF;
	(pc) =	sbr.abs _section_cstart, $3  }
0x38: {  	[dreg:$0x1] =	wrdreg $0xFFFFFFFF  }
0x39: {  	_ =	task.clear_ibuf [dreg:s7], $0x2FFFF;
	_ =	strace $0x9FFFFFFF  }
0x3a: {  	(tm) =	ssettm $0x7FFFFFFF  }
0x3b: {  	_ =	shalt  }
tec
execute0_lowered:
.L_overlay_start_1:
0x0: {  	(tag) =	ssettag $0x1  }
0x1: {  	s0 =	srdreg.scid  }
0x2: {  	s1 =	sshll.u32 s0, $0x4  }
0x3: {  	s0 =	stileid.u32;
	s1 =	sand.u32 $0x10, s1  }
0x4: {  	s1 =	sor.u32 s0, s1  }
0x5: {  	s6 =	rddreg [dreg:$0x0];
	s4 =	simm.s32 $0x1;
	s2 =	sshll.u32 s1, $0x7  }
0x6: {  	s7 =	simm.s32 $0x2;
	s12 =	simm.s32 $0x0;
	s1 =	ssub.s32 $0x1000, s2  }
0x7: {  	s8 =	simm.s32 $0x8000;
	s13 =	simm.s32 $0x0;
	s3 =	sand.u32 $0xF80, s1  }
0x8: {  	s9 =	simm.s32 $0x0;
	s5 =	sshrl.u32 s1, $0xC;
	p0 =	sne.s32 s3, $0x0  }
.Ltmp0:
0x9: {  	s1 =	rddreg [dreg:$0x2];
	s4 =	simm.s32 @!p0 $0x0;
	(pc) =	sbr.rel .LBB1_1-.Ltmp0, $4  }
0xa: {  	s11 =	simm.s32 $0x0;
	s3 =	rddreg [dreg:$0x1];
	s5 =	sadd.s32 s4, s5  }
0xb: {  	_ =	strace $0x8000004A;
	s4 =	simm.s32 $0x1;
	s5 =	smul.u32 $0x32, s5  }
0xc: {  	s6 =	sadd.s32 $0x800, s6;
	s10 =	smov.u32 s2;
	[sflag:s4] =	ssyncpa.u1 $0x0  }
0xd: {  	p0 =	por $0x0, $0x0;
	[sflag:s7] =	ssyncpa.u1 $0x0;
	s7 =	sor.u32 $0x1, s5  }
.LBB1_4:
0xe: {  	s16 =	sshll.u32 s13, $0x3;
	s17 =	sand.u32 $0x78, s13  }
0xf: {  	s30 =	sand.u32 $0x7E00, s13;
	s12 =	sshll.u32 s12, $0xF;
	s16 =	sand.u32 $0xC00, s16  }
0x10: {  	[tilespmem:s15+$0x810 ss:$0x81] =	vst.msk $0xffff, v2;
	s31 =	sand.u32 $0x7, s13;
	s16 =	sor.u32 s17, s16;
	s17 =	sadd.s32 s3, s30  }
0x11: {  	[tilespmem:s15+$0x1020 ss:$0x81] =	vst.msk $0xffff, v0;
	s13 =	sshll.u32 s31, $0x12;
	s12 =	sadd.s32 s12, s17;
	s16 =	sshrl.u32 s16, $0x3  }
0x12: {  	[tilespmem:s15+$0x0 ss:$0x81] =	vst.msk $0xffff, v1;
	s13 =	sor.u32 $0x400, s13;
	s12 =	sadd.s32 s16, s12  }
0x13: {  	[hbm4b:s12+s13] =	stream.strided.scatter [tilespmem:s14], [sflag:$0x2], $0x2000, s8, s13, $0x20;
	[tilespmem:$0x8080] =	vst v63  }
.LBB1_5:
0x14: {  	s14 =	sadd.s32 $0x1, s9  }
0x15: {  	s12 =	sadd.s32 $0x1000, s10;
	s16 =	smov.u32 s10;
	p2 =	sgt.s32 s14, $0x31  }
0x16: {  	s16 =	smov.u32 @p2 s12  }
0x17: {  	s14 =	simm.s32 @p2 $0x0;
	p2 =	sgt.s32 s16, $0xFFF  }
0x18: {  	s16 =	smov.u32 @p2 s2;
	p2 =	sne.s32 s11, s7  }
.Ltmp1:
0x19: {  	p1 =	slt.u32 s11, $0x2;
	(pc) =	sbr.rel @!p2 .LBB1_6-.Ltmp1, $4  }
0x1a: {  	s15 =	simm.s32 @!p1 $0x2  }
0x1b: {  	s13 =	smov.u32 s10;
	p0 =	por !p0, !p0;
	_ =	swait.ge @!p1 [sflag:s15], $0x2000  }
0x1c: {  	s12 =	smov.u32 s9;
	[sflag:s15] =	ssyncset.done @!p1 $0x0;
	s9 =	smov.u32 s14  }
0x1d: {  	s11 =	sadd.s32 $0x1, s11;
	[sflag:s15] =	ssyncadd.s32 @!p1 $0xFFFFE000;
	s10 =	smov.u32 s16  }
.LBB1_1:
0x1e: {  	p1 =	sge.u32 s11, s5  }
0x1f: {  	s14 =	sand.u32 @!p1 $0x1FFFFFF, s9  }
0x20: {  	s15 =	smulhi.u32 @!p1 $0x4924925, s14;
	_ =	sdelay $0x1  }
0x21: {  	s15 =	smul.u32 @!p1 $0x38, s15  }
0x22: {  	s16 =	sxor.u32 @!p1 $0xFFFFFFFF, s11;
	s17 =	smul.u32 @!p1 $0x380, s10  }
0x23: {  	s31 =	sadd.s32 $0xFFFFFFFF, s11;
	s16 =	sshll.u32 @!p1 s16, $0xD;
	s14 =	ssub.s32 @!p1 s14, s15  }
0x24: {  	s15 =	sand.u32 @!p1 $0x2000, s16;
	s16 =	sadd.s32 @!p1 s6, s17;
	s14 =	sshll.u32 @!p1 s14, $0x4  }
0x25: {  	s17 =	simm.s32 @!p1 $0x1C00;
	s14 =	sadd.s32 @!p1 s14, s16;
	s16 =	simm.s32 @!p1 $0x40  }
0x26: {  	[tilespmem:s15], [sflag:$0x1] =	stream.strided.gather @!p1 [hbm4b:s14+s16], $0x2000, s17, s16, $0x38;
	[tilespmem:$0x8080] =	vst v63  }
0x27: {  	p1 =	sge.u32 s31, s5  }
.Ltmp2:
0x28: {  	_ = 	snop;
	(pc) =	sbr.rel @p1 .LBB1_5-.Ltmp2, $1  }
0x29: {  	_ =	sdelay $0x3  }
0x2a: {  	s14 =	simm.s32 $0x1  }
0x2b: {  	_ =	swait.ge [sflag:s4], $0x2000;
	s14 =	simm.s32 @!p0 $0x0  }
0x2c: {  	[sflag:s4] =	ssyncset.done $0x0;
	s15 =	sshll.u32 s14, $0xD  }
0x2d: {  	[sflag:s4] =	ssyncadd.s32 $0xFFFFE000;
	s18 =	sor.u32 $0x20, s15  }
0x2e: {  	s14 =	smul.u32 $0x8100, s14;
	v3 =	vld [tilespmem:s18+$0x10]  }
0x2f: {  	s30 =	sand.u32 $0x1, s11;
	v2 =	vld [tilespmem:s18+$0xFFFFFFF0]  }
0x30: {  	s15 =	smul.u32 $0x8100, s30;
	s14 =	sshrl.u32 s14, $0x2;
	v0 =	vld [tilespmem:s18+$0x0]  }
0x31: {  	v1 =	vld [tilespmem:s18+$0xFFFFFFE0];
	s16 =	sor.u32 $0x4000, s14  }
0x32: {  	s31 =	sshrl.u32 s15, $0x2;
	s15 =	sadd.s32 $0x0, s16  }
0x33: {  	s17 =	simm.s32 $0x4;
	s18 =	sadd.s32 $0x40, s18;
	s14 =	sor.u32 $0x4000, s31;
	[tilespmem:s15+$0x1830 ss:$0x81] =	vst.msk $0xffff, v3  }
.LBB1_3:
0x34: {  	v3 =	vld [tilespmem:s18+$0x10];
	p1 =	sne.s32 s17, $0x1FC;
	[tilespmem:s15+$0x810 ss:$0x81] =	vst.msk $0xffff, v2;
	s19 =	smov.u32 s17;
	s17 =	sadd.s32 $0x4, s17  }
.Ltmp3:
0x35: {  	v2 =	vld [tilespmem:s18+$0xFFFFFFF0];
	[tilespmem:s15+$0x1020 ss:$0x81] =	vst.msk $0xffff, v0;
	(pc) =	sbr.rel @p1 .LBB1_3-.Ltmp3, $4  }
0x36: {  	v0 =	vld [tilespmem:s18+$0x0];
	[tilespmem:s15+$0x0 ss:$0x81] =	vst.msk $0xffff, v1  }
0x37: {  	s15 =	sshra.s32 s19, $0x2;
	v1 =	vld [tilespmem:s18+$0xFFFFFFE0]  }
0x38: {  	s15 =	sadd.s32 s15, s16  }
0x39: {  	s18 =	sadd.s32 $0x40, s18;
	[tilespmem:s15+$0x1830 ss:$0x81] =	vst.msk $0xffff, v3  }
.Ltmp4:
0x3a: {  	_ = 	snop;
	(pc) =	sbr.rel .LBB1_4-.Ltmp4, $1  }
0x3b: {  	_ =	sdelay $0x3  }
.LBB1_6:
0x3c: {  	_ =	sfence.sel $0x180000  }
0x3d: {  	s2 =	simm.s32 $0x1;
	[bflag:$0x0] =	sbarrier.arrive $0xFFFF  }
0x3e: {  	s31 =	simm.s32 $0x2;
	[sflag:s2] =	ssyncpa.u1 $0x1  }
0x3f: {  	[sflag:s31] =	ssyncpa.u1 $0x1  }
0x40: {  	p0 =	sne.s32 s0, $0x0;
	_ =	strace $0x9000004A  }
0x41: {  	s0 =	sadd.s32 @!p0 $0x100000, s1;
	[bflag:$0x2] =	sbarrier.arrive $0xFFFF  }
0x42: {  	[sflag:s0] =	ssyncadd.tile.s32 @!p0 $0x1;
	_ =	shalt  }
.Lfunc_end1:
_tile_overlayer_lowered:
.L_overlay_start_2:
0x43: {  	(tag) =	ssettag $0x2  }
0x44: {  	s0 =	rddreg [dreg:$0x0];
	s2 =	stileid.u32  }
0x45: {  	s1 =	rddreg [dreg:$0x1];
	p0 =	sne.s32 s2, $0x0  }
0x46: {  	s3 =	rddreg [dreg:$0x2];
	[bflag:$0x3] =	sbarrier.arrive $0xFFFF;
	s2 =	simm.s32 @!p0 $0x1C01  }
0x47: {  	[timem:s3], [sflag:s2] =	dma.local @!p0 [hbm:s0], s1  }
0x48: {  	s0 =	simm.s32 @!p0 $0x1  }
0x49: {  	_ =	swait.ge @!p0 [sflag:s0], s1  }
0x4a: {  	s1 =	ssub.s32 @!p0 $0x0, s1;
	[sflag:s0] =	ssyncset.done @!p0 $0x0  }
0x4b: {  	[sflag:s0] =	ssyncadd.s32 @!p0 s1  }
0x4c: {  	[bflag:$0x3] =	sbarrier.arrive $0xFFFF  }
0x4d: {  	_ =	shalt  }

</sc_bundles>
